<compile_context>
chip_gen: v7x
topology: tpu7x:2x2x1
jax: 0.10.2.dev20260603
libtpu: 0.0.44.dev20260713+nightly
codegen_flags: <defaults>
</compile_context>

<pallas_src>
import jax
import jax.numpy as jnp
import numpy as np
from jax import lax
from jax.experimental import pallas as pl
from jax.experimental.pallas import tpu as pltpu
from jax.experimental.pallas import tpu_sc as plsc

_N_FIELDS = 26
_VOCAB = 1000
_EMB = 128
_BATCH = 4096
_NF1 = _N_FIELDS + 1
_TILE = 512
_GRP = 8
_EROWS = _GRP * _N_FIELDS
_GROWS = _EROWS + _GRP
_NGRP = _TILE // _GRP
_ZCOLS = _N_FIELDS * _NF1

_NW = 32
_ROWS_TOTAL = _BATCH * _N_FIELDS
_ROWS_PER_W = _ROWS_TOTAL // _NW
_CHUNK = 128
_NCHUNK = _ROWS_PER_W // _CHUNK


_NBUF = 4


def _sc_gather_body(tbl_hbm, idx_hbm, out_hbm, idx_v, rows_v, gsems, wsems):
    wid = lax.axis_index("s") * 2 + lax.axis_index("c")
    base = wid * _ROWS_PER_W
    pltpu.sync_copy(idx_hbm.at[wid], idx_v)
    gcp = [None] * _NBUF
    wcp = [None] * _NBUF
    for c in range(_NBUF):
        gcp[c] = pltpu.async_copy(tbl_hbm.at[idx_v.at[c]], rows_v.at[c],
                                  gsems.at[c])
    for c in range(_NCHUNK):
        cur = c % _NBUF
        gcp[cur].wait()
        wcp[cur] = pltpu.async_copy(
            rows_v.at[cur], out_hbm.at[pl.ds(base + c * _CHUNK, _CHUNK)],
            wsems.at[cur])
        r = c + 2
        if _NBUF <= r < _NCHUNK:
            b = r % _NBUF
            wcp[b].wait()
            gcp[b] = pltpu.async_copy(tbl_hbm.at[idx_v.at[r]], rows_v.at[b],
                                      gsems.at[b])
    wcp[(_NCHUNK - 2) % _NBUF].wait()
    wcp[(_NCHUNK - 1) % _NBUF].wait()


def _sc_gather(tbl_flat, idx_flat):
    mesh = plsc.VectorSubcoreMesh(core_axis_name="c", subcore_axis_name="s")
    k = pl.kernel(
        _sc_gather_body,
        out_type=jax.ShapeDtypeStruct((_ROWS_TOTAL, _EMB), jnp.float32),
        mesh=mesh,
        scratch_types=[
            pltpu.VMEM((_NCHUNK, _CHUNK), jnp.int32),
            pltpu.VMEM((_NBUF, _CHUNK, _EMB), jnp.float32),
            pltpu.SemaphoreType.DMA((_NBUF,)),
            pltpu.SemaphoreType.DMA((_NBUF,)),
        ],
    )
    return k(tbl_flat, idx_flat.reshape(_NW, _NCHUNK, _CHUNK))


def _tcA_body(dx_ref, emb_ref, mask_r, fold_r, w0, b0, w1, b1, w2, b2,
              y_ref, h_ref):
    f32 = jnp.float32
    bf16 = jnp.bfloat16

    def mm(a, b):
        return lax.dot_general(a.astype(bf16), b.astype(bf16),
                               (((1,), (0,)), ((), ())),
                               preferred_element_type=f32)

    h = jnp.maximum(mm(dx_ref[...], w0[...]) + b0[...], 0.0)
    h = jnp.maximum(mm(h, w1[...]) + b1[...], 0.0)
    h = mm(h, w2[...]) + b2[...]
    hb = h.astype(bf16)
    h_ref[...] = hb

    emb = emb_ref[...].astype(bf16)
    gs = []
    for g in range(_NGRP):
        Fe = emb[g * _EROWS:(g + 1) * _EROWS]
        Fg = jnp.concatenate([Fe, hb[g * _GRP:(g + 1) * _GRP]], axis=0)
        G = lax.dot_general(Fe, Fg, (((1,), (1,)), ((), ())),
                            preferred_element_type=f32)
        gs.append(G.astype(bf16))
    Gall = jnp.concatenate(gs, axis=0)
    Gm = Gall * mask_r[...]
    y = lax.dot_general(Gm, fold_r[...], (((1,), (0,)), ((), ())),
                        preferred_element_type=f32)
    y_ref[...] = y.astype(bf16)


def _tcB_body(h_ref, xz_ref, w1h, w1e, bt1, wt2, bt2, wt3, bt3, wt4, bt4,
              out_ref):
    f32 = jnp.float32
    bf16 = jnp.bfloat16

    def mm(a, b):
        return lax.dot_general(a.astype(bf16), b.astype(bf16),
                               (((1,), (0,)), ((), ())),
                               preferred_element_type=f32)

    x = jnp.maximum(mm(h_ref[...], w1h[...]) + mm(xz_ref[...], w1e[...])
                    + bt1[...], 0.0)
    x = jnp.maximum(mm(x, wt2[...]) + bt2[...], 0.0)
    x = jnp.maximum(mm(x, wt3[...]) + bt3[...], 0.0)
    x = mm(x, wt4[...]) + bt4[...]
    out_ref[...] = jax.nn.sigmoid(x)


def _tc_forward(dense_x, embedded, bot_Ws, bot_bs, top_Ws, top_bs, w1e):
    n_tiles = _BATCH // _TILE
    bf16 = jnp.bfloat16

    def tile_spec(shape):
        return pl.BlockSpec(shape, lambda i: (i, 0))

    def full_spec(arr):
        return pl.BlockSpec(arr.shape, lambda i: (0,) * arr.ndim)

    samp_a = np.arange(_EROWS) // _N_FIELDS
    samp_b = np.concatenate([np.arange(_EROWS) // _N_FIELDS,
                             np.arange(_GRP)])
    mask1 = (samp_a[:, None] == samp_b[None, :])
    mask = np.tile(mask1, (_NGRP, 1)).astype(np.float32)
    fold = np.zeros((_GROWS, _NF1), dtype=np.float32)
    fold[np.arange(_EROWS), np.arange(_EROWS) % _N_FIELDS + 1] = 1.0
    fold[_EROWS + np.arange(_GRP), 0] = 1.0

    row = lambda b: b.reshape(1, -1)
    wA = [jnp.asarray(mask).astype(bf16), jnp.asarray(fold).astype(bf16),
          bot_Ws[0].astype(bf16), row(bot_bs[0]),
          bot_Ws[1].astype(bf16), row(bot_bs[1]),
          bot_Ws[2].astype(bf16), row(bot_bs[2])]
    y, h = pl.pallas_call(
        _tcA_body,
        grid=(n_tiles,),
        in_specs=[tile_spec((_TILE, 13)),
                  tile_spec((_TILE * _N_FIELDS, _EMB))] +
                 [full_spec(w) for w in wA],
        out_specs=[tile_spec((_TILE * _N_FIELDS, _NF1)),
                   tile_spec((_TILE, _EMB))],
        out_shape=[jax.ShapeDtypeStruct((_BATCH * _N_FIELDS, _NF1), bf16),
                   jax.ShapeDtypeStruct((_BATCH, _EMB), bf16)],
    )(dense_x, embedded, *wA)

    xz = y.reshape(_BATCH, _ZCOLS)

    wB = [top_Ws[0][:_EMB].astype(bf16), w1e, row(top_bs[0]),
          top_Ws[1].astype(bf16), row(top_bs[1]),
          top_Ws[2].astype(bf16), row(top_bs[2]),
          top_Ws[3].astype(bf16), row(top_bs[3])]
    tile_b = 2048
    return pl.pallas_call(
        _tcB_body,
        grid=(_BATCH // tile_b,),
        in_specs=[tile_spec((tile_b, _EMB)), tile_spec((tile_b, _ZCOLS))] +
                 [full_spec(w) for w in wB],
        out_specs=tile_spec((tile_b, 1)),
        out_shape=jax.ShapeDtypeStruct((_BATCH, 1), jnp.float32),
    )(h, xz, *wB)


def kernel(dense_x, sparse_indices, emb_tables, bot_Ws, bot_bs, top_Ws, top_bs):
    tbl_flat = emb_tables.reshape(_N_FIELDS * _VOCAB, _EMB)
    offs = (jnp.arange(_N_FIELDS, dtype=jnp.int32) * _VOCAB)[None, :]
    idx_flat = (sparse_indices.astype(jnp.int32) + offs).reshape(-1)

    embedded = _sc_gather(tbl_flat, idx_flat)

    ii, jj = np.triu_indices(_NF1, k=1)
    pidx = np.full((_NF1, _NF1), 0, dtype=np.int64)
    pidx[ii, jj] = np.arange(ii.size)
    ff, cj = np.meshgrid(np.arange(_N_FIELDS), np.arange(_NF1), indexing="ij")
    valid = (cj < ff + 1).reshape(-1)
    src = pidx[np.minimum(cj, ff + 1), np.maximum(cj, ff + 1)].reshape(-1)
    w1e = jnp.take(top_Ws[0][_EMB:], jnp.asarray(src), axis=0)
    w1e = jnp.where(jnp.asarray(valid)[:, None], w1e, 0.0).astype(jnp.bfloat16)

    return _tc_forward(dense_x, embedded, bot_Ws, bot_bs, top_Ws, top_bs, w1e)

# --- scband reference (transcript-rebuilt; emitter-appended) ---
"""Pipeline reference for scband-dlrm-2843268350763 (READ-ONLY COPY).

The authoritative reference and input builder live on the scoring server;
editing this copy changes nothing except your own understanding.
"""

import jax, jax.numpy as jnp
import numpy as np

N_FIELDS = 26
VOCAB = 1000
EMB = 128
BATCH = 4096
BOT = [13, 512, 256, 128]
TOP = [479, 1024, 512, 256, 1]


def setup_inputs(seed: int = 0) -> dict:
    key = jax.random.key(seed)
    ks = jax.random.split(key, 32)
    dense_x = jax.random.normal(ks[0], (BATCH, 13), dtype=jnp.float32)
    sparse_indices = jax.random.randint(ks[1], (BATCH, N_FIELDS), 0, VOCAB, dtype=jnp.int64) if jax.config.jax_enable_x64 else jax.random.randint(ks[1], (BATCH, N_FIELDS), 0, VOCAB, dtype=jnp.int32)
    emb_tables = jax.random.normal(ks[2], (N_FIELDS, VOCAB, EMB), dtype=jnp.float32) * 0.01
    bot_Ws, bot_bs = [], []
    idx = 3
    for i in range(len(BOT) - 1):
        bot_Ws.append(jax.random.normal(ks[idx], (BOT[i], BOT[i + 1]), dtype=jnp.float32) * (1.0 / np.sqrt(BOT[i])))
        bot_bs.append(jnp.zeros((BOT[i + 1],), dtype=jnp.float32))
        idx += 1
    top_Ws, top_bs = [], []
    for i in range(len(TOP) - 1):
        top_Ws.append(jax.random.normal(ks[idx], (TOP[i], TOP[i + 1]), dtype=jnp.float32) * (1.0 / np.sqrt(TOP[i])))
        top_bs.append(jnp.zeros((TOP[i + 1],), dtype=jnp.float32))
        idx += 1
    return {
        'dense_x': dense_x,
        'sparse_indices': sparse_indices,
        'emb_tables': emb_tables,
        'bot_Ws': bot_Ws,
        'bot_bs': bot_bs,
        'top_Ws': top_Ws,
        'top_bs': top_bs,
    }


def reference(dense_x, sparse_indices, emb_tables, bot_Ws, bot_bs, top_Ws, top_bs):
    # bottom MLP: ReLU between all layers except after the last
    h = dense_x
    n_bot = len(bot_Ws)
    for i in range(n_bot):
        h = h @ bot_Ws[i] + bot_bs[i]
        if i < n_bot - 1:
            h = jax.nn.relu(h)
    # embedding lookups, one table per sparse field
    embedded = [jnp.take(emb_tables[f], sparse_indices[:, f], axis=0) for f in range(N_FIELDS)]
    # dot interaction over [dense] + embeddings (27 features of dim 128)
    feats = jnp.stack([h] + embedded, axis=1)  # [B, 27, 128]
    Z = jnp.einsum('bik,bjk->bij', feats, feats)  # pairwise dots
    ii, jj = np.triu_indices(N_FIELDS + 1, k=1)  # same (i, j) order as nested loop
    inter = Z[:, ii, jj]  # [B, 351]
    x = jnp.concatenate([h, inter], axis=1)  # [B, 479]
    # top MLP
    n_top = len(top_Ws)
    for i in range(n_top):
        x = x @ top_Ws[i] + top_bs[i]
        if i < n_top - 1:
            x = jax.nn.relu(x)
    return jax.nn.sigmoid(x)

if __name__ == "__main__":
    import jax
    _d = setup_inputs()
    print(jax.jit(kernel)(*tuple(_d.values())))

</pallas_src>

<mosaic_0001>
#map = affine_map<(d0, d1) -> (0, 0)>
#map1 = affine_map<(d0, d1) -> (0, 0, 0)>
module attributes {stable_mosaic.version = 14 : i64} {
  func.func @_sc_gather_body(%arg0: i32, %arg1: i32, %arg2: memref<26000x128xf32, #tpu.memory_space<hbm>>, %arg3: memref<32x26x128xi32, #tpu.memory_space<hbm>>, %arg4: memref<106496x128xf32, #tpu.memory_space<hbm>>, %arg5: memref<26x128xi32, #tpu.memory_space<vmem>>, %arg6: memref<4x128x128xf32, #tpu.memory_space<vmem>>, %arg7: memref<4x!tpu.dma_semaphore, #tpu.memory_space<semaphore_mem>>, %arg8: memref<4x!tpu.dma_semaphore, #tpu.memory_space<semaphore_mem>>) attributes {dimension_semantics = [#tpu.dimension_semantics<core_parallel>, #tpu.dimension_semantics<subcore_parallel>], iteration_bounds = array<i64: 2, 16>, scalar_prefetch = 0 : i64, scratch_operands = 4 : i64, tpu.core_type = #tpu.core_type<sc_vector_subcore>, window_params = [{transform_indices = #map}, {transform_indices = #map1}, {transform_indices = #map}]} {
    %mul3A = arith.constant 2 : i32
    %mul3A_0 = arith.muli %arg1, %mul3A : i32
    %add3A = arith.addi %mul3A_0, %arg0 : i32
    %mul3A_1 = arith.constant 3328 : i32
    %mul3A_2 = arith.muli %add3A, %mul3A_1 : i32
    "tpu.region"() ({
      %run_scoped3A = tpu.sem_alloc : memref<!tpu.dma_semaphore, #tpu.memory_space<semaphore_mem>>
      %dma_start3A_1633 = arith.constant 0 : i32
      %dma_start3A_1634 = arith.constant 0 : i32
      %dma_start3A_1635 = tpu.memref_slice %arg3[%add3A, %dma_start3A_1633, %dma_start3A_1634] : memref<32x26x128xi32, #tpu.memory_space<hbm>> -> memref<1x26x128xi32, #tpu.memory_space<hbm>>
      %dma_start3A_1636 = tpu.memref_squeeze %dma_start3A_1635 : memref<1x26x128xi32, #tpu.memory_space<hbm>> -> memref<26x128xi32, #tpu.memory_space<hbm>>
      %dma_start3A_1637 = arith.constant 0 : i32
      %dma_start3A_1638 = arith.constant 0 : i32
      %dma_start3A_1639 = tpu.memref_slice %arg3[%add3A, %dma_start3A_1637, %dma_start3A_1638] : memref<32x26x128xi32, #tpu.memory_space<hbm>> -> memref<1x26x128xi32, #tpu.memory_space<hbm>>
      %dma_start3A_1640 = tpu.memref_squeeze %dma_start3A_1639 : memref<1x26x128xi32, #tpu.memory_space<hbm>> -> memref<26x128xi32, #tpu.memory_space<hbm>>
      tpu.enqueue_dma source(%dma_start3A_1640 : memref<26x128xi32, #tpu.memory_space<hbm>>) target(%arg5 : memref<26x128xi32, #tpu.memory_space<vmem>>) target_semaphore(%run_scoped3A : memref<!tpu.dma_semaphore, #tpu.memory_space<semaphore_mem>>)
      %dma_wait3A_1641 = arith.constant 0 : i32
      %dma_wait3A_1642 = arith.constant 0 : i32
      %dma_wait3A_1643 = tpu.memref_slice %arg3[%add3A, %dma_wait3A_1641, %dma_wait3A_1642] : memref<32x26x128xi32, #tpu.memory_space<hbm>> -> memref<1x26x128xi32, #tpu.memory_space<hbm>>
      %dma_wait3A_1644 = tpu.memref_squeeze %dma_wait3A_1643 : memref<1x26x128xi32, #tpu.memory_space<hbm>> -> memref<26x128xi32, #tpu.memory_space<hbm>>
      %dma_wait3A_1645 = arith.constant 0 : i32
      %dma_wait3A_1646 = arith.constant 0 : i32
      %dma_wait3A_1647 = tpu.memref_slice %arg3[%add3A, %dma_wait3A_1645, %dma_wait3A_1646] : memref<32x26x128xi32, #tpu.memory_space<hbm>> -> memref<1x26x128xi32, #tpu.memory_space<hbm>>
      %dma_wait3A_1648 = tpu.memref_squeeze %dma_wait3A_1647 : memref<1x26x128xi32, #tpu.memory_space<hbm>> -> memref<26x128xi32, #tpu.memory_space<hbm>>
      tpu.wait_dma2 semaphore(%run_scoped3A : memref<!tpu.dma_semaphore, #tpu.memory_space<semaphore_mem>>) src(%dma_wait3A_1648 : memref<26x128xi32, #tpu.memory_space<hbm>>) dst(%arg5 : memref<26x128xi32, #tpu.memory_space<vmem>>)
      tpu.yield
    }) : () -> ()
    %dma_start3A = arith.constant 0 : i32
    %dma_start3A_3 = arith.constant 0 : i32
    %dma_start3A_4 = arith.constant 0 : i32
    %dma_start3A_5 = arith.constant 0 : i32
    %dma_start3A_6 = arith.constant 0 : i32
    %dma_start3A_7 = tpu.memref_slice %arg6[%dma_start3A_3, %dma_start3A_5, %dma_start3A_6] : memref<4x128x128xf32, #tpu.memory_space<vmem>> -> memref<1x128x128xf32, #tpu.memory_space<vmem>>
    %dma_start3A_8 = tpu.memref_squeeze %dma_start3A_7 : memref<1x128x128xf32, #tpu.memory_space<vmem>> -> memref<128x128xf32, #tpu.memory_space<vmem>>
    %dma_start3A_9 = arith.constant 0 : i32
    %dma_start3A_10 = tpu.memref_slice %arg5[%dma_start3A, %dma_start3A_9] : memref<26x128xi32, #tpu.memory_space<vmem>> -> memref<1x128xi32, #tpu.memory_space<vmem>>
    %dma_start3A_11 = tpu.memref_squeeze %dma_start3A_10 : memref<1x128xi32, #tpu.memory_space<vmem>> -> memref<128xi32, #tpu.memory_space<vmem>>
    %dma_start3A_12 = arith.constant 0 : i32
    %dma_start3A_13 = arith.constant 0 : i32
    %dma_start3A_14 = tpu.memref_slice %arg2[%dma_start3A_12, %dma_start3A_13] : memref<26000x128xf32, #tpu.memory_space<hbm>> -> memref<26000x128xf32, #tpu.memory_space<hbm>>
    %dma_start3A_15 = tpu.memref_slice %arg7[%dma_start3A_4] : memref<4x!tpu.dma_semaphore, #tpu.memory_space<semaphore_mem>> -> memref<1x!tpu.dma_semaphore, #tpu.memory_space<semaphore_mem>>
    %dma_start3A_16 = tpu.memref_squeeze %dma_start3A_15 : memref<1x!tpu.dma_semaphore, #tpu.memory_space<semaphore_mem>> -> memref<!tpu.dma_semaphore, #tpu.memory_space<semaphore_mem>>
    tpu.enqueue_indirect_dma source(%dma_start3A_14 : memref<26000x128xf32, #tpu.memory_space<hbm>>) target(%dma_start3A_8 : memref<128x128xf32, #tpu.memory_space<vmem>>) offsets(%dma_start3A_11 : memref<128xi32, #tpu.memory_space<vmem>>) semaphore(%dma_start3A_16 : memref<!tpu.dma_semaphore, #tpu.memory_space<semaphore_mem>>)
    %dma_start3A_17 = arith.constant 1 : i32
    %dma_start3A_18 = arith.constant 1 : i32
    %dma_start3A_19 = arith.constant 1 : i32
    %dma_start3A_20 = arith.constant 0 : i32
    %dma_start3A_21 = arith.constant 0 : i32
    %dma_start3A_22 = tpu.memref_slice %arg6[%dma_start3A_18, %dma_start3A_20, %dma_start3A_21] : memref<4x128x128xf32, #tpu.memory_space<vmem>> -> memref<1x128x128xf32, #tpu.memory_space<vmem>>
    %dma_start3A_23 = tpu.memref_squeeze %dma_start3A_22 : memref<1x128x128xf32, #tpu.memory_space<vmem>> -> memref<128x128xf32, #tpu.memory_space<vmem>>
    %dma_start3A_24 = arith.constant 0 : i32
    %dma_start3A_25 = tpu.memref_slice %arg5[%dma_start3A_17, %dma_start3A_24] : memref<26x128xi32, #tpu.memory_space<vmem>> -> memref<1x128xi32, #tpu.memory_space<vmem>>
    %dma_start3A_26 = tpu.memref_squeeze %dma_start3A_25 : memref<1x128xi32, #tpu.memory_space<vmem>> -> memref<128xi32, #tpu.memory_space<vmem>>
    %dma_start3A_27 = arith.constant 0 : i32
    %dma_start3A_28 = arith.constant 0 : i32
    %dma_start3A_29 = tpu.memref_slice %arg2[%dma_start3A_27, %dma_start3A_28] : memref<26000x128xf32, #tpu.memory_space<hbm>> -> memref<26000x128xf32, #tpu.memory_space<hbm>>
    %dma_start3A_30 = tpu.memref_slice %arg7[%dma_start3A_19] : memref<4x!tpu.dma_semaphore, #tpu.memory_space<semaphore_mem>> -> memref<1x!tpu.dma_semaphore, #tpu.memory_space<semaphore_mem>>
    %dma_start3A_31 = tpu.memref_squeeze %dma_start3A_30 : memref<1x!tpu.dma_semaphore, #tpu.memory_space<semaphore_mem>> -> memref<!tpu.dma_semaphore, #tpu.memory_space<semaphore_mem>>
    tpu.enqueue_indirect_dma source(%dma_start3A_29 : memref<26000x128xf32, #tpu.memory_space<hbm>>) target(%dma_start3A_23 : memref<128x128xf32, #tpu.memory_space<vmem>>) offsets(%dma_start3A_26 : memref<128xi32, #tpu.memory_space<vmem>>) semaphore(%dma_start3A_31 : memref<!tpu.dma_semaphore, #tpu.memory_space<semaphore_mem>>)
    %dma_start3A_32 = arith.constant 2 : i32
    %dma_start3A_33 = arith.constant 2 : i32
    %dma_start3A_34 = arith.constant 2 : i32
    %dma_start3A_35 = arith.constant 0 : i32
    %dma_start3A_36 = arith.constant 0 : i32
    %dma_start3A_37 = tpu.memref_slice %arg6[%dma_start3A_33, %dma_start3A_35, %dma_start3A_36] : memref<4x128x128xf32, #tpu.memory_space<vmem>> -> memref<1x128x128xf32, #tpu.memory_space<vmem>>
    %dma_start3A_38 = tpu.memref_squeeze %dma_start3A_37 : memref<1x128x128xf32, #tpu.memory_space<vmem>> -> memref<128x128xf32, #tpu.memory_space<vmem>>
    %dma_start3A_39 = arith.constant 0 : i32
    %dma_start3A_40 = tpu.memref_slice %arg5[%dma_start3A_32, %dma_start3A_39] : memref<26x128xi32, #tpu.memory_space<vmem>> -> memref<1x128xi32, #tpu.memory_space<vmem>>
    %dma_start3A_41 = tpu.memref_squeeze %dma_start3A_40 : memref<1x128xi32, #tpu.memory_space<vmem>> -> memref<128xi32, #tpu.memory_space<vmem>>
    %dma_start3A_42 = arith.constant 0 : i32
    %dma_start3A_43 = arith.constant 0 : i32
    %dma_start3A_44 = tpu.memref_slice %arg2[%dma_start3A_42, %dma_start3A_43] : memref<26000x128xf32, #tpu.memory_space<hbm>> -> memref<26000x128xf32, #tpu.memory_space<hbm>>
    %dma_start3A_45 = tpu.memref_slice %arg7[%dma_start3A_34] : memref<4x!tpu.dma_semaphore, #tpu.memory_space<semaphore_mem>> -> memref<1x!tpu.dma_semaphore, #tpu.memory_space<semaphore_mem>>
    %dma_start3A_46 = tpu.memref_squeeze %dma_start3A_45 : memref<1x!tpu.dma_semaphore, #tpu.memory_space<semaphore_mem>> -> memref<!tpu.dma_semaphore, #tpu.memory_space<semaphore_mem>>
    tpu.enqueue_indirect_dma source(%dma_start3A_44 : memref<26000x128xf32, #tpu.memory_space<hbm>>) target(%dma_start3A_38 : memref<128x128xf32, #tpu.memory_space<vmem>>) offsets(%dma_start3A_41 : memref<128xi32, #tpu.memory_space<vmem>>) semaphore(%dma_start3A_46 : memref<!tpu.dma_semaphore, #tpu.memory_space<semaphore_mem>>)
    %dma_start3A_47 = arith.constant 3 : i32
    %dma_start3A_48 = arith.constant 3 : i32
    %dma_start3A_49 = arith.constant 3 : i32
    %dma_start3A_50 = arith.constant 0 : i32
    %dma_start3A_51 = arith.constant 0 : i32
    %dma_start3A_52 = tpu.memref_slice %arg6[%dma_start3A_48, %dma_start3A_50, %dma_start3A_51] : memref<4x128x128xf32, #tpu.memory_space<vmem>> -> memref<1x128x128xf32, #tpu.memory_space<vmem>>
    %dma_start3A_53 = tpu.memref_squeeze %dma_start3A_52 : memref<1x128x128xf32, #tpu.memory_space<vmem>> -> memref<128x128xf32, #tpu.memory_space<vmem>>
    %dma_start3A_54 = arith.constant 0 : i32
    %dma_start3A_55 = tpu.memref_slice %arg5[%dma_start3A_47, %dma_start3A_54] : memref<26x128xi32, #tpu.memory_space<vmem>> -> memref<1x128xi32, #tpu.memory_space<vmem>>
    %dma_start3A_56 = tpu.memref_squeeze %dma_start3A_55 : memref<1x128xi32, #tpu.memory_space<vmem>> -> memref<128xi32, #tpu.memory_space<vmem>>
    %dma_start3A_57 = arith.constant 0 : i32
    %dma_start3A_58 = arith.constant 0 : i32
    %dma_start3A_59 = tpu.memref_slice %arg2[%dma_start3A_57, %dma_start3A_58] : memref<26000x128xf32, #tpu.memory_space<hbm>> -> memref<26000x128xf32, #tpu.memory_space<hbm>>
    %dma_start3A_60 = tpu.memref_slice %arg7[%dma_start3A_49] : memref<4x!tpu.dma_semaphore, #tpu.memory_space<semaphore_mem>> -> memref<1x!tpu.dma_semaphore, #tpu.memory_space<semaphore_mem>>
    %dma_start3A_61 = tpu.memref_squeeze %dma_start3A_60 : memref<1x!tpu.dma_semaphore, #tpu.memory_space<semaphore_mem>> -> memref<!tpu.dma_semaphore, #tpu.memory_space<semaphore_mem>>
    tpu.enqueue_indirect_dma source(%dma_start3A_59 : memref<26000x128xf32, #tpu.memory_space<hbm>>) target(%dma_start3A_53 : memref<128x128xf32, #tpu.memory_space<vmem>>) offsets(%dma_start3A_56 : memref<128xi32, #tpu.memory_space<vmem>>) semaphore(%dma_start3A_61 : memref<!tpu.dma_semaphore, #tpu.memory_space<semaphore_mem>>)
    %dma_wait3A = arith.constant 0 : i32
    %dma_wait3A_62 = arith.constant 0 : i32
    %dma_wait3A_63 = arith.constant 0 : i32
    %dma_wait3A_64 = arith.constant 0 : i32
    %dma_wait3A_65 = arith.constant 0 : i32
    %dma_wait3A_66 = tpu.memref_slice %arg6[%dma_wait3A_62, %dma_wait3A_64, %dma_wait3A_65] : memref<4x128x128xf32, #tpu.memory_space<vmem>> -> memref<1x128x128xf32, #tpu.memory_space<vmem>>
    %dma_wait3A_67 = tpu.memref_squeeze %dma_wait3A_66 : memref<1x128x128xf32, #tpu.memory_space<vmem>> -> memref<128x128xf32, #tpu.memory_space<vmem>>
    %dma_wait3A_68 = arith.constant 0 : i32
    %dma_wait3A_69 = tpu.memref_slice %arg5[%dma_wait3A, %dma_wait3A_68] : memref<26x128xi32, #tpu.memory_space<vmem>> -> memref<1x128xi32, #tpu.memory_space<vmem>>
    %dma_wait3A_70 = tpu.memref_squeeze %dma_wait3A_69 : memref<1x128xi32, #tpu.memory_space<vmem>> -> memref<128xi32, #tpu.memory_space<vmem>>
    %dma_wait3A_71 = arith.constant 0 : i32
    %dma_wait3A_72 = arith.constant 0 : i32
    %dma_wait3A_73 = tpu.memref_slice %arg2[%dma_wait3A_71, %dma_wait3A_72] : memref<26000x128xf32, #tpu.memory_space<hbm>> -> memref<26000x128xf32, #tpu.memory_space<hbm>>
    %dma_wait3A_74 = tpu.memref_slice %arg7[%dma_wait3A_63] : memref<4x!tpu.dma_semaphore, #tpu.memory_space<semaphore_mem>> -> memref<1x!tpu.dma_semaphore, #tpu.memory_space<semaphore_mem>>
    %dma_wait3A_75 = tpu.memref_squeeze %dma_wait3A_74 : memref<1x!tpu.dma_semaphore, #tpu.memory_space<semaphore_mem>> -> memref<!tpu.dma_semaphore, #tpu.memory_space<semaphore_mem>>
    tpu.wait_indirect_dma semaphore(%dma_wait3A_75 : memref<!tpu.dma_semaphore, #tpu.memory_space<semaphore_mem>>) src(%dma_wait3A_73 : memref<26000x128xf32, #tpu.memory_space<hbm>>) dst(%dma_wait3A_67 : memref<128x128xf32, #tpu.memory_space<vmem>>)
    %add3A_76 = arith.constant 0 : i32
    %add3A_77 = arith.addi %mul3A_2, %add3A_76 : i32
    %dma_start3A_78 = arith.constant 0 : i32
    %dma_start3A_79 = arith.constant 0 : i32
    %dma_start3A_80 = arith.constant 0 : i32
    %dma_start3A_81 = arith.constant 0 : i32
    %dma_start3A_82 = tpu.memref_slice %arg6[%dma_start3A_78, %dma_start3A_80, %dma_start3A_81] : memref<4x128x128xf32, #tpu.memory_space<vmem>> -> memref<1x128x128xf32, #tpu.memory_space<vmem>>
    %dma_start3A_83 = tpu.memref_squeeze %dma_start3A_82 : memref<1x128x128xf32, #tpu.memory_space<vmem>> -> memref<128x128xf32, #tpu.memory_space<vmem>>
    %dma_start3A_84 = arith.constant 0 : i32
    %dma_start3A_85 = tpu.memref_slice %arg4[%add3A_77, %dma_start3A_84] : memref<106496x128xf32, #tpu.memory_space<hbm>> -> memref<128x128xf32, #tpu.memory_space<hbm>>
    %dma_start3A_86 = tpu.memref_slice %arg8[%dma_start3A_79] : memref<4x!tpu.dma_semaphore, #tpu.memory_space<semaphore_mem>> -> memref<1x!tpu.dma_semaphore, #tpu.memory_space<semaphore_mem>>
    %dma_start3A_87 = tpu.memref_squeeze %dma_start3A_86 : memref<1x!tpu.dma_semaphore, #tpu.memory_space<semaphore_mem>> -> memref<!tpu.dma_semaphore, #tpu.memory_space<semaphore_mem>>
    %dma_start3A_88 = arith.constant 0 : i32
    %dma_start3A_89 = tpu.memref_slice %arg4[%add3A_77, %dma_start3A_88] : memref<106496x128xf32, #tpu.memory_space<hbm>> -> memref<128x128xf32, #tpu.memory_space<hbm>>
    %dma_start3A_90 = arith.constant 0 : i32
    %dma_start3A_91 = arith.constant 0 : i32
    %dma_start3A_92 = tpu.memref_slice %arg6[%dma_start3A_78, %dma_start3A_90, %dma_start3A_91] : memref<4x128x128xf32, #tpu.memory_space<vmem>> -> memref<1x128x128xf32, #tpu.memory_space<vmem>>
    %dma_start3A_93 = tpu.memref_squeeze %dma_start3A_92 : memref<1x128x128xf32, #tpu.memory_space<vmem>> -> memref<128x128xf32, #tpu.memory_space<vmem>>
    tpu.enqueue_dma source(%dma_start3A_93 : memref<128x128xf32, #tpu.memory_space<vmem>>) target(%dma_start3A_89 : memref<128x128xf32, #tpu.memory_space<hbm>>) target_semaphore(%dma_start3A_87 : memref<!tpu.dma_semaphore, #tpu.memory_space<semaphore_mem>>)
    %dma_wait3A_94 = arith.constant 1 : i32
    %dma_wait3A_95 = arith.constant 1 : i32
    %dma_wait3A_96 = arith.constant 1 : i32
    %dma_wait3A_97 = arith.constant 0 : i32
    %dma_wait3A_98 = arith.constant 0 : i32
    %dma_wait3A_99 = tpu.memref_slice %arg6[%dma_wait3A_95, %dma_wait3A_97, %dma_wait3A_98] : memref<4x128x128xf32, #tpu.memory_space<vmem>> -> memref<1x128x128xf32, #tpu.memory_space<vmem>>
    %dma_wait3A_100 = tpu.memref_squeeze %dma_wait3A_99 : memref<1x128x128xf32, #tpu.memory_space<vmem>> -> memref<128x128xf32, #tpu.memory_space<vmem>>
    %dma_wait3A_101 = arith.constant 0 : i32
    %dma_wait3A_102 = tpu.memref_slice %arg5[%dma_wait3A_94, %dma_wait3A_101] : memref<26x128xi32, #tpu.memory_space<vmem>> -> memref<1x128xi32, #tpu.memory_space<vmem>>
    %dma_wait3A_103 = tpu.memref_squeeze %dma_wait3A_102 : memref<1x128xi32, #tpu.memory_space<vmem>> -> memref<128xi32, #tpu.memory_space<vmem>>
    %dma_wait3A_104 = arith.constant 0 : i32
    %dma_wait3A_105 = arith.constant 0 : i32
    %dma_wait3A_106 = tpu.memref_slice %arg2[%dma_wait3A_104, %dma_wait3A_105] : memref<26000x128xf32, #tpu.memory_space<hbm>> -> memref<26000x128xf32, #tpu.memory_space<hbm>>
    %dma_wait3A_107 = tpu.memref_slice %arg7[%dma_wait3A_96] : memref<4x!tpu.dma_semaphore, #tpu.memory_space<semaphore_mem>> -> memref<1x!tpu.dma_semaphore, #tpu.memory_space<semaphore_mem>>
    %dma_wait3A_108 = tpu.memref_squeeze %dma_wait3A_107 : memref<1x!tpu.dma_semaphore, #tpu.memory_space<semaphore_mem>> -> memref<!tpu.dma_semaphore, #tpu.memory_space<semaphore_mem>>
    tpu.wait_indirect_dma semaphore(%dma_wait3A_108 : memref<!tpu.dma_semaphore, #tpu.memory_space<semaphore_mem>>) src(%dma_wait3A_106 : memref<26000x128xf32, #tpu.memory_space<hbm>>) dst(%dma_wait3A_100 : memref<128x128xf32, #tpu.memory_space<vmem>>)
    %add3A_109 = arith.constant 128 : i32
    %add3A_110 = arith.addi %mul3A_2, %add3A_109 : i32
    %dma_start3A_111 = arith.constant 1 : i32
    %dma_start3A_112 = arith.constant 1 : i32
    %dma_start3A_113 = arith.constant 0 : i32
    %dma_start3A_114 = arith.constant 0 : i32
    %dma_start3A_115 = tpu.memref_slice %arg6[%dma_start3A_111, %dma_start3A_113, %dma_start3A_114] : memref<4x128x128xf32, #tpu.memory_space<vmem>> -> memref<1x128x128xf32, #tpu.memory_space<vmem>>
    %dma_start3A_116 = tpu.memref_squeeze %dma_start3A_115 : memref<1x128x128xf32, #tpu.memory_space<vmem>> -> memref<128x128xf32, #tpu.memory_space<vmem>>
    %dma_start3A_117 = arith.constant 0 : i32
    %dma_start3A_118 = tpu.memref_slice %arg4[%add3A_110, %dma_start3A_117] : memref<106496x128xf32, #tpu.memory_space<hbm>> -> memref<128x128xf32, #tpu.memory_space<hbm>>
    %dma_start3A_119 = tpu.memref_slice %arg8[%dma_start3A_112] : memref<4x!tpu.dma_semaphore, #tpu.memory_space<semaphore_mem>> -> memref<1x!tpu.dma_semaphore, #tpu.memory_space<semaphore_mem>>
    %dma_start3A_120 = tpu.memref_squeeze %dma_start3A_119 : memref<1x!tpu.dma_semaphore, #tpu.memory_space<semaphore_mem>> -> memref<!tpu.dma_semaphore, #tpu.memory_space<semaphore_mem>>
    %dma_start3A_121 = arith.constant 0 : i32
    %dma_start3A_122 = tpu.memref_slice %arg4[%add3A_110, %dma_start3A_121] : memref<106496x128xf32, #tpu.memory_space<hbm>> -> memref<128x128xf32, #tpu.memory_space<hbm>>
    %dma_start3A_123 = arith.constant 0 : i32
    %dma_start3A_124 = arith.constant 0 : i32
    %dma_start3A_125 = tpu.memref_slice %arg6[%dma_start3A_111, %dma_start3A_123, %dma_start3A_124] : memref<4x128x128xf32, #tpu.memory_space<vmem>> -> memref<1x128x128xf32, #tpu.memory_space<vmem>>
    %dma_start3A_126 = tpu.memref_squeeze %dma_start3A_125 : memref<1x128x128xf32, #tpu.memory_space<vmem>> -> memref<128x128xf32, #tpu.memory_space<vmem>>
    tpu.enqueue_dma source(%dma_start3A_126 : memref<128x128xf32, #tpu.memory_space<vmem>>) target(%dma_start3A_122 : memref<128x128xf32, #tpu.memory_space<hbm>>) target_semaphore(%dma_start3A_120 : memref<!tpu.dma_semaphore, #tpu.memory_space<semaphore_mem>>)
    %dma_wait3A_127 = arith.constant 2 : i32
    %dma_wait3A_128 = arith.constant 2 : i32
    %dma_wait3A_129 = arith.constant 2 : i32
    %dma_wait3A_130 = arith.constant 0 : i32
    %dma_wait3A_131 = arith.constant 0 : i32
    %dma_wait3A_132 = tpu.memref_slice %arg6[%dma_wait3A_128, %dma_wait3A_130, %dma_wait3A_131] : memref<4x128x128xf32, #tpu.memory_space<vmem>> -> memref<1x128x128xf32, #tpu.memory_space<vmem>>
    %dma_wait3A_133 = tpu.memref_squeeze %dma_wait3A_132 : memref<1x128x128xf32, #tpu.memory_space<vmem>> -> memref<128x128xf32, #tpu.memory_space<vmem>>
    %dma_wait3A_134 = arith.constant 0 : i32
    %dma_wait3A_135 = tpu.memref_slice %arg5[%dma_wait3A_127, %dma_wait3A_134] : memref<26x128xi32, #tpu.memory_space<vmem>> -> memref<1x128xi32, #tpu.memory_space<vmem>>
    %dma_wait3A_136 = tpu.memref_squeeze %dma_wait3A_135 : memref<1x128xi32, #tpu.memory_space<vmem>> -> memref<128xi32, #tpu.memory_space<vmem>>
    %dma_wait3A_137 = arith.constant 0 : i32
    %dma_wait3A_138 = arith.constant 0 : i32
    %dma_wait3A_139 = tpu.memref_slice %arg2[%dma_wait3A_137, %dma_wait3A_138] : memref<26000x128xf32, #tpu.memory_space<hbm>> -> memref<26000x128xf32, #tpu.memory_space<hbm>>
    %dma_wait3A_140 = tpu.memref_slice %arg7[%dma_wait3A_129] : memref<4x!tpu.dma_semaphore, #tpu.memory_space<semaphore_mem>> -> memref<1x!tpu.dma_semaphore, #tpu.memory_space<semaphore_mem>>
    %dma_wait3A_141 = tpu.memref_squeeze %dma_wait3A_140 : memref<1x!tpu.dma_semaphore, #tpu.memory_space<semaphore_mem>> -> memref<!tpu.dma_semaphore, #tpu.memory_space<semaphore_mem>>
    tpu.wait_indirect_dma semaphore(%dma_wait3A_141 : memref<!tpu.dma_semaphore, #tpu.memory_space<semaphore_mem>>) src(%dma_wait3A_139 : memref<26000x128xf32, #tpu.memory_space<hbm>>) dst(%dma_wait3A_133 : memref<128x128xf32, #tpu.memory_space<vmem>>)
    %add3A_142 = arith.constant 256 : i32
    %add3A_143 = arith.addi %mul3A_2, %add3A_142 : i32
    %dma_start3A_144 = arith.constant 2 : i32
    %dma_start3A_145 = arith.constant 2 : i32
    %dma_start3A_146 = arith.constant 0 : i32
    %dma_start3A_147 = arith.constant 0 : i32
    %dma_start3A_148 = tpu.memref_slice %arg6[%dma_start3A_144, %dma_start3A_146, %dma_start3A_147] : memref<4x128x128xf32, #tpu.memory_space<vmem>> -> memref<1x128x128xf32, #tpu.memory_space<vmem>>
    %dma_start3A_149 = tpu.memref_squeeze %dma_start3A_148 : memref<1x128x128xf32, #tpu.memory_space<vmem>> -> memref<128x128xf32, #tpu.memory_space<vmem>>
    %dma_start3A_150 = arith.constant 0 : i32
    %dma_start3A_151 = tpu.memref_slice %arg4[%add3A_143, %dma_start3A_150] : memref<106496x128xf32, #tpu.memory_space<hbm>> -> memref<128x128xf32, #tpu.memory_space<hbm>>
    %dma_start3A_152 = tpu.memref_slice %arg8[%dma_start3A_145] : memref<4x!tpu.dma_semaphore, #tpu.memory_space<semaphore_mem>> -> memref<1x!tpu.dma_semaphore, #tpu.memory_space<semaphore_mem>>
    %dma_start3A_153 = tpu.memref_squeeze %dma_start3A_152 : memref<1x!tpu.dma_semaphore, #tpu.memory_space<semaphore_mem>> -> memref<!tpu.dma_semaphore, #tpu.memory_space<semaphore_mem>>
    %dma_start3A_154 = arith.constant 0 : i32
    %dma_start3A_155 = tpu.memref_slice %arg4[%add3A_143, %dma_start3A_154] : memref<106496x128xf32, #tpu.memory_space<hbm>> -> memref<128x128xf32, #tpu.memory_space<hbm>>
    %dma_start3A_156 = arith.constant 0 : i32
    %dma_start3A_157 = arith.constant 0 : i32
    %dma_start3A_158 = tpu.memref_slice %arg6[%dma_start3A_144, %dma_start3A_156, %dma_start3A_157] : memref<4x128x128xf32, #tpu.memory_space<vmem>> -> memref<1x128x128xf32, #tpu.memory_space<vmem>>
    %dma_start3A_159 = tpu.memref_squeeze %dma_start3A_158 : memref<1x128x128xf32, #tpu.memory_space<vmem>> -> memref<128x128xf32, #tpu.memory_space<vmem>>
    tpu.enqueue_dma source(%dma_start3A_159 : memref<128x128xf32, #tpu.memory_space<vmem>>) target(%dma_start3A_155 : memref<128x128xf32, #tpu.memory_space<hbm>>) target_semaphore(%dma_start3A_153 : memref<!tpu.dma_semaphore, #tpu.memory_space<semaphore_mem>>)
    %dma_wait3A_160 = arith.constant 0 : i32
    %dma_wait3A_161 = arith.constant 0 : i32
    %dma_wait3A_162 = arith.constant 0 : i32
    %dma_wait3A_163 = arith.constant 0 : i32
    %dma_wait3A_164 = tpu.memref_slice %arg6[%dma_wait3A_160, %dma_wait3A_162, %dma_wait3A_163] : memref<4x128x128xf32, #tpu.memory_space<vmem>> -> memref<1x128x128xf32, #tpu.memory_space<vmem>>
    %dma_wait3A_165 = tpu.memref_squeeze %dma_wait3A_164 : memref<1x128x128xf32, #tpu.memory_space<vmem>> -> memref<128x128xf32, #tpu.memory_space<vmem>>
    %dma_wait3A_166 = arith.constant 0 : i32
    %dma_wait3A_167 = tpu.memref_slice %arg4[%add3A_77, %dma_wait3A_166] : memref<106496x128xf32, #tpu.memory_space<hbm>> -> memref<128x128xf32, #tpu.memory_space<hbm>>
    %dma_wait3A_168 = tpu.memref_slice %arg8[%dma_wait3A_161] : memref<4x!tpu.dma_semaphore, #tpu.memory_space<semaphore_mem>> -> memref<1x!tpu.dma_semaphore, #tpu.memory_space<semaphore_mem>>
    %dma_wait3A_169 = tpu.memref_squeeze %dma_wait3A_168 : memref<1x!tpu.dma_semaphore, #tpu.memory_space<semaphore_mem>> -> memref<!tpu.dma_semaphore, #tpu.memory_space<semaphore_mem>>
    %dma_wait3A_170 = arith.constant 0 : i32
    %dma_wait3A_171 = tpu.memref_slice %arg4[%add3A_77, %dma_wait3A_170] : memref<106496x128xf32, #tpu.memory_space<hbm>> -> memref<128x128xf32, #tpu.memory_space<hbm>>
    %dma_wait3A_172 = arith.constant 0 : i32
    %dma_wait3A_173 = arith.constant 0 : i32
    %dma_wait3A_174 = tpu.memref_slice %arg6[%dma_wait3A_160, %dma_wait3A_172, %dma_wait3A_173] : memref<4x128x128xf32, #tpu.memory_space<vmem>> -> memref<1x128x128xf32, #tpu.memory_space<vmem>>
    %dma_wait3A_175 = tpu.memref_squeeze %dma_wait3A_174 : memref<1x128x128xf32, #tpu.memory_space<vmem>> -> memref<128x128xf32, #tpu.memory_space<vmem>>
    tpu.wait_dma2 semaphore(%dma_wait3A_169 : memref<!tpu.dma_semaphore, #tpu.memory_space<semaphore_mem>>) src(%dma_wait3A_175 : memref<128x128xf32, #tpu.memory_space<vmem>>) dst(%dma_wait3A_171 : memref<128x128xf32, #tpu.memory_space<hbm>>)
    %dma_start3A_176 = arith.constant 4 : i32
    %dma_start3A_177 = arith.constant 0 : i32
    %dma_start3A_178 = arith.constant 0 : i32
    %dma_start3A_179 = arith.constant 0 : i32
    %dma_start3A_180 = arith.constant 0 : i32
    %dma_start3A_181 = tpu.memref_slice %arg6[%dma_start3A_177, %dma_start3A_179, %dma_start3A_180] : memref<4x128x128xf32, #tpu.memory_space<vmem>> -> memref<1x128x128xf32, #tpu.memory_space<vmem>>
    %dma_start3A_182 = tpu.memref_squeeze %dma_start3A_181 : memref<1x128x128xf32, #tpu.memory_space<vmem>> -> memref<128x128xf32, #tpu.memory_space<vmem>>
    %dma_start3A_183 = arith.constant 0 : i32
    %dma_start3A_184 = tpu.memref_slice %arg5[%dma_start3A_176, %dma_start3A_183] : memref<26x128xi32, #tpu.memory_space<vmem>> -> memref<1x128xi32, #tpu.memory_space<vmem>>
    %dma_start3A_185 = tpu.memref_squeeze %dma_start3A_184 : memref<1x128xi32, #tpu.memory_space<vmem>> -> memref<128xi32, #tpu.memory_space<vmem>>
    %dma_start3A_186 = arith.constant 0 : i32
    %dma_start3A_187 = arith.constant 0 : i32
    %dma_start3A_188 = tpu.memref_slice %arg2[%dma_start3A_186, %dma_start3A_187] : memref<26000x128xf32, #tpu.memory_space<hbm>> -> memref<26000x128xf32, #tpu.memory_space<hbm>>
    %dma_start3A_189 = tpu.memref_slice %arg7[%dma_start3A_178] : memref<4x!tpu.dma_semaphore, #tpu.memory_space<semaphore_mem>> -> memref<1x!tpu.dma_semaphore, #tpu.memory_space<semaphore_mem>>
    %dma_start3A_190 = tpu.memref_squeeze %dma_start3A_189 : memref<1x!tpu.dma_semaphore, #tpu.memory_space<semaphore_mem>> -> memref<!tpu.dma_semaphore, #tpu.memory_space<semaphore_mem>>
    tpu.enqueue_indirect_dma source(%dma_start3A_188 : memref<26000x128xf32, #tpu.memory_space<hbm>>) target(%dma_start3A_182 : memref<128x128xf32, #tpu.memory_space<vmem>>) offsets(%dma_start3A_185 : memref<128xi32, #tpu.memory_space<vmem>>) semaphore(%dma_start3A_190 : memref<!tpu.dma_semaphore, #tpu.memory_space<semaphore_mem>>)
    %dma_wait3A_191 = arith.constant 3 : i32
    %dma_wait3A_192 = arith.constant 3 : i32
    %dma_wait3A_193 = arith.constant 3 : i32
    %dma_wait3A_194 = arith.constant 0 : i32
    %dma_wait3A_195 = arith.constant 0 : i32
    %dma_wait3A_196 = tpu.memref_slice %arg6[%dma_wait3A_192, %dma_wait3A_194, %dma_wait3A_195] : memref<4x128x128xf32, #tpu.memory_space<vmem>> -> memref<1x128x128xf32, #tpu.memory_space<vmem>>
    %dma_wait3A_197 = tpu.memref_squeeze %dma_wait3A_196 : memref<1x128x128xf32, #tpu.memory_space<vmem>> -> memref<128x128xf32, #tpu.memory_space<vmem>>
    %dma_wait3A_198 = arith.constant 0 : i32
    %dma_wait3A_199 = tpu.memref_slice %arg5[%dma_wait3A_191, %dma_wait3A_198] : memref<26x128xi32, #tpu.memory_space<vmem>> -> memref<1x128xi32, #tpu.memory_space<vmem>>
    %dma_wait3A_200 = tpu.memref_squeeze %dma_wait3A_199 : memref<1x128xi32, #tpu.memory_space<vmem>> -> memref<128xi32, #tpu.memory_space<vmem>>
    %dma_wait3A_201 = arith.constant 0 : i32
    %dma_wait3A_202 = arith.constant 0 : i32
    %dma_wait3A_203 = tpu.memref_slice %arg2[%dma_wait3A_201, %dma_wait3A_202] : memref<26000x128xf32, #tpu.memory_space<hbm>> -> memref<26000x128xf32, #tpu.memory_space<hbm>>
    %dma_wait3A_204 = tpu.memref_slice %arg7[%dma_wait3A_193] : memref<4x!tpu.dma_semaphore, #tpu.memory_space<semaphore_mem>> -> memref<1x!tpu.dma_semaphore, #tpu.memory_space<semaphore_mem>>
    %dma_wait3A_205 = tpu.memref_squeeze %dma_wait3A_204 : memref<1x!tpu.dma_semaphore, #tpu.memory_space<semaphore_mem>> -> memref<!tpu.dma_semaphore, #tpu.memory_space<semaphore_mem>>
    tpu.wait_indirect_dma semaphore(%dma_wait3A_205 : memref<!tpu.dma_semaphore, #tpu.memory_space<semaphore_mem>>) src(%dma_wait3A_203 : memref<26000x128xf32, #tpu.memory_space<hbm>>) dst(%dma_wait3A_197 : memref<128x128xf32, #tpu.memory_space<vmem>>)
    %add3A_206 = arith.constant 384 : i32
    %add3A_207 = arith.addi %mul3A_2, %add3A_206 : i32
    %dma_start3A_208 = arith.constant 3 : i32
    %dma_start3A_209 = arith.constant 3 : i32
    %dma_start3A_210 = arith.constant 0 : i32
    %dma_start3A_211 = arith.constant 0 : i32
    %dma_start3A_212 = tpu.memref_slice %arg6[%dma_start3A_208, %dma_start3A_210, %dma_start3A_211] : memref<4x128x128xf32, #tpu.memory_space<vmem>> -> memref<1x128x128xf32, #tpu.memory_space<vmem>>
    %dma_start3A_213 = tpu.memref_squeeze %dma_start3A_212 : memref<1x128x128xf32, #tpu.memory_space<vmem>> -> memref<128x128xf32, #tpu.memory_space<vmem>>
    %dma_start3A_214 = arith.constant 0 : i32
    %dma_start3A_215 = tpu.memref_slice %arg4[%add3A_207, %dma_start3A_214] : memref<106496x128xf32, #tpu.memory_space<hbm>> -> memref<128x128xf32, #tpu.memory_space<hbm>>
    %dma_start3A_216 = tpu.memref_slice %arg8[%dma_start3A_209] : memref<4x!tpu.dma_semaphore, #tpu.memory_space<semaphore_mem>> -> memref<1x!tpu.dma_semaphore, #tpu.memory_space<semaphore_mem>>
    %dma_start3A_217 = tpu.memref_squeeze %dma_start3A_216 : memref<1x!tpu.dma_semaphore, #tpu.memory_space<semaphore_mem>> -> memref<!tpu.dma_semaphore, #tpu.memory_space<semaphore_mem>>
    %dma_start3A_218 = arith.constant 0 : i32
    %dma_start3A_219 = tpu.memref_slice %arg4[%add3A_207, %dma_start3A_218] : memref<106496x128xf32, #tpu.memory_space<hbm>> -> memref<128x128xf32, #tpu.memory_space<hbm>>
    %dma_start3A_220 = arith.constant 0 : i32
    %dma_start3A_221 = arith.constant 0 : i32
    %dma_start3A_222 = tpu.memref_slice %arg6[%dma_start3A_208, %dma_start3A_220, %dma_start3A_221] : memref<4x128x128xf32, #tpu.memory_space<vmem>> -> memref<1x128x128xf32, #tpu.memory_space<vmem>>
    %dma_start3A_223 = tpu.memref_squeeze %dma_start3A_222 : memref<1x128x128xf32, #tpu.memory_space<vmem>> -> memref<128x128xf32, #tpu.memory_space<vmem>>
    tpu.enqueue_dma source(%dma_start3A_223 : memref<128x128xf32, #tpu.memory_space<vmem>>) target(%dma_start3A_219 : memref<128x128xf32, #tpu.memory_space<hbm>>) target_semaphore(%dma_start3A_217 : memref<!tpu.dma_semaphore, #tpu.memory_space<semaphore_mem>>)
    %dma_wait3A_224 = arith.constant 1 : i32
    %dma_wait3A_225 = arith.constant 1 : i32
    %dma_wait3A_226 = arith.constant 0 : i32
    %dma_wait3A_227 = arith.constant 0 : i32
    %dma_wait3A_228 = tpu.memref_slice %arg6[%dma_wait3A_224, %dma_wait3A_226, %dma_wait3A_227] : memref<4x128x128xf32, #tpu.memory_space<vmem>> -> memref<1x128x128xf32, #tpu.memory_space<vmem>>
    %dma_wait3A_229 = tpu.memref_squeeze %dma_wait3A_228 : memref<1x128x128xf32, #tpu.memory_space<vmem>> -> memref<128x128xf32, #tpu.memory_space<vmem>>
    %dma_wait3A_230 = arith.constant 0 : i32
    %dma_wait3A_231 = tpu.memref_slice %arg4[%add3A_110, %dma_wait3A_230] : memref<106496x128xf32, #tpu.memory_space<hbm>> -> memref<128x128xf32, #tpu.memory_space<hbm>>
    %dma_wait3A_232 = tpu.memref_slice %arg8[%dma_wait3A_225] : memref<4x!tpu.dma_semaphore, #tpu.memory_space<semaphore_mem>> -> memref<1x!tpu.dma_semaphore, #tpu.memory_space<semaphore_mem>>
    %dma_wait3A_233 = tpu.memref_squeeze %dma_wait3A_232 : memref<1x!tpu.dma_semaphore, #tpu.memory_space<semaphore_mem>> -> memref<!tpu.dma_semaphore, #tpu.memory_space<semaphore_mem>>
    %dma_wait3A_234 = arith.constant 0 : i32
    %dma_wait3A_235 = tpu.memref_slice %arg4[%add3A_110, %dma_wait3A_234] : memref<106496x128xf32, #tpu.memory_space<hbm>> -> memref<128x128xf32, #tpu.memory_space<hbm>>
    %dma_wait3A_236 = arith.constant 0 : i32
    %dma_wait3A_237 = arith.constant 0 : i32
    %dma_wait3A_238 = tpu.memref_slice %arg6[%dma_wait3A_224, %dma_wait3A_236, %dma_wait3A_237] : memref<4x128x128xf32, #tpu.memory_space<vmem>> -> memref<1x128x128xf32, #tpu.memory_space<vmem>>
    %dma_wait3A_239 = tpu.memref_squeeze %dma_wait3A_238 : memref<1x128x128xf32, #tpu.memory_space<vmem>> -> memref<128x128xf32, #tpu.memory_space<vmem>>
    tpu.wait_dma2 semaphore(%dma_wait3A_233 : memref<!tpu.dma_semaphore, #tpu.memory_space<semaphore_mem>>) src(%dma_wait3A_239 : memref<128x128xf32, #tpu.memory_space<vmem>>) dst(%dma_wait3A_235 : memref<128x128xf32, #tpu.memory_space<hbm>>)
    %dma_start3A_240 = arith.constant 5 : i32
    %dma_start3A_241 = arith.constant 1 : i32
    %dma_start3A_242 = arith.constant 1 : i32
    %dma_start3A_243 = arith.constant 0 : i32
    %dma_start3A_244 = arith.constant 0 : i32
    %dma_start3A_245 = tpu.memref_slice %arg6[%dma_start3A_241, %dma_start3A_243, %dma_start3A_244] : memref<4x128x128xf32, #tpu.memory_space<vmem>> -> memref<1x128x128xf32, #tpu.memory_space<vmem>>
    %dma_start3A_246 = tpu.memref_squeeze %dma_start3A_245 : memref<1x128x128xf32, #tpu.memory_space<vmem>> -> memref<128x128xf32, #tpu.memory_space<vmem>>
    %dma_start3A_247 = arith.constant 0 : i32
    %dma_start3A_248 = tpu.memref_slice %arg5[%dma_start3A_240, %dma_start3A_247] : memref<26x128xi32, #tpu.memory_space<vmem>> -> memref<1x128xi32, #tpu.memory_space<vmem>>
    %dma_start3A_249 = tpu.memref_squeeze %dma_start3A_248 : memref<1x128xi32, #tpu.memory_space<vmem>> -> memref<128xi32, #tpu.memory_space<vmem>>
    %dma_start3A_250 = arith.constant 0 : i32
    %dma_start3A_251 = arith.constant 0 : i32
    %dma_start3A_252 = tpu.memref_slice %arg2[%dma_start3A_250, %dma_start3A_251] : memref<26000x128xf32, #tpu.memory_space<hbm>> -> memref<26000x128xf32, #tpu.memory_space<hbm>>
    %dma_start3A_253 = tpu.memref_slice %arg7[%dma_start3A_242] : memref<4x!tpu.dma_semaphore, #tpu.memory_space<semaphore_mem>> -> memref<1x!tpu.dma_semaphore, #tpu.memory_space<semaphore_mem>>
    %dma_start3A_254 = tpu.memref_squeeze %dma_start3A_253 : memref<1x!tpu.dma_semaphore, #tpu.memory_space<semaphore_mem>> -> memref<!tpu.dma_semaphore, #tpu.memory_space<semaphore_mem>>
    tpu.enqueue_indirect_dma source(%dma_start3A_252 : memref<26000x128xf32, #tpu.memory_space<hbm>>) target(%dma_start3A_246 : memref<128x128xf32, #tpu.memory_space<vmem>>) offsets(%dma_start3A_249 : memref<128xi32, #tpu.memory_space<vmem>>) semaphore(%dma_start3A_254 : memref<!tpu.dma_semaphore, #tpu.memory_space<semaphore_mem>>)
    %dma_wait3A_255 = arith.constant 4 : i32
    %dma_wait3A_256 = arith.constant 0 : i32
    %dma_wait3A_257 = arith.constant 0 : i32
    %dma_wait3A_258 = arith.constant 0 : i32
    %dma_wait3A_259 = arith.constant 0 : i32
    %dma_wait3A_260 = tpu.memref_slice %arg6[%dma_wait3A_256, %dma_wait3A_258, %dma_wait3A_259] : memref<4x128x128xf32, #tpu.memory_space<vmem>> -> memref<1x128x128xf32, #tpu.memory_space<vmem>>
    %dma_wait3A_261 = tpu.memref_squeeze %dma_wait3A_260 : memref<1x128x128xf32, #tpu.memory_space<vmem>> -> memref<128x128xf32, #tpu.memory_space<vmem>>
    %dma_wait3A_262 = arith.constant 0 : i32
    %dma_wait3A_263 = tpu.memref_slice %arg5[%dma_wait3A_255, %dma_wait3A_262] : memref<26x128xi32, #tpu.memory_space<vmem>> -> memref<1x128xi32, #tpu.memory_space<vmem>>
    %dma_wait3A_264 = tpu.memref_squeeze %dma_wait3A_263 : memref<1x128xi32, #tpu.memory_space<vmem>> -> memref<128xi32, #tpu.memory_space<vmem>>
    %dma_wait3A_265 = arith.constant 0 : i32
    %dma_wait3A_266 = arith.constant 0 : i32
    %dma_wait3A_267 = tpu.memref_slice %arg2[%dma_wait3A_265, %dma_wait3A_266] : memref<26000x128xf32, #tpu.memory_space<hbm>> -> memref<26000x128xf32, #tpu.memory_space<hbm>>
    %dma_wait3A_268 = tpu.memref_slice %arg7[%dma_wait3A_257] : memref<4x!tpu.dma_semaphore, #tpu.memory_space<semaphore_mem>> -> memref<1x!tpu.dma_semaphore, #tpu.memory_space<semaphore_mem>>
    %dma_wait3A_269 = tpu.memref_squeeze %dma_wait3A_268 : memref<1x!tpu.dma_semaphore, #tpu.memory_space<semaphore_mem>> -> memref<!tpu.dma_semaphore, #tpu.memory_space<semaphore_mem>>
    tpu.wait_indirect_dma semaphore(%dma_wait3A_269 : memref<!tpu.dma_semaphore, #tpu.memory_space<semaphore_mem>>) src(%dma_wait3A_267 : memref<26000x128xf32, #tpu.memory_space<hbm>>) dst(%dma_wait3A_261 : memref<128x128xf32, #tpu.memory_space<vmem>>)
    %add3A_270 = arith.constant 512 : i32
    %add3A_271 = arith.addi %mul3A_2, %add3A_270 : i32
    %dma_start3A_272 = arith.constant 0 : i32
    %dma_start3A_273 = arith.constant 0 : i32
    %dma_start3A_274 = arith.constant 0 : i32
    %dma_start3A_275 = arith.constant 0 : i32
    %dma_start3A_276 = tpu.memref_slice %arg6[%dma_start3A_272, %dma_start3A_274, %dma_start3A_275] : memref<4x128x128xf32, #tpu.memory_space<vmem>> -> memref<1x128x128xf32, #tpu.memory_space<vmem>>
    %dma_start3A_277 = tpu.memref_squeeze %dma_start3A_276 : memref<1x128x128xf32, #tpu.memory_space<vmem>> -> memref<128x128xf32, #tpu.memory_space<vmem>>
    %dma_start3A_278 = arith.constant 0 : i32
    %dma_start3A_279 = tpu.memref_slice %arg4[%add3A_271, %dma_start3A_278] : memref<106496x128xf32, #tpu.memory_space<hbm>> -> memref<128x128xf32, #tpu.memory_space<hbm>>
    %dma_start3A_280 = tpu.memref_slice %arg8[%dma_start3A_273] : memref<4x!tpu.dma_semaphore, #tpu.memory_space<semaphore_mem>> -> memref<1x!tpu.dma_semaphore, #tpu.memory_space<semaphore_mem>>
    %dma_start3A_281 = tpu.memref_squeeze %dma_start3A_280 : memref<1x!tpu.dma_semaphore, #tpu.memory_space<semaphore_mem>> -> memref<!tpu.dma_semaphore, #tpu.memory_space<semaphore_mem>>
    %dma_start3A_282 = arith.constant 0 : i32
    %dma_start3A_283 = tpu.memref_slice %arg4[%add3A_271, %dma_start3A_282] : memref<106496x128xf32, #tpu.memory_space<hbm>> -> memref<128x128xf32, #tpu.memory_space<hbm>>
    %dma_start3A_284 = arith.constant 0 : i32
    %dma_start3A_285 = arith.constant 0 : i32
    %dma_start3A_286 = tpu.memref_slice %arg6[%dma_start3A_272, %dma_start3A_284, %dma_start3A_285] : memref<4x128x128xf32, #tpu.memory_space<vmem>> -> memref<1x128x128xf32, #tpu.memory_space<vmem>>
    %dma_start3A_287 = tpu.memref_squeeze %dma_start3A_286 : memref<1x128x128xf32, #tpu.memory_space<vmem>> -> memref<128x128xf32, #tpu.memory_space<vmem>>
    tpu.enqueue_dma source(%dma_start3A_287 : memref<128x128xf32, #tpu.memory_space<vmem>>) target(%dma_start3A_283 : memref<128x128xf32, #tpu.memory_space<hbm>>) target_semaphore(%dma_start3A_281 : memref<!tpu.dma_semaphore, #tpu.memory_space<semaphore_mem>>)
    %dma_wait3A_288 = arith.constant 2 : i32
    %dma_wait3A_289 = arith.constant 2 : i32
    %dma_wait3A_290 = arith.constant 0 : i32
    %dma_wait3A_291 = arith.constant 0 : i32
    %dma_wait3A_292 = tpu.memref_slice %arg6[%dma_wait3A_288, %dma_wait3A_290, %dma_wait3A_291] : memref<4x128x128xf32, #tpu.memory_space<vmem>> -> memref<1x128x128xf32, #tpu.memory_space<vmem>>
    %dma_wait3A_293 = tpu.memref_squeeze %dma_wait3A_292 : memref<1x128x128xf32, #tpu.memory_space<vmem>> -> memref<128x128xf32, #tpu.memory_space<vmem>>
    %dma_wait3A_294 = arith.constant 0 : i32
    %dma_wait3A_295 = tpu.memref_slice %arg4[%add3A_143, %dma_wait3A_294] : memref<106496x128xf32, #tpu.memory_space<hbm>> -> memref<128x128xf32, #tpu.memory_space<hbm>>
    %dma_wait3A_296 = tpu.memref_slice %arg8[%dma_wait3A_289] : memref<4x!tpu.dma_semaphore, #tpu.memory_space<semaphore_mem>> -> memref<1x!tpu.dma_semaphore, #tpu.memory_space<semaphore_mem>>
    %dma_wait3A_297 = tpu.memref_squeeze %dma_wait3A_296 : memref<1x!tpu.dma_semaphore, #tpu.memory_space<semaphore_mem>> -> memref<!tpu.dma_semaphore, #tpu.memory_space<semaphore_mem>>
    %dma_wait3A_298 = arith.constant 0 : i32
    %dma_wait3A_299 = tpu.memref_slice %arg4[%add3A_143, %dma_wait3A_298] : memref<106496x128xf32, #tpu.memory_space<hbm>> -> memref<128x128xf32, #tpu.memory_space<hbm>>
    %dma_wait3A_300 = arith.constant 0 : i32
    %dma_wait3A_301 = arith.constant 0 : i32
    %dma_wait3A_302 = tpu.memref_slice %arg6[%dma_wait3A_288, %dma_wait3A_300, %dma_wait3A_301] : memref<4x128x128xf32, #tpu.memory_space<vmem>> -> memref<1x128x128xf32, #tpu.memory_space<vmem>>
    %dma_wait3A_303 = tpu.memref_squeeze %dma_wait3A_302 : memref<1x128x128xf32, #tpu.memory_space<vmem>> -> memref<128x128xf32, #tpu.memory_space<vmem>>
    tpu.wait_dma2 semaphore(%dma_wait3A_297 : memref<!tpu.dma_semaphore, #tpu.memory_space<semaphore_mem>>) src(%dma_wait3A_303 : memref<128x128xf32, #tpu.memory_space<vmem>>) dst(%dma_wait3A_299 : memref<128x128xf32, #tpu.memory_space<hbm>>)
    %dma_start3A_304 = arith.constant 6 : i32
    %dma_start3A_305 = arith.constant 2 : i32
    %dma_start3A_306 = arith.constant 2 : i32
    %dma_start3A_307 = arith.constant 0 : i32
    %dma_start3A_308 = arith.constant 0 : i32
    %dma_start3A_309 = tpu.memref_slice %arg6[%dma_start3A_305, %dma_start3A_307, %dma_start3A_308] : memref<4x128x128xf32, #tpu.memory_space<vmem>> -> memref<1x128x128xf32, #tpu.memory_space<vmem>>
    %dma_start3A_310 = tpu.memref_squeeze %dma_start3A_309 : memref<1x128x128xf32, #tpu.memory_space<vmem>> -> memref<128x128xf32, #tpu.memory_space<vmem>>
    %dma_start3A_311 = arith.constant 0 : i32
    %dma_start3A_312 = tpu.memref_slice %arg5[%dma_start3A_304, %dma_start3A_311] : memref<26x128xi32, #tpu.memory_space<vmem>> -> memref<1x128xi32, #tpu.memory_space<vmem>>
    %dma_start3A_313 = tpu.memref_squeeze %dma_start3A_312 : memref<1x128xi32, #tpu.memory_space<vmem>> -> memref<128xi32, #tpu.memory_space<vmem>>
    %dma_start3A_314 = arith.constant 0 : i32
    %dma_start3A_315 = arith.constant 0 : i32
    %dma_start3A_316 = tpu.memref_slice %arg2[%dma_start3A_314, %dma_start3A_315] : memref<26000x128xf32, #tpu.memory_space<hbm>> -> memref<26000x128xf32, #tpu.memory_space<hbm>>
    %dma_start3A_317 = tpu.memref_slice %arg7[%dma_start3A_306] : memref<4x!tpu.dma_semaphore, #tpu.memory_space<semaphore_mem>> -> memref<1x!tpu.dma_semaphore, #tpu.memory_space<semaphore_mem>>
    %dma_start3A_318 = tpu.memref_squeeze %dma_start3A_317 : memref<1x!tpu.dma_semaphore, #tpu.memory_space<semaphore_mem>> -> memref<!tpu.dma_semaphore, #tpu.memory_space<semaphore_mem>>
    tpu.enqueue_indirect_dma source(%dma_start3A_316 : memref<26000x128xf32, #tpu.memory_space<hbm>>) target(%dma_start3A_310 : memref<128x128xf32, #tpu.memory_space<vmem>>) offsets(%dma_start3A_313 : memref<128xi32, #tpu.memory_space<vmem>>) semaphore(%dma_start3A_318 : memref<!tpu.dma_semaphore, #tpu.memory_space<semaphore_mem>>)
    %dma_wait3A_319 = arith.constant 5 : i32
    %dma_wait3A_320 = arith.constant 1 : i32
    %dma_wait3A_321 = arith.constant 1 : i32
    %dma_wait3A_322 = arith.constant 0 : i32
    %dma_wait3A_323 = arith.constant 0 : i32
    %dma_wait3A_324 = tpu.memref_slice %arg6[%dma_wait3A_320, %dma_wait3A_322, %dma_wait3A_323] : memref<4x128x128xf32, #tpu.memory_space<vmem>> -> memref<1x128x128xf32, #tpu.memory_space<vmem>>
    %dma_wait3A_325 = tpu.memref_squeeze %dma_wait3A_324 : memref<1x128x128xf32, #tpu.memory_space<vmem>> -> memref<128x128xf32, #tpu.memory_space<vmem>>
    %dma_wait3A_326 = arith.constant 0 : i32
    %dma_wait3A_327 = tpu.memref_slice %arg5[%dma_wait3A_319, %dma_wait3A_326] : memref<26x128xi32, #tpu.memory_space<vmem>> -> memref<1x128xi32, #tpu.memory_space<vmem>>
    %dma_wait3A_328 = tpu.memref_squeeze %dma_wait3A_327 : memref<1x128xi32, #tpu.memory_space<vmem>> -> memref<128xi32, #tpu.memory_space<vmem>>
    %dma_wait3A_329 = arith.constant 0 : i32
    %dma_wait3A_330 = arith.constant 0 : i32
    %dma_wait3A_331 = tpu.memref_slice %arg2[%dma_wait3A_329, %dma_wait3A_330] : memref<26000x128xf32, #tpu.memory_space<hbm>> -> memref<26000x128xf32, #tpu.memory_space<hbm>>
    %dma_wait3A_332 = tpu.memref_slice %arg7[%dma_wait3A_321] : memref<4x!tpu.dma_semaphore, #tpu.memory_space<semaphore_mem>> -> memref<1x!tpu.dma_semaphore, #tpu.memory_space<semaphore_mem>>
    %dma_wait3A_333 = tpu.memref_squeeze %dma_wait3A_332 : memref<1x!tpu.dma_semaphore, #tpu.memory_space<semaphore_mem>> -> memref<!tpu.dma_semaphore, #tpu.memory_space<semaphore_mem>>
    tpu.wait_indirect_dma semaphore(%dma_wait3A_333 : memref<!tpu.dma_semaphore, #tpu.memory_space<semaphore_mem>>) src(%dma_wait3A_331 : memref<26000x128xf32, #tpu.memory_space<hbm>>) dst(%dma_wait3A_325 : memref<128x128xf32, #tpu.memory_space<vmem>>)
    %add3A_334 = arith.constant 640 : i32
    %add3A_335 = arith.addi %mul3A_2, %add3A_334 : i32
    %dma_start3A_336 = arith.constant 1 : i32
    %dma_start3A_337 = arith.constant 1 : i32
    %dma_start3A_338 = arith.constant 0 : i32
    %dma_start3A_339 = arith.constant 0 : i32
    %dma_start3A_340 = tpu.memref_slice %arg6[%dma_start3A_336, %dma_start3A_338, %dma_start3A_339] : memref<4x128x128xf32, #tpu.memory_space<vmem>> -> memref<1x128x128xf32, #tpu.memory_space<vmem>>
    %dma_start3A_341 = tpu.memref_squeeze %dma_start3A_340 : memref<1x128x128xf32, #tpu.memory_space<vmem>> -> memref<128x128xf32, #tpu.memory_space<vmem>>
    %dma_start3A_342 = arith.constant 0 : i32
    %dma_start3A_343 = tpu.memref_slice %arg4[%add3A_335, %dma_start3A_342] : memref<106496x128xf32, #tpu.memory_space<hbm>> -> memref<128x128xf32, #tpu.memory_space<hbm>>
    %dma_start3A_344 = tpu.memref_slice %arg8[%dma_start3A_337] : memref<4x!tpu.dma_semaphore, #tpu.memory_space<semaphore_mem>> -> memref<1x!tpu.dma_semaphore, #tpu.memory_space<semaphore_mem>>
    %dma_start3A_345 = tpu.memref_squeeze %dma_start3A_344 : memref<1x!tpu.dma_semaphore, #tpu.memory_space<semaphore_mem>> -> memref<!tpu.dma_semaphore, #tpu.memory_space<semaphore_mem>>
    %dma_start3A_346 = arith.constant 0 : i32
    %dma_start3A_347 = tpu.memref_slice %arg4[%add3A_335, %dma_start3A_346] : memref<106496x128xf32, #tpu.memory_space<hbm>> -> memref<128x128xf32, #tpu.memory_space<hbm>>
    %dma_start3A_348 = arith.constant 0 : i32
    %dma_start3A_349 = arith.constant 0 : i32
    %dma_start3A_350 = tpu.memref_slice %arg6[%dma_start3A_336, %dma_start3A_348, %dma_start3A_349] : memref<4x128x128xf32, #tpu.memory_space<vmem>> -> memref<1x128x128xf32, #tpu.memory_space<vmem>>
    %dma_start3A_351 = tpu.memref_squeeze %dma_start3A_350 : memref<1x128x128xf32, #tpu.memory_space<vmem>> -> memref<128x128xf32, #tpu.memory_space<vmem>>
    tpu.enqueue_dma source(%dma_start3A_351 : memref<128x128xf32, #tpu.memory_space<vmem>>) target(%dma_start3A_347 : memref<128x128xf32, #tpu.memory_space<hbm>>) target_semaphore(%dma_start3A_345 : memref<!tpu.dma_semaphore, #tpu.memory_space<semaphore_mem>>)
    %dma_wait3A_352 = arith.constant 3 : i32
    %dma_wait3A_353 = arith.constant 3 : i32
    %dma_wait3A_354 = arith.constant 0 : i32
    %dma_wait3A_355 = arith.constant 0 : i32
    %dma_wait3A_356 = tpu.memref_slice %arg6[%dma_wait3A_352, %dma_wait3A_354, %dma_wait3A_355] : memref<4x128x128xf32, #tpu.memory_space<vmem>> -> memref<1x128x128xf32, #tpu.memory_space<vmem>>
    %dma_wait3A_357 = tpu.memref_squeeze %dma_wait3A_356 : memref<1x128x128xf32, #tpu.memory_space<vmem>> -> memref<128x128xf32, #tpu.memory_space<vmem>>
    %dma_wait3A_358 = arith.constant 0 : i32
    %dma_wait3A_359 = tpu.memref_slice %arg4[%add3A_207, %dma_wait3A_358] : memref<106496x128xf32, #tpu.memory_space<hbm>> -> memref<128x128xf32, #tpu.memory_space<hbm>>
    %dma_wait3A_360 = tpu.memref_slice %arg8[%dma_wait3A_353] : memref<4x!tpu.dma_semaphore, #tpu.memory_space<semaphore_mem>> -> memref<1x!tpu.dma_semaphore, #tpu.memory_space<semaphore_mem>>
    %dma_wait3A_361 = tpu.memref_squeeze %dma_wait3A_360 : memref<1x!tpu.dma_semaphore, #tpu.memory_space<semaphore_mem>> -> memref<!tpu.dma_semaphore, #tpu.memory_space<semaphore_mem>>
    %dma_wait3A_362 = arith.constant 0 : i32
    %dma_wait3A_363 = tpu.memref_slice %arg4[%add3A_207, %dma_wait3A_362] : memref<106496x128xf32, #tpu.memory_space<hbm>> -> memref<128x128xf32, #tpu.memory_space<hbm>>
    %dma_wait3A_364 = arith.constant 0 : i32
    %dma_wait3A_365 = arith.constant 0 : i32
    %dma_wait3A_366 = tpu.memref_slice %arg6[%dma_wait3A_352, %dma_wait3A_364, %dma_wait3A_365] : memref<4x128x128xf32, #tpu.memory_space<vmem>> -> memref<1x128x128xf32, #tpu.memory_space<vmem>>
    %dma_wait3A_367 = tpu.memref_squeeze %dma_wait3A_366 : memref<1x128x128xf32, #tpu.memory_space<vmem>> -> memref<128x128xf32, #tpu.memory_space<vmem>>
    tpu.wait_dma2 semaphore(%dma_wait3A_361 : memref<!tpu.dma_semaphore, #tpu.memory_space<semaphore_mem>>) src(%dma_wait3A_367 : memref<128x128xf32, #tpu.memory_space<vmem>>) dst(%dma_wait3A_363 : memref<128x128xf32, #tpu.memory_space<hbm>>)
    %dma_start3A_368 = arith.constant 7 : i32
    %dma_start3A_369 = arith.constant 3 : i32
    %dma_start3A_370 = arith.constant 3 : i32
    %dma_start3A_371 = arith.constant 0 : i32
    %dma_start3A_372 = arith.constant 0 : i32
    %dma_start3A_373 = tpu.memref_slice %arg6[%dma_start3A_369, %dma_start3A_371, %dma_start3A_372] : memref<4x128x128xf32, #tpu.memory_space<vmem>> -> memref<1x128x128xf32, #tpu.memory_space<vmem>>
    %dma_start3A_374 = tpu.memref_squeeze %dma_start3A_373 : memref<1x128x128xf32, #tpu.memory_space<vmem>> -> memref<128x128xf32, #tpu.memory_space<vmem>>
    %dma_start3A_375 = arith.constant 0 : i32
    %dma_start3A_376 = tpu.memref_slice %arg5[%dma_start3A_368, %dma_start3A_375] : memref<26x128xi32, #tpu.memory_space<vmem>> -> memref<1x128xi32, #tpu.memory_space<vmem>>
    %dma_start3A_377 = tpu.memref_squeeze %dma_start3A_376 : memref<1x128xi32, #tpu.memory_space<vmem>> -> memref<128xi32, #tpu.memory_space<vmem>>
    %dma_start3A_378 = arith.constant 0 : i32
    %dma_start3A_379 = arith.constant 0 : i32
    %dma_start3A_380 = tpu.memref_slice %arg2[%dma_start3A_378, %dma_start3A_379] : memref<26000x128xf32, #tpu.memory_space<hbm>> -> memref<26000x128xf32, #tpu.memory_space<hbm>>
    %dma_start3A_381 = tpu.memref_slice %arg7[%dma_start3A_370] : memref<4x!tpu.dma_semaphore, #tpu.memory_space<semaphore_mem>> -> memref<1x!tpu.dma_semaphore, #tpu.memory_space<semaphore_mem>>
    %dma_start3A_382 = tpu.memref_squeeze %dma_start3A_381 : memref<1x!tpu.dma_semaphore, #tpu.memory_space<semaphore_mem>> -> memref<!tpu.dma_semaphore, #tpu.memory_space<semaphore_mem>>
    tpu.enqueue_indirect_dma source(%dma_start3A_380 : memref<26000x128xf32, #tpu.memory_space<hbm>>) target(%dma_start3A_374 : memref<128x128xf32, #tpu.memory_space<vmem>>) offsets(%dma_start3A_377 : memref<128xi32, #tpu.memory_space<vmem>>) semaphore(%dma_start3A_382 : memref<!tpu.dma_semaphore, #tpu.memory_space<semaphore_mem>>)
    %dma_wait3A_383 = arith.constant 6 : i32
    %dma_wait3A_384 = arith.constant 2 : i32
    %dma_wait3A_385 = arith.constant 2 : i32
    %dma_wait3A_386 = arith.constant 0 : i32
    %dma_wait3A_387 = arith.constant 0 : i32
    %dma_wait3A_388 = tpu.memref_slice %arg6[%dma_wait3A_384, %dma_wait3A_386, %dma_wait3A_387] : memref<4x128x128xf32, #tpu.memory_space<vmem>> -> memref<1x128x128xf32, #tpu.memory_space<vmem>>
    %dma_wait3A_389 = tpu.memref_squeeze %dma_wait3A_388 : memref<1x128x128xf32, #tpu.memory_space<vmem>> -> memref<128x128xf32, #tpu.memory_space<vmem>>
    %dma_wait3A_390 = arith.constant 0 : i32
    %dma_wait3A_391 = tpu.memref_slice %arg5[%dma_wait3A_383, %dma_wait3A_390] : memref<26x128xi32, #tpu.memory_space<vmem>> -> memref<1x128xi32, #tpu.memory_space<vmem>>
    %dma_wait3A_392 = tpu.memref_squeeze %dma_wait3A_391 : memref<1x128xi32, #tpu.memory_space<vmem>> -> memref<128xi32, #tpu.memory_space<vmem>>
    %dma_wait3A_393 = arith.constant 0 : i32
    %dma_wait3A_394 = arith.constant 0 : i32
    %dma_wait3A_395 = tpu.memref_slice %arg2[%dma_wait3A_393, %dma_wait3A_394] : memref<26000x128xf32, #tpu.memory_space<hbm>> -> memref<26000x128xf32, #tpu.memory_space<hbm>>
    %dma_wait3A_396 = tpu.memref_slice %arg7[%dma_wait3A_385] : memref<4x!tpu.dma_semaphore, #tpu.memory_space<semaphore_mem>> -> memref<1x!tpu.dma_semaphore, #tpu.memory_space<semaphore_mem>>
    %dma_wait3A_397 = tpu.memref_squeeze %dma_wait3A_396 : memref<1x!tpu.dma_semaphore, #tpu.memory_space<semaphore_mem>> -> memref<!tpu.dma_semaphore, #tpu.memory_space<semaphore_mem>>
    tpu.wait_indirect_dma semaphore(%dma_wait3A_397 : memref<!tpu.dma_semaphore, #tpu.memory_space<semaphore_mem>>) src(%dma_wait3A_395 : memref<26000x128xf32, #tpu.memory_space<hbm>>) dst(%dma_wait3A_389 : memref<128x128xf32, #tpu.memory_space<vmem>>)
    %add3A_398 = arith.constant 768 : i32
    %add3A_399 = arith.addi %mul3A_2, %add3A_398 : i32
    %dma_start3A_400 = arith.constant 2 : i32
    %dma_start3A_401 = arith.constant 2 : i32
    %dma_start3A_402 = arith.constant 0 : i32
    %dma_start3A_403 = arith.constant 0 : i32
    %dma_start3A_404 = tpu.memref_slice %arg6[%dma_start3A_400, %dma_start3A_402, %dma_start3A_403] : memref<4x128x128xf32, #tpu.memory_space<vmem>> -> memref<1x128x128xf32, #tpu.memory_space<vmem>>
    %dma_start3A_405 = tpu.memref_squeeze %dma_start3A_404 : memref<1x128x128xf32, #tpu.memory_space<vmem>> -> memref<128x128xf32, #tpu.memory_space<vmem>>
    %dma_start3A_406 = arith.constant 0 : i32
    %dma_start3A_407 = tpu.memref_slice %arg4[%add3A_399, %dma_start3A_406] : memref<106496x128xf32, #tpu.memory_space<hbm>> -> memref<128x128xf32, #tpu.memory_space<hbm>>
    %dma_start3A_408 = tpu.memref_slice %arg8[%dma_start3A_401] : memref<4x!tpu.dma_semaphore, #tpu.memory_space<semaphore_mem>> -> memref<1x!tpu.dma_semaphore, #tpu.memory_space<semaphore_mem>>
    %dma_start3A_409 = tpu.memref_squeeze %dma_start3A_408 : memref<1x!tpu.dma_semaphore, #tpu.memory_space<semaphore_mem>> -> memref<!tpu.dma_semaphore, #tpu.memory_space<semaphore_mem>>
    %dma_start3A_410 = arith.constant 0 : i32
    %dma_start3A_411 = tpu.memref_slice %arg4[%add3A_399, %dma_start3A_410] : memref<106496x128xf32, #tpu.memory_space<hbm>> -> memref<128x128xf32, #tpu.memory_space<hbm>>
    %dma_start3A_412 = arith.constant 0 : i32
    %dma_start3A_413 = arith.constant 0 : i32
    %dma_start3A_414 = tpu.memref_slice %arg6[%dma_start3A_400, %dma_start3A_412, %dma_start3A_413] : memref<4x128x128xf32, #tpu.memory_space<vmem>> -> memref<1x128x128xf32, #tpu.memory_space<vmem>>
    %dma_start3A_415 = tpu.memref_squeeze %dma_start3A_414 : memref<1x128x128xf32, #tpu.memory_space<vmem>> -> memref<128x128xf32, #tpu.memory_space<vmem>>
    tpu.enqueue_dma source(%dma_start3A_415 : memref<128x128xf32, #tpu.memory_space<vmem>>) target(%dma_start3A_411 : memref<128x128xf32, #tpu.memory_space<hbm>>) target_semaphore(%dma_start3A_409 : memref<!tpu.dma_semaphore, #tpu.memory_space<semaphore_mem>>)
    %dma_wait3A_416 = arith.constant 0 : i32
    %dma_wait3A_417 = arith.constant 0 : i32
    %dma_wait3A_418 = arith.constant 0 : i32
    %dma_wait3A_419 = arith.constant 0 : i32
    %dma_wait3A_420 = tpu.memref_slice %arg6[%dma_wait3A_416, %dma_wait3A_418, %dma_wait3A_419] : memref<4x128x128xf32, #tpu.memory_space<vmem>> -> memref<1x128x128xf32, #tpu.memory_space<vmem>>
    %dma_wait3A_421 = tpu.memref_squeeze %dma_wait3A_420 : memref<1x128x128xf32, #tpu.memory_space<vmem>> -> memref<128x128xf32, #tpu.memory_space<vmem>>
    %dma_wait3A_422 = arith.constant 0 : i32
    %dma_wait3A_423 = tpu.memref_slice %arg4[%add3A_271, %dma_wait3A_422] : memref<106496x128xf32, #tpu.memory_space<hbm>> -> memref<128x128xf32, #tpu.memory_space<hbm>>
    %dma_wait3A_424 = tpu.memref_slice %arg8[%dma_wait3A_417] : memref<4x!tpu.dma_semaphore, #tpu.memory_space<semaphore_mem>> -> memref<1x!tpu.dma_semaphore, #tpu.memory_space<semaphore_mem>>
    %dma_wait3A_425 = tpu.memref_squeeze %dma_wait3A_424 : memref<1x!tpu.dma_semaphore, #tpu.memory_space<semaphore_mem>> -> memref<!tpu.dma_semaphore, #tpu.memory_space<semaphore_mem>>
    %dma_wait3A_426 = arith.constant 0 : i32
    %dma_wait3A_427 = tpu.memref_slice %arg4[%add3A_271, %dma_wait3A_426] : memref<106496x128xf32, #tpu.memory_space<hbm>> -> memref<128x128xf32, #tpu.memory_space<hbm>>
    %dma_wait3A_428 = arith.constant 0 : i32
    %dma_wait3A_429 = arith.constant 0 : i32
    %dma_wait3A_430 = tpu.memref_slice %arg6[%dma_wait3A_416, %dma_wait3A_428, %dma_wait3A_429] : memref<4x128x128xf32, #tpu.memory_space<vmem>> -> memref<1x128x128xf32, #tpu.memory_space<vmem>>
    %dma_wait3A_431 = tpu.memref_squeeze %dma_wait3A_430 : memref<1x128x128xf32, #tpu.memory_space<vmem>> -> memref<128x128xf32, #tpu.memory_space<vmem>>
    tpu.wait_dma2 semaphore(%dma_wait3A_425 : memref<!tpu.dma_semaphore, #tpu.memory_space<semaphore_mem>>) src(%dma_wait3A_431 : memref<128x128xf32, #tpu.memory_space<vmem>>) dst(%dma_wait3A_427 : memref<128x128xf32, #tpu.memory_space<hbm>>)
    %dma_start3A_432 = arith.constant 8 : i32
    %dma_start3A_433 = arith.constant 0 : i32
    %dma_start3A_434 = arith.constant 0 : i32
    %dma_start3A_435 = arith.constant 0 : i32
    %dma_start3A_436 = arith.constant 0 : i32
    %dma_start3A_437 = tpu.memref_slice %arg6[%dma_start3A_433, %dma_start3A_435, %dma_start3A_436] : memref<4x128x128xf32, #tpu.memory_space<vmem>> -> memref<1x128x128xf32, #tpu.memory_space<vmem>>
    %dma_start3A_438 = tpu.memref_squeeze %dma_start3A_437 : memref<1x128x128xf32, #tpu.memory_space<vmem>> -> memref<128x128xf32, #tpu.memory_space<vmem>>
    %dma_start3A_439 = arith.constant 0 : i32
    %dma_start3A_440 = tpu.memref_slice %arg5[%dma_start3A_432, %dma_start3A_439] : memref<26x128xi32, #tpu.memory_space<vmem>> -> memref<1x128xi32, #tpu.memory_space<vmem>>
    %dma_start3A_441 = tpu.memref_squeeze %dma_start3A_440 : memref<1x128xi32, #tpu.memory_space<vmem>> -> memref<128xi32, #tpu.memory_space<vmem>>
    %dma_start3A_442 = arith.constant 0 : i32
    %dma_start3A_443 = arith.constant 0 : i32
    %dma_start3A_444 = tpu.memref_slice %arg2[%dma_start3A_442, %dma_start3A_443] : memref<26000x128xf32, #tpu.memory_space<hbm>> -> memref<26000x128xf32, #tpu.memory_space<hbm>>
    %dma_start3A_445 = tpu.memref_slice %arg7[%dma_start3A_434] : memref<4x!tpu.dma_semaphore, #tpu.memory_space<semaphore_mem>> -> memref<1x!tpu.dma_semaphore, #tpu.memory_space<semaphore_mem>>
    %dma_start3A_446 = tpu.memref_squeeze %dma_start3A_445 : memref<1x!tpu.dma_semaphore, #tpu.memory_space<semaphore_mem>> -> memref<!tpu.dma_semaphore, #tpu.memory_space<semaphore_mem>>
    tpu.enqueue_indirect_dma source(%dma_start3A_444 : memref<26000x128xf32, #tpu.memory_space<hbm>>) target(%dma_start3A_438 : memref<128x128xf32, #tpu.memory_space<vmem>>) offsets(%dma_start3A_441 : memref<128xi32, #tpu.memory_space<vmem>>) semaphore(%dma_start3A_446 : memref<!tpu.dma_semaphore, #tpu.memory_space<semaphore_mem>>)
    %dma_wait3A_447 = arith.constant 7 : i32
    %dma_wait3A_448 = arith.constant 3 : i32
    %dma_wait3A_449 = arith.constant 3 : i32
    %dma_wait3A_450 = arith.constant 0 : i32
    %dma_wait3A_451 = arith.constant 0 : i32
    %dma_wait3A_452 = tpu.memref_slice %arg6[%dma_wait3A_448, %dma_wait3A_450, %dma_wait3A_451] : memref<4x128x128xf32, #tpu.memory_space<vmem>> -> memref<1x128x128xf32, #tpu.memory_space<vmem>>
    %dma_wait3A_453 = tpu.memref_squeeze %dma_wait3A_452 : memref<1x128x128xf32, #tpu.memory_space<vmem>> -> memref<128x128xf32, #tpu.memory_space<vmem>>
    %dma_wait3A_454 = arith.constant 0 : i32
    %dma_wait3A_455 = tpu.memref_slice %arg5[%dma_wait3A_447, %dma_wait3A_454] : memref<26x128xi32, #tpu.memory_space<vmem>> -> memref<1x128xi32, #tpu.memory_space<vmem>>
    %dma_wait3A_456 = tpu.memref_squeeze %dma_wait3A_455 : memref<1x128xi32, #tpu.memory_space<vmem>> -> memref<128xi32, #tpu.memory_space<vmem>>
    %dma_wait3A_457 = arith.constant 0 : i32
    %dma_wait3A_458 = arith.constant 0 : i32
    %dma_wait3A_459 = tpu.memref_slice %arg2[%dma_wait3A_457, %dma_wait3A_458] : memref<26000x128xf32, #tpu.memory_space<hbm>> -> memref<26000x128xf32, #tpu.memory_space<hbm>>
    %dma_wait3A_460 = tpu.memref_slice %arg7[%dma_wait3A_449] : memref<4x!tpu.dma_semaphore, #tpu.memory_space<semaphore_mem>> -> memref<1x!tpu.dma_semaphore, #tpu.memory_space<semaphore_mem>>
    %dma_wait3A_461 = tpu.memref_squeeze %dma_wait3A_460 : memref<1x!tpu.dma_semaphore, #tpu.memory_space<semaphore_mem>> -> memref<!tpu.dma_semaphore, #tpu.memory_space<semaphore_mem>>
    tpu.wait_indirect_dma semaphore(%dma_wait3A_461 : memref<!tpu.dma_semaphore, #tpu.memory_space<semaphore_mem>>) src(%dma_wait3A_459 : memref<26000x128xf32, #tpu.memory_space<hbm>>) dst(%dma_wait3A_453 : memref<128x128xf32, #tpu.memory_space<vmem>>)
    %add3A_462 = arith.constant 896 : i32
    %add3A_463 = arith.addi %mul3A_2, %add3A_462 : i32
    %dma_start3A_464 = arith.constant 3 : i32
    %dma_start3A_465 = arith.constant 3 : i32
    %dma_start3A_466 = arith.constant 0 : i32
    %dma_start3A_467 = arith.constant 0 : i32
    %dma_start3A_468 = tpu.memref_slice %arg6[%dma_start3A_464, %dma_start3A_466, %dma_start3A_467] : memref<4x128x128xf32, #tpu.memory_space<vmem>> -> memref<1x128x128xf32, #tpu.memory_space<vmem>>
    %dma_start3A_469 = tpu.memref_squeeze %dma_start3A_468 : memref<1x128x128xf32, #tpu.memory_space<vmem>> -> memref<128x128xf32, #tpu.memory_space<vmem>>
    %dma_start3A_470 = arith.constant 0 : i32
    %dma_start3A_471 = tpu.memref_slice %arg4[%add3A_463, %dma_start3A_470] : memref<106496x128xf32, #tpu.memory_space<hbm>> -> memref<128x128xf32, #tpu.memory_space<hbm>>
    %dma_start3A_472 = tpu.memref_slice %arg8[%dma_start3A_465] : memref<4x!tpu.dma_semaphore, #tpu.memory_space<semaphore_mem>> -> memref<1x!tpu.dma_semaphore, #tpu.memory_space<semaphore_mem>>
    %dma_start3A_473 = tpu.memref_squeeze %dma_start3A_472 : memref<1x!tpu.dma_semaphore, #tpu.memory_space<semaphore_mem>> -> memref<!tpu.dma_semaphore, #tpu.memory_space<semaphore_mem>>
    %dma_start3A_474 = arith.constant 0 : i32
    %dma_start3A_475 = tpu.memref_slice %arg4[%add3A_463, %dma_start3A_474] : memref<106496x128xf32, #tpu.memory_space<hbm>> -> memref<128x128xf32, #tpu.memory_space<hbm>>
    %dma_start3A_476 = arith.constant 0 : i32
    %dma_start3A_477 = arith.constant 0 : i32
    %dma_start3A_478 = tpu.memref_slice %arg6[%dma_start3A_464, %dma_start3A_476, %dma_start3A_477] : memref<4x128x128xf32, #tpu.memory_space<vmem>> -> memref<1x128x128xf32, #tpu.memory_space<vmem>>
    %dma_start3A_479 = tpu.memref_squeeze %dma_start3A_478 : memref<1x128x128xf32, #tpu.memory_space<vmem>> -> memref<128x128xf32, #tpu.memory_space<vmem>>
    tpu.enqueue_dma source(%dma_start3A_479 : memref<128x128xf32, #tpu.memory_space<vmem>>) target(%dma_start3A_475 : memref<128x128xf32, #tpu.memory_space<hbm>>) target_semaphore(%dma_start3A_473 : memref<!tpu.dma_semaphore, #tpu.memory_space<semaphore_mem>>)
    %dma_wait3A_480 = arith.constant 1 : i32
    %dma_wait3A_481 = arith.constant 1 : i32
    %dma_wait3A_482 = arith.constant 0 : i32
    %dma_wait3A_483 = arith.constant 0 : i32
    %dma_wait3A_484 = tpu.memref_slice %arg6[%dma_wait3A_480, %dma_wait3A_482, %dma_wait3A_483] : memref<4x128x128xf32, #tpu.memory_space<vmem>> -> memref<1x128x128xf32, #tpu.memory_space<vmem>>
    %dma_wait3A_485 = tpu.memref_squeeze %dma_wait3A_484 : memref<1x128x128xf32, #tpu.memory_space<vmem>> -> memref<128x128xf32, #tpu.memory_space<vmem>>
    %dma_wait3A_486 = arith.constant 0 : i32
    %dma_wait3A_487 = tpu.memref_slice %arg4[%add3A_335, %dma_wait3A_486] : memref<106496x128xf32, #tpu.memory_space<hbm>> -> memref<128x128xf32, #tpu.memory_space<hbm>>
    %dma_wait3A_488 = tpu.memref_slice %arg8[%dma_wait3A_481] : memref<4x!tpu.dma_semaphore, #tpu.memory_space<semaphore_mem>> -> memref<1x!tpu.dma_semaphore, #tpu.memory_space<semaphore_mem>>
    %dma_wait3A_489 = tpu.memref_squeeze %dma_wait3A_488 : memref<1x!tpu.dma_semaphore, #tpu.memory_space<semaphore_mem>> -> memref<!tpu.dma_semaphore, #tpu.memory_space<semaphore_mem>>
    %dma_wait3A_490 = arith.constant 0 : i32
    %dma_wait3A_491 = tpu.memref_slice %arg4[%add3A_335, %dma_wait3A_490] : memref<106496x128xf32, #tpu.memory_space<hbm>> -> memref<128x128xf32, #tpu.memory_space<hbm>>
    %dma_wait3A_492 = arith.constant 0 : i32
    %dma_wait3A_493 = arith.constant 0 : i32
    %dma_wait3A_494 = tpu.memref_slice %arg6[%dma_wait3A_480, %dma_wait3A_492, %dma_wait3A_493] : memref<4x128x128xf32, #tpu.memory_space<vmem>> -> memref<1x128x128xf32, #tpu.memory_space<vmem>>
    %dma_wait3A_495 = tpu.memref_squeeze %dma_wait3A_494 : memref<1x128x128xf32, #tpu.memory_space<vmem>> -> memref<128x128xf32, #tpu.memory_space<vmem>>
    tpu.wait_dma2 semaphore(%dma_wait3A_489 : memref<!tpu.dma_semaphore, #tpu.memory_space<semaphore_mem>>) src(%dma_wait3A_495 : memref<128x128xf32, #tpu.memory_space<vmem>>) dst(%dma_wait3A_491 : memref<128x128xf32, #tpu.memory_space<hbm>>)
    %dma_start3A_496 = arith.constant 9 : i32
    %dma_start3A_497 = arith.constant 1 : i32
    %dma_start3A_498 = arith.constant 1 : i32
    %dma_start3A_499 = arith.constant 0 : i32
    %dma_start3A_500 = arith.constant 0 : i32
    %dma_start3A_501 = tpu.memref_slice %arg6[%dma_start3A_497, %dma_start3A_499, %dma_start3A_500] : memref<4x128x128xf32, #tpu.memory_space<vmem>> -> memref<1x128x128xf32, #tpu.memory_space<vmem>>
    %dma_start3A_502 = tpu.memref_squeeze %dma_start3A_501 : memref<1x128x128xf32, #tpu.memory_space<vmem>> -> memref<128x128xf32, #tpu.memory_space<vmem>>
    %dma_start3A_503 = arith.constant 0 : i32
    %dma_start3A_504 = tpu.memref_slice %arg5[%dma_start3A_496, %dma_start3A_503] : memref<26x128xi32, #tpu.memory_space<vmem>> -> memref<1x128xi32, #tpu.memory_space<vmem>>
    %dma_start3A_505 = tpu.memref_squeeze %dma_start3A_504 : memref<1x128xi32, #tpu.memory_space<vmem>> -> memref<128xi32, #tpu.memory_space<vmem>>
    %dma_start3A_506 = arith.constant 0 : i32
    %dma_start3A_507 = arith.constant 0 : i32
    %dma_start3A_508 = tpu.memref_slice %arg2[%dma_start3A_506, %dma_start3A_507] : memref<26000x128xf32, #tpu.memory_space<hbm>> -> memref<26000x128xf32, #tpu.memory_space<hbm>>
    %dma_start3A_509 = tpu.memref_slice %arg7[%dma_start3A_498] : memref<4x!tpu.dma_semaphore, #tpu.memory_space<semaphore_mem>> -> memref<1x!tpu.dma_semaphore, #tpu.memory_space<semaphore_mem>>
    %dma_start3A_510 = tpu.memref_squeeze %dma_start3A_509 : memref<1x!tpu.dma_semaphore, #tpu.memory_space<semaphore_mem>> -> memref<!tpu.dma_semaphore, #tpu.memory_space<semaphore_mem>>
    tpu.enqueue_indirect_dma source(%dma_start3A_508 : memref<26000x128xf32, #tpu.memory_space<hbm>>) target(%dma_start3A_502 : memref<128x128xf32, #tpu.memory_space<vmem>>) offsets(%dma_start3A_505 : memref<128xi32, #tpu.memory_space<vmem>>) semaphore(%dma_start3A_510 : memref<!tpu.dma_semaphore, #tpu.memory_space<semaphore_mem>>)
    %dma_wait3A_511 = arith.constant 8 : i32
    %dma_wait3A_512 = arith.constant 0 : i32
    %dma_wait3A_513 = arith.constant 0 : i32
    %dma_wait3A_514 = arith.constant 0 : i32
    %dma_wait3A_515 = arith.constant 0 : i32
    %dma_wait3A_516 = tpu.memref_slice %arg6[%dma_wait3A_512, %dma_wait3A_514, %dma_wait3A_515] : memref<4x128x128xf32, #tpu.memory_space<vmem>> -> memref<1x128x128xf32, #tpu.memory_space<vmem>>
    %dma_wait3A_517 = tpu.memref_squeeze %dma_wait3A_516 : memref<1x128x128xf32, #tpu.memory_space<vmem>> -> memref<128x128xf32, #tpu.memory_space<vmem>>
    %dma_wait3A_518 = arith.constant 0 : i32
    %dma_wait3A_519 = tpu.memref_slice %arg5[%dma_wait3A_511, %dma_wait3A_518] : memref<26x128xi32, #tpu.memory_space<vmem>> -> memref<1x128xi32, #tpu.memory_space<vmem>>
    %dma_wait3A_520 = tpu.memref_squeeze %dma_wait3A_519 : memref<1x128xi32, #tpu.memory_space<vmem>> -> memref<128xi32, #tpu.memory_space<vmem>>
    %dma_wait3A_521 = arith.constant 0 : i32
    %dma_wait3A_522 = arith.constant 0 : i32
    %dma_wait3A_523 = tpu.memref_slice %arg2[%dma_wait3A_521, %dma_wait3A_522] : memref<26000x128xf32, #tpu.memory_space<hbm>> -> memref<26000x128xf32, #tpu.memory_space<hbm>>
    %dma_wait3A_524 = tpu.memref_slice %arg7[%dma_wait3A_513] : memref<4x!tpu.dma_semaphore, #tpu.memory_space<semaphore_mem>> -> memref<1x!tpu.dma_semaphore, #tpu.memory_space<semaphore_mem>>
    %dma_wait3A_525 = tpu.memref_squeeze %dma_wait3A_524 : memref<1x!tpu.dma_semaphore, #tpu.memory_space<semaphore_mem>> -> memref<!tpu.dma_semaphore, #tpu.memory_space<semaphore_mem>>
    tpu.wait_indirect_dma semaphore(%dma_wait3A_525 : memref<!tpu.dma_semaphore, #tpu.memory_space<semaphore_mem>>) src(%dma_wait3A_523 : memref<26000x128xf32, #tpu.memory_space<hbm>>) dst(%dma_wait3A_517 : memref<128x128xf32, #tpu.memory_space<vmem>>)
    %add3A_526 = arith.constant 1024 : i32
    %add3A_527 = arith.addi %mul3A_2, %add3A_526 : i32
    %dma_start3A_528 = arith.constant 0 : i32
    %dma_start3A_529 = arith.constant 0 : i32
    %dma_start3A_530 = arith.constant 0 : i32
    %dma_start3A_531 = arith.constant 0 : i32
    %dma_start3A_532 = tpu.memref_slice %arg6[%dma_start3A_528, %dma_start3A_530, %dma_start3A_531] : memref<4x128x128xf32, #tpu.memory_space<vmem>> -> memref<1x128x128xf32, #tpu.memory_space<vmem>>
    %dma_start3A_533 = tpu.memref_squeeze %dma_start3A_532 : memref<1x128x128xf32, #tpu.memory_space<vmem>> -> memref<128x128xf32, #tpu.memory_space<vmem>>
    %dma_start3A_534 = arith.constant 0 : i32
    %dma_start3A_535 = tpu.memref_slice %arg4[%add3A_527, %dma_start3A_534] : memref<106496x128xf32, #tpu.memory_space<hbm>> -> memref<128x128xf32, #tpu.memory_space<hbm>>
    %dma_start3A_536 = tpu.memref_slice %arg8[%dma_start3A_529] : memref<4x!tpu.dma_semaphore, #tpu.memory_space<semaphore_mem>> -> memref<1x!tpu.dma_semaphore, #tpu.memory_space<semaphore_mem>>
    %dma_start3A_537 = tpu.memref_squeeze %dma_start3A_536 : memref<1x!tpu.dma_semaphore, #tpu.memory_space<semaphore_mem>> -> memref<!tpu.dma_semaphore, #tpu.memory_space<semaphore_mem>>
    %dma_start3A_538 = arith.constant 0 : i32
    %dma_start3A_539 = tpu.memref_slice %arg4[%add3A_527, %dma_start3A_538] : memref<106496x128xf32, #tpu.memory_space<hbm>> -> memref<128x128xf32, #tpu.memory_space<hbm>>
    %dma_start3A_540 = arith.constant 0 : i32
    %dma_start3A_541 = arith.constant 0 : i32
    %dma_start3A_542 = tpu.memref_slice %arg6[%dma_start3A_528, %dma_start3A_540, %dma_start3A_541] : memref<4x128x128xf32, #tpu.memory_space<vmem>> -> memref<1x128x128xf32, #tpu.memory_space<vmem>>
    %dma_start3A_543 = tpu.memref_squeeze %dma_start3A_542 : memref<1x128x128xf32, #tpu.memory_space<vmem>> -> memref<128x128xf32, #tpu.memory_space<vmem>>
    tpu.enqueue_dma source(%dma_start3A_543 : memref<128x128xf32, #tpu.memory_space<vmem>>) target(%dma_start3A_539 : memref<128x128xf32, #tpu.memory_space<hbm>>) target_semaphore(%dma_start3A_537 : memref<!tpu.dma_semaphore, #tpu.memory_space<semaphore_mem>>)
    %dma_wait3A_544 = arith.constant 2 : i32
    %dma_wait3A_545 = arith.constant 2 : i32
    %dma_wait3A_546 = arith.constant 0 : i32
    %dma_wait3A_547 = arith.constant 0 : i32
    %dma_wait3A_548 = tpu.memref_slice %arg6[%dma_wait3A_544, %dma_wait3A_546, %dma_wait3A_547] : memref<4x128x128xf32, #tpu.memory_space<vmem>> -> memref<1x128x128xf32, #tpu.memory_space<vmem>>
    %dma_wait3A_549 = tpu.memref_squeeze %dma_wait3A_548 : memref<1x128x128xf32, #tpu.memory_space<vmem>> -> memref<128x128xf32, #tpu.memory_space<vmem>>
    %dma_wait3A_550 = arith.constant 0 : i32
    %dma_wait3A_551 = tpu.memref_slice %arg4[%add3A_399, %dma_wait3A_550] : memref<106496x128xf32, #tpu.memory_space<hbm>> -> memref<128x128xf32, #tpu.memory_space<hbm>>
    %dma_wait3A_552 = tpu.memref_slice %arg8[%dma_wait3A_545] : memref<4x!tpu.dma_semaphore, #tpu.memory_space<semaphore_mem>> -> memref<1x!tpu.dma_semaphore, #tpu.memory_space<semaphore_mem>>
    %dma_wait3A_553 = tpu.memref_squeeze %dma_wait3A_552 : memref<1x!tpu.dma_semaphore, #tpu.memory_space<semaphore_mem>> -> memref<!tpu.dma_semaphore, #tpu.memory_space<semaphore_mem>>
    %dma_wait3A_554 = arith.constant 0 : i32
    %dma_wait3A_555 = tpu.memref_slice %arg4[%add3A_399, %dma_wait3A_554] : memref<106496x128xf32, #tpu.memory_space<hbm>> -> memref<128x128xf32, #tpu.memory_space<hbm>>
    %dma_wait3A_556 = arith.constant 0 : i32
    %dma_wait3A_557 = arith.constant 0 : i32
    %dma_wait3A_558 = tpu.memref_slice %arg6[%dma_wait3A_544, %dma_wait3A_556, %dma_wait3A_557] : memref<4x128x128xf32, #tpu.memory_space<vmem>> -> memref<1x128x128xf32, #tpu.memory_space<vmem>>
    %dma_wait3A_559 = tpu.memref_squeeze %dma_wait3A_558 : memref<1x128x128xf32, #tpu.memory_space<vmem>> -> memref<128x128xf32, #tpu.memory_space<vmem>>
    tpu.wait_dma2 semaphore(%dma_wait3A_553 : memref<!tpu.dma_semaphore, #tpu.memory_space<semaphore_mem>>) src(%dma_wait3A_559 : memref<128x128xf32, #tpu.memory_space<vmem>>) dst(%dma_wait3A_555 : memref<128x128xf32, #tpu.memory_space<hbm>>)
    %dma_start3A_560 = arith.constant 10 : i32
    %dma_start3A_561 = arith.constant 2 : i32
    %dma_start3A_562 = arith.constant 2 : i32
    %dma_start3A_563 = arith.constant 0 : i32
    %dma_start3A_564 = arith.constant 0 : i32
    %dma_start3A_565 = tpu.memref_slice %arg6[%dma_start3A_561, %dma_start3A_563, %dma_start3A_564] : memref<4x128x128xf32, #tpu.memory_space<vmem>> -> memref<1x128x128xf32, #tpu.memory_space<vmem>>
    %dma_start3A_566 = tpu.memref_squeeze %dma_start3A_565 : memref<1x128x128xf32, #tpu.memory_space<vmem>> -> memref<128x128xf32, #tpu.memory_space<vmem>>
    %dma_start3A_567 = arith.constant 0 : i32
    %dma_start3A_568 = tpu.memref_slice %arg5[%dma_start3A_560, %dma_start3A_567] : memref<26x128xi32, #tpu.memory_space<vmem>> -> memref<1x128xi32, #tpu.memory_space<vmem>>
    %dma_start3A_569 = tpu.memref_squeeze %dma_start3A_568 : memref<1x128xi32, #tpu.memory_space<vmem>> -> memref<128xi32, #tpu.memory_space<vmem>>
    %dma_start3A_570 = arith.constant 0 : i32
    %dma_start3A_571 = arith.constant 0 : i32
    %dma_start3A_572 = tpu.memref_slice %arg2[%dma_start3A_570, %dma_start3A_571] : memref<26000x128xf32, #tpu.memory_space<hbm>> -> memref<26000x128xf32, #tpu.memory_space<hbm>>
    %dma_start3A_573 = tpu.memref_slice %arg7[%dma_start3A_562] : memref<4x!tpu.dma_semaphore, #tpu.memory_space<semaphore_mem>> -> memref<1x!tpu.dma_semaphore, #tpu.memory_space<semaphore_mem>>
    %dma_start3A_574 = tpu.memref_squeeze %dma_start3A_573 : memref<1x!tpu.dma_semaphore, #tpu.memory_space<semaphore_mem>> -> memref<!tpu.dma_semaphore, #tpu.memory_space<semaphore_mem>>
    tpu.enqueue_indirect_dma source(%dma_start3A_572 : memref<26000x128xf32, #tpu.memory_space<hbm>>) target(%dma_start3A_566 : memref<128x128xf32, #tpu.memory_space<vmem>>) offsets(%dma_start3A_569 : memref<128xi32, #tpu.memory_space<vmem>>) semaphore(%dma_start3A_574 : memref<!tpu.dma_semaphore, #tpu.memory_space<semaphore_mem>>)
    %dma_wait3A_575 = arith.constant 9 : i32
    %dma_wait3A_576 = arith.constant 1 : i32
    %dma_wait3A_577 = arith.constant 1 : i32
    %dma_wait3A_578 = arith.constant 0 : i32
    %dma_wait3A_579 = arith.constant 0 : i32
    %dma_wait3A_580 = tpu.memref_slice %arg6[%dma_wait3A_576, %dma_wait3A_578, %dma_wait3A_579] : memref<4x128x128xf32, #tpu.memory_space<vmem>> -> memref<1x128x128xf32, #tpu.memory_space<vmem>>
    %dma_wait3A_581 = tpu.memref_squeeze %dma_wait3A_580 : memref<1x128x128xf32, #tpu.memory_space<vmem>> -> memref<128x128xf32, #tpu.memory_space<vmem>>
    %dma_wait3A_582 = arith.constant 0 : i32
    %dma_wait3A_583 = tpu.memref_slice %arg5[%dma_wait3A_575, %dma_wait3A_582] : memref<26x128xi32, #tpu.memory_space<vmem>> -> memref<1x128xi32, #tpu.memory_space<vmem>>
    %dma_wait3A_584 = tpu.memref_squeeze %dma_wait3A_583 : memref<1x128xi32, #tpu.memory_space<vmem>> -> memref<128xi32, #tpu.memory_space<vmem>>
    %dma_wait3A_585 = arith.constant 0 : i32
    %dma_wait3A_586 = arith.constant 0 : i32
    %dma_wait3A_587 = tpu.memref_slice %arg2[%dma_wait3A_585, %dma_wait3A_586] : memref<26000x128xf32, #tpu.memory_space<hbm>> -> memref<26000x128xf32, #tpu.memory_space<hbm>>
    %dma_wait3A_588 = tpu.memref_slice %arg7[%dma_wait3A_577] : memref<4x!tpu.dma_semaphore, #tpu.memory_space<semaphore_mem>> -> memref<1x!tpu.dma_semaphore, #tpu.memory_space<semaphore_mem>>
    %dma_wait3A_589 = tpu.memref_squeeze %dma_wait3A_588 : memref<1x!tpu.dma_semaphore, #tpu.memory_space<semaphore_mem>> -> memref<!tpu.dma_semaphore, #tpu.memory_space<semaphore_mem>>
    tpu.wait_indirect_dma semaphore(%dma_wait3A_589 : memref<!tpu.dma_semaphore, #tpu.memory_space<semaphore_mem>>) src(%dma_wait3A_587 : memref<26000x128xf32, #tpu.memory_space<hbm>>) dst(%dma_wait3A_581 : memref<128x128xf32, #tpu.memory_space<vmem>>)
    %add3A_590 = arith.constant 1152 : i32
    %add3A_591 = arith.addi %mul3A_2, %add3A_590 : i32
    %dma_start3A_592 = arith.constant 1 : i32
    %dma_start3A_593 = arith.constant 1 : i32
    %dma_start3A_594 = arith.constant 0 : i32
    %dma_start3A_595 = arith.constant 0 : i32
    %dma_start3A_596 = tpu.memref_slice %arg6[%dma_start3A_592, %dma_start3A_594, %dma_start3A_595] : memref<4x128x128xf32, #tpu.memory_space<vmem>> -> memref<1x128x128xf32, #tpu.memory_space<vmem>>
    %dma_start3A_597 = tpu.memref_squeeze %dma_start3A_596 : memref<1x128x128xf32, #tpu.memory_space<vmem>> -> memref<128x128xf32, #tpu.memory_space<vmem>>
    %dma_start3A_598 = arith.constant 0 : i32
    %dma_start3A_599 = tpu.memref_slice %arg4[%add3A_591, %dma_start3A_598] : memref<106496x128xf32, #tpu.memory_space<hbm>> -> memref<128x128xf32, #tpu.memory_space<hbm>>
    %dma_start3A_600 = tpu.memref_slice %arg8[%dma_start3A_593] : memref<4x!tpu.dma_semaphore, #tpu.memory_space<semaphore_mem>> -> memref<1x!tpu.dma_semaphore, #tpu.memory_space<semaphore_mem>>
    %dma_start3A_601 = tpu.memref_squeeze %dma_start3A_600 : memref<1x!tpu.dma_semaphore, #tpu.memory_space<semaphore_mem>> -> memref<!tpu.dma_semaphore, #tpu.memory_space<semaphore_mem>>
    %dma_start3A_602 = arith.constant 0 : i32
    %dma_start3A_603 = tpu.memref_slice %arg4[%add3A_591, %dma_start3A_602] : memref<106496x128xf32, #tpu.memory_space<hbm>> -> memref<128x128xf32, #tpu.memory_space<hbm>>
    %dma_start3A_604 = arith.constant 0 : i32
    %dma_start3A_605 = arith.constant 0 : i32
    %dma_start3A_606 = tpu.memref_slice %arg6[%dma_start3A_592, %dma_start3A_604, %dma_start3A_605] : memref<4x128x128xf32, #tpu.memory_space<vmem>> -> memref<1x128x128xf32, #tpu.memory_space<vmem>>
    %dma_start3A_607 = tpu.memref_squeeze %dma_start3A_606 : memref<1x128x128xf32, #tpu.memory_space<vmem>> -> memref<128x128xf32, #tpu.memory_space<vmem>>
    tpu.enqueue_dma source(%dma_start3A_607 : memref<128x128xf32, #tpu.memory_space<vmem>>) target(%dma_start3A_603 : memref<128x128xf32, #tpu.memory_space<hbm>>) target_semaphore(%dma_start3A_601 : memref<!tpu.dma_semaphore, #tpu.memory_space<semaphore_mem>>)
    %dma_wait3A_608 = arith.constant 3 : i32
    %dma_wait3A_609 = arith.constant 3 : i32
    %dma_wait3A_610 = arith.constant 0 : i32
    %dma_wait3A_611 = arith.constant 0 : i32
    %dma_wait3A_612 = tpu.memref_slice %arg6[%dma_wait3A_608, %dma_wait3A_610, %dma_wait3A_611] : memref<4x128x128xf32, #tpu.memory_space<vmem>> -> memref<1x128x128xf32, #tpu.memory_space<vmem>>
    %dma_wait3A_613 = tpu.memref_squeeze %dma_wait3A_612 : memref<1x128x128xf32, #tpu.memory_space<vmem>> -> memref<128x128xf32, #tpu.memory_space<vmem>>
    %dma_wait3A_614 = arith.constant 0 : i32
    %dma_wait3A_615 = tpu.memref_slice %arg4[%add3A_463, %dma_wait3A_614] : memref<106496x128xf32, #tpu.memory_space<hbm>> -> memref<128x128xf32, #tpu.memory_space<hbm>>
    %dma_wait3A_616 = tpu.memref_slice %arg8[%dma_wait3A_609] : memref<4x!tpu.dma_semaphore, #tpu.memory_space<semaphore_mem>> -> memref<1x!tpu.dma_semaphore, #tpu.memory_space<semaphore_mem>>
    %dma_wait3A_617 = tpu.memref_squeeze %dma_wait3A_616 : memref<1x!tpu.dma_semaphore, #tpu.memory_space<semaphore_mem>> -> memref<!tpu.dma_semaphore, #tpu.memory_space<semaphore_mem>>
    %dma_wait3A_618 = arith.constant 0 : i32
    %dma_wait3A_619 = tpu.memref_slice %arg4[%add3A_463, %dma_wait3A_618] : memref<106496x128xf32, #tpu.memory_space<hbm>> -> memref<128x128xf32, #tpu.memory_space<hbm>>
    %dma_wait3A_620 = arith.constant 0 : i32
    %dma_wait3A_621 = arith.constant 0 : i32
    %dma_wait3A_622 = tpu.memref_slice %arg6[%dma_wait3A_608, %dma_wait3A_620, %dma_wait3A_621] : memref<4x128x128xf32, #tpu.memory_space<vmem>> -> memref<1x128x128xf32, #tpu.memory_space<vmem>>
    %dma_wait3A_623 = tpu.memref_squeeze %dma_wait3A_622 : memref<1x128x128xf32, #tpu.memory_space<vmem>> -> memref<128x128xf32, #tpu.memory_space<vmem>>
    tpu.wait_dma2 semaphore(%dma_wait3A_617 : memref<!tpu.dma_semaphore, #tpu.memory_space<semaphore_mem>>) src(%dma_wait3A_623 : memref<128x128xf32, #tpu.memory_space<vmem>>) dst(%dma_wait3A_619 : memref<128x128xf32, #tpu.memory_space<hbm>>)
    %dma_start3A_624 = arith.constant 11 : i32
    %dma_start3A_625 = arith.constant 3 : i32
    %dma_start3A_626 = arith.constant 3 : i32
    %dma_start3A_627 = arith.constant 0 : i32
    %dma_start3A_628 = arith.constant 0 : i32
    %dma_start3A_629 = tpu.memref_slice %arg6[%dma_start3A_625, %dma_start3A_627, %dma_start3A_628] : memref<4x128x128xf32, #tpu.memory_space<vmem>> -> memref<1x128x128xf32, #tpu.memory_space<vmem>>
    %dma_start3A_630 = tpu.memref_squeeze %dma_start3A_629 : memref<1x128x128xf32, #tpu.memory_space<vmem>> -> memref<128x128xf32, #tpu.memory_space<vmem>>
    %dma_start3A_631 = arith.constant 0 : i32
    %dma_start3A_632 = tpu.memref_slice %arg5[%dma_start3A_624, %dma_start3A_631] : memref<26x128xi32, #tpu.memory_space<vmem>> -> memref<1x128xi32, #tpu.memory_space<vmem>>
    %dma_start3A_633 = tpu.memref_squeeze %dma_start3A_632 : memref<1x128xi32, #tpu.memory_space<vmem>> -> memref<128xi32, #tpu.memory_space<vmem>>
    %dma_start3A_634 = arith.constant 0 : i32
    %dma_start3A_635 = arith.constant 0 : i32
    %dma_start3A_636 = tpu.memref_slice %arg2[%dma_start3A_634, %dma_start3A_635] : memref<26000x128xf32, #tpu.memory_space<hbm>> -> memref<26000x128xf32, #tpu.memory_space<hbm>>
    %dma_start3A_637 = tpu.memref_slice %arg7[%dma_start3A_626] : memref<4x!tpu.dma_semaphore, #tpu.memory_space<semaphore_mem>> -> memref<1x!tpu.dma_semaphore, #tpu.memory_space<semaphore_mem>>
    %dma_start3A_638 = tpu.memref_squeeze %dma_start3A_637 : memref<1x!tpu.dma_semaphore, #tpu.memory_space<semaphore_mem>> -> memref<!tpu.dma_semaphore, #tpu.memory_space<semaphore_mem>>
    tpu.enqueue_indirect_dma source(%dma_start3A_636 : memref<26000x128xf32, #tpu.memory_space<hbm>>) target(%dma_start3A_630 : memref<128x128xf32, #tpu.memory_space<vmem>>) offsets(%dma_start3A_633 : memref<128xi32, #tpu.memory_space<vmem>>) semaphore(%dma_start3A_638 : memref<!tpu.dma_semaphore, #tpu.memory_space<semaphore_mem>>)
    %dma_wait3A_639 = arith.constant 10 : i32
    %dma_wait3A_640 = arith.constant 2 : i32
    %dma_wait3A_641 = arith.constant 2 : i32
    %dma_wait3A_642 = arith.constant 0 : i32
    %dma_wait3A_643 = arith.constant 0 : i32
    %dma_wait3A_644 = tpu.memref_slice %arg6[%dma_wait3A_640, %dma_wait3A_642, %dma_wait3A_643] : memref<4x128x128xf32, #tpu.memory_space<vmem>> -> memref<1x128x128xf32, #tpu.memory_space<vmem>>
    %dma_wait3A_645 = tpu.memref_squeeze %dma_wait3A_644 : memref<1x128x128xf32, #tpu.memory_space<vmem>> -> memref<128x128xf32, #tpu.memory_space<vmem>>
    %dma_wait3A_646 = arith.constant 0 : i32
    %dma_wait3A_647 = tpu.memref_slice %arg5[%dma_wait3A_639, %dma_wait3A_646] : memref<26x128xi32, #tpu.memory_space<vmem>> -> memref<1x128xi32, #tpu.memory_space<vmem>>
    %dma_wait3A_648 = tpu.memref_squeeze %dma_wait3A_647 : memref<1x128xi32, #tpu.memory_space<vmem>> -> memref<128xi32, #tpu.memory_space<vmem>>
    %dma_wait3A_649 = arith.constant 0 : i32
    %dma_wait3A_650 = arith.constant 0 : i32
    %dma_wait3A_651 = tpu.memref_slice %arg2[%dma_wait3A_649, %dma_wait3A_650] : memref<26000x128xf32, #tpu.memory_space<hbm>> -> memref<26000x128xf32, #tpu.memory_space<hbm>>
    %dma_wait3A_652 = tpu.memref_slice %arg7[%dma_wait3A_641] : memref<4x!tpu.dma_semaphore, #tpu.memory_space<semaphore_mem>> -> memref<1x!tpu.dma_semaphore, #tpu.memory_space<semaphore_mem>>
    %dma_wait3A_653 = tpu.memref_squeeze %dma_wait3A_652 : memref<1x!tpu.dma_semaphore, #tpu.memory_space<semaphore_mem>> -> memref<!tpu.dma_semaphore, #tpu.memory_space<semaphore_mem>>
    tpu.wait_indirect_dma semaphore(%dma_wait3A_653 : memref<!tpu.dma_semaphore, #tpu.memory_space<semaphore_mem>>) src(%dma_wait3A_651 : memref<26000x128xf32, #tpu.memory_space<hbm>>) dst(%dma_wait3A_645 : memref<128x128xf32, #tpu.memory_space<vmem>>)
    %add3A_654 = arith.constant 1280 : i32
    %add3A_655 = arith.addi %mul3A_2, %add3A_654 : i32
    %dma_start3A_656 = arith.constant 2 : i32
    %dma_start3A_657 = arith.constant 2 : i32
    %dma_start3A_658 = arith.constant 0 : i32
    %dma_start3A_659 = arith.constant 0 : i32
    %dma_start3A_660 = tpu.memref_slice %arg6[%dma_start3A_656, %dma_start3A_658, %dma_start3A_659] : memref<4x128x128xf32, #tpu.memory_space<vmem>> -> memref<1x128x128xf32, #tpu.memory_space<vmem>>
    %dma_start3A_661 = tpu.memref_squeeze %dma_start3A_660 : memref<1x128x128xf32, #tpu.memory_space<vmem>> -> memref<128x128xf32, #tpu.memory_space<vmem>>
    %dma_start3A_662 = arith.constant 0 : i32
    %dma_start3A_663 = tpu.memref_slice %arg4[%add3A_655, %dma_start3A_662] : memref<106496x128xf32, #tpu.memory_space<hbm>> -> memref<128x128xf32, #tpu.memory_space<hbm>>
    %dma_start3A_664 = tpu.memref_slice %arg8[%dma_start3A_657] : memref<4x!tpu.dma_semaphore, #tpu.memory_space<semaphore_mem>> -> memref<1x!tpu.dma_semaphore, #tpu.memory_space<semaphore_mem>>
    %dma_start3A_665 = tpu.memref_squeeze %dma_start3A_664 : memref<1x!tpu.dma_semaphore, #tpu.memory_space<semaphore_mem>> -> memref<!tpu.dma_semaphore, #tpu.memory_space<semaphore_mem>>
    %dma_start3A_666 = arith.constant 0 : i32
    %dma_start3A_667 = tpu.memref_slice %arg4[%add3A_655, %dma_start3A_666] : memref<106496x128xf32, #tpu.memory_space<hbm>> -> memref<128x128xf32, #tpu.memory_space<hbm>>
    %dma_start3A_668 = arith.constant 0 : i32
    %dma_start3A_669 = arith.constant 0 : i32
    %dma_start3A_670 = tpu.memref_slice %arg6[%dma_start3A_656, %dma_start3A_668, %dma_start3A_669] : memref<4x128x128xf32, #tpu.memory_space<vmem>> -> memref<1x128x128xf32, #tpu.memory_space<vmem>>
    %dma_start3A_671 = tpu.memref_squeeze %dma_start3A_670 : memref<1x128x128xf32, #tpu.memory_space<vmem>> -> memref<128x128xf32, #tpu.memory_space<vmem>>
    tpu.enqueue_dma source(%dma_start3A_671 : memref<128x128xf32, #tpu.memory_space<vmem>>) target(%dma_start3A_667 : memref<128x128xf32, #tpu.memory_space<hbm>>) target_semaphore(%dma_start3A_665 : memref<!tpu.dma_semaphore, #tpu.memory_space<semaphore_mem>>)
    %dma_wait3A_672 = arith.constant 0 : i32
    %dma_wait3A_673 = arith.constant 0 : i32
    %dma_wait3A_674 = arith.constant 0 : i32
    %dma_wait3A_675 = arith.constant 0 : i32
    %dma_wait3A_676 = tpu.memref_slice %arg6[%dma_wait3A_672, %dma_wait3A_674, %dma_wait3A_675] : memref<4x128x128xf32, #tpu.memory_space<vmem>> -> memref<1x128x128xf32, #tpu.memory_space<vmem>>
    %dma_wait3A_677 = tpu.memref_squeeze %dma_wait3A_676 : memref<1x128x128xf32, #tpu.memory_space<vmem>> -> memref<128x128xf32, #tpu.memory_space<vmem>>
    %dma_wait3A_678 = arith.constant 0 : i32
    %dma_wait3A_679 = tpu.memref_slice %arg4[%add3A_527, %dma_wait3A_678] : memref<106496x128xf32, #tpu.memory_space<hbm>> -> memref<128x128xf32, #tpu.memory_space<hbm>>
    %dma_wait3A_680 = tpu.memref_slice %arg8[%dma_wait3A_673] : memref<4x!tpu.dma_semaphore, #tpu.memory_space<semaphore_mem>> -> memref<1x!tpu.dma_semaphore, #tpu.memory_space<semaphore_mem>>
    %dma_wait3A_681 = tpu.memref_squeeze %dma_wait3A_680 : memref<1x!tpu.dma_semaphore, #tpu.memory_space<semaphore_mem>> -> memref<!tpu.dma_semaphore, #tpu.memory_space<semaphore_mem>>
    %dma_wait3A_682 = arith.constant 0 : i32
    %dma_wait3A_683 = tpu.memref_slice %arg4[%add3A_527, %dma_wait3A_682] : memref<106496x128xf32, #tpu.memory_space<hbm>> -> memref<128x128xf32, #tpu.memory_space<hbm>>
    %dma_wait3A_684 = arith.constant 0 : i32
    %dma_wait3A_685 = arith.constant 0 : i32
    %dma_wait3A_686 = tpu.memref_slice %arg6[%dma_wait3A_672, %dma_wait3A_684, %dma_wait3A_685] : memref<4x128x128xf32, #tpu.memory_space<vmem>> -> memref<1x128x128xf32, #tpu.memory_space<vmem>>
    %dma_wait3A_687 = tpu.memref_squeeze %dma_wait3A_686 : memref<1x128x128xf32, #tpu.memory_space<vmem>> -> memref<128x128xf32, #tpu.memory_space<vmem>>
    tpu.wait_dma2 semaphore(%dma_wait3A_681 : memref<!tpu.dma_semaphore, #tpu.memory_space<semaphore_mem>>) src(%dma_wait3A_687 : memref<128x128xf32, #tpu.memory_space<vmem>>) dst(%dma_wait3A_683 : memref<128x128xf32, #tpu.memory_space<hbm>>)
    %dma_start3A_688 = arith.constant 12 : i32
    %dma_start3A_689 = arith.constant 0 : i32
    %dma_start3A_690 = arith.constant 0 : i32
    %dma_start3A_691 = arith.constant 0 : i32
    %dma_start3A_692 = arith.constant 0 : i32
    %dma_start3A_693 = tpu.memref_slice %arg6[%dma_start3A_689, %dma_start3A_691, %dma_start3A_692] : memref<4x128x128xf32, #tpu.memory_space<vmem>> -> memref<1x128x128xf32, #tpu.memory_space<vmem>>
    %dma_start3A_694 = tpu.memref_squeeze %dma_start3A_693 : memref<1x128x128xf32, #tpu.memory_space<vmem>> -> memref<128x128xf32, #tpu.memory_space<vmem>>
    %dma_start3A_695 = arith.constant 0 : i32
    %dma_start3A_696 = tpu.memref_slice %arg5[%dma_start3A_688, %dma_start3A_695] : memref<26x128xi32, #tpu.memory_space<vmem>> -> memref<1x128xi32, #tpu.memory_space<vmem>>
    %dma_start3A_697 = tpu.memref_squeeze %dma_start3A_696 : memref<1x128xi32, #tpu.memory_space<vmem>> -> memref<128xi32, #tpu.memory_space<vmem>>
    %dma_start3A_698 = arith.constant 0 : i32
    %dma_start3A_699 = arith.constant 0 : i32
    %dma_start3A_700 = tpu.memref_slice %arg2[%dma_start3A_698, %dma_start3A_699] : memref<26000x128xf32, #tpu.memory_space<hbm>> -> memref<26000x128xf32, #tpu.memory_space<hbm>>
    %dma_start3A_701 = tpu.memref_slice %arg7[%dma_start3A_690] : memref<4x!tpu.dma_semaphore, #tpu.memory_space<semaphore_mem>> -> memref<1x!tpu.dma_semaphore, #tpu.memory_space<semaphore_mem>>
    %dma_start3A_702 = tpu.memref_squeeze %dma_start3A_701 : memref<1x!tpu.dma_semaphore, #tpu.memory_space<semaphore_mem>> -> memref<!tpu.dma_semaphore, #tpu.memory_space<semaphore_mem>>
    tpu.enqueue_indirect_dma source(%dma_start3A_700 : memref<26000x128xf32, #tpu.memory_space<hbm>>) target(%dma_start3A_694 : memref<128x128xf32, #tpu.memory_space<vmem>>) offsets(%dma_start3A_697 : memref<128xi32, #tpu.memory_space<vmem>>) semaphore(%dma_start3A_702 : memref<!tpu.dma_semaphore, #tpu.memory_space<semaphore_mem>>)
    %dma_wait3A_703 = arith.constant 11 : i32
    %dma_wait3A_704 = arith.constant 3 : i32
    %dma_wait3A_705 = arith.constant 3 : i32
    %dma_wait3A_706 = arith.constant 0 : i32
    %dma_wait3A_707 = arith.constant 0 : i32
    %dma_wait3A_708 = tpu.memref_slice %arg6[%dma_wait3A_704, %dma_wait3A_706, %dma_wait3A_707] : memref<4x128x128xf32, #tpu.memory_space<vmem>> -> memref<1x128x128xf32, #tpu.memory_space<vmem>>
    %dma_wait3A_709 = tpu.memref_squeeze %dma_wait3A_708 : memref<1x128x128xf32, #tpu.memory_space<vmem>> -> memref<128x128xf32, #tpu.memory_space<vmem>>
    %dma_wait3A_710 = arith.constant 0 : i32
    %dma_wait3A_711 = tpu.memref_slice %arg5[%dma_wait3A_703, %dma_wait3A_710] : memref<26x128xi32, #tpu.memory_space<vmem>> -> memref<1x128xi32, #tpu.memory_space<vmem>>
    %dma_wait3A_712 = tpu.memref_squeeze %dma_wait3A_711 : memref<1x128xi32, #tpu.memory_space<vmem>> -> memref<128xi32, #tpu.memory_space<vmem>>
    %dma_wait3A_713 = arith.constant 0 : i32
    %dma_wait3A_714 = arith.constant 0 : i32
    %dma_wait3A_715 = tpu.memref_slice %arg2[%dma_wait3A_713, %dma_wait3A_714] : memref<26000x128xf32, #tpu.memory_space<hbm>> -> memref<26000x128xf32, #tpu.memory_space<hbm>>
    %dma_wait3A_716 = tpu.memref_slice %arg7[%dma_wait3A_705] : memref<4x!tpu.dma_semaphore, #tpu.memory_space<semaphore_mem>> -> memref<1x!tpu.dma_semaphore, #tpu.memory_space<semaphore_mem>>
    %dma_wait3A_717 = tpu.memref_squeeze %dma_wait3A_716 : memref<1x!tpu.dma_semaphore, #tpu.memory_space<semaphore_mem>> -> memref<!tpu.dma_semaphore, #tpu.memory_space<semaphore_mem>>
    tpu.wait_indirect_dma semaphore(%dma_wait3A_717 : memref<!tpu.dma_semaphore, #tpu.memory_space<semaphore_mem>>) src(%dma_wait3A_715 : memref<26000x128xf32, #tpu.memory_space<hbm>>) dst(%dma_wait3A_709 : memref<128x128xf32, #tpu.memory_space<vmem>>)
    %add3A_718 = arith.constant 1408 : i32
    %add3A_719 = arith.addi %mul3A_2, %add3A_718 : i32
    %dma_start3A_720 = arith.constant 3 : i32
    %dma_start3A_721 = arith.constant 3 : i32
    %dma_start3A_722 = arith.constant 0 : i32
    %dma_start3A_723 = arith.constant 0 : i32
    %dma_start3A_724 = tpu.memref_slice %arg6[%dma_start3A_720, %dma_start3A_722, %dma_start3A_723] : memref<4x128x128xf32, #tpu.memory_space<vmem>> -> memref<1x128x128xf32, #tpu.memory_space<vmem>>
    %dma_start3A_725 = tpu.memref_squeeze %dma_start3A_724 : memref<1x128x128xf32, #tpu.memory_space<vmem>> -> memref<128x128xf32, #tpu.memory_space<vmem>>
    %dma_start3A_726 = arith.constant 0 : i32
    %dma_start3A_727 = tpu.memref_slice %arg4[%add3A_719, %dma_start3A_726] : memref<106496x128xf32, #tpu.memory_space<hbm>> -> memref<128x128xf32, #tpu.memory_space<hbm>>
    %dma_start3A_728 = tpu.memref_slice %arg8[%dma_start3A_721] : memref<4x!tpu.dma_semaphore, #tpu.memory_space<semaphore_mem>> -> memref<1x!tpu.dma_semaphore, #tpu.memory_space<semaphore_mem>>
    %dma_start3A_729 = tpu.memref_squeeze %dma_start3A_728 : memref<1x!tpu.dma_semaphore, #tpu.memory_space<semaphore_mem>> -> memref<!tpu.dma_semaphore, #tpu.memory_space<semaphore_mem>>
    %dma_start3A_730 = arith.constant 0 : i32
    %dma_start3A_731 = tpu.memref_slice %arg4[%add3A_719, %dma_start3A_730] : memref<106496x128xf32, #tpu.memory_space<hbm>> -> memref<128x128xf32, #tpu.memory_space<hbm>>
    %dma_start3A_732 = arith.constant 0 : i32
    %dma_start3A_733 = arith.constant 0 : i32
    %dma_start3A_734 = tpu.memref_slice %arg6[%dma_start3A_720, %dma_start3A_732, %dma_start3A_733] : memref<4x128x128xf32, #tpu.memory_space<vmem>> -> memref<1x128x128xf32, #tpu.memory_space<vmem>>
    %dma_start3A_735 = tpu.memref_squeeze %dma_start3A_734 : memref<1x128x128xf32, #tpu.memory_space<vmem>> -> memref<128x128xf32, #tpu.memory_space<vmem>>
    tpu.enqueue_dma source(%dma_start3A_735 : memref<128x128xf32, #tpu.memory_space<vmem>>) target(%dma_start3A_731 : memref<128x128xf32, #tpu.memory_space<hbm>>) target_semaphore(%dma_start3A_729 : memref<!tpu.dma_semaphore, #tpu.memory_space<semaphore_mem>>)
    %dma_wait3A_736 = arith.constant 1 : i32
    %dma_wait3A_737 = arith.constant 1 : i32
    %dma_wait3A_738 = arith.constant 0 : i32
    %dma_wait3A_739 = arith.constant 0 : i32
    %dma_wait3A_740 = tpu.memref_slice %arg6[%dma_wait3A_736, %dma_wait3A_738, %dma_wait3A_739] : memref<4x128x128xf32, #tpu.memory_space<vmem>> -> memref<1x128x128xf32, #tpu.memory_space<vmem>>
    %dma_wait3A_741 = tpu.memref_squeeze %dma_wait3A_740 : memref<1x128x128xf32, #tpu.memory_space<vmem>> -> memref<128x128xf32, #tpu.memory_space<vmem>>
    %dma_wait3A_742 = arith.constant 0 : i32
    %dma_wait3A_743 = tpu.memref_slice %arg4[%add3A_591, %dma_wait3A_742] : memref<106496x128xf32, #tpu.memory_space<hbm>> -> memref<128x128xf32, #tpu.memory_space<hbm>>
    %dma_wait3A_744 = tpu.memref_slice %arg8[%dma_wait3A_737] : memref<4x!tpu.dma_semaphore, #tpu.memory_space<semaphore_mem>> -> memref<1x!tpu.dma_semaphore, #tpu.memory_space<semaphore_mem>>
    %dma_wait3A_745 = tpu.memref_squeeze %dma_wait3A_744 : memref<1x!tpu.dma_semaphore, #tpu.memory_space<semaphore_mem>> -> memref<!tpu.dma_semaphore, #tpu.memory_space<semaphore_mem>>
    %dma_wait3A_746 = arith.constant 0 : i32
    %dma_wait3A_747 = tpu.memref_slice %arg4[%add3A_591, %dma_wait3A_746] : memref<106496x128xf32, #tpu.memory_space<hbm>> -> memref<128x128xf32, #tpu.memory_space<hbm>>
    %dma_wait3A_748 = arith.constant 0 : i32
    %dma_wait3A_749 = arith.constant 0 : i32
    %dma_wait3A_750 = tpu.memref_slice %arg6[%dma_wait3A_736, %dma_wait3A_748, %dma_wait3A_749] : memref<4x128x128xf32, #tpu.memory_space<vmem>> -> memref<1x128x128xf32, #tpu.memory_space<vmem>>
    %dma_wait3A_751 = tpu.memref_squeeze %dma_wait3A_750 : memref<1x128x128xf32, #tpu.memory_space<vmem>> -> memref<128x128xf32, #tpu.memory_space<vmem>>
    tpu.wait_dma2 semaphore(%dma_wait3A_745 : memref<!tpu.dma_semaphore, #tpu.memory_space<semaphore_mem>>) src(%dma_wait3A_751 : memref<128x128xf32, #tpu.memory_space<vmem>>) dst(%dma_wait3A_747 : memref<128x128xf32, #tpu.memory_space<hbm>>)
    %dma_start3A_752 = arith.constant 13 : i32
    %dma_start3A_753 = arith.constant 1 : i32
    %dma_start3A_754 = arith.constant 1 : i32
    %dma_start3A_755 = arith.constant 0 : i32
    %dma_start3A_756 = arith.constant 0 : i32
    %dma_start3A_757 = tpu.memref_slice %arg6[%dma_start3A_753, %dma_start3A_755, %dma_start3A_756] : memref<4x128x128xf32, #tpu.memory_space<vmem>> -> memref<1x128x128xf32, #tpu.memory_space<vmem>>
    %dma_start3A_758 = tpu.memref_squeeze %dma_start3A_757 : memref<1x128x128xf32, #tpu.memory_space<vmem>> -> memref<128x128xf32, #tpu.memory_space<vmem>>
    %dma_start3A_759 = arith.constant 0 : i32
    %dma_start3A_760 = tpu.memref_slice %arg5[%dma_start3A_752, %dma_start3A_759] : memref<26x128xi32, #tpu.memory_space<vmem>> -> memref<1x128xi32, #tpu.memory_space<vmem>>
    %dma_start3A_761 = tpu.memref_squeeze %dma_start3A_760 : memref<1x128xi32, #tpu.memory_space<vmem>> -> memref<128xi32, #tpu.memory_space<vmem>>
    %dma_start3A_762 = arith.constant 0 : i32
    %dma_start3A_763 = arith.constant 0 : i32
    %dma_start3A_764 = tpu.memref_slice %arg2[%dma_start3A_762, %dma_start3A_763] : memref<26000x128xf32, #tpu.memory_space<hbm>> -> memref<26000x128xf32, #tpu.memory_space<hbm>>
    %dma_start3A_765 = tpu.memref_slice %arg7[%dma_start3A_754] : memref<4x!tpu.dma_semaphore, #tpu.memory_space<semaphore_mem>> -> memref<1x!tpu.dma_semaphore, #tpu.memory_space<semaphore_mem>>
    %dma_start3A_766 = tpu.memref_squeeze %dma_start3A_765 : memref<1x!tpu.dma_semaphore, #tpu.memory_space<semaphore_mem>> -> memref<!tpu.dma_semaphore, #tpu.memory_space<semaphore_mem>>
    tpu.enqueue_indirect_dma source(%dma_start3A_764 : memref<26000x128xf32, #tpu.memory_space<hbm>>) target(%dma_start3A_758 : memref<128x128xf32, #tpu.memory_space<vmem>>) offsets(%dma_start3A_761 : memref<128xi32, #tpu.memory_space<vmem>>) semaphore(%dma_start3A_766 : memref<!tpu.dma_semaphore, #tpu.memory_space<semaphore_mem>>)
    %dma_wait3A_767 = arith.constant 12 : i32
    %dma_wait3A_768 = arith.constant 0 : i32
    %dma_wait3A_769 = arith.constant 0 : i32
    %dma_wait3A_770 = arith.constant 0 : i32
    %dma_wait3A_771 = arith.constant 0 : i32
    %dma_wait3A_772 = tpu.memref_slice %arg6[%dma_wait3A_768, %dma_wait3A_770, %dma_wait3A_771] : memref<4x128x128xf32, #tpu.memory_space<vmem>> -> memref<1x128x128xf32, #tpu.memory_space<vmem>>
    %dma_wait3A_773 = tpu.memref_squeeze %dma_wait3A_772 : memref<1x128x128xf32, #tpu.memory_space<vmem>> -> memref<128x128xf32, #tpu.memory_space<vmem>>
    %dma_wait3A_774 = arith.constant 0 : i32
    %dma_wait3A_775 = tpu.memref_slice %arg5[%dma_wait3A_767, %dma_wait3A_774] : memref<26x128xi32, #tpu.memory_space<vmem>> -> memref<1x128xi32, #tpu.memory_space<vmem>>
    %dma_wait3A_776 = tpu.memref_squeeze %dma_wait3A_775 : memref<1x128xi32, #tpu.memory_space<vmem>> -> memref<128xi32, #tpu.memory_space<vmem>>
    %dma_wait3A_777 = arith.constant 0 : i32
    %dma_wait3A_778 = arith.constant 0 : i32
    %dma_wait3A_779 = tpu.memref_slice %arg2[%dma_wait3A_777, %dma_wait3A_778] : memref<26000x128xf32, #tpu.memory_space<hbm>> -> memref<26000x128xf32, #tpu.memory_space<hbm>>
    %dma_wait3A_780 = tpu.memref_slice %arg7[%dma_wait3A_769] : memref<4x!tpu.dma_semaphore, #tpu.memory_space<semaphore_mem>> -> memref<1x!tpu.dma_semaphore, #tpu.memory_space<semaphore_mem>>
    %dma_wait3A_781 = tpu.memref_squeeze %dma_wait3A_780 : memref<1x!tpu.dma_semaphore, #tpu.memory_space<semaphore_mem>> -> memref<!tpu.dma_semaphore, #tpu.memory_space<semaphore_mem>>
    tpu.wait_indirect_dma semaphore(%dma_wait3A_781 : memref<!tpu.dma_semaphore, #tpu.memory_space<semaphore_mem>>) src(%dma_wait3A_779 : memref<26000x128xf32, #tpu.memory_space<hbm>>) dst(%dma_wait3A_773 : memref<128x128xf32, #tpu.memory_space<vmem>>)
    %add3A_782 = arith.constant 1536 : i32
    %add3A_783 = arith.addi %mul3A_2, %add3A_782 : i32
    %dma_start3A_784 = arith.constant 0 : i32
    %dma_start3A_785 = arith.constant 0 : i32
    %dma_start3A_786 = arith.constant 0 : i32
    %dma_start3A_787 = arith.constant 0 : i32
    %dma_start3A_788 = tpu.memref_slice %arg6[%dma_start3A_784, %dma_start3A_786, %dma_start3A_787] : memref<4x128x128xf32, #tpu.memory_space<vmem>> -> memref<1x128x128xf32, #tpu.memory_space<vmem>>
    %dma_start3A_789 = tpu.memref_squeeze %dma_start3A_788 : memref<1x128x128xf32, #tpu.memory_space<vmem>> -> memref<128x128xf32, #tpu.memory_space<vmem>>
    %dma_start3A_790 = arith.constant 0 : i32
    %dma_start3A_791 = tpu.memref_slice %arg4[%add3A_783, %dma_start3A_790] : memref<106496x128xf32, #tpu.memory_space<hbm>> -> memref<128x128xf32, #tpu.memory_space<hbm>>
    %dma_start3A_792 = tpu.memref_slice %arg8[%dma_start3A_785] : memref<4x!tpu.dma_semaphore, #tpu.memory_space<semaphore_mem>> -> memref<1x!tpu.dma_semaphore, #tpu.memory_space<semaphore_mem>>
    %dma_start3A_793 = tpu.memref_squeeze %dma_start3A_792 : memref<1x!tpu.dma_semaphore, #tpu.memory_space<semaphore_mem>> -> memref<!tpu.dma_semaphore, #tpu.memory_space<semaphore_mem>>
    %dma_start3A_794 = arith.constant 0 : i32
    %dma_start3A_795 = tpu.memref_slice %arg4[%add3A_783, %dma_start3A_794] : memref<106496x128xf32, #tpu.memory_space<hbm>> -> memref<128x128xf32, #tpu.memory_space<hbm>>
    %dma_start3A_796 = arith.constant 0 : i32
    %dma_start3A_797 = arith.constant 0 : i32
    %dma_start3A_798 = tpu.memref_slice %arg6[%dma_start3A_784, %dma_start3A_796, %dma_start3A_797] : memref<4x128x128xf32, #tpu.memory_space<vmem>> -> memref<1x128x128xf32, #tpu.memory_space<vmem>>
    %dma_start3A_799 = tpu.memref_squeeze %dma_start3A_798 : memref<1x128x128xf32, #tpu.memory_space<vmem>> -> memref<128x128xf32, #tpu.memory_space<vmem>>
    tpu.enqueue_dma source(%dma_start3A_799 : memref<128x128xf32, #tpu.memory_space<vmem>>) target(%dma_start3A_795 : memref<128x128xf32, #tpu.memory_space<hbm>>) target_semaphore(%dma_start3A_793 : memref<!tpu.dma_semaphore, #tpu.memory_space<semaphore_mem>>)
    %dma_wait3A_800 = arith.constant 2 : i32
    %dma_wait3A_801 = arith.constant 2 : i32
    %dma_wait3A_802 = arith.constant 0 : i32
    %dma_wait3A_803 = arith.constant 0 : i32
    %dma_wait3A_804 = tpu.memref_slice %arg6[%dma_wait3A_800, %dma_wait3A_802, %dma_wait3A_803] : memref<4x128x128xf32, #tpu.memory_space<vmem>> -> memref<1x128x128xf32, #tpu.memory_space<vmem>>
    %dma_wait3A_805 = tpu.memref_squeeze %dma_wait3A_804 : memref<1x128x128xf32, #tpu.memory_space<vmem>> -> memref<128x128xf32, #tpu.memory_space<vmem>>
    %dma_wait3A_806 = arith.constant 0 : i32
    %dma_wait3A_807 = tpu.memref_slice %arg4[%add3A_655, %dma_wait3A_806] : memref<106496x128xf32, #tpu.memory_space<hbm>> -> memref<128x128xf32, #tpu.memory_space<hbm>>
    %dma_wait3A_808 = tpu.memref_slice %arg8[%dma_wait3A_801] : memref<4x!tpu.dma_semaphore, #tpu.memory_space<semaphore_mem>> -> memref<1x!tpu.dma_semaphore, #tpu.memory_space<semaphore_mem>>
    %dma_wait3A_809 = tpu.memref_squeeze %dma_wait3A_808 : memref<1x!tpu.dma_semaphore, #tpu.memory_space<semaphore_mem>> -> memref<!tpu.dma_semaphore, #tpu.memory_space<semaphore_mem>>
    %dma_wait3A_810 = arith.constant 0 : i32
    %dma_wait3A_811 = tpu.memref_slice %arg4[%add3A_655, %dma_wait3A_810] : memref<106496x128xf32, #tpu.memory_space<hbm>> -> memref<128x128xf32, #tpu.memory_space<hbm>>
    %dma_wait3A_812 = arith.constant 0 : i32
    %dma_wait3A_813 = arith.constant 0 : i32
    %dma_wait3A_814 = tpu.memref_slice %arg6[%dma_wait3A_800, %dma_wait3A_812, %dma_wait3A_813] : memref<4x128x128xf32, #tpu.memory_space<vmem>> -> memref<1x128x128xf32, #tpu.memory_space<vmem>>
    %dma_wait3A_815 = tpu.memref_squeeze %dma_wait3A_814 : memref<1x128x128xf32, #tpu.memory_space<vmem>> -> memref<128x128xf32, #tpu.memory_space<vmem>>
    tpu.wait_dma2 semaphore(%dma_wait3A_809 : memref<!tpu.dma_semaphore, #tpu.memory_space<semaphore_mem>>) src(%dma_wait3A_815 : memref<128x128xf32, #tpu.memory_space<vmem>>) dst(%dma_wait3A_811 : memref<128x128xf32, #tpu.memory_space<hbm>>)
    %dma_start3A_816 = arith.constant 14 : i32
    %dma_start3A_817 = arith.constant 2 : i32
    %dma_start3A_818 = arith.constant 2 : i32
    %dma_start3A_819 = arith.constant 0 : i32
    %dma_start3A_820 = arith.constant 0 : i32
    %dma_start3A_821 = tpu.memref_slice %arg6[%dma_start3A_817, %dma_start3A_819, %dma_start3A_820] : memref<4x128x128xf32, #tpu.memory_space<vmem>> -> memref<1x128x128xf32, #tpu.memory_space<vmem>>
    %dma_start3A_822 = tpu.memref_squeeze %dma_start3A_821 : memref<1x128x128xf32, #tpu.memory_space<vmem>> -> memref<128x128xf32, #tpu.memory_space<vmem>>
    %dma_start3A_823 = arith.constant 0 : i32
    %dma_start3A_824 = tpu.memref_slice %arg5[%dma_start3A_816, %dma_start3A_823] : memref<26x128xi32, #tpu.memory_space<vmem>> -> memref<1x128xi32, #tpu.memory_space<vmem>>
    %dma_start3A_825 = tpu.memref_squeeze %dma_start3A_824 : memref<1x128xi32, #tpu.memory_space<vmem>> -> memref<128xi32, #tpu.memory_space<vmem>>
    %dma_start3A_826 = arith.constant 0 : i32
    %dma_start3A_827 = arith.constant 0 : i32
    %dma_start3A_828 = tpu.memref_slice %arg2[%dma_start3A_826, %dma_start3A_827] : memref<26000x128xf32, #tpu.memory_space<hbm>> -> memref<26000x128xf32, #tpu.memory_space<hbm>>
    %dma_start3A_829 = tpu.memref_slice %arg7[%dma_start3A_818] : memref<4x!tpu.dma_semaphore, #tpu.memory_space<semaphore_mem>> -> memref<1x!tpu.dma_semaphore, #tpu.memory_space<semaphore_mem>>
    %dma_start3A_830 = tpu.memref_squeeze %dma_start3A_829 : memref<1x!tpu.dma_semaphore, #tpu.memory_space<semaphore_mem>> -> memref<!tpu.dma_semaphore, #tpu.memory_space<semaphore_mem>>
    tpu.enqueue_indirect_dma source(%dma_start3A_828 : memref<26000x128xf32, #tpu.memory_space<hbm>>) target(%dma_start3A_822 : memref<128x128xf32, #tpu.memory_space<vmem>>) offsets(%dma_start3A_825 : memref<128xi32, #tpu.memory_space<vmem>>) semaphore(%dma_start3A_830 : memref<!tpu.dma_semaphore, #tpu.memory_space<semaphore_mem>>)
    %dma_wait3A_831 = arith.constant 13 : i32
    %dma_wait3A_832 = arith.constant 1 : i32
    %dma_wait3A_833 = arith.constant 1 : i32
    %dma_wait3A_834 = arith.constant 0 : i32
    %dma_wait3A_835 = arith.constant 0 : i32
    %dma_wait3A_836 = tpu.memref_slice %arg6[%dma_wait3A_832, %dma_wait3A_834, %dma_wait3A_835] : memref<4x128x128xf32, #tpu.memory_space<vmem>> -> memref<1x128x128xf32, #tpu.memory_space<vmem>>
    %dma_wait3A_837 = tpu.memref_squeeze %dma_wait3A_836 : memref<1x128x128xf32, #tpu.memory_space<vmem>> -> memref<128x128xf32, #tpu.memory_space<vmem>>
    %dma_wait3A_838 = arith.constant 0 : i32
    %dma_wait3A_839 = tpu.memref_slice %arg5[%dma_wait3A_831, %dma_wait3A_838] : memref<26x128xi32, #tpu.memory_space<vmem>> -> memref<1x128xi32, #tpu.memory_space<vmem>>
    %dma_wait3A_840 = tpu.memref_squeeze %dma_wait3A_839 : memref<1x128xi32, #tpu.memory_space<vmem>> -> memref<128xi32, #tpu.memory_space<vmem>>
    %dma_wait3A_841 = arith.constant 0 : i32
    %dma_wait3A_842 = arith.constant 0 : i32
    %dma_wait3A_843 = tpu.memref_slice %arg2[%dma_wait3A_841, %dma_wait3A_842] : memref<26000x128xf32, #tpu.memory_space<hbm>> -> memref<26000x128xf32, #tpu.memory_space<hbm>>
    %dma_wait3A_844 = tpu.memref_slice %arg7[%dma_wait3A_833] : memref<4x!tpu.dma_semaphore, #tpu.memory_space<semaphore_mem>> -> memref<1x!tpu.dma_semaphore, #tpu.memory_space<semaphore_mem>>
    %dma_wait3A_845 = tpu.memref_squeeze %dma_wait3A_844 : memref<1x!tpu.dma_semaphore, #tpu.memory_space<semaphore_mem>> -> memref<!tpu.dma_semaphore, #tpu.memory_space<semaphore_mem>>
    tpu.wait_indirect_dma semaphore(%dma_wait3A_845 : memref<!tpu.dma_semaphore, #tpu.memory_space<semaphore_mem>>) src(%dma_wait3A_843 : memref<26000x128xf32, #tpu.memory_space<hbm>>) dst(%dma_wait3A_837 : memref<128x128xf32, #tpu.memory_space<vmem>>)
    %add3A_846 = arith.constant 1664 : i32
    %add3A_847 = arith.addi %mul3A_2, %add3A_846 : i32
    %dma_start3A_848 = arith.constant 1 : i32
    %dma_start3A_849 = arith.constant 1 : i32
    %dma_start3A_850 = arith.constant 0 : i32
    %dma_start3A_851 = arith.constant 0 : i32
    %dma_start3A_852 = tpu.memref_slice %arg6[%dma_start3A_848, %dma_start3A_850, %dma_start3A_851] : memref<4x128x128xf32, #tpu.memory_space<vmem>> -> memref<1x128x128xf32, #tpu.memory_space<vmem>>
    %dma_start3A_853 = tpu.memref_squeeze %dma_start3A_852 : memref<1x128x128xf32, #tpu.memory_space<vmem>> -> memref<128x128xf32, #tpu.memory_space<vmem>>
    %dma_start3A_854 = arith.constant 0 : i32
    %dma_start3A_855 = tpu.memref_slice %arg4[%add3A_847, %dma_start3A_854] : memref<106496x128xf32, #tpu.memory_space<hbm>> -> memref<128x128xf32, #tpu.memory_space<hbm>>
    %dma_start3A_856 = tpu.memref_slice %arg8[%dma_start3A_849] : memref<4x!tpu.dma_semaphore, #tpu.memory_space<semaphore_mem>> -> memref<1x!tpu.dma_semaphore, #tpu.memory_space<semaphore_mem>>
    %dma_start3A_857 = tpu.memref_squeeze %dma_start3A_856 : memref<1x!tpu.dma_semaphore, #tpu.memory_space<semaphore_mem>> -> memref<!tpu.dma_semaphore, #tpu.memory_space<semaphore_mem>>
    %dma_start3A_858 = arith.constant 0 : i32
    %dma_start3A_859 = tpu.memref_slice %arg4[%add3A_847, %dma_start3A_858] : memref<106496x128xf32, #tpu.memory_space<hbm>> -> memref<128x128xf32, #tpu.memory_space<hbm>>
    %dma_start3A_860 = arith.constant 0 : i32
    %dma_start3A_861 = arith.constant 0 : i32
    %dma_start3A_862 = tpu.memref_slice %arg6[%dma_start3A_848, %dma_start3A_860, %dma_start3A_861] : memref<4x128x128xf32, #tpu.memory_space<vmem>> -> memref<1x128x128xf32, #tpu.memory_space<vmem>>
    %dma_start3A_863 = tpu.memref_squeeze %dma_start3A_862 : memref<1x128x128xf32, #tpu.memory_space<vmem>> -> memref<128x128xf32, #tpu.memory_space<vmem>>
    tpu.enqueue_dma source(%dma_start3A_863 : memref<128x128xf32, #tpu.memory_space<vmem>>) target(%dma_start3A_859 : memref<128x128xf32, #tpu.memory_space<hbm>>) target_semaphore(%dma_start3A_857 : memref<!tpu.dma_semaphore, #tpu.memory_space<semaphore_mem>>)
    %dma_wait3A_864 = arith.constant 3 : i32
    %dma_wait3A_865 = arith.constant 3 : i32
    %dma_wait3A_866 = arith.constant 0 : i32
    %dma_wait3A_867 = arith.constant 0 : i32
    %dma_wait3A_868 = tpu.memref_slice %arg6[%dma_wait3A_864, %dma_wait3A_866, %dma_wait3A_867] : memref<4x128x128xf32, #tpu.memory_space<vmem>> -> memref<1x128x128xf32, #tpu.memory_space<vmem>>
    %dma_wait3A_869 = tpu.memref_squeeze %dma_wait3A_868 : memref<1x128x128xf32, #tpu.memory_space<vmem>> -> memref<128x128xf32, #tpu.memory_space<vmem>>
    %dma_wait3A_870 = arith.constant 0 : i32
    %dma_wait3A_871 = tpu.memref_slice %arg4[%add3A_719, %dma_wait3A_870] : memref<106496x128xf32, #tpu.memory_space<hbm>> -> memref<128x128xf32, #tpu.memory_space<hbm>>
    %dma_wait3A_872 = tpu.memref_slice %arg8[%dma_wait3A_865] : memref<4x!tpu.dma_semaphore, #tpu.memory_space<semaphore_mem>> -> memref<1x!tpu.dma_semaphore, #tpu.memory_space<semaphore_mem>>
    %dma_wait3A_873 = tpu.memref_squeeze %dma_wait3A_872 : memref<1x!tpu.dma_semaphore, #tpu.memory_space<semaphore_mem>> -> memref<!tpu.dma_semaphore, #tpu.memory_space<semaphore_mem>>
    %dma_wait3A_874 = arith.constant 0 : i32
    %dma_wait3A_875 = tpu.memref_slice %arg4[%add3A_719, %dma_wait3A_874] : memref<106496x128xf32, #tpu.memory_space<hbm>> -> memref<128x128xf32, #tpu.memory_space<hbm>>
    %dma_wait3A_876 = arith.constant 0 : i32
    %dma_wait3A_877 = arith.constant 0 : i32
    %dma_wait3A_878 = tpu.memref_slice %arg6[%dma_wait3A_864, %dma_wait3A_876, %dma_wait3A_877] : memref<4x128x128xf32, #tpu.memory_space<vmem>> -> memref<1x128x128xf32, #tpu.memory_space<vmem>>
    %dma_wait3A_879 = tpu.memref_squeeze %dma_wait3A_878 : memref<1x128x128xf32, #tpu.memory_space<vmem>> -> memref<128x128xf32, #tpu.memory_space<vmem>>
    tpu.wait_dma2 semaphore(%dma_wait3A_873 : memref<!tpu.dma_semaphore, #tpu.memory_space<semaphore_mem>>) src(%dma_wait3A_879 : memref<128x128xf32, #tpu.memory_space<vmem>>) dst(%dma_wait3A_875 : memref<128x128xf32, #tpu.memory_space<hbm>>)
    %dma_start3A_880 = arith.constant 15 : i32
    %dma_start3A_881 = arith.constant 3 : i32
    %dma_start3A_882 = arith.constant 3 : i32
    %dma_start3A_883 = arith.constant 0 : i32
    %dma_start3A_884 = arith.constant 0 : i32
    %dma_start3A_885 = tpu.memref_slice %arg6[%dma_start3A_881, %dma_start3A_883, %dma_start3A_884] : memref<4x128x128xf32, #tpu.memory_space<vmem>> -> memref<1x128x128xf32, #tpu.memory_space<vmem>>
    %dma_start3A_886 = tpu.memref_squeeze %dma_start3A_885 : memref<1x128x128xf32, #tpu.memory_space<vmem>> -> memref<128x128xf32, #tpu.memory_space<vmem>>
    %dma_start3A_887 = arith.constant 0 : i32
    %dma_start3A_888 = tpu.memref_slice %arg5[%dma_start3A_880, %dma_start3A_887] : memref<26x128xi32, #tpu.memory_space<vmem>> -> memref<1x128xi32, #tpu.memory_space<vmem>>
    %dma_start3A_889 = tpu.memref_squeeze %dma_start3A_888 : memref<1x128xi32, #tpu.memory_space<vmem>> -> memref<128xi32, #tpu.memory_space<vmem>>
    %dma_start3A_890 = arith.constant 0 : i32
    %dma_start3A_891 = arith.constant 0 : i32
    %dma_start3A_892 = tpu.memref_slice %arg2[%dma_start3A_890, %dma_start3A_891] : memref<26000x128xf32, #tpu.memory_space<hbm>> -> memref<26000x128xf32, #tpu.memory_space<hbm>>
    %dma_start3A_893 = tpu.memref_slice %arg7[%dma_start3A_882] : memref<4x!tpu.dma_semaphore, #tpu.memory_space<semaphore_mem>> -> memref<1x!tpu.dma_semaphore, #tpu.memory_space<semaphore_mem>>
    %dma_start3A_894 = tpu.memref_squeeze %dma_start3A_893 : memref<1x!tpu.dma_semaphore, #tpu.memory_space<semaphore_mem>> -> memref<!tpu.dma_semaphore, #tpu.memory_space<semaphore_mem>>
    tpu.enqueue_indirect_dma source(%dma_start3A_892 : memref<26000x128xf32, #tpu.memory_space<hbm>>) target(%dma_start3A_886 : memref<128x128xf32, #tpu.memory_space<vmem>>) offsets(%dma_start3A_889 : memref<128xi32, #tpu.memory_space<vmem>>) semaphore(%dma_start3A_894 : memref<!tpu.dma_semaphore, #tpu.memory_space<semaphore_mem>>)
    %dma_wait3A_895 = arith.constant 14 : i32
    %dma_wait3A_896 = arith.constant 2 : i32
    %dma_wait3A_897 = arith.constant 2 : i32
    %dma_wait3A_898 = arith.constant 0 : i32
    %dma_wait3A_899 = arith.constant 0 : i32
    %dma_wait3A_900 = tpu.memref_slice %arg6[%dma_wait3A_896, %dma_wait3A_898, %dma_wait3A_899] : memref<4x128x128xf32, #tpu.memory_space<vmem>> -> memref<1x128x128xf32, #tpu.memory_space<vmem>>
    %dma_wait3A_901 = tpu.memref_squeeze %dma_wait3A_900 : memref<1x128x128xf32, #tpu.memory_space<vmem>> -> memref<128x128xf32, #tpu.memory_space<vmem>>
    %dma_wait3A_902 = arith.constant 0 : i32
    %dma_wait3A_903 = tpu.memref_slice %arg5[%dma_wait3A_895, %dma_wait3A_902] : memref<26x128xi32, #tpu.memory_space<vmem>> -> memref<1x128xi32, #tpu.memory_space<vmem>>
    %dma_wait3A_904 = tpu.memref_squeeze %dma_wait3A_903 : memref<1x128xi32, #tpu.memory_space<vmem>> -> memref<128xi32, #tpu.memory_space<vmem>>
    %dma_wait3A_905 = arith.constant 0 : i32
    %dma_wait3A_906 = arith.constant 0 : i32
    %dma_wait3A_907 = tpu.memref_slice %arg2[%dma_wait3A_905, %dma_wait3A_906] : memref<26000x128xf32, #tpu.memory_space<hbm>> -> memref<26000x128xf32, #tpu.memory_space<hbm>>
    %dma_wait3A_908 = tpu.memref_slice %arg7[%dma_wait3A_897] : memref<4x!tpu.dma_semaphore, #tpu.memory_space<semaphore_mem>> -> memref<1x!tpu.dma_semaphore, #tpu.memory_space<semaphore_mem>>
    %dma_wait3A_909 = tpu.memref_squeeze %dma_wait3A_908 : memref<1x!tpu.dma_semaphore, #tpu.memory_space<semaphore_mem>> -> memref<!tpu.dma_semaphore, #tpu.memory_space<semaphore_mem>>
    tpu.wait_indirect_dma semaphore(%dma_wait3A_909 : memref<!tpu.dma_semaphore, #tpu.memory_space<semaphore_mem>>) src(%dma_wait3A_907 : memref<26000x128xf32, #tpu.memory_space<hbm>>) dst(%dma_wait3A_901 : memref<128x128xf32, #tpu.memory_space<vmem>>)
    %add3A_910 = arith.constant 1792 : i32
    %add3A_911 = arith.addi %mul3A_2, %add3A_910 : i32
    %dma_start3A_912 = arith.constant 2 : i32
    %dma_start3A_913 = arith.constant 2 : i32
    %dma_start3A_914 = arith.constant 0 : i32
    %dma_start3A_915 = arith.constant 0 : i32
    %dma_start3A_916 = tpu.memref_slice %arg6[%dma_start3A_912, %dma_start3A_914, %dma_start3A_915] : memref<4x128x128xf32, #tpu.memory_space<vmem>> -> memref<1x128x128xf32, #tpu.memory_space<vmem>>
    %dma_start3A_917 = tpu.memref_squeeze %dma_start3A_916 : memref<1x128x128xf32, #tpu.memory_space<vmem>> -> memref<128x128xf32, #tpu.memory_space<vmem>>
    %dma_start3A_918 = arith.constant 0 : i32
    %dma_start3A_919 = tpu.memref_slice %arg4[%add3A_911, %dma_start3A_918] : memref<106496x128xf32, #tpu.memory_space<hbm>> -> memref<128x128xf32, #tpu.memory_space<hbm>>
    %dma_start3A_920 = tpu.memref_slice %arg8[%dma_start3A_913] : memref<4x!tpu.dma_semaphore, #tpu.memory_space<semaphore_mem>> -> memref<1x!tpu.dma_semaphore, #tpu.memory_space<semaphore_mem>>
    %dma_start3A_921 = tpu.memref_squeeze %dma_start3A_920 : memref<1x!tpu.dma_semaphore, #tpu.memory_space<semaphore_mem>> -> memref<!tpu.dma_semaphore, #tpu.memory_space<semaphore_mem>>
    %dma_start3A_922 = arith.constant 0 : i32
    %dma_start3A_923 = tpu.memref_slice %arg4[%add3A_911, %dma_start3A_922] : memref<106496x128xf32, #tpu.memory_space<hbm>> -> memref<128x128xf32, #tpu.memory_space<hbm>>
    %dma_start3A_924 = arith.constant 0 : i32
    %dma_start3A_925 = arith.constant 0 : i32
    %dma_start3A_926 = tpu.memref_slice %arg6[%dma_start3A_912, %dma_start3A_924, %dma_start3A_925] : memref<4x128x128xf32, #tpu.memory_space<vmem>> -> memref<1x128x128xf32, #tpu.memory_space<vmem>>
    %dma_start3A_927 = tpu.memref_squeeze %dma_start3A_926 : memref<1x128x128xf32, #tpu.memory_space<vmem>> -> memref<128x128xf32, #tpu.memory_space<vmem>>
    tpu.enqueue_dma source(%dma_start3A_927 : memref<128x128xf32, #tpu.memory_space<vmem>>) target(%dma_start3A_923 : memref<128x128xf32, #tpu.memory_space<hbm>>) target_semaphore(%dma_start3A_921 : memref<!tpu.dma_semaphore, #tpu.memory_space<semaphore_mem>>)
    %dma_wait3A_928 = arith.constant 0 : i32
    %dma_wait3A_929 = arith.constant 0 : i32
    %dma_wait3A_930 = arith.constant 0 : i32
    %dma_wait3A_931 = arith.constant 0 : i32
    %dma_wait3A_932 = tpu.memref_slice %arg6[%dma_wait3A_928, %dma_wait3A_930, %dma_wait3A_931] : memref<4x128x128xf32, #tpu.memory_space<vmem>> -> memref<1x128x128xf32, #tpu.memory_space<vmem>>
    %dma_wait3A_933 = tpu.memref_squeeze %dma_wait3A_932 : memref<1x128x128xf32, #tpu.memory_space<vmem>> -> memref<128x128xf32, #tpu.memory_space<vmem>>
    %dma_wait3A_934 = arith.constant 0 : i32
    %dma_wait3A_935 = tpu.memref_slice %arg4[%add3A_783, %dma_wait3A_934] : memref<106496x128xf32, #tpu.memory_space<hbm>> -> memref<128x128xf32, #tpu.memory_space<hbm>>
    %dma_wait3A_936 = tpu.memref_slice %arg8[%dma_wait3A_929] : memref<4x!tpu.dma_semaphore, #tpu.memory_space<semaphore_mem>> -> memref<1x!tpu.dma_semaphore, #tpu.memory_space<semaphore_mem>>
    %dma_wait3A_937 = tpu.memref_squeeze %dma_wait3A_936 : memref<1x!tpu.dma_semaphore, #tpu.memory_space<semaphore_mem>> -> memref<!tpu.dma_semaphore, #tpu.memory_space<semaphore_mem>>
    %dma_wait3A_938 = arith.constant 0 : i32
    %dma_wait3A_939 = tpu.memref_slice %arg4[%add3A_783, %dma_wait3A_938] : memref<106496x128xf32, #tpu.memory_space<hbm>> -> memref<128x128xf32, #tpu.memory_space<hbm>>
    %dma_wait3A_940 = arith.constant 0 : i32
    %dma_wait3A_941 = arith.constant 0 : i32
    %dma_wait3A_942 = tpu.memref_slice %arg6[%dma_wait3A_928, %dma_wait3A_940, %dma_wait3A_941] : memref<4x128x128xf32, #tpu.memory_space<vmem>> -> memref<1x128x128xf32, #tpu.memory_space<vmem>>
    %dma_wait3A_943 = tpu.memref_squeeze %dma_wait3A_942 : memref<1x128x128xf32, #tpu.memory_space<vmem>> -> memref<128x128xf32, #tpu.memory_space<vmem>>
    tpu.wait_dma2 semaphore(%dma_wait3A_937 : memref<!tpu.dma_semaphore, #tpu.memory_space<semaphore_mem>>) src(%dma_wait3A_943 : memref<128x128xf32, #tpu.memory_space<vmem>>) dst(%dma_wait3A_939 : memref<128x128xf32, #tpu.memory_space<hbm>>)
    %dma_start3A_944 = arith.constant 16 : i32
    %dma_start3A_945 = arith.constant 0 : i32
    %dma_start3A_946 = arith.constant 0 : i32
    %dma_start3A_947 = arith.constant 0 : i32
    %dma_start3A_948 = arith.constant 0 : i32
    %dma_start3A_949 = tpu.memref_slice %arg6[%dma_start3A_945, %dma_start3A_947, %dma_start3A_948] : memref<4x128x128xf32, #tpu.memory_space<vmem>> -> memref<1x128x128xf32, #tpu.memory_space<vmem>>
    %dma_start3A_950 = tpu.memref_squeeze %dma_start3A_949 : memref<1x128x128xf32, #tpu.memory_space<vmem>> -> memref<128x128xf32, #tpu.memory_space<vmem>>
    %dma_start3A_951 = arith.constant 0 : i32
    %dma_start3A_952 = tpu.memref_slice %arg5[%dma_start3A_944, %dma_start3A_951] : memref<26x128xi32, #tpu.memory_space<vmem>> -> memref<1x128xi32, #tpu.memory_space<vmem>>
    %dma_start3A_953 = tpu.memref_squeeze %dma_start3A_952 : memref<1x128xi32, #tpu.memory_space<vmem>> -> memref<128xi32, #tpu.memory_space<vmem>>
    %dma_start3A_954 = arith.constant 0 : i32
    %dma_start3A_955 = arith.constant 0 : i32
    %dma_start3A_956 = tpu.memref_slice %arg2[%dma_start3A_954, %dma_start3A_955] : memref<26000x128xf32, #tpu.memory_space<hbm>> -> memref<26000x128xf32, #tpu.memory_space<hbm>>
    %dma_start3A_957 = tpu.memref_slice %arg7[%dma_start3A_946] : memref<4x!tpu.dma_semaphore, #tpu.memory_space<semaphore_mem>> -> memref<1x!tpu.dma_semaphore, #tpu.memory_space<semaphore_mem>>
    %dma_start3A_958 = tpu.memref_squeeze %dma_start3A_957 : memref<1x!tpu.dma_semaphore, #tpu.memory_space<semaphore_mem>> -> memref<!tpu.dma_semaphore, #tpu.memory_space<semaphore_mem>>
    tpu.enqueue_indirect_dma source(%dma_start3A_956 : memref<26000x128xf32, #tpu.memory_space<hbm>>) target(%dma_start3A_950 : memref<128x128xf32, #tpu.memory_space<vmem>>) offsets(%dma_start3A_953 : memref<128xi32, #tpu.memory_space<vmem>>) semaphore(%dma_start3A_958 : memref<!tpu.dma_semaphore, #tpu.memory_space<semaphore_mem>>)
    %dma_wait3A_959 = arith.constant 15 : i32
    %dma_wait3A_960 = arith.constant 3 : i32
    %dma_wait3A_961 = arith.constant 3 : i32
    %dma_wait3A_962 = arith.constant 0 : i32
    %dma_wait3A_963 = arith.constant 0 : i32
    %dma_wait3A_964 = tpu.memref_slice %arg6[%dma_wait3A_960, %dma_wait3A_962, %dma_wait3A_963] : memref<4x128x128xf32, #tpu.memory_space<vmem>> -> memref<1x128x128xf32, #tpu.memory_space<vmem>>
    %dma_wait3A_965 = tpu.memref_squeeze %dma_wait3A_964 : memref<1x128x128xf32, #tpu.memory_space<vmem>> -> memref<128x128xf32, #tpu.memory_space<vmem>>
    %dma_wait3A_966 = arith.constant 0 : i32
    %dma_wait3A_967 = tpu.memref_slice %arg5[%dma_wait3A_959, %dma_wait3A_966] : memref<26x128xi32, #tpu.memory_space<vmem>> -> memref<1x128xi32, #tpu.memory_space<vmem>>
    %dma_wait3A_968 = tpu.memref_squeeze %dma_wait3A_967 : memref<1x128xi32, #tpu.memory_space<vmem>> -> memref<128xi32, #tpu.memory_space<vmem>>
    %dma_wait3A_969 = arith.constant 0 : i32
    %dma_wait3A_970 = arith.constant 0 : i32
    %dma_wait3A_971 = tpu.memref_slice %arg2[%dma_wait3A_969, %dma_wait3A_970] : memref<26000x128xf32, #tpu.memory_space<hbm>> -> memref<26000x128xf32, #tpu.memory_space<hbm>>
    %dma_wait3A_972 = tpu.memref_slice %arg7[%dma_wait3A_961] : memref<4x!tpu.dma_semaphore, #tpu.memory_space<semaphore_mem>> -> memref<1x!tpu.dma_semaphore, #tpu.memory_space<semaphore_mem>>
    %dma_wait3A_973 = tpu.memref_squeeze %dma_wait3A_972 : memref<1x!tpu.dma_semaphore, #tpu.memory_space<semaphore_mem>> -> memref<!tpu.dma_semaphore, #tpu.memory_space<semaphore_mem>>
    tpu.wait_indirect_dma semaphore(%dma_wait3A_973 : memref<!tpu.dma_semaphore, #tpu.memory_space<semaphore_mem>>) src(%dma_wait3A_971 : memref<26000x128xf32, #tpu.memory_space<hbm>>) dst(%dma_wait3A_965 : memref<128x128xf32, #tpu.memory_space<vmem>>)
    %add3A_974 = arith.constant 1920 : i32
    %add3A_975 = arith.addi %mul3A_2, %add3A_974 : i32
    %dma_start3A_976 = arith.constant 3 : i32
    %dma_start3A_977 = arith.constant 3 : i32
    %dma_start3A_978 = arith.constant 0 : i32
    %dma_start3A_979 = arith.constant 0 : i32
    %dma_start3A_980 = tpu.memref_slice %arg6[%dma_start3A_976, %dma_start3A_978, %dma_start3A_979] : memref<4x128x128xf32, #tpu.memory_space<vmem>> -> memref<1x128x128xf32, #tpu.memory_space<vmem>>
    %dma_start3A_981 = tpu.memref_squeeze %dma_start3A_980 : memref<1x128x128xf32, #tpu.memory_space<vmem>> -> memref<128x128xf32, #tpu.memory_space<vmem>>
    %dma_start3A_982 = arith.constant 0 : i32
    %dma_start3A_983 = tpu.memref_slice %arg4[%add3A_975, %dma_start3A_982] : memref<106496x128xf32, #tpu.memory_space<hbm>> -> memref<128x128xf32, #tpu.memory_space<hbm>>
    %dma_start3A_984 = tpu.memref_slice %arg8[%dma_start3A_977] : memref<4x!tpu.dma_semaphore, #tpu.memory_space<semaphore_mem>> -> memref<1x!tpu.dma_semaphore, #tpu.memory_space<semaphore_mem>>
    %dma_start3A_985 = tpu.memref_squeeze %dma_start3A_984 : memref<1x!tpu.dma_semaphore, #tpu.memory_space<semaphore_mem>> -> memref<!tpu.dma_semaphore, #tpu.memory_space<semaphore_mem>>
    %dma_start3A_986 = arith.constant 0 : i32
    %dma_start3A_987 = tpu.memref_slice %arg4[%add3A_975, %dma_start3A_986] : memref<106496x128xf32, #tpu.memory_space<hbm>> -> memref<128x128xf32, #tpu.memory_space<hbm>>
    %dma_start3A_988 = arith.constant 0 : i32
    %dma_start3A_989 = arith.constant 0 : i32
    %dma_start3A_990 = tpu.memref_slice %arg6[%dma_start3A_976, %dma_start3A_988, %dma_start3A_989] : memref<4x128x128xf32, #tpu.memory_space<vmem>> -> memref<1x128x128xf32, #tpu.memory_space<vmem>>
    %dma_start3A_991 = tpu.memref_squeeze %dma_start3A_990 : memref<1x128x128xf32, #tpu.memory_space<vmem>> -> memref<128x128xf32, #tpu.memory_space<vmem>>
    tpu.enqueue_dma source(%dma_start3A_991 : memref<128x128xf32, #tpu.memory_space<vmem>>) target(%dma_start3A_987 : memref<128x128xf32, #tpu.memory_space<hbm>>) target_semaphore(%dma_start3A_985 : memref<!tpu.dma_semaphore, #tpu.memory_space<semaphore_mem>>)
    %dma_wait3A_992 = arith.constant 1 : i32
    %dma_wait3A_993 = arith.constant 1 : i32
    %dma_wait3A_994 = arith.constant 0 : i32
    %dma_wait3A_995 = arith.constant 0 : i32
    %dma_wait3A_996 = tpu.memref_slice %arg6[%dma_wait3A_992, %dma_wait3A_994, %dma_wait3A_995] : memref<4x128x128xf32, #tpu.memory_space<vmem>> -> memref<1x128x128xf32, #tpu.memory_space<vmem>>
    %dma_wait3A_997 = tpu.memref_squeeze %dma_wait3A_996 : memref<1x128x128xf32, #tpu.memory_space<vmem>> -> memref<128x128xf32, #tpu.memory_space<vmem>>
    %dma_wait3A_998 = arith.constant 0 : i32
    %dma_wait3A_999 = tpu.memref_slice %arg4[%add3A_847, %dma_wait3A_998] : memref<106496x128xf32, #tpu.memory_space<hbm>> -> memref<128x128xf32, #tpu.memory_space<hbm>>
    %dma_wait3A_1000 = tpu.memref_slice %arg8[%dma_wait3A_993] : memref<4x!tpu.dma_semaphore, #tpu.memory_space<semaphore_mem>> -> memref<1x!tpu.dma_semaphore, #tpu.memory_space<semaphore_mem>>
    %dma_wait3A_1001 = tpu.memref_squeeze %dma_wait3A_1000 : memref<1x!tpu.dma_semaphore, #tpu.memory_space<semaphore_mem>> -> memref<!tpu.dma_semaphore, #tpu.memory_space<semaphore_mem>>
    %dma_wait3A_1002 = arith.constant 0 : i32
    %dma_wait3A_1003 = tpu.memref_slice %arg4[%add3A_847, %dma_wait3A_1002] : memref<106496x128xf32, #tpu.memory_space<hbm>> -> memref<128x128xf32, #tpu.memory_space<hbm>>
    %dma_wait3A_1004 = arith.constant 0 : i32
    %dma_wait3A_1005 = arith.constant 0 : i32
    %dma_wait3A_1006 = tpu.memref_slice %arg6[%dma_wait3A_992, %dma_wait3A_1004, %dma_wait3A_1005] : memref<4x128x128xf32, #tpu.memory_space<vmem>> -> memref<1x128x128xf32, #tpu.memory_space<vmem>>
    %dma_wait3A_1007 = tpu.memref_squeeze %dma_wait3A_1006 : memref<1x128x128xf32, #tpu.memory_space<vmem>> -> memref<128x128xf32, #tpu.memory_space<vmem>>
    tpu.wait_dma2 semaphore(%dma_wait3A_1001 : memref<!tpu.dma_semaphore, #tpu.memory_space<semaphore_mem>>) src(%dma_wait3A_1007 : memref<128x128xf32, #tpu.memory_space<vmem>>) dst(%dma_wait3A_1003 : memref<128x128xf32, #tpu.memory_space<hbm>>)
    %dma_start3A_1008 = arith.constant 17 : i32
    %dma_start3A_1009 = arith.constant 1 : i32
    %dma_start3A_1010 = arith.constant 1 : i32
    %dma_start3A_1011 = arith.constant 0 : i32
    %dma_start3A_1012 = arith.constant 0 : i32
    %dma_start3A_1013 = tpu.memref_slice %arg6[%dma_start3A_1009, %dma_start3A_1011, %dma_start3A_1012] : memref<4x128x128xf32, #tpu.memory_space<vmem>> -> memref<1x128x128xf32, #tpu.memory_space<vmem>>
    %dma_start3A_1014 = tpu.memref_squeeze %dma_start3A_1013 : memref<1x128x128xf32, #tpu.memory_space<vmem>> -> memref<128x128xf32, #tpu.memory_space<vmem>>
    %dma_start3A_1015 = arith.constant 0 : i32
    %dma_start3A_1016 = tpu.memref_slice %arg5[%dma_start3A_1008, %dma_start3A_1015] : memref<26x128xi32, #tpu.memory_space<vmem>> -> memref<1x128xi32, #tpu.memory_space<vmem>>
    %dma_start3A_1017 = tpu.memref_squeeze %dma_start3A_1016 : memref<1x128xi32, #tpu.memory_space<vmem>> -> memref<128xi32, #tpu.memory_space<vmem>>
    %dma_start3A_1018 = arith.constant 0 : i32
    %dma_start3A_1019 = arith.constant 0 : i32
    %dma_start3A_1020 = tpu.memref_slice %arg2[%dma_start3A_1018, %dma_start3A_1019] : memref<26000x128xf32, #tpu.memory_space<hbm>> -> memref<26000x128xf32, #tpu.memory_space<hbm>>
    %dma_start3A_1021 = tpu.memref_slice %arg7[%dma_start3A_1010] : memref<4x!tpu.dma_semaphore, #tpu.memory_space<semaphore_mem>> -> memref<1x!tpu.dma_semaphore, #tpu.memory_space<semaphore_mem>>
    %dma_start3A_1022 = tpu.memref_squeeze %dma_start3A_1021 : memref<1x!tpu.dma_semaphore, #tpu.memory_space<semaphore_mem>> -> memref<!tpu.dma_semaphore, #tpu.memory_space<semaphore_mem>>
    tpu.enqueue_indirect_dma source(%dma_start3A_1020 : memref<26000x128xf32, #tpu.memory_space<hbm>>) target(%dma_start3A_1014 : memref<128x128xf32, #tpu.memory_space<vmem>>) offsets(%dma_start3A_1017 : memref<128xi32, #tpu.memory_space<vmem>>) semaphore(%dma_start3A_1022 : memref<!tpu.dma_semaphore, #tpu.memory_space<semaphore_mem>>)
    %dma_wait3A_1023 = arith.constant 16 : i32
    %dma_wait3A_1024 = arith.constant 0 : i32
    %dma_wait3A_1025 = arith.constant 0 : i32
    %dma_wait3A_1026 = arith.constant 0 : i32
    %dma_wait3A_1027 = arith.constant 0 : i32
    %dma_wait3A_1028 = tpu.memref_slice %arg6[%dma_wait3A_1024, %dma_wait3A_1026, %dma_wait3A_1027] : memref<4x128x128xf32, #tpu.memory_space<vmem>> -> memref<1x128x128xf32, #tpu.memory_space<vmem>>
    %dma_wait3A_1029 = tpu.memref_squeeze %dma_wait3A_1028 : memref<1x128x128xf32, #tpu.memory_space<vmem>> -> memref<128x128xf32, #tpu.memory_space<vmem>>
    %dma_wait3A_1030 = arith.constant 0 : i32
    %dma_wait3A_1031 = tpu.memref_slice %arg5[%dma_wait3A_1023, %dma_wait3A_1030] : memref<26x128xi32, #tpu.memory_space<vmem>> -> memref<1x128xi32, #tpu.memory_space<vmem>>
    %dma_wait3A_1032 = tpu.memref_squeeze %dma_wait3A_1031 : memref<1x128xi32, #tpu.memory_space<vmem>> -> memref<128xi32, #tpu.memory_space<vmem>>
    %dma_wait3A_1033 = arith.constant 0 : i32
    %dma_wait3A_1034 = arith.constant 0 : i32
    %dma_wait3A_1035 = tpu.memref_slice %arg2[%dma_wait3A_1033, %dma_wait3A_1034] : memref<26000x128xf32, #tpu.memory_space<hbm>> -> memref<26000x128xf32, #tpu.memory_space<hbm>>
    %dma_wait3A_1036 = tpu.memref_slice %arg7[%dma_wait3A_1025] : memref<4x!tpu.dma_semaphore, #tpu.memory_space<semaphore_mem>> -> memref<1x!tpu.dma_semaphore, #tpu.memory_space<semaphore_mem>>
    %dma_wait3A_1037 = tpu.memref_squeeze %dma_wait3A_1036 : memref<1x!tpu.dma_semaphore, #tpu.memory_space<semaphore_mem>> -> memref<!tpu.dma_semaphore, #tpu.memory_space<semaphore_mem>>
    tpu.wait_indirect_dma semaphore(%dma_wait3A_1037 : memref<!tpu.dma_semaphore, #tpu.memory_space<semaphore_mem>>) src(%dma_wait3A_1035 : memref<26000x128xf32, #tpu.memory_space<hbm>>) dst(%dma_wait3A_1029 : memref<128x128xf32, #tpu.memory_space<vmem>>)
    %add3A_1038 = arith.constant 2048 : i32
    %add3A_1039 = arith.addi %mul3A_2, %add3A_1038 : i32
    %dma_start3A_1040 = arith.constant 0 : i32
    %dma_start3A_1041 = arith.constant 0 : i32
    %dma_start3A_1042 = arith.constant 0 : i32
    %dma_start3A_1043 = arith.constant 0 : i32
    %dma_start3A_1044 = tpu.memref_slice %arg6[%dma_start3A_1040, %dma_start3A_1042, %dma_start3A_1043] : memref<4x128x128xf32, #tpu.memory_space<vmem>> -> memref<1x128x128xf32, #tpu.memory_space<vmem>>
    %dma_start3A_1045 = tpu.memref_squeeze %dma_start3A_1044 : memref<1x128x128xf32, #tpu.memory_space<vmem>> -> memref<128x128xf32, #tpu.memory_space<vmem>>
    %dma_start3A_1046 = arith.constant 0 : i32
    %dma_start3A_1047 = tpu.memref_slice %arg4[%add3A_1039, %dma_start3A_1046] : memref<106496x128xf32, #tpu.memory_space<hbm>> -> memref<128x128xf32, #tpu.memory_space<hbm>>
    %dma_start3A_1048 = tpu.memref_slice %arg8[%dma_start3A_1041] : memref<4x!tpu.dma_semaphore, #tpu.memory_space<semaphore_mem>> -> memref<1x!tpu.dma_semaphore, #tpu.memory_space<semaphore_mem>>
    %dma_start3A_1049 = tpu.memref_squeeze %dma_start3A_1048 : memref<1x!tpu.dma_semaphore, #tpu.memory_space<semaphore_mem>> -> memref<!tpu.dma_semaphore, #tpu.memory_space<semaphore_mem>>
    %dma_start3A_1050 = arith.constant 0 : i32
    %dma_start3A_1051 = tpu.memref_slice %arg4[%add3A_1039, %dma_start3A_1050] : memref<106496x128xf32, #tpu.memory_space<hbm>> -> memref<128x128xf32, #tpu.memory_space<hbm>>
    %dma_start3A_1052 = arith.constant 0 : i32
    %dma_start3A_1053 = arith.constant 0 : i32
    %dma_start3A_1054 = tpu.memref_slice %arg6[%dma_start3A_1040, %dma_start3A_1052, %dma_start3A_1053] : memref<4x128x128xf32, #tpu.memory_space<vmem>> -> memref<1x128x128xf32, #tpu.memory_space<vmem>>
    %dma_start3A_1055 = tpu.memref_squeeze %dma_start3A_1054 : memref<1x128x128xf32, #tpu.memory_space<vmem>> -> memref<128x128xf32, #tpu.memory_space<vmem>>
    tpu.enqueue_dma source(%dma_start3A_1055 : memref<128x128xf32, #tpu.memory_space<vmem>>) target(%dma_start3A_1051 : memref<128x128xf32, #tpu.memory_space<hbm>>) target_semaphore(%dma_start3A_1049 : memref<!tpu.dma_semaphore, #tpu.memory_space<semaphore_mem>>)
    %dma_wait3A_1056 = arith.constant 2 : i32
    %dma_wait3A_1057 = arith.constant 2 : i32
    %dma_wait3A_1058 = arith.constant 0 : i32
    %dma_wait3A_1059 = arith.constant 0 : i32
    %dma_wait3A_1060 = tpu.memref_slice %arg6[%dma_wait3A_1056, %dma_wait3A_1058, %dma_wait3A_1059] : memref<4x128x128xf32, #tpu.memory_space<vmem>> -> memref<1x128x128xf32, #tpu.memory_space<vmem>>
    %dma_wait3A_1061 = tpu.memref_squeeze %dma_wait3A_1060 : memref<1x128x128xf32, #tpu.memory_space<vmem>> -> memref<128x128xf32, #tpu.memory_space<vmem>>
    %dma_wait3A_1062 = arith.constant 0 : i32
    %dma_wait3A_1063 = tpu.memref_slice %arg4[%add3A_911, %dma_wait3A_1062] : memref<106496x128xf32, #tpu.memory_space<hbm>> -> memref<128x128xf32, #tpu.memory_space<hbm>>
    %dma_wait3A_1064 = tpu.memref_slice %arg8[%dma_wait3A_1057] : memref<4x!tpu.dma_semaphore, #tpu.memory_space<semaphore_mem>> -> memref<1x!tpu.dma_semaphore, #tpu.memory_space<semaphore_mem>>
    %dma_wait3A_1065 = tpu.memref_squeeze %dma_wait3A_1064 : memref<1x!tpu.dma_semaphore, #tpu.memory_space<semaphore_mem>> -> memref<!tpu.dma_semaphore, #tpu.memory_space<semaphore_mem>>
    %dma_wait3A_1066 = arith.constant 0 : i32
    %dma_wait3A_1067 = tpu.memref_slice %arg4[%add3A_911, %dma_wait3A_1066] : memref<106496x128xf32, #tpu.memory_space<hbm>> -> memref<128x128xf32, #tpu.memory_space<hbm>>
    %dma_wait3A_1068 = arith.constant 0 : i32
    %dma_wait3A_1069 = arith.constant 0 : i32
    %dma_wait3A_1070 = tpu.memref_slice %arg6[%dma_wait3A_1056, %dma_wait3A_1068, %dma_wait3A_1069] : memref<4x128x128xf32, #tpu.memory_space<vmem>> -> memref<1x128x128xf32, #tpu.memory_space<vmem>>
    %dma_wait3A_1071 = tpu.memref_squeeze %dma_wait3A_1070 : memref<1x128x128xf32, #tpu.memory_space<vmem>> -> memref<128x128xf32, #tpu.memory_space<vmem>>
    tpu.wait_dma2 semaphore(%dma_wait3A_1065 : memref<!tpu.dma_semaphore, #tpu.memory_space<semaphore_mem>>) src(%dma_wait3A_1071 : memref<128x128xf32, #tpu.memory_space<vmem>>) dst(%dma_wait3A_1067 : memref<128x128xf32, #tpu.memory_space<hbm>>)
    %dma_start3A_1072 = arith.constant 18 : i32
    %dma_start3A_1073 = arith.constant 2 : i32
    %dma_start3A_1074 = arith.constant 2 : i32
    %dma_start3A_1075 = arith.constant 0 : i32
    %dma_start3A_1076 = arith.constant 0 : i32
    %dma_start3A_1077 = tpu.memref_slice %arg6[%dma_start3A_1073, %dma_start3A_1075, %dma_start3A_1076] : memref<4x128x128xf32, #tpu.memory_space<vmem>> -> memref<1x128x128xf32, #tpu.memory_space<vmem>>
    %dma_start3A_1078 = tpu.memref_squeeze %dma_start3A_1077 : memref<1x128x128xf32, #tpu.memory_space<vmem>> -> memref<128x128xf32, #tpu.memory_space<vmem>>
    %dma_start3A_1079 = arith.constant 0 : i32
    %dma_start3A_1080 = tpu.memref_slice %arg5[%dma_start3A_1072, %dma_start3A_1079] : memref<26x128xi32, #tpu.memory_space<vmem>> -> memref<1x128xi32, #tpu.memory_space<vmem>>
    %dma_start3A_1081 = tpu.memref_squeeze %dma_start3A_1080 : memref<1x128xi32, #tpu.memory_space<vmem>> -> memref<128xi32, #tpu.memory_space<vmem>>
    %dma_start3A_1082 = arith.constant 0 : i32
    %dma_start3A_1083 = arith.constant 0 : i32
    %dma_start3A_1084 = tpu.memref_slice %arg2[%dma_start3A_1082, %dma_start3A_1083] : memref<26000x128xf32, #tpu.memory_space<hbm>> -> memref<26000x128xf32, #tpu.memory_space<hbm>>
    %dma_start3A_1085 = tpu.memref_slice %arg7[%dma_start3A_1074] : memref<4x!tpu.dma_semaphore, #tpu.memory_space<semaphore_mem>> -> memref<1x!tpu.dma_semaphore, #tpu.memory_space<semaphore_mem>>
    %dma_start3A_1086 = tpu.memref_squeeze %dma_start3A_1085 : memref<1x!tpu.dma_semaphore, #tpu.memory_space<semaphore_mem>> -> memref<!tpu.dma_semaphore, #tpu.memory_space<semaphore_mem>>
    tpu.enqueue_indirect_dma source(%dma_start3A_1084 : memref<26000x128xf32, #tpu.memory_space<hbm>>) target(%dma_start3A_1078 : memref<128x128xf32, #tpu.memory_space<vmem>>) offsets(%dma_start3A_1081 : memref<128xi32, #tpu.memory_space<vmem>>) semaphore(%dma_start3A_1086 : memref<!tpu.dma_semaphore, #tpu.memory_space<semaphore_mem>>)
    %dma_wait3A_1087 = arith.constant 17 : i32
    %dma_wait3A_1088 = arith.constant 1 : i32
    %dma_wait3A_1089 = arith.constant 1 : i32
    %dma_wait3A_1090 = arith.constant 0 : i32
    %dma_wait3A_1091 = arith.constant 0 : i32
    %dma_wait3A_1092 = tpu.memref_slice %arg6[%dma_wait3A_1088, %dma_wait3A_1090, %dma_wait3A_1091] : memref<4x128x128xf32, #tpu.memory_space<vmem>> -> memref<1x128x128xf32, #tpu.memory_space<vmem>>
    %dma_wait3A_1093 = tpu.memref_squeeze %dma_wait3A_1092 : memref<1x128x128xf32, #tpu.memory_space<vmem>> -> memref<128x128xf32, #tpu.memory_space<vmem>>
    %dma_wait3A_1094 = arith.constant 0 : i32
    %dma_wait3A_1095 = tpu.memref_slice %arg5[%dma_wait3A_1087, %dma_wait3A_1094] : memref<26x128xi32, #tpu.memory_space<vmem>> -> memref<1x128xi32, #tpu.memory_space<vmem>>
    %dma_wait3A_1096 = tpu.memref_squeeze %dma_wait3A_1095 : memref<1x128xi32, #tpu.memory_space<vmem>> -> memref<128xi32, #tpu.memory_space<vmem>>
    %dma_wait3A_1097 = arith.constant 0 : i32
    %dma_wait3A_1098 = arith.constant 0 : i32
    %dma_wait3A_1099 = tpu.memref_slice %arg2[%dma_wait3A_1097, %dma_wait3A_1098] : memref<26000x128xf32, #tpu.memory_space<hbm>> -> memref<26000x128xf32, #tpu.memory_space<hbm>>
    %dma_wait3A_1100 = tpu.memref_slice %arg7[%dma_wait3A_1089] : memref<4x!tpu.dma_semaphore, #tpu.memory_space<semaphore_mem>> -> memref<1x!tpu.dma_semaphore, #tpu.memory_space<semaphore_mem>>
    %dma_wait3A_1101 = tpu.memref_squeeze %dma_wait3A_1100 : memref<1x!tpu.dma_semaphore, #tpu.memory_space<semaphore_mem>> -> memref<!tpu.dma_semaphore, #tpu.memory_space<semaphore_mem>>
    tpu.wait_indirect_dma semaphore(%dma_wait3A_1101 : memref<!tpu.dma_semaphore, #tpu.memory_space<semaphore_mem>>) src(%dma_wait3A_1099 : memref<26000x128xf32, #tpu.memory_space<hbm>>) dst(%dma_wait3A_1093 : memref<128x128xf32, #tpu.memory_space<vmem>>)
    %add3A_1102 = arith.constant 2176 : i32
    %add3A_1103 = arith.addi %mul3A_2, %add3A_1102 : i32
    %dma_start3A_1104 = arith.constant 1 : i32
    %dma_start3A_1105 = arith.constant 1 : i32
    %dma_start3A_1106 = arith.constant 0 : i32
    %dma_start3A_1107 = arith.constant 0 : i32
    %dma_start3A_1108 = tpu.memref_slice %arg6[%dma_start3A_1104, %dma_start3A_1106, %dma_start3A_1107] : memref<4x128x128xf32, #tpu.memory_space<vmem>> -> memref<1x128x128xf32, #tpu.memory_space<vmem>>
    %dma_start3A_1109 = tpu.memref_squeeze %dma_start3A_1108 : memref<1x128x128xf32, #tpu.memory_space<vmem>> -> memref<128x128xf32, #tpu.memory_space<vmem>>
    %dma_start3A_1110 = arith.constant 0 : i32
    %dma_start3A_1111 = tpu.memref_slice %arg4[%add3A_1103, %dma_start3A_1110] : memref<106496x128xf32, #tpu.memory_space<hbm>> -> memref<128x128xf32, #tpu.memory_space<hbm>>
    %dma_start3A_1112 = tpu.memref_slice %arg8[%dma_start3A_1105] : memref<4x!tpu.dma_semaphore, #tpu.memory_space<semaphore_mem>> -> memref<1x!tpu.dma_semaphore, #tpu.memory_space<semaphore_mem>>
    %dma_start3A_1113 = tpu.memref_squeeze %dma_start3A_1112 : memref<1x!tpu.dma_semaphore, #tpu.memory_space<semaphore_mem>> -> memref<!tpu.dma_semaphore, #tpu.memory_space<semaphore_mem>>
    %dma_start3A_1114 = arith.constant 0 : i32
    %dma_start3A_1115 = tpu.memref_slice %arg4[%add3A_1103, %dma_start3A_1114] : memref<106496x128xf32, #tpu.memory_space<hbm>> -> memref<128x128xf32, #tpu.memory_space<hbm>>
    %dma_start3A_1116 = arith.constant 0 : i32
    %dma_start3A_1117 = arith.constant 0 : i32
    %dma_start3A_1118 = tpu.memref_slice %arg6[%dma_start3A_1104, %dma_start3A_1116, %dma_start3A_1117] : memref<4x128x128xf32, #tpu.memory_space<vmem>> -> memref<1x128x128xf32, #tpu.memory_space<vmem>>
    %dma_start3A_1119 = tpu.memref_squeeze %dma_start3A_1118 : memref<1x128x128xf32, #tpu.memory_space<vmem>> -> memref<128x128xf32, #tpu.memory_space<vmem>>
    tpu.enqueue_dma source(%dma_start3A_1119 : memref<128x128xf32, #tpu.memory_space<vmem>>) target(%dma_start3A_1115 : memref<128x128xf32, #tpu.memory_space<hbm>>) target_semaphore(%dma_start3A_1113 : memref<!tpu.dma_semaphore, #tpu.memory_space<semaphore_mem>>)
    %dma_wait3A_1120 = arith.constant 3 : i32
    %dma_wait3A_1121 = arith.constant 3 : i32
    %dma_wait3A_1122 = arith.constant 0 : i32
    %dma_wait3A_1123 = arith.constant 0 : i32
    %dma_wait3A_1124 = tpu.memref_slice %arg6[%dma_wait3A_1120, %dma_wait3A_1122, %dma_wait3A_1123] : memref<4x128x128xf32, #tpu.memory_space<vmem>> -> memref<1x128x128xf32, #tpu.memory_space<vmem>>
    %dma_wait3A_1125 = tpu.memref_squeeze %dma_wait3A_1124 : memref<1x128x128xf32, #tpu.memory_space<vmem>> -> memref<128x128xf32, #tpu.memory_space<vmem>>
    %dma_wait3A_1126 = arith.constant 0 : i32
    %dma_wait3A_1127 = tpu.memref_slice %arg4[%add3A_975, %dma_wait3A_1126] : memref<106496x128xf32, #tpu.memory_space<hbm>> -> memref<128x128xf32, #tpu.memory_space<hbm>>
    %dma_wait3A_1128 = tpu.memref_slice %arg8[%dma_wait3A_1121] : memref<4x!tpu.dma_semaphore, #tpu.memory_space<semaphore_mem>> -> memref<1x!tpu.dma_semaphore, #tpu.memory_space<semaphore_mem>>
    %dma_wait3A_1129 = tpu.memref_squeeze %dma_wait3A_1128 : memref<1x!tpu.dma_semaphore, #tpu.memory_space<semaphore_mem>> -> memref<!tpu.dma_semaphore, #tpu.memory_space<semaphore_mem>>
    %dma_wait3A_1130 = arith.constant 0 : i32
    %dma_wait3A_1131 = tpu.memref_slice %arg4[%add3A_975, %dma_wait3A_1130] : memref<106496x128xf32, #tpu.memory_space<hbm>> -> memref<128x128xf32, #tpu.memory_space<hbm>>
    %dma_wait3A_1132 = arith.constant 0 : i32
    %dma_wait3A_1133 = arith.constant 0 : i32
    %dma_wait3A_1134 = tpu.memref_slice %arg6[%dma_wait3A_1120, %dma_wait3A_1132, %dma_wait3A_1133] : memref<4x128x128xf32, #tpu.memory_space<vmem>> -> memref<1x128x128xf32, #tpu.memory_space<vmem>>
    %dma_wait3A_1135 = tpu.memref_squeeze %dma_wait3A_1134 : memref<1x128x128xf32, #tpu.memory_space<vmem>> -> memref<128x128xf32, #tpu.memory_space<vmem>>
    tpu.wait_dma2 semaphore(%dma_wait3A_1129 : memref<!tpu.dma_semaphore, #tpu.memory_space<semaphore_mem>>) src(%dma_wait3A_1135 : memref<128x128xf32, #tpu.memory_space<vmem>>) dst(%dma_wait3A_1131 : memref<128x128xf32, #tpu.memory_space<hbm>>)
    %dma_start3A_1136 = arith.constant 19 : i32
    %dma_start3A_1137 = arith.constant 3 : i32
    %dma_start3A_1138 = arith.constant 3 : i32
    %dma_start3A_1139 = arith.constant 0 : i32
    %dma_start3A_1140 = arith.constant 0 : i32
    %dma_start3A_1141 = tpu.memref_slice %arg6[%dma_start3A_1137, %dma_start3A_1139, %dma_start3A_1140] : memref<4x128x128xf32, #tpu.memory_space<vmem>> -> memref<1x128x128xf32, #tpu.memory_space<vmem>>
    %dma_start3A_1142 = tpu.memref_squeeze %dma_start3A_1141 : memref<1x128x128xf32, #tpu.memory_space<vmem>> -> memref<128x128xf32, #tpu.memory_space<vmem>>
    %dma_start3A_1143 = arith.constant 0 : i32
    %dma_start3A_1144 = tpu.memref_slice %arg5[%dma_start3A_1136, %dma_start3A_1143] : memref<26x128xi32, #tpu.memory_space<vmem>> -> memref<1x128xi32, #tpu.memory_space<vmem>>
    %dma_start3A_1145 = tpu.memref_squeeze %dma_start3A_1144 : memref<1x128xi32, #tpu.memory_space<vmem>> -> memref<128xi32, #tpu.memory_space<vmem>>
    %dma_start3A_1146 = arith.constant 0 : i32
    %dma_start3A_1147 = arith.constant 0 : i32
    %dma_start3A_1148 = tpu.memref_slice %arg2[%dma_start3A_1146, %dma_start3A_1147] : memref<26000x128xf32, #tpu.memory_space<hbm>> -> memref<26000x128xf32, #tpu.memory_space<hbm>>
    %dma_start3A_1149 = tpu.memref_slice %arg7[%dma_start3A_1138] : memref<4x!tpu.dma_semaphore, #tpu.memory_space<semaphore_mem>> -> memref<1x!tpu.dma_semaphore, #tpu.memory_space<semaphore_mem>>
    %dma_start3A_1150 = tpu.memref_squeeze %dma_start3A_1149 : memref<1x!tpu.dma_semaphore, #tpu.memory_space<semaphore_mem>> -> memref<!tpu.dma_semaphore, #tpu.memory_space<semaphore_mem>>
    tpu.enqueue_indirect_dma source(%dma_start3A_1148 : memref<26000x128xf32, #tpu.memory_space<hbm>>) target(%dma_start3A_1142 : memref<128x128xf32, #tpu.memory_space<vmem>>) offsets(%dma_start3A_1145 : memref<128xi32, #tpu.memory_space<vmem>>) semaphore(%dma_start3A_1150 : memref<!tpu.dma_semaphore, #tpu.memory_space<semaphore_mem>>)
    %dma_wait3A_1151 = arith.constant 18 : i32
    %dma_wait3A_1152 = arith.constant 2 : i32
    %dma_wait3A_1153 = arith.constant 2 : i32
    %dma_wait3A_1154 = arith.constant 0 : i32
    %dma_wait3A_1155 = arith.constant 0 : i32
    %dma_wait3A_1156 = tpu.memref_slice %arg6[%dma_wait3A_1152, %dma_wait3A_1154, %dma_wait3A_1155] : memref<4x128x128xf32, #tpu.memory_space<vmem>> -> memref<1x128x128xf32, #tpu.memory_space<vmem>>
    %dma_wait3A_1157 = tpu.memref_squeeze %dma_wait3A_1156 : memref<1x128x128xf32, #tpu.memory_space<vmem>> -> memref<128x128xf32, #tpu.memory_space<vmem>>
    %dma_wait3A_1158 = arith.constant 0 : i32
    %dma_wait3A_1159 = tpu.memref_slice %arg5[%dma_wait3A_1151, %dma_wait3A_1158] : memref<26x128xi32, #tpu.memory_space<vmem>> -> memref<1x128xi32, #tpu.memory_space<vmem>>
    %dma_wait3A_1160 = tpu.memref_squeeze %dma_wait3A_1159 : memref<1x128xi32, #tpu.memory_space<vmem>> -> memref<128xi32, #tpu.memory_space<vmem>>
    %dma_wait3A_1161 = arith.constant 0 : i32
    %dma_wait3A_1162 = arith.constant 0 : i32
    %dma_wait3A_1163 = tpu.memref_slice %arg2[%dma_wait3A_1161, %dma_wait3A_1162] : memref<26000x128xf32, #tpu.memory_space<hbm>> -> memref<26000x128xf32, #tpu.memory_space<hbm>>
    %dma_wait3A_1164 = tpu.memref_slice %arg7[%dma_wait3A_1153] : memref<4x!tpu.dma_semaphore, #tpu.memory_space<semaphore_mem>> -> memref<1x!tpu.dma_semaphore, #tpu.memory_space<semaphore_mem>>
    %dma_wait3A_1165 = tpu.memref_squeeze %dma_wait3A_1164 : memref<1x!tpu.dma_semaphore, #tpu.memory_space<semaphore_mem>> -> memref<!tpu.dma_semaphore, #tpu.memory_space<semaphore_mem>>
    tpu.wait_indirect_dma semaphore(%dma_wait3A_1165 : memref<!tpu.dma_semaphore, #tpu.memory_space<semaphore_mem>>) src(%dma_wait3A_1163 : memref<26000x128xf32, #tpu.memory_space<hbm>>) dst(%dma_wait3A_1157 : memref<128x128xf32, #tpu.memory_space<vmem>>)
    %add3A_1166 = arith.constant 2304 : i32
    %add3A_1167 = arith.addi %mul3A_2, %add3A_1166 : i32
    %dma_start3A_1168 = arith.constant 2 : i32
    %dma_start3A_1169 = arith.constant 2 : i32
    %dma_start3A_1170 = arith.constant 0 : i32
    %dma_start3A_1171 = arith.constant 0 : i32
    %dma_start3A_1172 = tpu.memref_slice %arg6[%dma_start3A_1168, %dma_start3A_1170, %dma_start3A_1171] : memref<4x128x128xf32, #tpu.memory_space<vmem>> -> memref<1x128x128xf32, #tpu.memory_space<vmem>>
    %dma_start3A_1173 = tpu.memref_squeeze %dma_start3A_1172 : memref<1x128x128xf32, #tpu.memory_space<vmem>> -> memref<128x128xf32, #tpu.memory_space<vmem>>
    %dma_start3A_1174 = arith.constant 0 : i32
    %dma_start3A_1175 = tpu.memref_slice %arg4[%add3A_1167, %dma_start3A_1174] : memref<106496x128xf32, #tpu.memory_space<hbm>> -> memref<128x128xf32, #tpu.memory_space<hbm>>
    %dma_start3A_1176 = tpu.memref_slice %arg8[%dma_start3A_1169] : memref<4x!tpu.dma_semaphore, #tpu.memory_space<semaphore_mem>> -> memref<1x!tpu.dma_semaphore, #tpu.memory_space<semaphore_mem>>
    %dma_start3A_1177 = tpu.memref_squeeze %dma_start3A_1176 : memref<1x!tpu.dma_semaphore, #tpu.memory_space<semaphore_mem>> -> memref<!tpu.dma_semaphore, #tpu.memory_space<semaphore_mem>>
    %dma_start3A_1178 = arith.constant 0 : i32
    %dma_start3A_1179 = tpu.memref_slice %arg4[%add3A_1167, %dma_start3A_1178] : memref<106496x128xf32, #tpu.memory_space<hbm>> -> memref<128x128xf32, #tpu.memory_space<hbm>>
    %dma_start3A_1180 = arith.constant 0 : i32
    %dma_start3A_1181 = arith.constant 0 : i32
    %dma_start3A_1182 = tpu.memref_slice %arg6[%dma_start3A_1168, %dma_start3A_1180, %dma_start3A_1181] : memref<4x128x128xf32, #tpu.memory_space<vmem>> -> memref<1x128x128xf32, #tpu.memory_space<vmem>>
    %dma_start3A_1183 = tpu.memref_squeeze %dma_start3A_1182 : memref<1x128x128xf32, #tpu.memory_space<vmem>> -> memref<128x128xf32, #tpu.memory_space<vmem>>
    tpu.enqueue_dma source(%dma_start3A_1183 : memref<128x128xf32, #tpu.memory_space<vmem>>) target(%dma_start3A_1179 : memref<128x128xf32, #tpu.memory_space<hbm>>) target_semaphore(%dma_start3A_1177 : memref<!tpu.dma_semaphore, #tpu.memory_space<semaphore_mem>>)
    %dma_wait3A_1184 = arith.constant 0 : i32
    %dma_wait3A_1185 = arith.constant 0 : i32
    %dma_wait3A_1186 = arith.constant 0 : i32
    %dma_wait3A_1187 = arith.constant 0 : i32
    %dma_wait3A_1188 = tpu.memref_slice %arg6[%dma_wait3A_1184, %dma_wait3A_1186, %dma_wait3A_1187] : memref<4x128x128xf32, #tpu.memory_space<vmem>> -> memref<1x128x128xf32, #tpu.memory_space<vmem>>
    %dma_wait3A_1189 = tpu.memref_squeeze %dma_wait3A_1188 : memref<1x128x128xf32, #tpu.memory_space<vmem>> -> memref<128x128xf32, #tpu.memory_space<vmem>>
    %dma_wait3A_1190 = arith.constant 0 : i32
    %dma_wait3A_1191 = tpu.memref_slice %arg4[%add3A_1039, %dma_wait3A_1190] : memref<106496x128xf32, #tpu.memory_space<hbm>> -> memref<128x128xf32, #tpu.memory_space<hbm>>
    %dma_wait3A_1192 = tpu.memref_slice %arg8[%dma_wait3A_1185] : memref<4x!tpu.dma_semaphore, #tpu.memory_space<semaphore_mem>> -> memref<1x!tpu.dma_semaphore, #tpu.memory_space<semaphore_mem>>
    %dma_wait3A_1193 = tpu.memref_squeeze %dma_wait3A_1192 : memref<1x!tpu.dma_semaphore, #tpu.memory_space<semaphore_mem>> -> memref<!tpu.dma_semaphore, #tpu.memory_space<semaphore_mem>>
    %dma_wait3A_1194 = arith.constant 0 : i32
    %dma_wait3A_1195 = tpu.memref_slice %arg4[%add3A_1039, %dma_wait3A_1194] : memref<106496x128xf32, #tpu.memory_space<hbm>> -> memref<128x128xf32, #tpu.memory_space<hbm>>
    %dma_wait3A_1196 = arith.constant 0 : i32
    %dma_wait3A_1197 = arith.constant 0 : i32
    %dma_wait3A_1198 = tpu.memref_slice %arg6[%dma_wait3A_1184, %dma_wait3A_1196, %dma_wait3A_1197] : memref<4x128x128xf32, #tpu.memory_space<vmem>> -> memref<1x128x128xf32, #tpu.memory_space<vmem>>
    %dma_wait3A_1199 = tpu.memref_squeeze %dma_wait3A_1198 : memref<1x128x128xf32, #tpu.memory_space<vmem>> -> memref<128x128xf32, #tpu.memory_space<vmem>>
    tpu.wait_dma2 semaphore(%dma_wait3A_1193 : memref<!tpu.dma_semaphore, #tpu.memory_space<semaphore_mem>>) src(%dma_wait3A_1199 : memref<128x128xf32, #tpu.memory_space<vmem>>) dst(%dma_wait3A_1195 : memref<128x128xf32, #tpu.memory_space<hbm>>)
    %dma_start3A_1200 = arith.constant 20 : i32
    %dma_start3A_1201 = arith.constant 0 : i32
    %dma_start3A_1202 = arith.constant 0 : i32
    %dma_start3A_1203 = arith.constant 0 : i32
    %dma_start3A_1204 = arith.constant 0 : i32
    %dma_start3A_1205 = tpu.memref_slice %arg6[%dma_start3A_1201, %dma_start3A_1203, %dma_start3A_1204] : memref<4x128x128xf32, #tpu.memory_space<vmem>> -> memref<1x128x128xf32, #tpu.memory_space<vmem>>
    %dma_start3A_1206 = tpu.memref_squeeze %dma_start3A_1205 : memref<1x128x128xf32, #tpu.memory_space<vmem>> -> memref<128x128xf32, #tpu.memory_space<vmem>>
    %dma_start3A_1207 = arith.constant 0 : i32
    %dma_start3A_1208 = tpu.memref_slice %arg5[%dma_start3A_1200, %dma_start3A_1207] : memref<26x128xi32, #tpu.memory_space<vmem>> -> memref<1x128xi32, #tpu.memory_space<vmem>>
    %dma_start3A_1209 = tpu.memref_squeeze %dma_start3A_1208 : memref<1x128xi32, #tpu.memory_space<vmem>> -> memref<128xi32, #tpu.memory_space<vmem>>
    %dma_start3A_1210 = arith.constant 0 : i32
    %dma_start3A_1211 = arith.constant 0 : i32
    %dma_start3A_1212 = tpu.memref_slice %arg2[%dma_start3A_1210, %dma_start3A_1211] : memref<26000x128xf32, #tpu.memory_space<hbm>> -> memref<26000x128xf32, #tpu.memory_space<hbm>>
    %dma_start3A_1213 = tpu.memref_slice %arg7[%dma_start3A_1202] : memref<4x!tpu.dma_semaphore, #tpu.memory_space<semaphore_mem>> -> memref<1x!tpu.dma_semaphore, #tpu.memory_space<semaphore_mem>>
    %dma_start3A_1214 = tpu.memref_squeeze %dma_start3A_1213 : memref<1x!tpu.dma_semaphore, #tpu.memory_space<semaphore_mem>> -> memref<!tpu.dma_semaphore, #tpu.memory_space<semaphore_mem>>
    tpu.enqueue_indirect_dma source(%dma_start3A_1212 : memref<26000x128xf32, #tpu.memory_space<hbm>>) target(%dma_start3A_1206 : memref<128x128xf32, #tpu.memory_space<vmem>>) offsets(%dma_start3A_1209 : memref<128xi32, #tpu.memory_space<vmem>>) semaphore(%dma_start3A_1214 : memref<!tpu.dma_semaphore, #tpu.memory_space<semaphore_mem>>)
    %dma_wait3A_1215 = arith.constant 19 : i32
    %dma_wait3A_1216 = arith.constant 3 : i32
    %dma_wait3A_1217 = arith.constant 3 : i32
    %dma_wait3A_1218 = arith.constant 0 : i32
    %dma_wait3A_1219 = arith.constant 0 : i32
    %dma_wait3A_1220 = tpu.memref_slice %arg6[%dma_wait3A_1216, %dma_wait3A_1218, %dma_wait3A_1219] : memref<4x128x128xf32, #tpu.memory_space<vmem>> -> memref<1x128x128xf32, #tpu.memory_space<vmem>>
    %dma_wait3A_1221 = tpu.memref_squeeze %dma_wait3A_1220 : memref<1x128x128xf32, #tpu.memory_space<vmem>> -> memref<128x128xf32, #tpu.memory_space<vmem>>
    %dma_wait3A_1222 = arith.constant 0 : i32
    %dma_wait3A_1223 = tpu.memref_slice %arg5[%dma_wait3A_1215, %dma_wait3A_1222] : memref<26x128xi32, #tpu.memory_space<vmem>> -> memref<1x128xi32, #tpu.memory_space<vmem>>
    %dma_wait3A_1224 = tpu.memref_squeeze %dma_wait3A_1223 : memref<1x128xi32, #tpu.memory_space<vmem>> -> memref<128xi32, #tpu.memory_space<vmem>>
    %dma_wait3A_1225 = arith.constant 0 : i32
    %dma_wait3A_1226 = arith.constant 0 : i32
    %dma_wait3A_1227 = tpu.memref_slice %arg2[%dma_wait3A_1225, %dma_wait3A_1226] : memref<26000x128xf32, #tpu.memory_space<hbm>> -> memref<26000x128xf32, #tpu.memory_space<hbm>>
    %dma_wait3A_1228 = tpu.memref_slice %arg7[%dma_wait3A_1217] : memref<4x!tpu.dma_semaphore, #tpu.memory_space<semaphore_mem>> -> memref<1x!tpu.dma_semaphore, #tpu.memory_space<semaphore_mem>>
    %dma_wait3A_1229 = tpu.memref_squeeze %dma_wait3A_1228 : memref<1x!tpu.dma_semaphore, #tpu.memory_space<semaphore_mem>> -> memref<!tpu.dma_semaphore, #tpu.memory_space<semaphore_mem>>
    tpu.wait_indirect_dma semaphore(%dma_wait3A_1229 : memref<!tpu.dma_semaphore, #tpu.memory_space<semaphore_mem>>) src(%dma_wait3A_1227 : memref<26000x128xf32, #tpu.memory_space<hbm>>) dst(%dma_wait3A_1221 : memref<128x128xf32, #tpu.memory_space<vmem>>)
    %add3A_1230 = arith.constant 2432 : i32
    %add3A_1231 = arith.addi %mul3A_2, %add3A_1230 : i32
    %dma_start3A_1232 = arith.constant 3 : i32
    %dma_start3A_1233 = arith.constant 3 : i32
    %dma_start3A_1234 = arith.constant 0 : i32
    %dma_start3A_1235 = arith.constant 0 : i32
    %dma_start3A_1236 = tpu.memref_slice %arg6[%dma_start3A_1232, %dma_start3A_1234, %dma_start3A_1235] : memref<4x128x128xf32, #tpu.memory_space<vmem>> -> memref<1x128x128xf32, #tpu.memory_space<vmem>>
    %dma_start3A_1237 = tpu.memref_squeeze %dma_start3A_1236 : memref<1x128x128xf32, #tpu.memory_space<vmem>> -> memref<128x128xf32, #tpu.memory_space<vmem>>
    %dma_start3A_1238 = arith.constant 0 : i32
    %dma_start3A_1239 = tpu.memref_slice %arg4[%add3A_1231, %dma_start3A_1238] : memref<106496x128xf32, #tpu.memory_space<hbm>> -> memref<128x128xf32, #tpu.memory_space<hbm>>
    %dma_start3A_1240 = tpu.memref_slice %arg8[%dma_start3A_1233] : memref<4x!tpu.dma_semaphore, #tpu.memory_space<semaphore_mem>> -> memref<1x!tpu.dma_semaphore, #tpu.memory_space<semaphore_mem>>
    %dma_start3A_1241 = tpu.memref_squeeze %dma_start3A_1240 : memref<1x!tpu.dma_semaphore, #tpu.memory_space<semaphore_mem>> -> memref<!tpu.dma_semaphore, #tpu.memory_space<semaphore_mem>>
    %dma_start3A_1242 = arith.constant 0 : i32
    %dma_start3A_1243 = tpu.memref_slice %arg4[%add3A_1231, %dma_start3A_1242] : memref<106496x128xf32, #tpu.memory_space<hbm>> -> memref<128x128xf32, #tpu.memory_space<hbm>>
    %dma_start3A_1244 = arith.constant 0 : i32
    %dma_start3A_1245 = arith.constant 0 : i32
    %dma_start3A_1246 = tpu.memref_slice %arg6[%dma_start3A_1232, %dma_start3A_1244, %dma_start3A_1245] : memref<4x128x128xf32, #tpu.memory_space<vmem>> -> memref<1x128x128xf32, #tpu.memory_space<vmem>>
    %dma_start3A_1247 = tpu.memref_squeeze %dma_start3A_1246 : memref<1x128x128xf32, #tpu.memory_space<vmem>> -> memref<128x128xf32, #tpu.memory_space<vmem>>
    tpu.enqueue_dma source(%dma_start3A_1247 : memref<128x128xf32, #tpu.memory_space<vmem>>) target(%dma_start3A_1243 : memref<128x128xf32, #tpu.memory_space<hbm>>) target_semaphore(%dma_start3A_1241 : memref<!tpu.dma_semaphore, #tpu.memory_space<semaphore_mem>>)
    %dma_wait3A_1248 = arith.constant 1 : i32
    %dma_wait3A_1249 = arith.constant 1 : i32
    %dma_wait3A_1250 = arith.constant 0 : i32
    %dma_wait3A_1251 = arith.constant 0 : i32
    %dma_wait3A_1252 = tpu.memref_slice %arg6[%dma_wait3A_1248, %dma_wait3A_1250, %dma_wait3A_1251] : memref<4x128x128xf32, #tpu.memory_space<vmem>> -> memref<1x128x128xf32, #tpu.memory_space<vmem>>
    %dma_wait3A_1253 = tpu.memref_squeeze %dma_wait3A_1252 : memref<1x128x128xf32, #tpu.memory_space<vmem>> -> memref<128x128xf32, #tpu.memory_space<vmem>>
    %dma_wait3A_1254 = arith.constant 0 : i32
    %dma_wait3A_1255 = tpu.memref_slice %arg4[%add3A_1103, %dma_wait3A_1254] : memref<106496x128xf32, #tpu.memory_space<hbm>> -> memref<128x128xf32, #tpu.memory_space<hbm>>
    %dma_wait3A_1256 = tpu.memref_slice %arg8[%dma_wait3A_1249] : memref<4x!tpu.dma_semaphore, #tpu.memory_space<semaphore_mem>> -> memref<1x!tpu.dma_semaphore, #tpu.memory_space<semaphore_mem>>
    %dma_wait3A_1257 = tpu.memref_squeeze %dma_wait3A_1256 : memref<1x!tpu.dma_semaphore, #tpu.memory_space<semaphore_mem>> -> memref<!tpu.dma_semaphore, #tpu.memory_space<semaphore_mem>>
    %dma_wait3A_1258 = arith.constant 0 : i32
    %dma_wait3A_1259 = tpu.memref_slice %arg4[%add3A_1103, %dma_wait3A_1258] : memref<106496x128xf32, #tpu.memory_space<hbm>> -> memref<128x128xf32, #tpu.memory_space<hbm>>
    %dma_wait3A_1260 = arith.constant 0 : i32
    %dma_wait3A_1261 = arith.constant 0 : i32
    %dma_wait3A_1262 = tpu.memref_slice %arg6[%dma_wait3A_1248, %dma_wait3A_1260, %dma_wait3A_1261] : memref<4x128x128xf32, #tpu.memory_space<vmem>> -> memref<1x128x128xf32, #tpu.memory_space<vmem>>
    %dma_wait3A_1263 = tpu.memref_squeeze %dma_wait3A_1262 : memref<1x128x128xf32, #tpu.memory_space<vmem>> -> memref<128x128xf32, #tpu.memory_space<vmem>>
    tpu.wait_dma2 semaphore(%dma_wait3A_1257 : memref<!tpu.dma_semaphore, #tpu.memory_space<semaphore_mem>>) src(%dma_wait3A_1263 : memref<128x128xf32, #tpu.memory_space<vmem>>) dst(%dma_wait3A_1259 : memref<128x128xf32, #tpu.memory_space<hbm>>)
    %dma_start3A_1264 = arith.constant 21 : i32
    %dma_start3A_1265 = arith.constant 1 : i32
    %dma_start3A_1266 = arith.constant 1 : i32
    %dma_start3A_1267 = arith.constant 0 : i32
    %dma_start3A_1268 = arith.constant 0 : i32
    %dma_start3A_1269 = tpu.memref_slice %arg6[%dma_start3A_1265, %dma_start3A_1267, %dma_start3A_1268] : memref<4x128x128xf32, #tpu.memory_space<vmem>> -> memref<1x128x128xf32, #tpu.memory_space<vmem>>
    %dma_start3A_1270 = tpu.memref_squeeze %dma_start3A_1269 : memref<1x128x128xf32, #tpu.memory_space<vmem>> -> memref<128x128xf32, #tpu.memory_space<vmem>>
    %dma_start3A_1271 = arith.constant 0 : i32
    %dma_start3A_1272 = tpu.memref_slice %arg5[%dma_start3A_1264, %dma_start3A_1271] : memref<26x128xi32, #tpu.memory_space<vmem>> -> memref<1x128xi32, #tpu.memory_space<vmem>>
    %dma_start3A_1273 = tpu.memref_squeeze %dma_start3A_1272 : memref<1x128xi32, #tpu.memory_space<vmem>> -> memref<128xi32, #tpu.memory_space<vmem>>
    %dma_start3A_1274 = arith.constant 0 : i32
    %dma_start3A_1275 = arith.constant 0 : i32
    %dma_start3A_1276 = tpu.memref_slice %arg2[%dma_start3A_1274, %dma_start3A_1275] : memref<26000x128xf32, #tpu.memory_space<hbm>> -> memref<26000x128xf32, #tpu.memory_space<hbm>>
    %dma_start3A_1277 = tpu.memref_slice %arg7[%dma_start3A_1266] : memref<4x!tpu.dma_semaphore, #tpu.memory_space<semaphore_mem>> -> memref<1x!tpu.dma_semaphore, #tpu.memory_space<semaphore_mem>>
    %dma_start3A_1278 = tpu.memref_squeeze %dma_start3A_1277 : memref<1x!tpu.dma_semaphore, #tpu.memory_space<semaphore_mem>> -> memref<!tpu.dma_semaphore, #tpu.memory_space<semaphore_mem>>
    tpu.enqueue_indirect_dma source(%dma_start3A_1276 : memref<26000x128xf32, #tpu.memory_space<hbm>>) target(%dma_start3A_1270 : memref<128x128xf32, #tpu.memory_space<vmem>>) offsets(%dma_start3A_1273 : memref<128xi32, #tpu.memory_space<vmem>>) semaphore(%dma_start3A_1278 : memref<!tpu.dma_semaphore, #tpu.memory_space<semaphore_mem>>)
    %dma_wait3A_1279 = arith.constant 20 : i32
    %dma_wait3A_1280 = arith.constant 0 : i32
    %dma_wait3A_1281 = arith.constant 0 : i32
    %dma_wait3A_1282 = arith.constant 0 : i32
    %dma_wait3A_1283 = arith.constant 0 : i32
    %dma_wait3A_1284 = tpu.memref_slice %arg6[%dma_wait3A_1280, %dma_wait3A_1282, %dma_wait3A_1283] : memref<4x128x128xf32, #tpu.memory_space<vmem>> -> memref<1x128x128xf32, #tpu.memory_space<vmem>>
    %dma_wait3A_1285 = tpu.memref_squeeze %dma_wait3A_1284 : memref<1x128x128xf32, #tpu.memory_space<vmem>> -> memref<128x128xf32, #tpu.memory_space<vmem>>
    %dma_wait3A_1286 = arith.constant 0 : i32
    %dma_wait3A_1287 = tpu.memref_slice %arg5[%dma_wait3A_1279, %dma_wait3A_1286] : memref<26x128xi32, #tpu.memory_space<vmem>> -> memref<1x128xi32, #tpu.memory_space<vmem>>
    %dma_wait3A_1288 = tpu.memref_squeeze %dma_wait3A_1287 : memref<1x128xi32, #tpu.memory_space<vmem>> -> memref<128xi32, #tpu.memory_space<vmem>>
    %dma_wait3A_1289 = arith.constant 0 : i32
    %dma_wait3A_1290 = arith.constant 0 : i32
    %dma_wait3A_1291 = tpu.memref_slice %arg2[%dma_wait3A_1289, %dma_wait3A_1290] : memref<26000x128xf32, #tpu.memory_space<hbm>> -> memref<26000x128xf32, #tpu.memory_space<hbm>>
    %dma_wait3A_1292 = tpu.memref_slice %arg7[%dma_wait3A_1281] : memref<4x!tpu.dma_semaphore, #tpu.memory_space<semaphore_mem>> -> memref<1x!tpu.dma_semaphore, #tpu.memory_space<semaphore_mem>>
    %dma_wait3A_1293 = tpu.memref_squeeze %dma_wait3A_1292 : memref<1x!tpu.dma_semaphore, #tpu.memory_space<semaphore_mem>> -> memref<!tpu.dma_semaphore, #tpu.memory_space<semaphore_mem>>
    tpu.wait_indirect_dma semaphore(%dma_wait3A_1293 : memref<!tpu.dma_semaphore, #tpu.memory_space<semaphore_mem>>) src(%dma_wait3A_1291 : memref<26000x128xf32, #tpu.memory_space<hbm>>) dst(%dma_wait3A_1285 : memref<128x128xf32, #tpu.memory_space<vmem>>)
    %add3A_1294 = arith.constant 2560 : i32
    %add3A_1295 = arith.addi %mul3A_2, %add3A_1294 : i32
    %dma_start3A_1296 = arith.constant 0 : i32
    %dma_start3A_1297 = arith.constant 0 : i32
    %dma_start3A_1298 = arith.constant 0 : i32
    %dma_start3A_1299 = arith.constant 0 : i32
    %dma_start3A_1300 = tpu.memref_slice %arg6[%dma_start3A_1296, %dma_start3A_1298, %dma_start3A_1299] : memref<4x128x128xf32, #tpu.memory_space<vmem>> -> memref<1x128x128xf32, #tpu.memory_space<vmem>>
    %dma_start3A_1301 = tpu.memref_squeeze %dma_start3A_1300 : memref<1x128x128xf32, #tpu.memory_space<vmem>> -> memref<128x128xf32, #tpu.memory_space<vmem>>
    %dma_start3A_1302 = arith.constant 0 : i32
    %dma_start3A_1303 = tpu.memref_slice %arg4[%add3A_1295, %dma_start3A_1302] : memref<106496x128xf32, #tpu.memory_space<hbm>> -> memref<128x128xf32, #tpu.memory_space<hbm>>
    %dma_start3A_1304 = tpu.memref_slice %arg8[%dma_start3A_1297] : memref<4x!tpu.dma_semaphore, #tpu.memory_space<semaphore_mem>> -> memref<1x!tpu.dma_semaphore, #tpu.memory_space<semaphore_mem>>
    %dma_start3A_1305 = tpu.memref_squeeze %dma_start3A_1304 : memref<1x!tpu.dma_semaphore, #tpu.memory_space<semaphore_mem>> -> memref<!tpu.dma_semaphore, #tpu.memory_space<semaphore_mem>>
    %dma_start3A_1306 = arith.constant 0 : i32
    %dma_start3A_1307 = tpu.memref_slice %arg4[%add3A_1295, %dma_start3A_1306] : memref<106496x128xf32, #tpu.memory_space<hbm>> -> memref<128x128xf32, #tpu.memory_space<hbm>>
    %dma_start3A_1308 = arith.constant 0 : i32
    %dma_start3A_1309 = arith.constant 0 : i32
    %dma_start3A_1310 = tpu.memref_slice %arg6[%dma_start3A_1296, %dma_start3A_1308, %dma_start3A_1309] : memref<4x128x128xf32, #tpu.memory_space<vmem>> -> memref<1x128x128xf32, #tpu.memory_space<vmem>>
    %dma_start3A_1311 = tpu.memref_squeeze %dma_start3A_1310 : memref<1x128x128xf32, #tpu.memory_space<vmem>> -> memref<128x128xf32, #tpu.memory_space<vmem>>
    tpu.enqueue_dma source(%dma_start3A_1311 : memref<128x128xf32, #tpu.memory_space<vmem>>) target(%dma_start3A_1307 : memref<128x128xf32, #tpu.memory_space<hbm>>) target_semaphore(%dma_start3A_1305 : memref<!tpu.dma_semaphore, #tpu.memory_space<semaphore_mem>>)
    %dma_wait3A_1312 = arith.constant 2 : i32
    %dma_wait3A_1313 = arith.constant 2 : i32
    %dma_wait3A_1314 = arith.constant 0 : i32
    %dma_wait3A_1315 = arith.constant 0 : i32
    %dma_wait3A_1316 = tpu.memref_slice %arg6[%dma_wait3A_1312, %dma_wait3A_1314, %dma_wait3A_1315] : memref<4x128x128xf32, #tpu.memory_space<vmem>> -> memref<1x128x128xf32, #tpu.memory_space<vmem>>
    %dma_wait3A_1317 = tpu.memref_squeeze %dma_wait3A_1316 : memref<1x128x128xf32, #tpu.memory_space<vmem>> -> memref<128x128xf32, #tpu.memory_space<vmem>>
    %dma_wait3A_1318 = arith.constant 0 : i32
    %dma_wait3A_1319 = tpu.memref_slice %arg4[%add3A_1167, %dma_wait3A_1318] : memref<106496x128xf32, #tpu.memory_space<hbm>> -> memref<128x128xf32, #tpu.memory_space<hbm>>
    %dma_wait3A_1320 = tpu.memref_slice %arg8[%dma_wait3A_1313] : memref<4x!tpu.dma_semaphore, #tpu.memory_space<semaphore_mem>> -> memref<1x!tpu.dma_semaphore, #tpu.memory_space<semaphore_mem>>
    %dma_wait3A_1321 = tpu.memref_squeeze %dma_wait3A_1320 : memref<1x!tpu.dma_semaphore, #tpu.memory_space<semaphore_mem>> -> memref<!tpu.dma_semaphore, #tpu.memory_space<semaphore_mem>>
    %dma_wait3A_1322 = arith.constant 0 : i32
    %dma_wait3A_1323 = tpu.memref_slice %arg4[%add3A_1167, %dma_wait3A_1322] : memref<106496x128xf32, #tpu.memory_space<hbm>> -> memref<128x128xf32, #tpu.memory_space<hbm>>
    %dma_wait3A_1324 = arith.constant 0 : i32
    %dma_wait3A_1325 = arith.constant 0 : i32
    %dma_wait3A_1326 = tpu.memref_slice %arg6[%dma_wait3A_1312, %dma_wait3A_1324, %dma_wait3A_1325] : memref<4x128x128xf32, #tpu.memory_space<vmem>> -> memref<1x128x128xf32, #tpu.memory_space<vmem>>
    %dma_wait3A_1327 = tpu.memref_squeeze %dma_wait3A_1326 : memref<1x128x128xf32, #tpu.memory_space<vmem>> -> memref<128x128xf32, #tpu.memory_space<vmem>>
    tpu.wait_dma2 semaphore(%dma_wait3A_1321 : memref<!tpu.dma_semaphore, #tpu.memory_space<semaphore_mem>>) src(%dma_wait3A_1327 : memref<128x128xf32, #tpu.memory_space<vmem>>) dst(%dma_wait3A_1323 : memref<128x128xf32, #tpu.memory_space<hbm>>)
    %dma_start3A_1328 = arith.constant 22 : i32
    %dma_start3A_1329 = arith.constant 2 : i32
    %dma_start3A_1330 = arith.constant 2 : i32
    %dma_start3A_1331 = arith.constant 0 : i32
    %dma_start3A_1332 = arith.constant 0 : i32
    %dma_start3A_1333 = tpu.memref_slice %arg6[%dma_start3A_1329, %dma_start3A_1331, %dma_start3A_1332] : memref<4x128x128xf32, #tpu.memory_space<vmem>> -> memref<1x128x128xf32, #tpu.memory_space<vmem>>
    %dma_start3A_1334 = tpu.memref_squeeze %dma_start3A_1333 : memref<1x128x128xf32, #tpu.memory_space<vmem>> -> memref<128x128xf32, #tpu.memory_space<vmem>>
    %dma_start3A_1335 = arith.constant 0 : i32
    %dma_start3A_1336 = tpu.memref_slice %arg5[%dma_start3A_1328, %dma_start3A_1335] : memref<26x128xi32, #tpu.memory_space<vmem>> -> memref<1x128xi32, #tpu.memory_space<vmem>>
    %dma_start3A_1337 = tpu.memref_squeeze %dma_start3A_1336 : memref<1x128xi32, #tpu.memory_space<vmem>> -> memref<128xi32, #tpu.memory_space<vmem>>
    %dma_start3A_1338 = arith.constant 0 : i32
    %dma_start3A_1339 = arith.constant 0 : i32
    %dma_start3A_1340 = tpu.memref_slice %arg2[%dma_start3A_1338, %dma_start3A_1339] : memref<26000x128xf32, #tpu.memory_space<hbm>> -> memref<26000x128xf32, #tpu.memory_space<hbm>>
    %dma_start3A_1341 = tpu.memref_slice %arg7[%dma_start3A_1330] : memref<4x!tpu.dma_semaphore, #tpu.memory_space<semaphore_mem>> -> memref<1x!tpu.dma_semaphore, #tpu.memory_space<semaphore_mem>>
    %dma_start3A_1342 = tpu.memref_squeeze %dma_start3A_1341 : memref<1x!tpu.dma_semaphore, #tpu.memory_space<semaphore_mem>> -> memref<!tpu.dma_semaphore, #tpu.memory_space<semaphore_mem>>
    tpu.enqueue_indirect_dma source(%dma_start3A_1340 : memref<26000x128xf32, #tpu.memory_space<hbm>>) target(%dma_start3A_1334 : memref<128x128xf32, #tpu.memory_space<vmem>>) offsets(%dma_start3A_1337 : memref<128xi32, #tpu.memory_space<vmem>>) semaphore(%dma_start3A_1342 : memref<!tpu.dma_semaphore, #tpu.memory_space<semaphore_mem>>)
    %dma_wait3A_1343 = arith.constant 21 : i32
    %dma_wait3A_1344 = arith.constant 1 : i32
    %dma_wait3A_1345 = arith.constant 1 : i32
    %dma_wait3A_1346 = arith.constant 0 : i32
    %dma_wait3A_1347 = arith.constant 0 : i32
    %dma_wait3A_1348 = tpu.memref_slice %arg6[%dma_wait3A_1344, %dma_wait3A_1346, %dma_wait3A_1347] : memref<4x128x128xf32, #tpu.memory_space<vmem>> -> memref<1x128x128xf32, #tpu.memory_space<vmem>>
    %dma_wait3A_1349 = tpu.memref_squeeze %dma_wait3A_1348 : memref<1x128x128xf32, #tpu.memory_space<vmem>> -> memref<128x128xf32, #tpu.memory_space<vmem>>
    %dma_wait3A_1350 = arith.constant 0 : i32
    %dma_wait3A_1351 = tpu.memref_slice %arg5[%dma_wait3A_1343, %dma_wait3A_1350] : memref<26x128xi32, #tpu.memory_space<vmem>> -> memref<1x128xi32, #tpu.memory_space<vmem>>
    %dma_wait3A_1352 = tpu.memref_squeeze %dma_wait3A_1351 : memref<1x128xi32, #tpu.memory_space<vmem>> -> memref<128xi32, #tpu.memory_space<vmem>>
    %dma_wait3A_1353 = arith.constant 0 : i32
    %dma_wait3A_1354 = arith.constant 0 : i32
    %dma_wait3A_1355 = tpu.memref_slice %arg2[%dma_wait3A_1353, %dma_wait3A_1354] : memref<26000x128xf32, #tpu.memory_space<hbm>> -> memref<26000x128xf32, #tpu.memory_space<hbm>>
    %dma_wait3A_1356 = tpu.memref_slice %arg7[%dma_wait3A_1345] : memref<4x!tpu.dma_semaphore, #tpu.memory_space<semaphore_mem>> -> memref<1x!tpu.dma_semaphore, #tpu.memory_space<semaphore_mem>>
    %dma_wait3A_1357 = tpu.memref_squeeze %dma_wait3A_1356 : memref<1x!tpu.dma_semaphore, #tpu.memory_space<semaphore_mem>> -> memref<!tpu.dma_semaphore, #tpu.memory_space<semaphore_mem>>
    tpu.wait_indirect_dma semaphore(%dma_wait3A_1357 : memref<!tpu.dma_semaphore, #tpu.memory_space<semaphore_mem>>) src(%dma_wait3A_1355 : memref<26000x128xf32, #tpu.memory_space<hbm>>) dst(%dma_wait3A_1349 : memref<128x128xf32, #tpu.memory_space<vmem>>)
    %add3A_1358 = arith.constant 2688 : i32
    %add3A_1359 = arith.addi %mul3A_2, %add3A_1358 : i32
    %dma_start3A_1360 = arith.constant 1 : i32
    %dma_start3A_1361 = arith.constant 1 : i32
    %dma_start3A_1362 = arith.constant 0 : i32
    %dma_start3A_1363 = arith.constant 0 : i32
    %dma_start3A_1364 = tpu.memref_slice %arg6[%dma_start3A_1360, %dma_start3A_1362, %dma_start3A_1363] : memref<4x128x128xf32, #tpu.memory_space<vmem>> -> memref<1x128x128xf32, #tpu.memory_space<vmem>>
    %dma_start3A_1365 = tpu.memref_squeeze %dma_start3A_1364 : memref<1x128x128xf32, #tpu.memory_space<vmem>> -> memref<128x128xf32, #tpu.memory_space<vmem>>
    %dma_start3A_1366 = arith.constant 0 : i32
    %dma_start3A_1367 = tpu.memref_slice %arg4[%add3A_1359, %dma_start3A_1366] : memref<106496x128xf32, #tpu.memory_space<hbm>> -> memref<128x128xf32, #tpu.memory_space<hbm>>
    %dma_start3A_1368 = tpu.memref_slice %arg8[%dma_start3A_1361] : memref<4x!tpu.dma_semaphore, #tpu.memory_space<semaphore_mem>> -> memref<1x!tpu.dma_semaphore, #tpu.memory_space<semaphore_mem>>
    %dma_start3A_1369 = tpu.memref_squeeze %dma_start3A_1368 : memref<1x!tpu.dma_semaphore, #tpu.memory_space<semaphore_mem>> -> memref<!tpu.dma_semaphore, #tpu.memory_space<semaphore_mem>>
    %dma_start3A_1370 = arith.constant 0 : i32
    %dma_start3A_1371 = tpu.memref_slice %arg4[%add3A_1359, %dma_start3A_1370] : memref<106496x128xf32, #tpu.memory_space<hbm>> -> memref<128x128xf32, #tpu.memory_space<hbm>>
    %dma_start3A_1372 = arith.constant 0 : i32
    %dma_start3A_1373 = arith.constant 0 : i32
    %dma_start3A_1374 = tpu.memref_slice %arg6[%dma_start3A_1360, %dma_start3A_1372, %dma_start3A_1373] : memref<4x128x128xf32, #tpu.memory_space<vmem>> -> memref<1x128x128xf32, #tpu.memory_space<vmem>>
    %dma_start3A_1375 = tpu.memref_squeeze %dma_start3A_1374 : memref<1x128x128xf32, #tpu.memory_space<vmem>> -> memref<128x128xf32, #tpu.memory_space<vmem>>
    tpu.enqueue_dma source(%dma_start3A_1375 : memref<128x128xf32, #tpu.memory_space<vmem>>) target(%dma_start3A_1371 : memref<128x128xf32, #tpu.memory_space<hbm>>) target_semaphore(%dma_start3A_1369 : memref<!tpu.dma_semaphore, #tpu.memory_space<semaphore_mem>>)
    %dma_wait3A_1376 = arith.constant 3 : i32
    %dma_wait3A_1377 = arith.constant 3 : i32
    %dma_wait3A_1378 = arith.constant 0 : i32
    %dma_wait3A_1379 = arith.constant 0 : i32
    %dma_wait3A_1380 = tpu.memref_slice %arg6[%dma_wait3A_1376, %dma_wait3A_1378, %dma_wait3A_1379] : memref<4x128x128xf32, #tpu.memory_space<vmem>> -> memref<1x128x128xf32, #tpu.memory_space<vmem>>
    %dma_wait3A_1381 = tpu.memref_squeeze %dma_wait3A_1380 : memref<1x128x128xf32, #tpu.memory_space<vmem>> -> memref<128x128xf32, #tpu.memory_space<vmem>>
    %dma_wait3A_1382 = arith.constant 0 : i32
    %dma_wait3A_1383 = tpu.memref_slice %arg4[%add3A_1231, %dma_wait3A_1382] : memref<106496x128xf32, #tpu.memory_space<hbm>> -> memref<128x128xf32, #tpu.memory_space<hbm>>
    %dma_wait3A_1384 = tpu.memref_slice %arg8[%dma_wait3A_1377] : memref<4x!tpu.dma_semaphore, #tpu.memory_space<semaphore_mem>> -> memref<1x!tpu.dma_semaphore, #tpu.memory_space<semaphore_mem>>
    %dma_wait3A_1385 = tpu.memref_squeeze %dma_wait3A_1384 : memref<1x!tpu.dma_semaphore, #tpu.memory_space<semaphore_mem>> -> memref<!tpu.dma_semaphore, #tpu.memory_space<semaphore_mem>>
    %dma_wait3A_1386 = arith.constant 0 : i32
    %dma_wait3A_1387 = tpu.memref_slice %arg4[%add3A_1231, %dma_wait3A_1386] : memref<106496x128xf32, #tpu.memory_space<hbm>> -> memref<128x128xf32, #tpu.memory_space<hbm>>
    %dma_wait3A_1388 = arith.constant 0 : i32
    %dma_wait3A_1389 = arith.constant 0 : i32
    %dma_wait3A_1390 = tpu.memref_slice %arg6[%dma_wait3A_1376, %dma_wait3A_1388, %dma_wait3A_1389] : memref<4x128x128xf32, #tpu.memory_space<vmem>> -> memref<1x128x128xf32, #tpu.memory_space<vmem>>
    %dma_wait3A_1391 = tpu.memref_squeeze %dma_wait3A_1390 : memref<1x128x128xf32, #tpu.memory_space<vmem>> -> memref<128x128xf32, #tpu.memory_space<vmem>>
    tpu.wait_dma2 semaphore(%dma_wait3A_1385 : memref<!tpu.dma_semaphore, #tpu.memory_space<semaphore_mem>>) src(%dma_wait3A_1391 : memref<128x128xf32, #tpu.memory_space<vmem>>) dst(%dma_wait3A_1387 : memref<128x128xf32, #tpu.memory_space<hbm>>)
    %dma_start3A_1392 = arith.constant 23 : i32
    %dma_start3A_1393 = arith.constant 3 : i32
    %dma_start3A_1394 = arith.constant 3 : i32
    %dma_start3A_1395 = arith.constant 0 : i32
    %dma_start3A_1396 = arith.constant 0 : i32
    %dma_start3A_1397 = tpu.memref_slice %arg6[%dma_start3A_1393, %dma_start3A_1395, %dma_start3A_1396] : memref<4x128x128xf32, #tpu.memory_space<vmem>> -> memref<1x128x128xf32, #tpu.memory_space<vmem>>
    %dma_start3A_1398 = tpu.memref_squeeze %dma_start3A_1397 : memref<1x128x128xf32, #tpu.memory_space<vmem>> -> memref<128x128xf32, #tpu.memory_space<vmem>>
    %dma_start3A_1399 = arith.constant 0 : i32
    %dma_start3A_1400 = tpu.memref_slice %arg5[%dma_start3A_1392, %dma_start3A_1399] : memref<26x128xi32, #tpu.memory_space<vmem>> -> memref<1x128xi32, #tpu.memory_space<vmem>>
    %dma_start3A_1401 = tpu.memref_squeeze %dma_start3A_1400 : memref<1x128xi32, #tpu.memory_space<vmem>> -> memref<128xi32, #tpu.memory_space<vmem>>
    %dma_start3A_1402 = arith.constant 0 : i32
    %dma_start3A_1403 = arith.constant 0 : i32
    %dma_start3A_1404 = tpu.memref_slice %arg2[%dma_start3A_1402, %dma_start3A_1403] : memref<26000x128xf32, #tpu.memory_space<hbm>> -> memref<26000x128xf32, #tpu.memory_space<hbm>>
    %dma_start3A_1405 = tpu.memref_slice %arg7[%dma_start3A_1394] : memref<4x!tpu.dma_semaphore, #tpu.memory_space<semaphore_mem>> -> memref<1x!tpu.dma_semaphore, #tpu.memory_space<semaphore_mem>>
    %dma_start3A_1406 = tpu.memref_squeeze %dma_start3A_1405 : memref<1x!tpu.dma_semaphore, #tpu.memory_space<semaphore_mem>> -> memref<!tpu.dma_semaphore, #tpu.memory_space<semaphore_mem>>
    tpu.enqueue_indirect_dma source(%dma_start3A_1404 : memref<26000x128xf32, #tpu.memory_space<hbm>>) target(%dma_start3A_1398 : memref<128x128xf32, #tpu.memory_space<vmem>>) offsets(%dma_start3A_1401 : memref<128xi32, #tpu.memory_space<vmem>>) semaphore(%dma_start3A_1406 : memref<!tpu.dma_semaphore, #tpu.memory_space<semaphore_mem>>)
    %dma_wait3A_1407 = arith.constant 22 : i32
    %dma_wait3A_1408 = arith.constant 2 : i32
    %dma_wait3A_1409 = arith.constant 2 : i32
    %dma_wait3A_1410 = arith.constant 0 : i32
    %dma_wait3A_1411 = arith.constant 0 : i32
    %dma_wait3A_1412 = tpu.memref_slice %arg6[%dma_wait3A_1408, %dma_wait3A_1410, %dma_wait3A_1411] : memref<4x128x128xf32, #tpu.memory_space<vmem>> -> memref<1x128x128xf32, #tpu.memory_space<vmem>>
    %dma_wait3A_1413 = tpu.memref_squeeze %dma_wait3A_1412 : memref<1x128x128xf32, #tpu.memory_space<vmem>> -> memref<128x128xf32, #tpu.memory_space<vmem>>
    %dma_wait3A_1414 = arith.constant 0 : i32
    %dma_wait3A_1415 = tpu.memref_slice %arg5[%dma_wait3A_1407, %dma_wait3A_1414] : memref<26x128xi32, #tpu.memory_space<vmem>> -> memref<1x128xi32, #tpu.memory_space<vmem>>
    %dma_wait3A_1416 = tpu.memref_squeeze %dma_wait3A_1415 : memref<1x128xi32, #tpu.memory_space<vmem>> -> memref<128xi32, #tpu.memory_space<vmem>>
    %dma_wait3A_1417 = arith.constant 0 : i32
    %dma_wait3A_1418 = arith.constant 0 : i32
    %dma_wait3A_1419 = tpu.memref_slice %arg2[%dma_wait3A_1417, %dma_wait3A_1418] : memref<26000x128xf32, #tpu.memory_space<hbm>> -> memref<26000x128xf32, #tpu.memory_space<hbm>>
    %dma_wait3A_1420 = tpu.memref_slice %arg7[%dma_wait3A_1409] : memref<4x!tpu.dma_semaphore, #tpu.memory_space<semaphore_mem>> -> memref<1x!tpu.dma_semaphore, #tpu.memory_space<semaphore_mem>>
    %dma_wait3A_1421 = tpu.memref_squeeze %dma_wait3A_1420 : memref<1x!tpu.dma_semaphore, #tpu.memory_space<semaphore_mem>> -> memref<!tpu.dma_semaphore, #tpu.memory_space<semaphore_mem>>
    tpu.wait_indirect_dma semaphore(%dma_wait3A_1421 : memref<!tpu.dma_semaphore, #tpu.memory_space<semaphore_mem>>) src(%dma_wait3A_1419 : memref<26000x128xf32, #tpu.memory_space<hbm>>) dst(%dma_wait3A_1413 : memref<128x128xf32, #tpu.memory_space<vmem>>)
    %add3A_1422 = arith.constant 2816 : i32
    %add3A_1423 = arith.addi %mul3A_2, %add3A_1422 : i32
    %dma_start3A_1424 = arith.constant 2 : i32
    %dma_start3A_1425 = arith.constant 2 : i32
    %dma_start3A_1426 = arith.constant 0 : i32
    %dma_start3A_1427 = arith.constant 0 : i32
    %dma_start3A_1428 = tpu.memref_slice %arg6[%dma_start3A_1424, %dma_start3A_1426, %dma_start3A_1427] : memref<4x128x128xf32, #tpu.memory_space<vmem>> -> memref<1x128x128xf32, #tpu.memory_space<vmem>>
    %dma_start3A_1429 = tpu.memref_squeeze %dma_start3A_1428 : memref<1x128x128xf32, #tpu.memory_space<vmem>> -> memref<128x128xf32, #tpu.memory_space<vmem>>
    %dma_start3A_1430 = arith.constant 0 : i32
    %dma_start3A_1431 = tpu.memref_slice %arg4[%add3A_1423, %dma_start3A_1430] : memref<106496x128xf32, #tpu.memory_space<hbm>> -> memref<128x128xf32, #tpu.memory_space<hbm>>
    %dma_start3A_1432 = tpu.memref_slice %arg8[%dma_start3A_1425] : memref<4x!tpu.dma_semaphore, #tpu.memory_space<semaphore_mem>> -> memref<1x!tpu.dma_semaphore, #tpu.memory_space<semaphore_mem>>
    %dma_start3A_1433 = tpu.memref_squeeze %dma_start3A_1432 : memref<1x!tpu.dma_semaphore, #tpu.memory_space<semaphore_mem>> -> memref<!tpu.dma_semaphore, #tpu.memory_space<semaphore_mem>>
    %dma_start3A_1434 = arith.constant 0 : i32
    %dma_start3A_1435 = tpu.memref_slice %arg4[%add3A_1423, %dma_start3A_1434] : memref<106496x128xf32, #tpu.memory_space<hbm>> -> memref<128x128xf32, #tpu.memory_space<hbm>>
    %dma_start3A_1436 = arith.constant 0 : i32
    %dma_start3A_1437 = arith.constant 0 : i32
    %dma_start3A_1438 = tpu.memref_slice %arg6[%dma_start3A_1424, %dma_start3A_1436, %dma_start3A_1437] : memref<4x128x128xf32, #tpu.memory_space<vmem>> -> memref<1x128x128xf32, #tpu.memory_space<vmem>>
    %dma_start3A_1439 = tpu.memref_squeeze %dma_start3A_1438 : memref<1x128x128xf32, #tpu.memory_space<vmem>> -> memref<128x128xf32, #tpu.memory_space<vmem>>
    tpu.enqueue_dma source(%dma_start3A_1439 : memref<128x128xf32, #tpu.memory_space<vmem>>) target(%dma_start3A_1435 : memref<128x128xf32, #tpu.memory_space<hbm>>) target_semaphore(%dma_start3A_1433 : memref<!tpu.dma_semaphore, #tpu.memory_space<semaphore_mem>>)
    %dma_wait3A_1440 = arith.constant 0 : i32
    %dma_wait3A_1441 = arith.constant 0 : i32
    %dma_wait3A_1442 = arith.constant 0 : i32
    %dma_wait3A_1443 = arith.constant 0 : i32
    %dma_wait3A_1444 = tpu.memref_slice %arg6[%dma_wait3A_1440, %dma_wait3A_1442, %dma_wait3A_1443] : memref<4x128x128xf32, #tpu.memory_space<vmem>> -> memref<1x128x128xf32, #tpu.memory_space<vmem>>
    %dma_wait3A_1445 = tpu.memref_squeeze %dma_wait3A_1444 : memref<1x128x128xf32, #tpu.memory_space<vmem>> -> memref<128x128xf32, #tpu.memory_space<vmem>>
    %dma_wait3A_1446 = arith.constant 0 : i32
    %dma_wait3A_1447 = tpu.memref_slice %arg4[%add3A_1295, %dma_wait3A_1446] : memref<106496x128xf32, #tpu.memory_space<hbm>> -> memref<128x128xf32, #tpu.memory_space<hbm>>
    %dma_wait3A_1448 = tpu.memref_slice %arg8[%dma_wait3A_1441] : memref<4x!tpu.dma_semaphore, #tpu.memory_space<semaphore_mem>> -> memref<1x!tpu.dma_semaphore, #tpu.memory_space<semaphore_mem>>
    %dma_wait3A_1449 = tpu.memref_squeeze %dma_wait3A_1448 : memref<1x!tpu.dma_semaphore, #tpu.memory_space<semaphore_mem>> -> memref<!tpu.dma_semaphore, #tpu.memory_space<semaphore_mem>>
    %dma_wait3A_1450 = arith.constant 0 : i32
    %dma_wait3A_1451 = tpu.memref_slice %arg4[%add3A_1295, %dma_wait3A_1450] : memref<106496x128xf32, #tpu.memory_space<hbm>> -> memref<128x128xf32, #tpu.memory_space<hbm>>
    %dma_wait3A_1452 = arith.constant 0 : i32
    %dma_wait3A_1453 = arith.constant 0 : i32
    %dma_wait3A_1454 = tpu.memref_slice %arg6[%dma_wait3A_1440, %dma_wait3A_1452, %dma_wait3A_1453] : memref<4x128x128xf32, #tpu.memory_space<vmem>> -> memref<1x128x128xf32, #tpu.memory_space<vmem>>
    %dma_wait3A_1455 = tpu.memref_squeeze %dma_wait3A_1454 : memref<1x128x128xf32, #tpu.memory_space<vmem>> -> memref<128x128xf32, #tpu.memory_space<vmem>>
    tpu.wait_dma2 semaphore(%dma_wait3A_1449 : memref<!tpu.dma_semaphore, #tpu.memory_space<semaphore_mem>>) src(%dma_wait3A_1455 : memref<128x128xf32, #tpu.memory_space<vmem>>) dst(%dma_wait3A_1451 : memref<128x128xf32, #tpu.memory_space<hbm>>)
    %dma_start3A_1456 = arith.constant 24 : i32
    %dma_start3A_1457 = arith.constant 0 : i32
    %dma_start3A_1458 = arith.constant 0 : i32
    %dma_start3A_1459 = arith.constant 0 : i32
    %dma_start3A_1460 = arith.constant 0 : i32
    %dma_start3A_1461 = tpu.memref_slice %arg6[%dma_start3A_1457, %dma_start3A_1459, %dma_start3A_1460] : memref<4x128x128xf32, #tpu.memory_space<vmem>> -> memref<1x128x128xf32, #tpu.memory_space<vmem>>
    %dma_start3A_1462 = tpu.memref_squeeze %dma_start3A_1461 : memref<1x128x128xf32, #tpu.memory_space<vmem>> -> memref<128x128xf32, #tpu.memory_space<vmem>>
    %dma_start3A_1463 = arith.constant 0 : i32
    %dma_start3A_1464 = tpu.memref_slice %arg5[%dma_start3A_1456, %dma_start3A_1463] : memref<26x128xi32, #tpu.memory_space<vmem>> -> memref<1x128xi32, #tpu.memory_space<vmem>>
    %dma_start3A_1465 = tpu.memref_squeeze %dma_start3A_1464 : memref<1x128xi32, #tpu.memory_space<vmem>> -> memref<128xi32, #tpu.memory_space<vmem>>
    %dma_start3A_1466 = arith.constant 0 : i32
    %dma_start3A_1467 = arith.constant 0 : i32
    %dma_start3A_1468 = tpu.memref_slice %arg2[%dma_start3A_1466, %dma_start3A_1467] : memref<26000x128xf32, #tpu.memory_space<hbm>> -> memref<26000x128xf32, #tpu.memory_space<hbm>>
    %dma_start3A_1469 = tpu.memref_slice %arg7[%dma_start3A_1458] : memref<4x!tpu.dma_semaphore, #tpu.memory_space<semaphore_mem>> -> memref<1x!tpu.dma_semaphore, #tpu.memory_space<semaphore_mem>>
    %dma_start3A_1470 = tpu.memref_squeeze %dma_start3A_1469 : memref<1x!tpu.dma_semaphore, #tpu.memory_space<semaphore_mem>> -> memref<!tpu.dma_semaphore, #tpu.memory_space<semaphore_mem>>
    tpu.enqueue_indirect_dma source(%dma_start3A_1468 : memref<26000x128xf32, #tpu.memory_space<hbm>>) target(%dma_start3A_1462 : memref<128x128xf32, #tpu.memory_space<vmem>>) offsets(%dma_start3A_1465 : memref<128xi32, #tpu.memory_space<vmem>>) semaphore(%dma_start3A_1470 : memref<!tpu.dma_semaphore, #tpu.memory_space<semaphore_mem>>)
    %dma_wait3A_1471 = arith.constant 23 : i32
    %dma_wait3A_1472 = arith.constant 3 : i32
    %dma_wait3A_1473 = arith.constant 3 : i32
    %dma_wait3A_1474 = arith.constant 0 : i32
    %dma_wait3A_1475 = arith.constant 0 : i32
    %dma_wait3A_1476 = tpu.memref_slice %arg6[%dma_wait3A_1472, %dma_wait3A_1474, %dma_wait3A_1475] : memref<4x128x128xf32, #tpu.memory_space<vmem>> -> memref<1x128x128xf32, #tpu.memory_space<vmem>>
    %dma_wait3A_1477 = tpu.memref_squeeze %dma_wait3A_1476 : memref<1x128x128xf32, #tpu.memory_space<vmem>> -> memref<128x128xf32, #tpu.memory_space<vmem>>
    %dma_wait3A_1478 = arith.constant 0 : i32
    %dma_wait3A_1479 = tpu.memref_slice %arg5[%dma_wait3A_1471, %dma_wait3A_1478] : memref<26x128xi32, #tpu.memory_space<vmem>> -> memref<1x128xi32, #tpu.memory_space<vmem>>
    %dma_wait3A_1480 = tpu.memref_squeeze %dma_wait3A_1479 : memref<1x128xi32, #tpu.memory_space<vmem>> -> memref<128xi32, #tpu.memory_space<vmem>>
    %dma_wait3A_1481 = arith.constant 0 : i32
    %dma_wait3A_1482 = arith.constant 0 : i32
    %dma_wait3A_1483 = tpu.memref_slice %arg2[%dma_wait3A_1481, %dma_wait3A_1482] : memref<26000x128xf32, #tpu.memory_space<hbm>> -> memref<26000x128xf32, #tpu.memory_space<hbm>>
    %dma_wait3A_1484 = tpu.memref_slice %arg7[%dma_wait3A_1473] : memref<4x!tpu.dma_semaphore, #tpu.memory_space<semaphore_mem>> -> memref<1x!tpu.dma_semaphore, #tpu.memory_space<semaphore_mem>>
    %dma_wait3A_1485 = tpu.memref_squeeze %dma_wait3A_1484 : memref<1x!tpu.dma_semaphore, #tpu.memory_space<semaphore_mem>> -> memref<!tpu.dma_semaphore, #tpu.memory_space<semaphore_mem>>
    tpu.wait_indirect_dma semaphore(%dma_wait3A_1485 : memref<!tpu.dma_semaphore, #tpu.memory_space<semaphore_mem>>) src(%dma_wait3A_1483 : memref<26000x128xf32, #tpu.memory_space<hbm>>) dst(%dma_wait3A_1477 : memref<128x128xf32, #tpu.memory_space<vmem>>)
    %add3A_1486 = arith.constant 2944 : i32
    %add3A_1487 = arith.addi %mul3A_2, %add3A_1486 : i32
    %dma_start3A_1488 = arith.constant 3 : i32
    %dma_start3A_1489 = arith.constant 3 : i32
    %dma_start3A_1490 = arith.constant 0 : i32
    %dma_start3A_1491 = arith.constant 0 : i32
    %dma_start3A_1492 = tpu.memref_slice %arg6[%dma_start3A_1488, %dma_start3A_1490, %dma_start3A_1491] : memref<4x128x128xf32, #tpu.memory_space<vmem>> -> memref<1x128x128xf32, #tpu.memory_space<vmem>>
    %dma_start3A_1493 = tpu.memref_squeeze %dma_start3A_1492 : memref<1x128x128xf32, #tpu.memory_space<vmem>> -> memref<128x128xf32, #tpu.memory_space<vmem>>
    %dma_start3A_1494 = arith.constant 0 : i32
    %dma_start3A_1495 = tpu.memref_slice %arg4[%add3A_1487, %dma_start3A_1494] : memref<106496x128xf32, #tpu.memory_space<hbm>> -> memref<128x128xf32, #tpu.memory_space<hbm>>
    %dma_start3A_1496 = tpu.memref_slice %arg8[%dma_start3A_1489] : memref<4x!tpu.dma_semaphore, #tpu.memory_space<semaphore_mem>> -> memref<1x!tpu.dma_semaphore, #tpu.memory_space<semaphore_mem>>
    %dma_start3A_1497 = tpu.memref_squeeze %dma_start3A_1496 : memref<1x!tpu.dma_semaphore, #tpu.memory_space<semaphore_mem>> -> memref<!tpu.dma_semaphore, #tpu.memory_space<semaphore_mem>>
    %dma_start3A_1498 = arith.constant 0 : i32
    %dma_start3A_1499 = tpu.memref_slice %arg4[%add3A_1487, %dma_start3A_1498] : memref<106496x128xf32, #tpu.memory_space<hbm>> -> memref<128x128xf32, #tpu.memory_space<hbm>>
    %dma_start3A_1500 = arith.constant 0 : i32
    %dma_start3A_1501 = arith.constant 0 : i32
    %dma_start3A_1502 = tpu.memref_slice %arg6[%dma_start3A_1488, %dma_start3A_1500, %dma_start3A_1501] : memref<4x128x128xf32, #tpu.memory_space<vmem>> -> memref<1x128x128xf32, #tpu.memory_space<vmem>>
    %dma_start3A_1503 = tpu.memref_squeeze %dma_start3A_1502 : memref<1x128x128xf32, #tpu.memory_space<vmem>> -> memref<128x128xf32, #tpu.memory_space<vmem>>
    tpu.enqueue_dma source(%dma_start3A_1503 : memref<128x128xf32, #tpu.memory_space<vmem>>) target(%dma_start3A_1499 : memref<128x128xf32, #tpu.memory_space<hbm>>) target_semaphore(%dma_start3A_1497 : memref<!tpu.dma_semaphore, #tpu.memory_space<semaphore_mem>>)
    %dma_wait3A_1504 = arith.constant 1 : i32
    %dma_wait3A_1505 = arith.constant 1 : i32
    %dma_wait3A_1506 = arith.constant 0 : i32
    %dma_wait3A_1507 = arith.constant 0 : i32
    %dma_wait3A_1508 = tpu.memref_slice %arg6[%dma_wait3A_1504, %dma_wait3A_1506, %dma_wait3A_1507] : memref<4x128x128xf32, #tpu.memory_space<vmem>> -> memref<1x128x128xf32, #tpu.memory_space<vmem>>
    %dma_wait3A_1509 = tpu.memref_squeeze %dma_wait3A_1508 : memref<1x128x128xf32, #tpu.memory_space<vmem>> -> memref<128x128xf32, #tpu.memory_space<vmem>>
    %dma_wait3A_1510 = arith.constant 0 : i32
    %dma_wait3A_1511 = tpu.memref_slice %arg4[%add3A_1359, %dma_wait3A_1510] : memref<106496x128xf32, #tpu.memory_space<hbm>> -> memref<128x128xf32, #tpu.memory_space<hbm>>
    %dma_wait3A_1512 = tpu.memref_slice %arg8[%dma_wait3A_1505] : memref<4x!tpu.dma_semaphore, #tpu.memory_space<semaphore_mem>> -> memref<1x!tpu.dma_semaphore, #tpu.memory_space<semaphore_mem>>
    %dma_wait3A_1513 = tpu.memref_squeeze %dma_wait3A_1512 : memref<1x!tpu.dma_semaphore, #tpu.memory_space<semaphore_mem>> -> memref<!tpu.dma_semaphore, #tpu.memory_space<semaphore_mem>>
    %dma_wait3A_1514 = arith.constant 0 : i32
    %dma_wait3A_1515 = tpu.memref_slice %arg4[%add3A_1359, %dma_wait3A_1514] : memref<106496x128xf32, #tpu.memory_space<hbm>> -> memref<128x128xf32, #tpu.memory_space<hbm>>
    %dma_wait3A_1516 = arith.constant 0 : i32
    %dma_wait3A_1517 = arith.constant 0 : i32
    %dma_wait3A_1518 = tpu.memref_slice %arg6[%dma_wait3A_1504, %dma_wait3A_1516, %dma_wait3A_1517] : memref<4x128x128xf32, #tpu.memory_space<vmem>> -> memref<1x128x128xf32, #tpu.memory_space<vmem>>
    %dma_wait3A_1519 = tpu.memref_squeeze %dma_wait3A_1518 : memref<1x128x128xf32, #tpu.memory_space<vmem>> -> memref<128x128xf32, #tpu.memory_space<vmem>>
    tpu.wait_dma2 semaphore(%dma_wait3A_1513 : memref<!tpu.dma_semaphore, #tpu.memory_space<semaphore_mem>>) src(%dma_wait3A_1519 : memref<128x128xf32, #tpu.memory_space<vmem>>) dst(%dma_wait3A_1515 : memref<128x128xf32, #tpu.memory_space<hbm>>)
    %dma_start3A_1520 = arith.constant 25 : i32
    %dma_start3A_1521 = arith.constant 1 : i32
    %dma_start3A_1522 = arith.constant 1 : i32
    %dma_start3A_1523 = arith.constant 0 : i32
    %dma_start3A_1524 = arith.constant 0 : i32
    %dma_start3A_1525 = tpu.memref_slice %arg6[%dma_start3A_1521, %dma_start3A_1523, %dma_start3A_1524] : memref<4x128x128xf32, #tpu.memory_space<vmem>> -> memref<1x128x128xf32, #tpu.memory_space<vmem>>
    %dma_start3A_1526 = tpu.memref_squeeze %dma_start3A_1525 : memref<1x128x128xf32, #tpu.memory_space<vmem>> -> memref<128x128xf32, #tpu.memory_space<vmem>>
    %dma_start3A_1527 = arith.constant 0 : i32
    %dma_start3A_1528 = tpu.memref_slice %arg5[%dma_start3A_1520, %dma_start3A_1527] : memref<26x128xi32, #tpu.memory_space<vmem>> -> memref<1x128xi32, #tpu.memory_space<vmem>>
    %dma_start3A_1529 = tpu.memref_squeeze %dma_start3A_1528 : memref<1x128xi32, #tpu.memory_space<vmem>> -> memref<128xi32, #tpu.memory_space<vmem>>
    %dma_start3A_1530 = arith.constant 0 : i32
    %dma_start3A_1531 = arith.constant 0 : i32
    %dma_start3A_1532 = tpu.memref_slice %arg2[%dma_start3A_1530, %dma_start3A_1531] : memref<26000x128xf32, #tpu.memory_space<hbm>> -> memref<26000x128xf32, #tpu.memory_space<hbm>>
    %dma_start3A_1533 = tpu.memref_slice %arg7[%dma_start3A_1522] : memref<4x!tpu.dma_semaphore, #tpu.memory_space<semaphore_mem>> -> memref<1x!tpu.dma_semaphore, #tpu.memory_space<semaphore_mem>>
    %dma_start3A_1534 = tpu.memref_squeeze %dma_start3A_1533 : memref<1x!tpu.dma_semaphore, #tpu.memory_space<semaphore_mem>> -> memref<!tpu.dma_semaphore, #tpu.memory_space<semaphore_mem>>
    tpu.enqueue_indirect_dma source(%dma_start3A_1532 : memref<26000x128xf32, #tpu.memory_space<hbm>>) target(%dma_start3A_1526 : memref<128x128xf32, #tpu.memory_space<vmem>>) offsets(%dma_start3A_1529 : memref<128xi32, #tpu.memory_space<vmem>>) semaphore(%dma_start3A_1534 : memref<!tpu.dma_semaphore, #tpu.memory_space<semaphore_mem>>)
    %dma_wait3A_1535 = arith.constant 24 : i32
    %dma_wait3A_1536 = arith.constant 0 : i32
    %dma_wait3A_1537 = arith.constant 0 : i32
    %dma_wait3A_1538 = arith.constant 0 : i32
    %dma_wait3A_1539 = arith.constant 0 : i32
    %dma_wait3A_1540 = tpu.memref_slice %arg6[%dma_wait3A_1536, %dma_wait3A_1538, %dma_wait3A_1539] : memref<4x128x128xf32, #tpu.memory_space<vmem>> -> memref<1x128x128xf32, #tpu.memory_space<vmem>>
    %dma_wait3A_1541 = tpu.memref_squeeze %dma_wait3A_1540 : memref<1x128x128xf32, #tpu.memory_space<vmem>> -> memref<128x128xf32, #tpu.memory_space<vmem>>
    %dma_wait3A_1542 = arith.constant 0 : i32
    %dma_wait3A_1543 = tpu.memref_slice %arg5[%dma_wait3A_1535, %dma_wait3A_1542] : memref<26x128xi32, #tpu.memory_space<vmem>> -> memref<1x128xi32, #tpu.memory_space<vmem>>
    %dma_wait3A_1544 = tpu.memref_squeeze %dma_wait3A_1543 : memref<1x128xi32, #tpu.memory_space<vmem>> -> memref<128xi32, #tpu.memory_space<vmem>>
    %dma_wait3A_1545 = arith.constant 0 : i32
    %dma_wait3A_1546 = arith.constant 0 : i32
    %dma_wait3A_1547 = tpu.memref_slice %arg2[%dma_wait3A_1545, %dma_wait3A_1546] : memref<26000x128xf32, #tpu.memory_space<hbm>> -> memref<26000x128xf32, #tpu.memory_space<hbm>>
    %dma_wait3A_1548 = tpu.memref_slice %arg7[%dma_wait3A_1537] : memref<4x!tpu.dma_semaphore, #tpu.memory_space<semaphore_mem>> -> memref<1x!tpu.dma_semaphore, #tpu.memory_space<semaphore_mem>>
    %dma_wait3A_1549 = tpu.memref_squeeze %dma_wait3A_1548 : memref<1x!tpu.dma_semaphore, #tpu.memory_space<semaphore_mem>> -> memref<!tpu.dma_semaphore, #tpu.memory_space<semaphore_mem>>
    tpu.wait_indirect_dma semaphore(%dma_wait3A_1549 : memref<!tpu.dma_semaphore, #tpu.memory_space<semaphore_mem>>) src(%dma_wait3A_1547 : memref<26000x128xf32, #tpu.memory_space<hbm>>) dst(%dma_wait3A_1541 : memref<128x128xf32, #tpu.memory_space<vmem>>)
    %add3A_1550 = arith.constant 3072 : i32
    %add3A_1551 = arith.addi %mul3A_2, %add3A_1550 : i32
    %dma_start3A_1552 = arith.constant 0 : i32
    %dma_start3A_1553 = arith.constant 0 : i32
    %dma_start3A_1554 = arith.constant 0 : i32
    %dma_start3A_1555 = arith.constant 0 : i32
    %dma_start3A_1556 = tpu.memref_slice %arg6[%dma_start3A_1552, %dma_start3A_1554, %dma_start3A_1555] : memref<4x128x128xf32, #tpu.memory_space<vmem>> -> memref<1x128x128xf32, #tpu.memory_space<vmem>>
    %dma_start3A_1557 = tpu.memref_squeeze %dma_start3A_1556 : memref<1x128x128xf32, #tpu.memory_space<vmem>> -> memref<128x128xf32, #tpu.memory_space<vmem>>
    %dma_start3A_1558 = arith.constant 0 : i32
    %dma_start3A_1559 = tpu.memref_slice %arg4[%add3A_1551, %dma_start3A_1558] : memref<106496x128xf32, #tpu.memory_space<hbm>> -> memref<128x128xf32, #tpu.memory_space<hbm>>
    %dma_start3A_1560 = tpu.memref_slice %arg8[%dma_start3A_1553] : memref<4x!tpu.dma_semaphore, #tpu.memory_space<semaphore_mem>> -> memref<1x!tpu.dma_semaphore, #tpu.memory_space<semaphore_mem>>
    %dma_start3A_1561 = tpu.memref_squeeze %dma_start3A_1560 : memref<1x!tpu.dma_semaphore, #tpu.memory_space<semaphore_mem>> -> memref<!tpu.dma_semaphore, #tpu.memory_space<semaphore_mem>>
    %dma_start3A_1562 = arith.constant 0 : i32
    %dma_start3A_1563 = tpu.memref_slice %arg4[%add3A_1551, %dma_start3A_1562] : memref<106496x128xf32, #tpu.memory_space<hbm>> -> memref<128x128xf32, #tpu.memory_space<hbm>>
    %dma_start3A_1564 = arith.constant 0 : i32
    %dma_start3A_1565 = arith.constant 0 : i32
    %dma_start3A_1566 = tpu.memref_slice %arg6[%dma_start3A_1552, %dma_start3A_1564, %dma_start3A_1565] : memref<4x128x128xf32, #tpu.memory_space<vmem>> -> memref<1x128x128xf32, #tpu.memory_space<vmem>>
    %dma_start3A_1567 = tpu.memref_squeeze %dma_start3A_1566 : memref<1x128x128xf32, #tpu.memory_space<vmem>> -> memref<128x128xf32, #tpu.memory_space<vmem>>
    tpu.enqueue_dma source(%dma_start3A_1567 : memref<128x128xf32, #tpu.memory_space<vmem>>) target(%dma_start3A_1563 : memref<128x128xf32, #tpu.memory_space<hbm>>) target_semaphore(%dma_start3A_1561 : memref<!tpu.dma_semaphore, #tpu.memory_space<semaphore_mem>>)
    %dma_wait3A_1568 = arith.constant 25 : i32
    %dma_wait3A_1569 = arith.constant 1 : i32
    %dma_wait3A_1570 = arith.constant 1 : i32
    %dma_wait3A_1571 = arith.constant 0 : i32
    %dma_wait3A_1572 = arith.constant 0 : i32
    %dma_wait3A_1573 = tpu.memref_slice %arg6[%dma_wait3A_1569, %dma_wait3A_1571, %dma_wait3A_1572] : memref<4x128x128xf32, #tpu.memory_space<vmem>> -> memref<1x128x128xf32, #tpu.memory_space<vmem>>
    %dma_wait3A_1574 = tpu.memref_squeeze %dma_wait3A_1573 : memref<1x128x128xf32, #tpu.memory_space<vmem>> -> memref<128x128xf32, #tpu.memory_space<vmem>>
    %dma_wait3A_1575 = arith.constant 0 : i32
    %dma_wait3A_1576 = tpu.memref_slice %arg5[%dma_wait3A_1568, %dma_wait3A_1575] : memref<26x128xi32, #tpu.memory_space<vmem>> -> memref<1x128xi32, #tpu.memory_space<vmem>>
    %dma_wait3A_1577 = tpu.memref_squeeze %dma_wait3A_1576 : memref<1x128xi32, #tpu.memory_space<vmem>> -> memref<128xi32, #tpu.memory_space<vmem>>
    %dma_wait3A_1578 = arith.constant 0 : i32
    %dma_wait3A_1579 = arith.constant 0 : i32
    %dma_wait3A_1580 = tpu.memref_slice %arg2[%dma_wait3A_1578, %dma_wait3A_1579] : memref<26000x128xf32, #tpu.memory_space<hbm>> -> memref<26000x128xf32, #tpu.memory_space<hbm>>
    %dma_wait3A_1581 = tpu.memref_slice %arg7[%dma_wait3A_1570] : memref<4x!tpu.dma_semaphore, #tpu.memory_space<semaphore_mem>> -> memref<1x!tpu.dma_semaphore, #tpu.memory_space<semaphore_mem>>
    %dma_wait3A_1582 = tpu.memref_squeeze %dma_wait3A_1581 : memref<1x!tpu.dma_semaphore, #tpu.memory_space<semaphore_mem>> -> memref<!tpu.dma_semaphore, #tpu.memory_space<semaphore_mem>>
    tpu.wait_indirect_dma semaphore(%dma_wait3A_1582 : memref<!tpu.dma_semaphore, #tpu.memory_space<semaphore_mem>>) src(%dma_wait3A_1580 : memref<26000x128xf32, #tpu.memory_space<hbm>>) dst(%dma_wait3A_1574 : memref<128x128xf32, #tpu.memory_space<vmem>>)
    %add3A_1583 = arith.constant 3200 : i32
    %add3A_1584 = arith.addi %mul3A_2, %add3A_1583 : i32
    %dma_start3A_1585 = arith.constant 1 : i32
    %dma_start3A_1586 = arith.constant 1 : i32
    %dma_start3A_1587 = arith.constant 0 : i32
    %dma_start3A_1588 = arith.constant 0 : i32
    %dma_start3A_1589 = tpu.memref_slice %arg6[%dma_start3A_1585, %dma_start3A_1587, %dma_start3A_1588] : memref<4x128x128xf32, #tpu.memory_space<vmem>> -> memref<1x128x128xf32, #tpu.memory_space<vmem>>
    %dma_start3A_1590 = tpu.memref_squeeze %dma_start3A_1589 : memref<1x128x128xf32, #tpu.memory_space<vmem>> -> memref<128x128xf32, #tpu.memory_space<vmem>>
    %dma_start3A_1591 = arith.constant 0 : i32
    %dma_start3A_1592 = tpu.memref_slice %arg4[%add3A_1584, %dma_start3A_1591] : memref<106496x128xf32, #tpu.memory_space<hbm>> -> memref<128x128xf32, #tpu.memory_space<hbm>>
    %dma_start3A_1593 = tpu.memref_slice %arg8[%dma_start3A_1586] : memref<4x!tpu.dma_semaphore, #tpu.memory_space<semaphore_mem>> -> memref<1x!tpu.dma_semaphore, #tpu.memory_space<semaphore_mem>>
    %dma_start3A_1594 = tpu.memref_squeeze %dma_start3A_1593 : memref<1x!tpu.dma_semaphore, #tpu.memory_space<semaphore_mem>> -> memref<!tpu.dma_semaphore, #tpu.memory_space<semaphore_mem>>
    %dma_start3A_1595 = arith.constant 0 : i32
    %dma_start3A_1596 = tpu.memref_slice %arg4[%add3A_1584, %dma_start3A_1595] : memref<106496x128xf32, #tpu.memory_space<hbm>> -> memref<128x128xf32, #tpu.memory_space<hbm>>
    %dma_start3A_1597 = arith.constant 0 : i32
    %dma_start3A_1598 = arith.constant 0 : i32
    %dma_start3A_1599 = tpu.memref_slice %arg6[%dma_start3A_1585, %dma_start3A_1597, %dma_start3A_1598] : memref<4x128x128xf32, #tpu.memory_space<vmem>> -> memref<1x128x128xf32, #tpu.memory_space<vmem>>
    %dma_start3A_1600 = tpu.memref_squeeze %dma_start3A_1599 : memref<1x128x128xf32, #tpu.memory_space<vmem>> -> memref<128x128xf32, #tpu.memory_space<vmem>>
    tpu.enqueue_dma source(%dma_start3A_1600 : memref<128x128xf32, #tpu.memory_space<vmem>>) target(%dma_start3A_1596 : memref<128x128xf32, #tpu.memory_space<hbm>>) target_semaphore(%dma_start3A_1594 : memref<!tpu.dma_semaphore, #tpu.memory_space<semaphore_mem>>)
    %dma_wait3A_1601 = arith.constant 0 : i32
    %dma_wait3A_1602 = arith.constant 0 : i32
    %dma_wait3A_1603 = arith.constant 0 : i32
    %dma_wait3A_1604 = arith.constant 0 : i32
    %dma_wait3A_1605 = tpu.memref_slice %arg6[%dma_wait3A_1601, %dma_wait3A_1603, %dma_wait3A_1604] : memref<4x128x128xf32, #tpu.memory_space<vmem>> -> memref<1x128x128xf32, #tpu.memory_space<vmem>>
    %dma_wait3A_1606 = tpu.memref_squeeze %dma_wait3A_1605 : memref<1x128x128xf32, #tpu.memory_space<vmem>> -> memref<128x128xf32, #tpu.memory_space<vmem>>
    %dma_wait3A_1607 = arith.constant 0 : i32
    %dma_wait3A_1608 = tpu.memref_slice %arg4[%add3A_1551, %dma_wait3A_1607] : memref<106496x128xf32, #tpu.memory_space<hbm>> -> memref<128x128xf32, #tpu.memory_space<hbm>>
    %dma_wait3A_1609 = tpu.memref_slice %arg8[%dma_wait3A_1602] : memref<4x!tpu.dma_semaphore, #tpu.memory_space<semaphore_mem>> -> memref<1x!tpu.dma_semaphore, #tpu.memory_space<semaphore_mem>>
    %dma_wait3A_1610 = tpu.memref_squeeze %dma_wait3A_1609 : memref<1x!tpu.dma_semaphore, #tpu.memory_space<semaphore_mem>> -> memref<!tpu.dma_semaphore, #tpu.memory_space<semaphore_mem>>
    %dma_wait3A_1611 = arith.constant 0 : i32
    %dma_wait3A_1612 = tpu.memref_slice %arg4[%add3A_1551, %dma_wait3A_1611] : memref<106496x128xf32, #tpu.memory_space<hbm>> -> memref<128x128xf32, #tpu.memory_space<hbm>>
    %dma_wait3A_1613 = arith.constant 0 : i32
    %dma_wait3A_1614 = arith.constant 0 : i32
    %dma_wait3A_1615 = tpu.memref_slice %arg6[%dma_wait3A_1601, %dma_wait3A_1613, %dma_wait3A_1614] : memref<4x128x128xf32, #tpu.memory_space<vmem>> -> memref<1x128x128xf32, #tpu.memory_space<vmem>>
    %dma_wait3A_1616 = tpu.memref_squeeze %dma_wait3A_1615 : memref<1x128x128xf32, #tpu.memory_space<vmem>> -> memref<128x128xf32, #tpu.memory_space<vmem>>
    tpu.wait_dma2 semaphore(%dma_wait3A_1610 : memref<!tpu.dma_semaphore, #tpu.memory_space<semaphore_mem>>) src(%dma_wait3A_1616 : memref<128x128xf32, #tpu.memory_space<vmem>>) dst(%dma_wait3A_1612 : memref<128x128xf32, #tpu.memory_space<hbm>>)
    %dma_wait3A_1617 = arith.constant 1 : i32
    %dma_wait3A_1618 = arith.constant 1 : i32
    %dma_wait3A_1619 = arith.constant 0 : i32
    %dma_wait3A_1620 = arith.constant 0 : i32
    %dma_wait3A_1621 = tpu.memref_slice %arg6[%dma_wait3A_1617, %dma_wait3A_1619, %dma_wait3A_1620] : memref<4x128x128xf32, #tpu.memory_space<vmem>> -> memref<1x128x128xf32, #tpu.memory_space<vmem>>
    %dma_wait3A_1622 = tpu.memref_squeeze %dma_wait3A_1621 : memref<1x128x128xf32, #tpu.memory_space<vmem>> -> memref<128x128xf32, #tpu.memory_space<vmem>>
    %dma_wait3A_1623 = arith.constant 0 : i32
    %dma_wait3A_1624 = tpu.memref_slice %arg4[%add3A_1584, %dma_wait3A_1623] : memref<106496x128xf32, #tpu.memory_space<hbm>> -> memref<128x128xf32, #tpu.memory_space<hbm>>
    %dma_wait3A_1625 = tpu.memref_slice %arg8[%dma_wait3A_1618] : memref<4x!tpu.dma_semaphore, #tpu.memory_space<semaphore_mem>> -> memref<1x!tpu.dma_semaphore, #tpu.memory_space<semaphore_mem>>
    %dma_wait3A_1626 = tpu.memref_squeeze %dma_wait3A_1625 : memref<1x!tpu.dma_semaphore, #tpu.memory_space<semaphore_mem>> -> memref<!tpu.dma_semaphore, #tpu.memory_space<semaphore_mem>>
    %dma_wait3A_1627 = arith.constant 0 : i32
    %dma_wait3A_1628 = tpu.memref_slice %arg4[%add3A_1584, %dma_wait3A_1627] : memref<106496x128xf32, #tpu.memory_space<hbm>> -> memref<128x128xf32, #tpu.memory_space<hbm>>
    %dma_wait3A_1629 = arith.constant 0 : i32
    %dma_wait3A_1630 = arith.constant 0 : i32
    %dma_wait3A_1631 = tpu.memref_slice %arg6[%dma_wait3A_1617, %dma_wait3A_1629, %dma_wait3A_1630] : memref<4x128x128xf32, #tpu.memory_space<vmem>> -> memref<1x128x128xf32, #tpu.memory_space<vmem>>
    %dma_wait3A_1632 = tpu.memref_squeeze %dma_wait3A_1631 : memref<1x128x128xf32, #tpu.memory_space<vmem>> -> memref<128x128xf32, #tpu.memory_space<vmem>>
    tpu.wait_dma2 semaphore(%dma_wait3A_1626 : memref<!tpu.dma_semaphore, #tpu.memory_space<semaphore_mem>>) src(%dma_wait3A_1632 : memref<128x128xf32, #tpu.memory_space<vmem>>) dst(%dma_wait3A_1628 : memref<128x128xf32, #tpu.memory_space<hbm>>)
    return
  }
}

module attributes {stable_mosaic.version = 14 : i64} {
  func.func @_tcA_body(%arg0: i32, %arg1: memref<512x13xf32, #tpu.memory_space<vmem>>, %arg2: memref<13312x128xf32, #tpu.memory_space<vmem>>, %arg3: memref<13312x216xbf16, #tpu.memory_space<vmem>>, %arg4: memref<216x27xbf16, #tpu.memory_space<vmem>>, %arg5: memref<13x512xbf16, #tpu.memory_space<vmem>>, %arg6: memref<1x512xf32, #tpu.memory_space<vmem>>, %arg7: memref<512x256xbf16, #tpu.memory_space<vmem>>, %arg8: memref<1x256xf32, #tpu.memory_space<vmem>>, %arg9: memref<256x128xbf16, #tpu.memory_space<vmem>>, %arg10: memref<1x128xf32, #tpu.memory_space<vmem>>, %arg11: memref<13312x27xbf16, #tpu.memory_space<vmem>>, %arg12: memref<512x128xbf16, #tpu.memory_space<vmem>>) attributes {dimension_semantics = [#tpu.dimension_semantics<arbitrary>], iteration_bounds = array<i64: 8>, scalar_prefetch = 0 : i64, scratch_operands = 0 : i64, tpu.core_type = #tpu.core_type<tc>, window_params = [{transform_indices = @transform_0, window_bounds = array<i64: 512, 13>}, {transform_indices = @transform_1, window_bounds = array<i64: 13312, 128>}, {pipeline_mode = #tpu.pipeline_mode<synchronous>, transform_indices = @transform_2, window_bounds = array<i64: 13312, 216>}, {pipeline_mode = #tpu.pipeline_mode<synchronous>, transform_indices = @transform_3, window_bounds = array<i64: 216, 27>}, {pipeline_mode = #tpu.pipeline_mode<synchronous>, transform_indices = @transform_4, window_bounds = array<i64: 13, 512>}, {pipeline_mode = #tpu.pipeline_mode<synchronous>, transform_indices = @transform_5, window_bounds = array<i64: 1, 512>}, {pipeline_mode = #tpu.pipeline_mode<synchronous>, transform_indices = @transform_6, window_bounds = array<i64: 512, 256>}, {pipeline_mode = #tpu.pipeline_mode<synchronous>, transform_indices = @transform_7, window_bounds = array<i64: 1, 256>}, {pipeline_mode = #tpu.pipeline_mode<synchronous>, transform_indices = @transform_8, window_bounds = array<i64: 256, 128>}, {pipeline_mode = #tpu.pipeline_mode<synchronous>, transform_indices = @transform_9, window_bounds = array<i64: 1, 128>}, {transform_indices = @transform_10, window_bounds = array<i64: 13312, 27>}, {transform_indices = @transform_11, window_bounds = array<i64: 512, 128>}]} {
    %get3A = arith.constant 0 : index
    %get3A_0 = arith.constant 0 : index
    %get3A_1 = vector.load %arg1[%get3A, %get3A_0] : memref<512x13xf32, #tpu.memory_space<vmem>>, vector<512x13xf32>
    %get3A_2 = arith.constant 0 : index
    %get3A_3 = arith.constant 0 : index
    %get3A_4 = vector.load %arg5[%get3A_2, %get3A_3] : memref<13x512xbf16, #tpu.memory_space<vmem>>, vector<13x512xbf16>
    %convert_element_type3A = arith.truncf %get3A_1 : vector<512x13xf32> to vector<512x13xbf16>
    %dot_general3A = arith.constant dense<0.000000e+00> : vector<512x512xf32>
    %dot_general3A_5 = tpu.matmul %convert_element_type3A, %get3A_4, %dot_general3A {dimension_numbers = #tpu.dot_dimension_numbers<[1], [0], [0], [1], [0, 0, 1, 1], [], []>, transpose_lhs_hint = false} : vector<512x13xbf16>, vector<13x512xbf16>, vector<512x512xf32> -> vector<512x512xf32>
    %get3A_6 = arith.constant 0 : index
    %get3A_7 = arith.constant 0 : index
    %get3A_8 = vector.load %arg6[%get3A_6, %get3A_7] : memref<1x512xf32, #tpu.memory_space<vmem>>, vector<1x512xf32>
    %add3A = vector.broadcast %get3A_8 : vector<1x512xf32> to vector<512x512xf32>
    %add3A_9 = arith.addf %dot_general3A_5, %add3A : vector<512x512xf32>
    %max3A = arith.constant 0.000000e+00 : f32
    %max3A_10 = vector.broadcast %max3A : f32 to vector<512x512xf32>
    %max3A_11 = arith.maximumf %add3A_9, %max3A_10 : vector<512x512xf32>
    %get3A_12 = arith.constant 0 : index
    %get3A_13 = arith.constant 0 : index
    %get3A_14 = vector.load %arg7[%get3A_12, %get3A_13] : memref<512x256xbf16, #tpu.memory_space<vmem>>, vector<512x256xbf16>
    %convert_element_type3A_15 = arith.truncf %max3A_11 : vector<512x512xf32> to vector<512x512xbf16>
    %dot_general3A_16 = arith.constant dense<0.000000e+00> : vector<512x256xf32>
    %dot_general3A_17 = tpu.matmul %convert_element_type3A_15, %get3A_14, %dot_general3A_16 {dimension_numbers = #tpu.dot_dimension_numbers<[1], [0], [0], [1], [0, 0, 1, 1], [], []>, transpose_lhs_hint = false} : vector<512x512xbf16>, vector<512x256xbf16>, vector<512x256xf32> -> vector<512x256xf32>
    %get3A_18 = arith.constant 0 : index
    %get3A_19 = arith.constant 0 : index
    %get3A_20 = vector.load %arg8[%get3A_18, %get3A_19] : memref<1x256xf32, #tpu.memory_space<vmem>>, vector<1x256xf32>
    %add3A_21 = vector.broadcast %get3A_20 : vector<1x256xf32> to vector<512x256xf32>
    %add3A_22 = arith.addf %dot_general3A_17, %add3A_21 : vector<512x256xf32>
    %max3A_23 = arith.constant 0.000000e+00 : f32
    %max3A_24 = vector.broadcast %max3A_23 : f32 to vector<512x256xf32>
    %max3A_25 = arith.maximumf %add3A_22, %max3A_24 : vector<512x256xf32>
    %get3A_26 = arith.constant 0 : index
    %get3A_27 = arith.constant 0 : index
    %get3A_28 = vector.load %arg9[%get3A_26, %get3A_27] : memref<256x128xbf16, #tpu.memory_space<vmem>>, vector<256x128xbf16>
    %convert_element_type3A_29 = arith.truncf %max3A_25 : vector<512x256xf32> to vector<512x256xbf16>
    %dot_general3A_30 = arith.constant dense<0.000000e+00> : vector<512x128xf32>
    %dot_general3A_31 = tpu.matmul %convert_element_type3A_29, %get3A_28, %dot_general3A_30 {dimension_numbers = #tpu.dot_dimension_numbers<[1], [0], [0], [1], [0, 0, 1, 1], [], []>, transpose_lhs_hint = false} : vector<512x256xbf16>, vector<256x128xbf16>, vector<512x128xf32> -> vector<512x128xf32>
    %get3A_32 = arith.constant 0 : index
    %get3A_33 = arith.constant 0 : index
    %get3A_34 = vector.load %arg10[%get3A_32, %get3A_33] : memref<1x128xf32, #tpu.memory_space<vmem>>, vector<1x128xf32>
    %add3A_35 = vector.broadcast %get3A_34 : vector<1x128xf32> to vector<512x128xf32>
    %add3A_36 = arith.addf %dot_general3A_31, %add3A_35 : vector<512x128xf32>
    %convert_element_type3A_37 = arith.truncf %add3A_36 : vector<512x128xf32> to vector<512x128xbf16>
    %swap3A = arith.constant 0 : index
    %swap3A_38 = arith.constant 0 : index
    %swap3A_39 = vector.load %arg12[%swap3A, %swap3A_38] : memref<512x128xbf16, #tpu.memory_space<vmem>>, vector<512x128xbf16>
    tpu.vector_store %arg12[%swap3A, %swap3A_38], %convert_element_type3A_37 {strides = array<i32>} : memref<512x128xbf16, #tpu.memory_space<vmem>>, vector<512x128xbf16>,
    %get3A_40 = arith.constant 0 : index
    %get3A_41 = arith.constant 0 : index
    %get3A_42 = vector.load %arg2[%get3A_40, %get3A_41] : memref<13312x128xf32, #tpu.memory_space<vmem>>, vector<13312x128xf32>
    %convert_element_type3A_43 = arith.truncf %get3A_42 : vector<13312x128xf32> to vector<13312x128xbf16>
    %slice3A = vector.extract_strided_slice %convert_element_type3A_43 {offsets = [0, 0], sizes = [208, 128], strides = [1, 1]} : vector<13312x128xbf16> to vector<208x128xbf16>
    %slice3A_44 = vector.extract_strided_slice %convert_element_type3A_37 {offsets = [0, 0], sizes = [8, 128], strides = [1, 1]} : vector<512x128xbf16> to vector<8x128xbf16>
    %concatenate3A = tpu.concatenate %slice3A, %slice3A_44 in 0 : vector<208x128xbf16>, vector<8x128xbf16> -> vector<216x128xbf16>
    %dot_general3A_45 = arith.constant dense<0.000000e+00> : vector<208x216xf32>
    %dot_general3A_46 = tpu.matmul %slice3A, %concatenate3A, %dot_general3A_45 {dimension_numbers = #tpu.dot_dimension_numbers<[1], [1], [0], [0], [0, 0, 1, 0], [], []>, transpose_lhs_hint = false} : vector<208x128xbf16>, vector<216x128xbf16>, vector<208x216xf32> -> vector<208x216xf32>
    %convert_element_type3A_47 = arith.truncf %dot_general3A_46 : vector<208x216xf32> to vector<208x216xbf16>
    %slice3A_48 = vector.extract_strided_slice %convert_element_type3A_43 {offsets = [208, 0], sizes = [208, 128], strides = [1, 1]} : vector<13312x128xbf16> to vector<208x128xbf16>
    %slice3A_49 = vector.extract_strided_slice %convert_element_type3A_37 {offsets = [8, 0], sizes = [8, 128], strides = [1, 1]} : vector<512x128xbf16> to vector<8x128xbf16>
    %concatenate3A_50 = tpu.concatenate %slice3A_48, %slice3A_49 in 0 : vector<208x128xbf16>, vector<8x128xbf16> -> vector<216x128xbf16>
    %dot_general3A_51 = arith.constant dense<0.000000e+00> : vector<208x216xf32>
    %dot_general3A_52 = tpu.matmul %slice3A_48, %concatenate3A_50, %dot_general3A_51 {dimension_numbers = #tpu.dot_dimension_numbers<[1], [1], [0], [0], [0, 0, 1, 0], [], []>, transpose_lhs_hint = false} : vector<208x128xbf16>, vector<216x128xbf16>, vector<208x216xf32> -> vector<208x216xf32>
    %convert_element_type3A_53 = arith.truncf %dot_general3A_52 : vector<208x216xf32> to vector<208x216xbf16>
    %slice3A_54 = vector.extract_strided_slice %convert_element_type3A_43 {offsets = [416, 0], sizes = [208, 128], strides = [1, 1]} : vector<13312x128xbf16> to vector<208x128xbf16>
    %slice3A_55 = vector.extract_strided_slice %convert_element_type3A_37 {offsets = [16, 0], sizes = [8, 128], strides = [1, 1]} : vector<512x128xbf16> to vector<8x128xbf16>
    %concatenate3A_56 = tpu.concatenate %slice3A_54, %slice3A_55 in 0 : vector<208x128xbf16>, vector<8x128xbf16> -> vector<216x128xbf16>
    %dot_general3A_57 = arith.constant dense<0.000000e+00> : vector<208x216xf32>
    %dot_general3A_58 = tpu.matmul %slice3A_54, %concatenate3A_56, %dot_general3A_57 {dimension_numbers = #tpu.dot_dimension_numbers<[1], [1], [0], [0], [0, 0, 1, 0], [], []>, transpose_lhs_hint = false} : vector<208x128xbf16>, vector<216x128xbf16>, vector<208x216xf32> -> vector<208x216xf32>
    %convert_element_type3A_59 = arith.truncf %dot_general3A_58 : vector<208x216xf32> to vector<208x216xbf16>
    %slice3A_60 = vector.extract_strided_slice %convert_element_type3A_43 {offsets = [624, 0], sizes = [208, 128], strides = [1, 1]} : vector<13312x128xbf16> to vector<208x128xbf16>
    %slice3A_61 = vector.extract_strided_slice %convert_element_type3A_37 {offsets = [24, 0], sizes = [8, 128], strides = [1, 1]} : vector<512x128xbf16> to vector<8x128xbf16>
    %concatenate3A_62 = tpu.concatenate %slice3A_60, %slice3A_61 in 0 : vector<208x128xbf16>, vector<8x128xbf16> -> vector<216x128xbf16>
    %dot_general3A_63 = arith.constant dense<0.000000e+00> : vector<208x216xf32>
    %dot_general3A_64 = tpu.matmul %slice3A_60, %concatenate3A_62, %dot_general3A_63 {dimension_numbers = #tpu.dot_dimension_numbers<[1], [1], [0], [0], [0, 0, 1, 0], [], []>, transpose_lhs_hint = false} : vector<208x128xbf16>, vector<216x128xbf16>, vector<208x216xf32> -> vector<208x216xf32>
    %convert_element_type3A_65 = arith.truncf %dot_general3A_64 : vector<208x216xf32> to vector<208x216xbf16>
    %slice3A_66 = vector.extract_strided_slice %convert_element_type3A_43 {offsets = [832, 0], sizes = [208, 128], strides = [1, 1]} : vector<13312x128xbf16> to vector<208x128xbf16>
    %slice3A_67 = vector.extract_strided_slice %convert_element_type3A_37 {offsets = [32, 0], sizes = [8, 128], strides = [1, 1]} : vector<512x128xbf16> to vector<8x128xbf16>
    %concatenate3A_68 = tpu.concatenate %slice3A_66, %slice3A_67 in 0 : vector<208x128xbf16>, vector<8x128xbf16> -> vector<216x128xbf16>
    %dot_general3A_69 = arith.constant dense<0.000000e+00> : vector<208x216xf32>
    %dot_general3A_70 = tpu.matmul %slice3A_66, %concatenate3A_68, %dot_general3A_69 {dimension_numbers = #tpu.dot_dimension_numbers<[1], [1], [0], [0], [0, 0, 1, 0], [], []>, transpose_lhs_hint = false} : vector<208x128xbf16>, vector<216x128xbf16>, vector<208x216xf32> -> vector<208x216xf32>
    %convert_element_type3A_71 = arith.truncf %dot_general3A_70 : vector<208x216xf32> to vector<208x216xbf16>
    %slice3A_72 = vector.extract_strided_slice %convert_element_type3A_43 {offsets = [1040, 0], sizes = [208, 128], strides = [1, 1]} : vector<13312x128xbf16> to vector<208x128xbf16>
    %slice3A_73 = vector.extract_strided_slice %convert_element_type3A_37 {offsets = [40, 0], sizes = [8, 128], strides = [1, 1]} : vector<512x128xbf16> to vector<8x128xbf16>
    %concatenate3A_74 = tpu.concatenate %slice3A_72, %slice3A_73 in 0 : vector<208x128xbf16>, vector<8x128xbf16> -> vector<216x128xbf16>
    %dot_general3A_75 = arith.constant dense<0.000000e+00> : vector<208x216xf32>
    %dot_general3A_76 = tpu.matmul %slice3A_72, %concatenate3A_74, %dot_general3A_75 {dimension_numbers = #tpu.dot_dimension_numbers<[1], [1], [0], [0], [0, 0, 1, 0], [], []>, transpose_lhs_hint = false} : vector<208x128xbf16>, vector<216x128xbf16>, vector<208x216xf32> -> vector<208x216xf32>
    %convert_element_type3A_77 = arith.truncf %dot_general3A_76 : vector<208x216xf32> to vector<208x216xbf16>
    %slice3A_78 = vector.extract_strided_slice %convert_element_type3A_43 {offsets = [1248, 0], sizes = [208, 128], strides = [1, 1]} : vector<13312x128xbf16> to vector<208x128xbf16>
    %slice3A_79 = vector.extract_strided_slice %convert_element_type3A_37 {offsets = [48, 0], sizes = [8, 128], strides = [1, 1]} : vector<512x128xbf16> to vector<8x128xbf16>
    %concatenate3A_80 = tpu.concatenate %slice3A_78, %slice3A_79 in 0 : vector<208x128xbf16>, vector<8x128xbf16> -> vector<216x128xbf16>
    %dot_general3A_81 = arith.constant dense<0.000000e+00> : vector<208x216xf32>
    %dot_general3A_82 = tpu.matmul %slice3A_78, %concatenate3A_80, %dot_general3A_81 {dimension_numbers = #tpu.dot_dimension_numbers<[1], [1], [0], [0], [0, 0, 1, 0], [], []>, transpose_lhs_hint = false} : vector<208x128xbf16>, vector<216x128xbf16>, vector<208x216xf32> -> vector<208x216xf32>
    %convert_element_type3A_83 = arith.truncf %dot_general3A_82 : vector<208x216xf32> to vector<208x216xbf16>
    %slice3A_84 = vector.extract_strided_slice %convert_element_type3A_43 {offsets = [1456, 0], sizes = [208, 128], strides = [1, 1]} : vector<13312x128xbf16> to vector<208x128xbf16>
    %slice3A_85 = vector.extract_strided_slice %convert_element_type3A_37 {offsets = [56, 0], sizes = [8, 128], strides = [1, 1]} : vector<512x128xbf16> to vector<8x128xbf16>
    %concatenate3A_86 = tpu.concatenate %slice3A_84, %slice3A_85 in 0 : vector<208x128xbf16>, vector<8x128xbf16> -> vector<216x128xbf16>
    %dot_general3A_87 = arith.constant dense<0.000000e+00> : vector<208x216xf32>
    %dot_general3A_88 = tpu.matmul %slice3A_84, %concatenate3A_86, %dot_general3A_87 {dimension_numbers = #tpu.dot_dimension_numbers<[1], [1], [0], [0], [0, 0, 1, 0], [], []>, transpose_lhs_hint = false} : vector<208x128xbf16>, vector<216x128xbf16>, vector<208x216xf32> -> vector<208x216xf32>
    %convert_element_type3A_89 = arith.truncf %dot_general3A_88 : vector<208x216xf32> to vector<208x216xbf16>
    %slice3A_90 = vector.extract_strided_slice %convert_element_type3A_43 {offsets = [1664, 0], sizes = [208, 128], strides = [1, 1]} : vector<13312x128xbf16> to vector<208x128xbf16>
    %slice3A_91 = vector.extract_strided_slice %convert_element_type3A_37 {offsets = [64, 0], sizes = [8, 128], strides = [1, 1]} : vector<512x128xbf16> to vector<8x128xbf16>
    %concatenate3A_92 = tpu.concatenate %slice3A_90, %slice3A_91 in 0 : vector<208x128xbf16>, vector<8x128xbf16> -> vector<216x128xbf16>
    %dot_general3A_93 = arith.constant dense<0.000000e+00> : vector<208x216xf32>
    %dot_general3A_94 = tpu.matmul %slice3A_90, %concatenate3A_92, %dot_general3A_93 {dimension_numbers = #tpu.dot_dimension_numbers<[1], [1], [0], [0], [0, 0, 1, 0], [], []>, transpose_lhs_hint = false} : vector<208x128xbf16>, vector<216x128xbf16>, vector<208x216xf32> -> vector<208x216xf32>
    %convert_element_type3A_95 = arith.truncf %dot_general3A_94 : vector<208x216xf32> to vector<208x216xbf16>
    %slice3A_96 = vector.extract_strided_slice %convert_element_type3A_43 {offsets = [1872, 0], sizes = [208, 128], strides = [1, 1]} : vector<13312x128xbf16> to vector<208x128xbf16>
    %slice3A_97 = vector.extract_strided_slice %convert_element_type3A_37 {offsets = [72, 0], sizes = [8, 128], strides = [1, 1]} : vector<512x128xbf16> to vector<8x128xbf16>
    %concatenate3A_98 = tpu.concatenate %slice3A_96, %slice3A_97 in 0 : vector<208x128xbf16>, vector<8x128xbf16> -> vector<216x128xbf16>
    %dot_general3A_99 = arith.constant dense<0.000000e+00> : vector<208x216xf32>
    %dot_general3A_100 = tpu.matmul %slice3A_96, %concatenate3A_98, %dot_general3A_99 {dimension_numbers = #tpu.dot_dimension_numbers<[1], [1], [0], [0], [0, 0, 1, 0], [], []>, transpose_lhs_hint = false} : vector<208x128xbf16>, vector<216x128xbf16>, vector<208x216xf32> -> vector<208x216xf32>
    %convert_element_type3A_101 = arith.truncf %dot_general3A_100 : vector<208x216xf32> to vector<208x216xbf16>
    %slice3A_102 = vector.extract_strided_slice %convert_element_type3A_43 {offsets = [2080, 0], sizes = [208, 128], strides = [1, 1]} : vector<13312x128xbf16> to vector<208x128xbf16>
    %slice3A_103 = vector.extract_strided_slice %convert_element_type3A_37 {offsets = [80, 0], sizes = [8, 128], strides = [1, 1]} : vector<512x128xbf16> to vector<8x128xbf16>
    %concatenate3A_104 = tpu.concatenate %slice3A_102, %slice3A_103 in 0 : vector<208x128xbf16>, vector<8x128xbf16> -> vector<216x128xbf16>
    %dot_general3A_105 = arith.constant dense<0.000000e+00> : vector<208x216xf32>
    %dot_general3A_106 = tpu.matmul %slice3A_102, %concatenate3A_104, %dot_general3A_105 {dimension_numbers = #tpu.dot_dimension_numbers<[1], [1], [0], [0], [0, 0, 1, 0], [], []>, transpose_lhs_hint = false} : vector<208x128xbf16>, vector<216x128xbf16>, vector<208x216xf32> -> vector<208x216xf32>
    %convert_element_type3A_107 = arith.truncf %dot_general3A_106 : vector<208x216xf32> to vector<208x216xbf16>
    %slice3A_108 = vector.extract_strided_slice %convert_element_type3A_43 {offsets = [2288, 0], sizes = [208, 128], strides = [1, 1]} : vector<13312x128xbf16> to vector<208x128xbf16>
    %slice3A_109 = vector.extract_strided_slice %convert_element_type3A_37 {offsets = [88, 0], sizes = [8, 128], strides = [1, 1]} : vector<512x128xbf16> to vector<8x128xbf16>
    %concatenate3A_110 = tpu.concatenate %slice3A_108, %slice3A_109 in 0 : vector<208x128xbf16>, vector<8x128xbf16> -> vector<216x128xbf16>
    %dot_general3A_111 = arith.constant dense<0.000000e+00> : vector<208x216xf32>
    %dot_general3A_112 = tpu.matmul %slice3A_108, %concatenate3A_110, %dot_general3A_111 {dimension_numbers = #tpu.dot_dimension_numbers<[1], [1], [0], [0], [0, 0, 1, 0], [], []>, transpose_lhs_hint = false} : vector<208x128xbf16>, vector<216x128xbf16>, vector<208x216xf32> -> vector<208x216xf32>
    %convert_element_type3A_113 = arith.truncf %dot_general3A_112 : vector<208x216xf32> to vector<208x216xbf16>
    %slice3A_114 = vector.extract_strided_slice %convert_element_type3A_43 {offsets = [2496, 0], sizes = [208, 128], strides = [1, 1]} : vector<13312x128xbf16> to vector<208x128xbf16>
    %slice3A_115 = vector.extract_strided_slice %convert_element_type3A_37 {offsets = [96, 0], sizes = [8, 128], strides = [1, 1]} : vector<512x128xbf16> to vector<8x128xbf16>
    %concatenate3A_116 = tpu.concatenate %slice3A_114, %slice3A_115 in 0 : vector<208x128xbf16>, vector<8x128xbf16> -> vector<216x128xbf16>
    %dot_general3A_117 = arith.constant dense<0.000000e+00> : vector<208x216xf32>
    %dot_general3A_118 = tpu.matmul %slice3A_114, %concatenate3A_116, %dot_general3A_117 {dimension_numbers = #tpu.dot_dimension_numbers<[1], [1], [0], [0], [0, 0, 1, 0], [], []>, transpose_lhs_hint = false} : vector<208x128xbf16>, vector<216x128xbf16>, vector<208x216xf32> -> vector<208x216xf32>
    %convert_element_type3A_119 = arith.truncf %dot_general3A_118 : vector<208x216xf32> to vector<208x216xbf16>
    %slice3A_120 = vector.extract_strided_slice %convert_element_type3A_43 {offsets = [2704, 0], sizes = [208, 128], strides = [1, 1]} : vector<13312x128xbf16> to vector<208x128xbf16>
    %slice3A_121 = vector.extract_strided_slice %convert_element_type3A_37 {offsets = [104, 0], sizes = [8, 128], strides = [1, 1]} : vector<512x128xbf16> to vector<8x128xbf16>
    %concatenate3A_122 = tpu.concatenate %slice3A_120, %slice3A_121 in 0 : vector<208x128xbf16>, vector<8x128xbf16> -> vector<216x128xbf16>
    %dot_general3A_123 = arith.constant dense<0.000000e+00> : vector<208x216xf32>
    %dot_general3A_124 = tpu.matmul %slice3A_120, %concatenate3A_122, %dot_general3A_123 {dimension_numbers = #tpu.dot_dimension_numbers<[1], [1], [0], [0], [0, 0, 1, 0], [], []>, transpose_lhs_hint = false} : vector<208x128xbf16>, vector<216x128xbf16>, vector<208x216xf32> -> vector<208x216xf32>
    %convert_element_type3A_125 = arith.truncf %dot_general3A_124 : vector<208x216xf32> to vector<208x216xbf16>
    %slice3A_126 = vector.extract_strided_slice %convert_element_type3A_43 {offsets = [2912, 0], sizes = [208, 128], strides = [1, 1]} : vector<13312x128xbf16> to vector<208x128xbf16>
    %slice3A_127 = vector.extract_strided_slice %convert_element_type3A_37 {offsets = [112, 0], sizes = [8, 128], strides = [1, 1]} : vector<512x128xbf16> to vector<8x128xbf16>
    %concatenate3A_128 = tpu.concatenate %slice3A_126, %slice3A_127 in 0 : vector<208x128xbf16>, vector<8x128xbf16> -> vector<216x128xbf16>
    %dot_general3A_129 = arith.constant dense<0.000000e+00> : vector<208x216xf32>
    %dot_general3A_130 = tpu.matmul %slice3A_126, %concatenate3A_128, %dot_general3A_129 {dimension_numbers = #tpu.dot_dimension_numbers<[1], [1], [0], [0], [0, 0, 1, 0], [], []>, transpose_lhs_hint = false} : vector<208x128xbf16>, vector<216x128xbf16>, vector<208x216xf32> -> vector<208x216xf32>
    %convert_element_type3A_131 = arith.truncf %dot_general3A_130 : vector<208x216xf32> to vector<208x216xbf16>
    %slice3A_132 = vector.extract_strided_slice %convert_element_type3A_43 {offsets = [3120, 0], sizes = [208, 128], strides = [1, 1]} : vector<13312x128xbf16> to vector<208x128xbf16>
    %slice3A_133 = vector.extract_strided_slice %convert_element_type3A_37 {offsets = [120, 0], sizes = [8, 128], strides = [1, 1]} : vector<512x128xbf16> to vector<8x128xbf16>
    %concatenate3A_134 = tpu.concatenate %slice3A_132, %slice3A_133 in 0 : vector<208x128xbf16>, vector<8x128xbf16> -> vector<216x128xbf16>
    %dot_general3A_135 = arith.constant dense<0.000000e+00> : vector<208x216xf32>
    %dot_general3A_136 = tpu.matmul %slice3A_132, %concatenate3A_134, %dot_general3A_135 {dimension_numbers = #tpu.dot_dimension_numbers<[1], [1], [0], [0], [0, 0, 1, 0], [], []>, transpose_lhs_hint = false} : vector<208x128xbf16>, vector<216x128xbf16>, vector<208x216xf32> -> vector<208x216xf32>
    %convert_element_type3A_137 = arith.truncf %dot_general3A_136 : vector<208x216xf32> to vector<208x216xbf16>
    %slice3A_138 = vector.extract_strided_slice %convert_element_type3A_43 {offsets = [3328, 0], sizes = [208, 128], strides = [1, 1]} : vector<13312x128xbf16> to vector<208x128xbf16>
    %slice3A_139 = vector.extract_strided_slice %convert_element_type3A_37 {offsets = [128, 0], sizes = [8, 128], strides = [1, 1]} : vector<512x128xbf16> to vector<8x128xbf16>
    %concatenate3A_140 = tpu.concatenate %slice3A_138, %slice3A_139 in 0 : vector<208x128xbf16>, vector<8x128xbf16> -> vector<216x128xbf16>
    %dot_general3A_141 = arith.constant dense<0.000000e+00> : vector<208x216xf32>
    %dot_general3A_142 = tpu.matmul %slice3A_138, %concatenate3A_140, %dot_general3A_141 {dimension_numbers = #tpu.dot_dimension_numbers<[1], [1], [0], [0], [0, 0, 1, 0], [], []>, transpose_lhs_hint = false} : vector<208x128xbf16>, vector<216x128xbf16>, vector<208x216xf32> -> vector<208x216xf32>
    %convert_element_type3A_143 = arith.truncf %dot_general3A_142 : vector<208x216xf32> to vector<208x216xbf16>
    %slice3A_144 = vector.extract_strided_slice %convert_element_type3A_43 {offsets = [3536, 0], sizes = [208, 128], strides = [1, 1]} : vector<13312x128xbf16> to vector<208x128xbf16>
    %slice3A_145 = vector.extract_strided_slice %convert_element_type3A_37 {offsets = [136, 0], sizes = [8, 128], strides = [1, 1]} : vector<512x128xbf16> to vector<8x128xbf16>
    %concatenate3A_146 = tpu.concatenate %slice3A_144, %slice3A_145 in 0 : vector<208x128xbf16>, vector<8x128xbf16> -> vector<216x128xbf16>
    %dot_general3A_147 = arith.constant dense<0.000000e+00> : vector<208x216xf32>
    %dot_general3A_148 = tpu.matmul %slice3A_144, %concatenate3A_146, %dot_general3A_147 {dimension_numbers = #tpu.dot_dimension_numbers<[1], [1], [0], [0], [0, 0, 1, 0], [], []>, transpose_lhs_hint = false} : vector<208x128xbf16>, vector<216x128xbf16>, vector<208x216xf32> -> vector<208x216xf32>
    %convert_element_type3A_149 = arith.truncf %dot_general3A_148 : vector<208x216xf32> to vector<208x216xbf16>
    %slice3A_150 = vector.extract_strided_slice %convert_element_type3A_43 {offsets = [3744, 0], sizes = [208, 128], strides = [1, 1]} : vector<13312x128xbf16> to vector<208x128xbf16>
    %slice3A_151 = vector.extract_strided_slice %convert_element_type3A_37 {offsets = [144, 0], sizes = [8, 128], strides = [1, 1]} : vector<512x128xbf16> to vector<8x128xbf16>
    %concatenate3A_152 = tpu.concatenate %slice3A_150, %slice3A_151 in 0 : vector<208x128xbf16>, vector<8x128xbf16> -> vector<216x128xbf16>
    %dot_general3A_153 = arith.constant dense<0.000000e+00> : vector<208x216xf32>
    %dot_general3A_154 = tpu.matmul %slice3A_150, %concatenate3A_152, %dot_general3A_153 {dimension_numbers = #tpu.dot_dimension_numbers<[1], [1], [0], [0], [0, 0, 1, 0], [], []>, transpose_lhs_hint = false} : vector<208x128xbf16>, vector<216x128xbf16>, vector<208x216xf32> -> vector<208x216xf32>
    %convert_element_type3A_155 = arith.truncf %dot_general3A_154 : vector<208x216xf32> to vector<208x216xbf16>
    %slice3A_156 = vector.extract_strided_slice %convert_element_type3A_43 {offsets = [3952, 0], sizes = [208, 128], strides = [1, 1]} : vector<13312x128xbf16> to vector<208x128xbf16>
    %slice3A_157 = vector.extract_strided_slice %convert_element_type3A_37 {offsets = [152, 0], sizes = [8, 128], strides = [1, 1]} : vector<512x128xbf16> to vector<8x128xbf16>
    %concatenate3A_158 = tpu.concatenate %slice3A_156, %slice3A_157 in 0 : vector<208x128xbf16>, vector<8x128xbf16> -> vector<216x128xbf16>
    %dot_general3A_159 = arith.constant dense<0.000000e+00> : vector<208x216xf32>
    %dot_general3A_160 = tpu.matmul %slice3A_156, %concatenate3A_158, %dot_general3A_159 {dimension_numbers = #tpu.dot_dimension_numbers<[1], [1], [0], [0], [0, 0, 1, 0], [], []>, transpose_lhs_hint = false} : vector<208x128xbf16>, vector<216x128xbf16>, vector<208x216xf32> -> vector<208x216xf32>
    %convert_element_type3A_161 = arith.truncf %dot_general3A_160 : vector<208x216xf32> to vector<208x216xbf16>
    %slice3A_162 = vector.extract_strided_slice %convert_element_type3A_43 {offsets = [4160, 0], sizes = [208, 128], strides = [1, 1]} : vector<13312x128xbf16> to vector<208x128xbf16>
    %slice3A_163 = vector.extract_strided_slice %convert_element_type3A_37 {offsets = [160, 0], sizes = [8, 128], strides = [1, 1]} : vector<512x128xbf16> to vector<8x128xbf16>
    %concatenate3A_164 = tpu.concatenate %slice3A_162, %slice3A_163 in 0 : vector<208x128xbf16>, vector<8x128xbf16> -> vector<216x128xbf16>
    %dot_general3A_165 = arith.constant dense<0.000000e+00> : vector<208x216xf32>
    %dot_general3A_166 = tpu.matmul %slice3A_162, %concatenate3A_164, %dot_general3A_165 {dimension_numbers = #tpu.dot_dimension_numbers<[1], [1], [0], [0], [0, 0, 1, 0], [], []>, transpose_lhs_hint = false} : vector<208x128xbf16>, vector<216x128xbf16>, vector<208x216xf32> -> vector<208x216xf32>
    %convert_element_type3A_167 = arith.truncf %dot_general3A_166 : vector<208x216xf32> to vector<208x216xbf16>
    %slice3A_168 = vector.extract_strided_slice %convert_element_type3A_43 {offsets = [4368, 0], sizes = [208, 128], strides = [1, 1]} : vector<13312x128xbf16> to vector<208x128xbf16>
    %slice3A_169 = vector.extract_strided_slice %convert_element_type3A_37 {offsets = [168, 0], sizes = [8, 128], strides = [1, 1]} : vector<512x128xbf16> to vector<8x128xbf16>
    %concatenate3A_170 = tpu.concatenate %slice3A_168, %slice3A_169 in 0 : vector<208x128xbf16>, vector<8x128xbf16> -> vector<216x128xbf16>
    %dot_general3A_171 = arith.constant dense<0.000000e+00> : vector<208x216xf32>
    %dot_general3A_172 = tpu.matmul %slice3A_168, %concatenate3A_170, %dot_general3A_171 {dimension_numbers = #tpu.dot_dimension_numbers<[1], [1], [0], [0], [0, 0, 1, 0], [], []>, transpose_lhs_hint = false} : vector<208x128xbf16>, vector<216x128xbf16>, vector<208x216xf32> -> vector<208x216xf32>
    %convert_element_type3A_173 = arith.truncf %dot_general3A_172 : vector<208x216xf32> to vector<208x216xbf16>
    %slice3A_174 = vector.extract_strided_slice %convert_element_type3A_43 {offsets = [4576, 0], sizes = [208, 128], strides = [1, 1]} : vector<13312x128xbf16> to vector<208x128xbf16>
    %slice3A_175 = vector.extract_strided_slice %convert_element_type3A_37 {offsets = [176, 0], sizes = [8, 128], strides = [1, 1]} : vector<512x128xbf16> to vector<8x128xbf16>
    %concatenate3A_176 = tpu.concatenate %slice3A_174, %slice3A_175 in 0 : vector<208x128xbf16>, vector<8x128xbf16> -> vector<216x128xbf16>
    %dot_general3A_177 = arith.constant dense<0.000000e+00> : vector<208x216xf32>
    %dot_general3A_178 = tpu.matmul %slice3A_174, %concatenate3A_176, %dot_general3A_177 {dimension_numbers = #tpu.dot_dimension_numbers<[1], [1], [0], [0], [0, 0, 1, 0], [], []>, transpose_lhs_hint = false} : vector<208x128xbf16>, vector<216x128xbf16>, vector<208x216xf32> -> vector<208x216xf32>
    %convert_element_type3A_179 = arith.truncf %dot_general3A_178 : vector<208x216xf32> to vector<208x216xbf16>
    %slice3A_180 = vector.extract_strided_slice %convert_element_type3A_43 {offsets = [4784, 0], sizes = [208, 128], strides = [1, 1]} : vector<13312x128xbf16> to vector<208x128xbf16>
    %slice3A_181 = vector.extract_strided_slice %convert_element_type3A_37 {offsets = [184, 0], sizes = [8, 128], strides = [1, 1]} : vector<512x128xbf16> to vector<8x128xbf16>
    %concatenate3A_182 = tpu.concatenate %slice3A_180, %slice3A_181 in 0 : vector<208x128xbf16>, vector<8x128xbf16> -> vector<216x128xbf16>
    %dot_general3A_183 = arith.constant dense<0.000000e+00> : vector<208x216xf32>
    %dot_general3A_184 = tpu.matmul %slice3A_180, %concatenate3A_182, %dot_general3A_183 {dimension_numbers = #tpu.dot_dimension_numbers<[1], [1], [0], [0], [0, 0, 1, 0], [], []>, transpose_lhs_hint = false} : vector<208x128xbf16>, vector<216x128xbf16>, vector<208x216xf32> -> vector<208x216xf32>
    %convert_element_type3A_185 = arith.truncf %dot_general3A_184 : vector<208x216xf32> to vector<208x216xbf16>
    %slice3A_186 = vector.extract_strided_slice %convert_element_type3A_43 {offsets = [4992, 0], sizes = [208, 128], strides = [1, 1]} : vector<13312x128xbf16> to vector<208x128xbf16>
    %slice3A_187 = vector.extract_strided_slice %convert_element_type3A_37 {offsets = [192, 0], sizes = [8, 128], strides = [1, 1]} : vector<512x128xbf16> to vector<8x128xbf16>
    %concatenate3A_188 = tpu.concatenate %slice3A_186, %slice3A_187 in 0 : vector<208x128xbf16>, vector<8x128xbf16> -> vector<216x128xbf16>
    %dot_general3A_189 = arith.constant dense<0.000000e+00> : vector<208x216xf32>
    %dot_general3A_190 = tpu.matmul %slice3A_186, %concatenate3A_188, %dot_general3A_189 {dimension_numbers = #tpu.dot_dimension_numbers<[1], [1], [0], [0], [0, 0, 1, 0], [], []>, transpose_lhs_hint = false} : vector<208x128xbf16>, vector<216x128xbf16>, vector<208x216xf32> -> vector<208x216xf32>
    %convert_element_type3A_191 = arith.truncf %dot_general3A_190 : vector<208x216xf32> to vector<208x216xbf16>
    %slice3A_192 = vector.extract_strided_slice %convert_element_type3A_43 {offsets = [5200, 0], sizes = [208, 128], strides = [1, 1]} : vector<13312x128xbf16> to vector<208x128xbf16>
    %slice3A_193 = vector.extract_strided_slice %convert_element_type3A_37 {offsets = [200, 0], sizes = [8, 128], strides = [1, 1]} : vector<512x128xbf16> to vector<8x128xbf16>
    %concatenate3A_194 = tpu.concatenate %slice3A_192, %slice3A_193 in 0 : vector<208x128xbf16>, vector<8x128xbf16> -> vector<216x128xbf16>
    %dot_general3A_195 = arith.constant dense<0.000000e+00> : vector<208x216xf32>
    %dot_general3A_196 = tpu.matmul %slice3A_192, %concatenate3A_194, %dot_general3A_195 {dimension_numbers = #tpu.dot_dimension_numbers<[1], [1], [0], [0], [0, 0, 1, 0], [], []>, transpose_lhs_hint = false} : vector<208x128xbf16>, vector<216x128xbf16>, vector<208x216xf32> -> vector<208x216xf32>
    %convert_element_type3A_197 = arith.truncf %dot_general3A_196 : vector<208x216xf32> to vector<208x216xbf16>
    %slice3A_198 = vector.extract_strided_slice %convert_element_type3A_43 {offsets = [5408, 0], sizes = [208, 128], strides = [1, 1]} : vector<13312x128xbf16> to vector<208x128xbf16>
    %slice3A_199 = vector.extract_strided_slice %convert_element_type3A_37 {offsets = [208, 0], sizes = [8, 128], strides = [1, 1]} : vector<512x128xbf16> to vector<8x128xbf16>
    %concatenate3A_200 = tpu.concatenate %slice3A_198, %slice3A_199 in 0 : vector<208x128xbf16>, vector<8x128xbf16> -> vector<216x128xbf16>
    %dot_general3A_201 = arith.constant dense<0.000000e+00> : vector<208x216xf32>
    %dot_general3A_202 = tpu.matmul %slice3A_198, %concatenate3A_200, %dot_general3A_201 {dimension_numbers = #tpu.dot_dimension_numbers<[1], [1], [0], [0], [0, 0, 1, 0], [], []>, transpose_lhs_hint = false} : vector<208x128xbf16>, vector<216x128xbf16>, vector<208x216xf32> -> vector<208x216xf32>
    %convert_element_type3A_203 = arith.truncf %dot_general3A_202 : vector<208x216xf32> to vector<208x216xbf16>
    %slice3A_204 = vector.extract_strided_slice %convert_element_type3A_43 {offsets = [5616, 0], sizes = [208, 128], strides = [1, 1]} : vector<13312x128xbf16> to vector<208x128xbf16>
    %slice3A_205 = vector.extract_strided_slice %convert_element_type3A_37 {offsets = [216, 0], sizes = [8, 128], strides = [1, 1]} : vector<512x128xbf16> to vector<8x128xbf16>
    %concatenate3A_206 = tpu.concatenate %slice3A_204, %slice3A_205 in 0 : vector<208x128xbf16>, vector<8x128xbf16> -> vector<216x128xbf16>
    %dot_general3A_207 = arith.constant dense<0.000000e+00> : vector<208x216xf32>
    %dot_general3A_208 = tpu.matmul %slice3A_204, %concatenate3A_206, %dot_general3A_207 {dimension_numbers = #tpu.dot_dimension_numbers<[1], [1], [0], [0], [0, 0, 1, 0], [], []>, transpose_lhs_hint = false} : vector<208x128xbf16>, vector<216x128xbf16>, vector<208x216xf32> -> vector<208x216xf32>
    %convert_element_type3A_209 = arith.truncf %dot_general3A_208 : vector<208x216xf32> to vector<208x216xbf16>
    %slice3A_210 = vector.extract_strided_slice %convert_element_type3A_43 {offsets = [5824, 0], sizes = [208, 128], strides = [1, 1]} : vector<13312x128xbf16> to vector<208x128xbf16>
    %slice3A_211 = vector.extract_strided_slice %convert_element_type3A_37 {offsets = [224, 0], sizes = [8, 128], strides = [1, 1]} : vector<512x128xbf16> to vector<8x128xbf16>
    %concatenate3A_212 = tpu.concatenate %slice3A_210, %slice3A_211 in 0 : vector<208x128xbf16>, vector<8x128xbf16> -> vector<216x128xbf16>
    %dot_general3A_213 = arith.constant dense<0.000000e+00> : vector<208x216xf32>
    %dot_general3A_214 = tpu.matmul %slice3A_210, %concatenate3A_212, %dot_general3A_213 {dimension_numbers = #tpu.dot_dimension_numbers<[1], [1], [0], [0], [0, 0, 1, 0], [], []>, transpose_lhs_hint = false} : vector<208x128xbf16>, vector<216x128xbf16>, vector<208x216xf32> -> vector<208x216xf32>
    %convert_element_type3A_215 = arith.truncf %dot_general3A_214 : vector<208x216xf32> to vector<208x216xbf16>
    %slice3A_216 = vector.extract_strided_slice %convert_element_type3A_43 {offsets = [6032, 0], sizes = [208, 128], strides = [1, 1]} : vector<13312x128xbf16> to vector<208x128xbf16>
    %slice3A_217 = vector.extract_strided_slice %convert_element_type3A_37 {offsets = [232, 0], sizes = [8, 128], strides = [1, 1]} : vector<512x128xbf16> to vector<8x128xbf16>
    %concatenate3A_218 = tpu.concatenate %slice3A_216, %slice3A_217 in 0 : vector<208x128xbf16>, vector<8x128xbf16> -> vector<216x128xbf16>
    %dot_general3A_219 = arith.constant dense<0.000000e+00> : vector<208x216xf32>
    %dot_general3A_220 = tpu.matmul %slice3A_216, %concatenate3A_218, %dot_general3A_219 {dimension_numbers = #tpu.dot_dimension_numbers<[1], [1], [0], [0], [0, 0, 1, 0], [], []>, transpose_lhs_hint = false} : vector<208x128xbf16>, vector<216x128xbf16>, vector<208x216xf32> -> vector<208x216xf32>
    %convert_element_type3A_221 = arith.truncf %dot_general3A_220 : vector<208x216xf32> to vector<208x216xbf16>
    %slice3A_222 = vector.extract_strided_slice %convert_element_type3A_43 {offsets = [6240, 0], sizes = [208, 128], strides = [1, 1]} : vector<13312x128xbf16> to vector<208x128xbf16>
    %slice3A_223 = vector.extract_strided_slice %convert_element_type3A_37 {offsets = [240, 0], sizes = [8, 128], strides = [1, 1]} : vector<512x128xbf16> to vector<8x128xbf16>
    %concatenate3A_224 = tpu.concatenate %slice3A_222, %slice3A_223 in 0 : vector<208x128xbf16>, vector<8x128xbf16> -> vector<216x128xbf16>
    %dot_general3A_225 = arith.constant dense<0.000000e+00> : vector<208x216xf32>
    %dot_general3A_226 = tpu.matmul %slice3A_222, %concatenate3A_224, %dot_general3A_225 {dimension_numbers = #tpu.dot_dimension_numbers<[1], [1], [0], [0], [0, 0, 1, 0], [], []>, transpose_lhs_hint = false} : vector<208x128xbf16>, vector<216x128xbf16>, vector<208x216xf32> -> vector<208x216xf32>
    %convert_element_type3A_227 = arith.truncf %dot_general3A_226 : vector<208x216xf32> to vector<208x216xbf16>
    %slice3A_228 = vector.extract_strided_slice %convert_element_type3A_43 {offsets = [6448, 0], sizes = [208, 128], strides = [1, 1]} : vector<13312x128xbf16> to vector<208x128xbf16>
    %slice3A_229 = vector.extract_strided_slice %convert_element_type3A_37 {offsets = [248, 0], sizes = [8, 128], strides = [1, 1]} : vector<512x128xbf16> to vector<8x128xbf16>
    %concatenate3A_230 = tpu.concatenate %slice3A_228, %slice3A_229 in 0 : vector<208x128xbf16>, vector<8x128xbf16> -> vector<216x128xbf16>
    %dot_general3A_231 = arith.constant dense<0.000000e+00> : vector<208x216xf32>
    %dot_general3A_232 = tpu.matmul %slice3A_228, %concatenate3A_230, %dot_general3A_231 {dimension_numbers = #tpu.dot_dimension_numbers<[1], [1], [0], [0], [0, 0, 1, 0], [], []>, transpose_lhs_hint = false} : vector<208x128xbf16>, vector<216x128xbf16>, vector<208x216xf32> -> vector<208x216xf32>
    %convert_element_type3A_233 = arith.truncf %dot_general3A_232 : vector<208x216xf32> to vector<208x216xbf16>
    %slice3A_234 = vector.extract_strided_slice %convert_element_type3A_43 {offsets = [6656, 0], sizes = [208, 128], strides = [1, 1]} : vector<13312x128xbf16> to vector<208x128xbf16>
    %slice3A_235 = vector.extract_strided_slice %convert_element_type3A_37 {offsets = [256, 0], sizes = [8, 128], strides = [1, 1]} : vector<512x128xbf16> to vector<8x128xbf16>
    %concatenate3A_236 = tpu.concatenate %slice3A_234, %slice3A_235 in 0 : vector<208x128xbf16>, vector<8x128xbf16> -> vector<216x128xbf16>
    %dot_general3A_237 = arith.constant dense<0.000000e+00> : vector<208x216xf32>
    %dot_general3A_238 = tpu.matmul %slice3A_234, %concatenate3A_236, %dot_general3A_237 {dimension_numbers = #tpu.dot_dimension_numbers<[1], [1], [0], [0], [0, 0, 1, 0], [], []>, transpose_lhs_hint = false} : vector<208x128xbf16>, vector<216x128xbf16>, vector<208x216xf32> -> vector<208x216xf32>
    %convert_element_type3A_239 = arith.truncf %dot_general3A_238 : vector<208x216xf32> to vector<208x216xbf16>
    %slice3A_240 = vector.extract_strided_slice %convert_element_type3A_43 {offsets = [6864, 0], sizes = [208, 128], strides = [1, 1]} : vector<13312x128xbf16> to vector<208x128xbf16>
    %slice3A_241 = vector.extract_strided_slice %convert_element_type3A_37 {offsets = [264, 0], sizes = [8, 128], strides = [1, 1]} : vector<512x128xbf16> to vector<8x128xbf16>
    %concatenate3A_242 = tpu.concatenate %slice3A_240, %slice3A_241 in 0 : vector<208x128xbf16>, vector<8x128xbf16> -> vector<216x128xbf16>
    %dot_general3A_243 = arith.constant dense<0.000000e+00> : vector<208x216xf32>
    %dot_general3A_244 = tpu.matmul %slice3A_240, %concatenate3A_242, %dot_general3A_243 {dimension_numbers = #tpu.dot_dimension_numbers<[1], [1], [0], [0], [0, 0, 1, 0], [], []>, transpose_lhs_hint = false} : vector<208x128xbf16>, vector<216x128xbf16>, vector<208x216xf32> -> vector<208x216xf32>
    %convert_element_type3A_245 = arith.truncf %dot_general3A_244 : vector<208x216xf32> to vector<208x216xbf16>
    %slice3A_246 = vector.extract_strided_slice %convert_element_type3A_43 {offsets = [7072, 0], sizes = [208, 128], strides = [1, 1]} : vector<13312x128xbf16> to vector<208x128xbf16>
    %slice3A_247 = vector.extract_strided_slice %convert_element_type3A_37 {offsets = [272, 0], sizes = [8, 128], strides = [1, 1]} : vector<512x128xbf16> to vector<8x128xbf16>
    %concatenate3A_248 = tpu.concatenate %slice3A_246, %slice3A_247 in 0 : vector<208x128xbf16>, vector<8x128xbf16> -> vector<216x128xbf16>
    %dot_general3A_249 = arith.constant dense<0.000000e+00> : vector<208x216xf32>
    %dot_general3A_250 = tpu.matmul %slice3A_246, %concatenate3A_248, %dot_general3A_249 {dimension_numbers = #tpu.dot_dimension_numbers<[1], [1], [0], [0], [0, 0, 1, 0], [], []>, transpose_lhs_hint = false} : vector<208x128xbf16>, vector<216x128xbf16>, vector<208x216xf32> -> vector<208x216xf32>
    %convert_element_type3A_251 = arith.truncf %dot_general3A_250 : vector<208x216xf32> to vector<208x216xbf16>
    %slice3A_252 = vector.extract_strided_slice %convert_element_type3A_43 {offsets = [7280, 0], sizes = [208, 128], strides = [1, 1]} : vector<13312x128xbf16> to vector<208x128xbf16>
    %slice3A_253 = vector.extract_strided_slice %convert_element_type3A_37 {offsets = [280, 0], sizes = [8, 128], strides = [1, 1]} : vector<512x128xbf16> to vector<8x128xbf16>
    %concatenate3A_254 = tpu.concatenate %slice3A_252, %slice3A_253 in 0 : vector<208x128xbf16>, vector<8x128xbf16> -> vector<216x128xbf16>
    %dot_general3A_255 = arith.constant dense<0.000000e+00> : vector<208x216xf32>
    %dot_general3A_256 = tpu.matmul %slice3A_252, %concatenate3A_254, %dot_general3A_255 {dimension_numbers = #tpu.dot_dimension_numbers<[1], [1], [0], [0], [0, 0, 1, 0], [], []>, transpose_lhs_hint = false} : vector<208x128xbf16>, vector<216x128xbf16>, vector<208x216xf32> -> vector<208x216xf32>
    %convert_element_type3A_257 = arith.truncf %dot_general3A_256 : vector<208x216xf32> to vector<208x216xbf16>
    %slice3A_258 = vector.extract_strided_slice %convert_element_type3A_43 {offsets = [7488, 0], sizes = [208, 128], strides = [1, 1]} : vector<13312x128xbf16> to vector<208x128xbf16>
    %slice3A_259 = vector.extract_strided_slice %convert_element_type3A_37 {offsets = [288, 0], sizes = [8, 128], strides = [1, 1]} : vector<512x128xbf16> to vector<8x128xbf16>
    %concatenate3A_260 = tpu.concatenate %slice3A_258, %slice3A_259 in 0 : vector<208x128xbf16>, vector<8x128xbf16> -> vector<216x128xbf16>
    %dot_general3A_261 = arith.constant dense<0.000000e+00> : vector<208x216xf32>
    %dot_general3A_262 = tpu.matmul %slice3A_258, %concatenate3A_260, %dot_general3A_261 {dimension_numbers = #tpu.dot_dimension_numbers<[1], [1], [0], [0], [0, 0, 1, 0], [], []>, transpose_lhs_hint = false} : vector<208x128xbf16>, vector<216x128xbf16>, vector<208x216xf32> -> vector<208x216xf32>
    %convert_element_type3A_263 = arith.truncf %dot_general3A_262 : vector<208x216xf32> to vector<208x216xbf16>
    %slice3A_264 = vector.extract_strided_slice %convert_element_type3A_43 {offsets = [7696, 0], sizes = [208, 128], strides = [1, 1]} : vector<13312x128xbf16> to vector<208x128xbf16>
    %slice3A_265 = vector.extract_strided_slice %convert_element_type3A_37 {offsets = [296, 0], sizes = [8, 128], strides = [1, 1]} : vector<512x128xbf16> to vector<8x128xbf16>
    %concatenate3A_266 = tpu.concatenate %slice3A_264, %slice3A_265 in 0 : vector<208x128xbf16>, vector<8x128xbf16> -> vector<216x128xbf16>
    %dot_general3A_267 = arith.constant dense<0.000000e+00> : vector<208x216xf32>
    %dot_general3A_268 = tpu.matmul %slice3A_264, %concatenate3A_266, %dot_general3A_267 {dimension_numbers = #tpu.dot_dimension_numbers<[1], [1], [0], [0], [0, 0, 1, 0], [], []>, transpose_lhs_hint = false} : vector<208x128xbf16>, vector<216x128xbf16>, vector<208x216xf32> -> vector<208x216xf32>
    %convert_element_type3A_269 = arith.truncf %dot_general3A_268 : vector<208x216xf32> to vector<208x216xbf16>
    %slice3A_270 = vector.extract_strided_slice %convert_element_type3A_43 {offsets = [7904, 0], sizes = [208, 128], strides = [1, 1]} : vector<13312x128xbf16> to vector<208x128xbf16>
    %slice3A_271 = vector.extract_strided_slice %convert_element_type3A_37 {offsets = [304, 0], sizes = [8, 128], strides = [1, 1]} : vector<512x128xbf16> to vector<8x128xbf16>
    %concatenate3A_272 = tpu.concatenate %slice3A_270, %slice3A_271 in 0 : vector<208x128xbf16>, vector<8x128xbf16> -> vector<216x128xbf16>
    %dot_general3A_273 = arith.constant dense<0.000000e+00> : vector<208x216xf32>
    %dot_general3A_274 = tpu.matmul %slice3A_270, %concatenate3A_272, %dot_general3A_273 {dimension_numbers = #tpu.dot_dimension_numbers<[1], [1], [0], [0], [0, 0, 1, 0], [], []>, transpose_lhs_hint = false} : vector<208x128xbf16>, vector<216x128xbf16>, vector<208x216xf32> -> vector<208x216xf32>
    %convert_element_type3A_275 = arith.truncf %dot_general3A_274 : vector<208x216xf32> to vector<208x216xbf16>
    %slice3A_276 = vector.extract_strided_slice %convert_element_type3A_43 {offsets = [8112, 0], sizes = [208, 128], strides = [1, 1]} : vector<13312x128xbf16> to vector<208x128xbf16>
    %slice3A_277 = vector.extract_strided_slice %convert_element_type3A_37 {offsets = [312, 0], sizes = [8, 128], strides = [1, 1]} : vector<512x128xbf16> to vector<8x128xbf16>
    %concatenate3A_278 = tpu.concatenate %slice3A_276, %slice3A_277 in 0 : vector<208x128xbf16>, vector<8x128xbf16> -> vector<216x128xbf16>
    %dot_general3A_279 = arith.constant dense<0.000000e+00> : vector<208x216xf32>
    %dot_general3A_280 = tpu.matmul %slice3A_276, %concatenate3A_278, %dot_general3A_279 {dimension_numbers = #tpu.dot_dimension_numbers<[1], [1], [0], [0], [0, 0, 1, 0], [], []>, transpose_lhs_hint = false} : vector<208x128xbf16>, vector<216x128xbf16>, vector<208x216xf32> -> vector<208x216xf32>
    %convert_element_type3A_281 = arith.truncf %dot_general3A_280 : vector<208x216xf32> to vector<208x216xbf16>
    %slice3A_282 = vector.extract_strided_slice %convert_element_type3A_43 {offsets = [8320, 0], sizes = [208, 128], strides = [1, 1]} : vector<13312x128xbf16> to vector<208x128xbf16>
    %slice3A_283 = vector.extract_strided_slice %convert_element_type3A_37 {offsets = [320, 0], sizes = [8, 128], strides = [1, 1]} : vector<512x128xbf16> to vector<8x128xbf16>
    %concatenate3A_284 = tpu.concatenate %slice3A_282, %slice3A_283 in 0 : vector<208x128xbf16>, vector<8x128xbf16> -> vector<216x128xbf16>
    %dot_general3A_285 = arith.constant dense<0.000000e+00> : vector<208x216xf32>
    %dot_general3A_286 = tpu.matmul %slice3A_282, %concatenate3A_284, %dot_general3A_285 {dimension_numbers = #tpu.dot_dimension_numbers<[1], [1], [0], [0], [0, 0, 1, 0], [], []>, transpose_lhs_hint = false} : vector<208x128xbf16>, vector<216x128xbf16>, vector<208x216xf32> -> vector<208x216xf32>
    %convert_element_type3A_287 = arith.truncf %dot_general3A_286 : vector<208x216xf32> to vector<208x216xbf16>
    %slice3A_288 = vector.extract_strided_slice %convert_element_type3A_43 {offsets = [8528, 0], sizes = [208, 128], strides = [1, 1]} : vector<13312x128xbf16> to vector<208x128xbf16>
    %slice3A_289 = vector.extract_strided_slice %convert_element_type3A_37 {offsets = [328, 0], sizes = [8, 128], strides = [1, 1]} : vector<512x128xbf16> to vector<8x128xbf16>
    %concatenate3A_290 = tpu.concatenate %slice3A_288, %slice3A_289 in 0 : vector<208x128xbf16>, vector<8x128xbf16> -> vector<216x128xbf16>
    %dot_general3A_291 = arith.constant dense<0.000000e+00> : vector<208x216xf32>
    %dot_general3A_292 = tpu.matmul %slice3A_288, %concatenate3A_290, %dot_general3A_291 {dimension_numbers = #tpu.dot_dimension_numbers<[1], [1], [0], [0], [0, 0, 1, 0], [], []>, transpose_lhs_hint = false} : vector<208x128xbf16>, vector<216x128xbf16>, vector<208x216xf32> -> vector<208x216xf32>
    %convert_element_type3A_293 = arith.truncf %dot_general3A_292 : vector<208x216xf32> to vector<208x216xbf16>
    %slice3A_294 = vector.extract_strided_slice %convert_element_type3A_43 {offsets = [8736, 0], sizes = [208, 128], strides = [1, 1]} : vector<13312x128xbf16> to vector<208x128xbf16>
    %slice3A_295 = vector.extract_strided_slice %convert_element_type3A_37 {offsets = [336, 0], sizes = [8, 128], strides = [1, 1]} : vector<512x128xbf16> to vector<8x128xbf16>
    %concatenate3A_296 = tpu.concatenate %slice3A_294, %slice3A_295 in 0 : vector<208x128xbf16>, vector<8x128xbf16> -> vector<216x128xbf16>
    %dot_general3A_297 = arith.constant dense<0.000000e+00> : vector<208x216xf32>
    %dot_general3A_298 = tpu.matmul %slice3A_294, %concatenate3A_296, %dot_general3A_297 {dimension_numbers = #tpu.dot_dimension_numbers<[1], [1], [0], [0], [0, 0, 1, 0], [], []>, transpose_lhs_hint = false} : vector<208x128xbf16>, vector<216x128xbf16>, vector<208x216xf32> -> vector<208x216xf32>
    %convert_element_type3A_299 = arith.truncf %dot_general3A_298 : vector<208x216xf32> to vector<208x216xbf16>
    %slice3A_300 = vector.extract_strided_slice %convert_element_type3A_43 {offsets = [8944, 0], sizes = [208, 128], strides = [1, 1]} : vector<13312x128xbf16> to vector<208x128xbf16>
    %slice3A_301 = vector.extract_strided_slice %convert_element_type3A_37 {offsets = [344, 0], sizes = [8, 128], strides = [1, 1]} : vector<512x128xbf16> to vector<8x128xbf16>
    %concatenate3A_302 = tpu.concatenate %slice3A_300, %slice3A_301 in 0 : vector<208x128xbf16>, vector<8x128xbf16> -> vector<216x128xbf16>
    %dot_general3A_303 = arith.constant dense<0.000000e+00> : vector<208x216xf32>
    %dot_general3A_304 = tpu.matmul %slice3A_300, %concatenate3A_302, %dot_general3A_303 {dimension_numbers = #tpu.dot_dimension_numbers<[1], [1], [0], [0], [0, 0, 1, 0], [], []>, transpose_lhs_hint = false} : vector<208x128xbf16>, vector<216x128xbf16>, vector<208x216xf32> -> vector<208x216xf32>
    %convert_element_type3A_305 = arith.truncf %dot_general3A_304 : vector<208x216xf32> to vector<208x216xbf16>
    %slice3A_306 = vector.extract_strided_slice %convert_element_type3A_43 {offsets = [9152, 0], sizes = [208, 128], strides = [1, 1]} : vector<13312x128xbf16> to vector<208x128xbf16>
    %slice3A_307 = vector.extract_strided_slice %convert_element_type3A_37 {offsets = [352, 0], sizes = [8, 128], strides = [1, 1]} : vector<512x128xbf16> to vector<8x128xbf16>
    %concatenate3A_308 = tpu.concatenate %slice3A_306, %slice3A_307 in 0 : vector<208x128xbf16>, vector<8x128xbf16> -> vector<216x128xbf16>
    %dot_general3A_309 = arith.constant dense<0.000000e+00> : vector<208x216xf32>
    %dot_general3A_310 = tpu.matmul %slice3A_306, %concatenate3A_308, %dot_general3A_309 {dimension_numbers = #tpu.dot_dimension_numbers<[1], [1], [0], [0], [0, 0, 1, 0], [], []>, transpose_lhs_hint = false} : vector<208x128xbf16>, vector<216x128xbf16>, vector<208x216xf32> -> vector<208x216xf32>
    %convert_element_type3A_311 = arith.truncf %dot_general3A_310 : vector<208x216xf32> to vector<208x216xbf16>
    %slice3A_312 = vector.extract_strided_slice %convert_element_type3A_43 {offsets = [9360, 0], sizes = [208, 128], strides = [1, 1]} : vector<13312x128xbf16> to vector<208x128xbf16>
    %slice3A_313 = vector.extract_strided_slice %convert_element_type3A_37 {offsets = [360, 0], sizes = [8, 128], strides = [1, 1]} : vector<512x128xbf16> to vector<8x128xbf16>
    %concatenate3A_314 = tpu.concatenate %slice3A_312, %slice3A_313 in 0 : vector<208x128xbf16>, vector<8x128xbf16> -> vector<216x128xbf16>
    %dot_general3A_315 = arith.constant dense<0.000000e+00> : vector<208x216xf32>
    %dot_general3A_316 = tpu.matmul %slice3A_312, %concatenate3A_314, %dot_general3A_315 {dimension_numbers = #tpu.dot_dimension_numbers<[1], [1], [0], [0], [0, 0, 1, 0], [], []>, transpose_lhs_hint = false} : vector<208x128xbf16>, vector<216x128xbf16>, vector<208x216xf32> -> vector<208x216xf32>
    %convert_element_type3A_317 = arith.truncf %dot_general3A_316 : vector<208x216xf32> to vector<208x216xbf16>
    %slice3A_318 = vector.extract_strided_slice %convert_element_type3A_43 {offsets = [9568, 0], sizes = [208, 128], strides = [1, 1]} : vector<13312x128xbf16> to vector<208x128xbf16>
    %slice3A_319 = vector.extract_strided_slice %convert_element_type3A_37 {offsets = [368, 0], sizes = [8, 128], strides = [1, 1]} : vector<512x128xbf16> to vector<8x128xbf16>
    %concatenate3A_320 = tpu.concatenate %slice3A_318, %slice3A_319 in 0 : vector<208x128xbf16>, vector<8x128xbf16> -> vector<216x128xbf16>
    %dot_general3A_321 = arith.constant dense<0.000000e+00> : vector<208x216xf32>
    %dot_general3A_322 = tpu.matmul %slice3A_318, %concatenate3A_320, %dot_general3A_321 {dimension_numbers = #tpu.dot_dimension_numbers<[1], [1], [0], [0], [0, 0, 1, 0], [], []>, transpose_lhs_hint = false} : vector<208x128xbf16>, vector<216x128xbf16>, vector<208x216xf32> -> vector<208x216xf32>
    %convert_element_type3A_323 = arith.truncf %dot_general3A_322 : vector<208x216xf32> to vector<208x216xbf16>
    %slice3A_324 = vector.extract_strided_slice %convert_element_type3A_43 {offsets = [9776, 0], sizes = [208, 128], strides = [1, 1]} : vector<13312x128xbf16> to vector<208x128xbf16>
    %slice3A_325 = vector.extract_strided_slice %convert_element_type3A_37 {offsets = [376, 0], sizes = [8, 128], strides = [1, 1]} : vector<512x128xbf16> to vector<8x128xbf16>
    %concatenate3A_326 = tpu.concatenate %slice3A_324, %slice3A_325 in 0 : vector<208x128xbf16>, vector<8x128xbf16> -> vector<216x128xbf16>
    %dot_general3A_327 = arith.constant dense<0.000000e+00> : vector<208x216xf32>
    %dot_general3A_328 = tpu.matmul %slice3A_324, %concatenate3A_326, %dot_general3A_327 {dimension_numbers = #tpu.dot_dimension_numbers<[1], [1], [0], [0], [0, 0, 1, 0], [], []>, transpose_lhs_hint = false} : vector<208x128xbf16>, vector<216x128xbf16>, vector<208x216xf32> -> vector<208x216xf32>
    %convert_element_type3A_329 = arith.truncf %dot_general3A_328 : vector<208x216xf32> to vector<208x216xbf16>
    %slice3A_330 = vector.extract_strided_slice %convert_element_type3A_43 {offsets = [9984, 0], sizes = [208, 128], strides = [1, 1]} : vector<13312x128xbf16> to vector<208x128xbf16>
    %slice3A_331 = vector.extract_strided_slice %convert_element_type3A_37 {offsets = [384, 0], sizes = [8, 128], strides = [1, 1]} : vector<512x128xbf16> to vector<8x128xbf16>
    %concatenate3A_332 = tpu.concatenate %slice3A_330, %slice3A_331 in 0 : vector<208x128xbf16>, vector<8x128xbf16> -> vector<216x128xbf16>
    %dot_general3A_333 = arith.constant dense<0.000000e+00> : vector<208x216xf32>
    %dot_general3A_334 = tpu.matmul %slice3A_330, %concatenate3A_332, %dot_general3A_333 {dimension_numbers = #tpu.dot_dimension_numbers<[1], [1], [0], [0], [0, 0, 1, 0], [], []>, transpose_lhs_hint = false} : vector<208x128xbf16>, vector<216x128xbf16>, vector<208x216xf32> -> vector<208x216xf32>
    %convert_element_type3A_335 = arith.truncf %dot_general3A_334 : vector<208x216xf32> to vector<208x216xbf16>
    %slice3A_336 = vector.extract_strided_slice %convert_element_type3A_43 {offsets = [10192, 0], sizes = [208, 128], strides = [1, 1]} : vector<13312x128xbf16> to vector<208x128xbf16>
    %slice3A_337 = vector.extract_strided_slice %convert_element_type3A_37 {offsets = [392, 0], sizes = [8, 128], strides = [1, 1]} : vector<512x128xbf16> to vector<8x128xbf16>
    %concatenate3A_338 = tpu.concatenate %slice3A_336, %slice3A_337 in 0 : vector<208x128xbf16>, vector<8x128xbf16> -> vector<216x128xbf16>
    %dot_general3A_339 = arith.constant dense<0.000000e+00> : vector<208x216xf32>
    %dot_general3A_340 = tpu.matmul %slice3A_336, %concatenate3A_338, %dot_general3A_339 {dimension_numbers = #tpu.dot_dimension_numbers<[1], [1], [0], [0], [0, 0, 1, 0], [], []>, transpose_lhs_hint = false} : vector<208x128xbf16>, vector<216x128xbf16>, vector<208x216xf32> -> vector<208x216xf32>
    %convert_element_type3A_341 = arith.truncf %dot_general3A_340 : vector<208x216xf32> to vector<208x216xbf16>
    %slice3A_342 = vector.extract_strided_slice %convert_element_type3A_43 {offsets = [10400, 0], sizes = [208, 128], strides = [1, 1]} : vector<13312x128xbf16> to vector<208x128xbf16>
    %slice3A_343 = vector.extract_strided_slice %convert_element_type3A_37 {offsets = [400, 0], sizes = [8, 128], strides = [1, 1]} : vector<512x128xbf16> to vector<8x128xbf16>
    %concatenate3A_344 = tpu.concatenate %slice3A_342, %slice3A_343 in 0 : vector<208x128xbf16>, vector<8x128xbf16> -> vector<216x128xbf16>
    %dot_general3A_345 = arith.constant dense<0.000000e+00> : vector<208x216xf32>
    %dot_general3A_346 = tpu.matmul %slice3A_342, %concatenate3A_344, %dot_general3A_345 {dimension_numbers = #tpu.dot_dimension_numbers<[1], [1], [0], [0], [0, 0, 1, 0], [], []>, transpose_lhs_hint = false} : vector<208x128xbf16>, vector<216x128xbf16>, vector<208x216xf32> -> vector<208x216xf32>
    %convert_element_type3A_347 = arith.truncf %dot_general3A_346 : vector<208x216xf32> to vector<208x216xbf16>
    %slice3A_348 = vector.extract_strided_slice %convert_element_type3A_43 {offsets = [10608, 0], sizes = [208, 128], strides = [1, 1]} : vector<13312x128xbf16> to vector<208x128xbf16>
    %slice3A_349 = vector.extract_strided_slice %convert_element_type3A_37 {offsets = [408, 0], sizes = [8, 128], strides = [1, 1]} : vector<512x128xbf16> to vector<8x128xbf16>
    %concatenate3A_350 = tpu.concatenate %slice3A_348, %slice3A_349 in 0 : vector<208x128xbf16>, vector<8x128xbf16> -> vector<216x128xbf16>
    %dot_general3A_351 = arith.constant dense<0.000000e+00> : vector<208x216xf32>
    %dot_general3A_352 = tpu.matmul %slice3A_348, %concatenate3A_350, %dot_general3A_351 {dimension_numbers = #tpu.dot_dimension_numbers<[1], [1], [0], [0], [0, 0, 1, 0], [], []>, transpose_lhs_hint = false} : vector<208x128xbf16>, vector<216x128xbf16>, vector<208x216xf32> -> vector<208x216xf32>
    %convert_element_type3A_353 = arith.truncf %dot_general3A_352 : vector<208x216xf32> to vector<208x216xbf16>
    %slice3A_354 = vector.extract_strided_slice %convert_element_type3A_43 {offsets = [10816, 0], sizes = [208, 128], strides = [1, 1]} : vector<13312x128xbf16> to vector<208x128xbf16>
    %slice3A_355 = vector.extract_strided_slice %convert_element_type3A_37 {offsets = [416, 0], sizes = [8, 128], strides = [1, 1]} : vector<512x128xbf16> to vector<8x128xbf16>
    %concatenate3A_356 = tpu.concatenate %slice3A_354, %slice3A_355 in 0 : vector<208x128xbf16>, vector<8x128xbf16> -> vector<216x128xbf16>
    %dot_general3A_357 = arith.constant dense<0.000000e+00> : vector<208x216xf32>
    %dot_general3A_358 = tpu.matmul %slice3A_354, %concatenate3A_356, %dot_general3A_357 {dimension_numbers = #tpu.dot_dimension_numbers<[1], [1], [0], [0], [0, 0, 1, 0], [], []>, transpose_lhs_hint = false} : vector<208x128xbf16>, vector<216x128xbf16>, vector<208x216xf32> -> vector<208x216xf32>
    %convert_element_type3A_359 = arith.truncf %dot_general3A_358 : vector<208x216xf32> to vector<208x216xbf16>
    %slice3A_360 = vector.extract_strided_slice %convert_element_type3A_43 {offsets = [11024, 0], sizes = [208, 128], strides = [1, 1]} : vector<13312x128xbf16> to vector<208x128xbf16>
    %slice3A_361 = vector.extract_strided_slice %convert_element_type3A_37 {offsets = [424, 0], sizes = [8, 128], strides = [1, 1]} : vector<512x128xbf16> to vector<8x128xbf16>
    %concatenate3A_362 = tpu.concatenate %slice3A_360, %slice3A_361 in 0 : vector<208x128xbf16>, vector<8x128xbf16> -> vector<216x128xbf16>
    %dot_general3A_363 = arith.constant dense<0.000000e+00> : vector<208x216xf32>
    %dot_general3A_364 = tpu.matmul %slice3A_360, %concatenate3A_362, %dot_general3A_363 {dimension_numbers = #tpu.dot_dimension_numbers<[1], [1], [0], [0], [0, 0, 1, 0], [], []>, transpose_lhs_hint = false} : vector<208x128xbf16>, vector<216x128xbf16>, vector<208x216xf32> -> vector<208x216xf32>
    %convert_element_type3A_365 = arith.truncf %dot_general3A_364 : vector<208x216xf32> to vector<208x216xbf16>
    %slice3A_366 = vector.extract_strided_slice %convert_element_type3A_43 {offsets = [11232, 0], sizes = [208, 128], strides = [1, 1]} : vector<13312x128xbf16> to vector<208x128xbf16>
    %slice3A_367 = vector.extract_strided_slice %convert_element_type3A_37 {offsets = [432, 0], sizes = [8, 128], strides = [1, 1]} : vector<512x128xbf16> to vector<8x128xbf16>
    %concatenate3A_368 = tpu.concatenate %slice3A_366, %slice3A_367 in 0 : vector<208x128xbf16>, vector<8x128xbf16> -> vector<216x128xbf16>
    %dot_general3A_369 = arith.constant dense<0.000000e+00> : vector<208x216xf32>
    %dot_general3A_370 = tpu.matmul %slice3A_366, %concatenate3A_368, %dot_general3A_369 {dimension_numbers = #tpu.dot_dimension_numbers<[1], [1], [0], [0], [0, 0, 1, 0], [], []>, transpose_lhs_hint = false} : vector<208x128xbf16>, vector<216x128xbf16>, vector<208x216xf32> -> vector<208x216xf32>
    %convert_element_type3A_371 = arith.truncf %dot_general3A_370 : vector<208x216xf32> to vector<208x216xbf16>
    %slice3A_372 = vector.extract_strided_slice %convert_element_type3A_43 {offsets = [11440, 0], sizes = [208, 128], strides = [1, 1]} : vector<13312x128xbf16> to vector<208x128xbf16>
    %slice3A_373 = vector.extract_strided_slice %convert_element_type3A_37 {offsets = [440, 0], sizes = [8, 128], strides = [1, 1]} : vector<512x128xbf16> to vector<8x128xbf16>
    %concatenate3A_374 = tpu.concatenate %slice3A_372, %slice3A_373 in 0 : vector<208x128xbf16>, vector<8x128xbf16> -> vector<216x128xbf16>
    %dot_general3A_375 = arith.constant dense<0.000000e+00> : vector<208x216xf32>
    %dot_general3A_376 = tpu.matmul %slice3A_372, %concatenate3A_374, %dot_general3A_375 {dimension_numbers = #tpu.dot_dimension_numbers<[1], [1], [0], [0], [0, 0, 1, 0], [], []>, transpose_lhs_hint = false} : vector<208x128xbf16>, vector<216x128xbf16>, vector<208x216xf32> -> vector<208x216xf32>
    %convert_element_type3A_377 = arith.truncf %dot_general3A_376 : vector<208x216xf32> to vector<208x216xbf16>
    %slice3A_378 = vector.extract_strided_slice %convert_element_type3A_43 {offsets = [11648, 0], sizes = [208, 128], strides = [1, 1]} : vector<13312x128xbf16> to vector<208x128xbf16>
    %slice3A_379 = vector.extract_strided_slice %convert_element_type3A_37 {offsets = [448, 0], sizes = [8, 128], strides = [1, 1]} : vector<512x128xbf16> to vector<8x128xbf16>
    %concatenate3A_380 = tpu.concatenate %slice3A_378, %slice3A_379 in 0 : vector<208x128xbf16>, vector<8x128xbf16> -> vector<216x128xbf16>
    %dot_general3A_381 = arith.constant dense<0.000000e+00> : vector<208x216xf32>
    %dot_general3A_382 = tpu.matmul %slice3A_378, %concatenate3A_380, %dot_general3A_381 {dimension_numbers = #tpu.dot_dimension_numbers<[1], [1], [0], [0], [0, 0, 1, 0], [], []>, transpose_lhs_hint = false} : vector<208x128xbf16>, vector<216x128xbf16>, vector<208x216xf32> -> vector<208x216xf32>
    %convert_element_type3A_383 = arith.truncf %dot_general3A_382 : vector<208x216xf32> to vector<208x216xbf16>
    %slice3A_384 = vector.extract_strided_slice %convert_element_type3A_43 {offsets = [11856, 0], sizes = [208, 128], strides = [1, 1]} : vector<13312x128xbf16> to vector<208x128xbf16>
    %slice3A_385 = vector.extract_strided_slice %convert_element_type3A_37 {offsets = [456, 0], sizes = [8, 128], strides = [1, 1]} : vector<512x128xbf16> to vector<8x128xbf16>
    %concatenate3A_386 = tpu.concatenate %slice3A_384, %slice3A_385 in 0 : vector<208x128xbf16>, vector<8x128xbf16> -> vector<216x128xbf16>
    %dot_general3A_387 = arith.constant dense<0.000000e+00> : vector<208x216xf32>
    %dot_general3A_388 = tpu.matmul %slice3A_384, %concatenate3A_386, %dot_general3A_387 {dimension_numbers = #tpu.dot_dimension_numbers<[1], [1], [0], [0], [0, 0, 1, 0], [], []>, transpose_lhs_hint = false} : vector<208x128xbf16>, vector<216x128xbf16>, vector<208x216xf32> -> vector<208x216xf32>
    %convert_element_type3A_389 = arith.truncf %dot_general3A_388 : vector<208x216xf32> to vector<208x216xbf16>
    %slice3A_390 = vector.extract_strided_slice %convert_element_type3A_43 {offsets = [12064, 0], sizes = [208, 128], strides = [1, 1]} : vector<13312x128xbf16> to vector<208x128xbf16>
    %slice3A_391 = vector.extract_strided_slice %convert_element_type3A_37 {offsets = [464, 0], sizes = [8, 128], strides = [1, 1]} : vector<512x128xbf16> to vector<8x128xbf16>
    %concatenate3A_392 = tpu.concatenate %slice3A_390, %slice3A_391 in 0 : vector<208x128xbf16>, vector<8x128xbf16> -> vector<216x128xbf16>
    %dot_general3A_393 = arith.constant dense<0.000000e+00> : vector<208x216xf32>
    %dot_general3A_394 = tpu.matmul %slice3A_390, %concatenate3A_392, %dot_general3A_393 {dimension_numbers = #tpu.dot_dimension_numbers<[1], [1], [0], [0], [0, 0, 1, 0], [], []>, transpose_lhs_hint = false} : vector<208x128xbf16>, vector<216x128xbf16>, vector<208x216xf32> -> vector<208x216xf32>
    %convert_element_type3A_395 = arith.truncf %dot_general3A_394 : vector<208x216xf32> to vector<208x216xbf16>
    %slice3A_396 = vector.extract_strided_slice %convert_element_type3A_43 {offsets = [12272, 0], sizes = [208, 128], strides = [1, 1]} : vector<13312x128xbf16> to vector<208x128xbf16>
    %slice3A_397 = vector.extract_strided_slice %convert_element_type3A_37 {offsets = [472, 0], sizes = [8, 128], strides = [1, 1]} : vector<512x128xbf16> to vector<8x128xbf16>
    %concatenate3A_398 = tpu.concatenate %slice3A_396, %slice3A_397 in 0 : vector<208x128xbf16>, vector<8x128xbf16> -> vector<216x128xbf16>
    %dot_general3A_399 = arith.constant dense<0.000000e+00> : vector<208x216xf32>
    %dot_general3A_400 = tpu.matmul %slice3A_396, %concatenate3A_398, %dot_general3A_399 {dimension_numbers = #tpu.dot_dimension_numbers<[1], [1], [0], [0], [0, 0, 1, 0], [], []>, transpose_lhs_hint = false} : vector<208x128xbf16>, vector<216x128xbf16>, vector<208x216xf32> -> vector<208x216xf32>
    %convert_element_type3A_401 = arith.truncf %dot_general3A_400 : vector<208x216xf32> to vector<208x216xbf16>
    %slice3A_402 = vector.extract_strided_slice %convert_element_type3A_43 {offsets = [12480, 0], sizes = [208, 128], strides = [1, 1]} : vector<13312x128xbf16> to vector<208x128xbf16>
    %slice3A_403 = vector.extract_strided_slice %convert_element_type3A_37 {offsets = [480, 0], sizes = [8, 128], strides = [1, 1]} : vector<512x128xbf16> to vector<8x128xbf16>
    %concatenate3A_404 = tpu.concatenate %slice3A_402, %slice3A_403 in 0 : vector<208x128xbf16>, vector<8x128xbf16> -> vector<216x128xbf16>
    %dot_general3A_405 = arith.constant dense<0.000000e+00> : vector<208x216xf32>
    %dot_general3A_406 = tpu.matmul %slice3A_402, %concatenate3A_404, %dot_general3A_405 {dimension_numbers = #tpu.dot_dimension_numbers<[1], [1], [0], [0], [0, 0, 1, 0], [], []>, transpose_lhs_hint = false} : vector<208x128xbf16>, vector<216x128xbf16>, vector<208x216xf32> -> vector<208x216xf32>
    %convert_element_type3A_407 = arith.truncf %dot_general3A_406 : vector<208x216xf32> to vector<208x216xbf16>
    %slice3A_408 = vector.extract_strided_slice %convert_element_type3A_43 {offsets = [12688, 0], sizes = [208, 128], strides = [1, 1]} : vector<13312x128xbf16> to vector<208x128xbf16>
    %slice3A_409 = vector.extract_strided_slice %convert_element_type3A_37 {offsets = [488, 0], sizes = [8, 128], strides = [1, 1]} : vector<512x128xbf16> to vector<8x128xbf16>
    %concatenate3A_410 = tpu.concatenate %slice3A_408, %slice3A_409 in 0 : vector<208x128xbf16>, vector<8x128xbf16> -> vector<216x128xbf16>
    %dot_general3A_411 = arith.constant dense<0.000000e+00> : vector<208x216xf32>
    %dot_general3A_412 = tpu.matmul %slice3A_408, %concatenate3A_410, %dot_general3A_411 {dimension_numbers = #tpu.dot_dimension_numbers<[1], [1], [0], [0], [0, 0, 1, 0], [], []>, transpose_lhs_hint = false} : vector<208x128xbf16>, vector<216x128xbf16>, vector<208x216xf32> -> vector<208x216xf32>
    %convert_element_type3A_413 = arith.truncf %dot_general3A_412 : vector<208x216xf32> to vector<208x216xbf16>
    %slice3A_414 = vector.extract_strided_slice %convert_element_type3A_43 {offsets = [12896, 0], sizes = [208, 128], strides = [1, 1]} : vector<13312x128xbf16> to vector<208x128xbf16>
    %slice3A_415 = vector.extract_strided_slice %convert_element_type3A_37 {offsets = [496, 0], sizes = [8, 128], strides = [1, 1]} : vector<512x128xbf16> to vector<8x128xbf16>
    %concatenate3A_416 = tpu.concatenate %slice3A_414, %slice3A_415 in 0 : vector<208x128xbf16>, vector<8x128xbf16> -> vector<216x128xbf16>
    %dot_general3A_417 = arith.constant dense<0.000000e+00> : vector<208x216xf32>
    %dot_general3A_418 = tpu.matmul %slice3A_414, %concatenate3A_416, %dot_general3A_417 {dimension_numbers = #tpu.dot_dimension_numbers<[1], [1], [0], [0], [0, 0, 1, 0], [], []>, transpose_lhs_hint = false} : vector<208x128xbf16>, vector<216x128xbf16>, vector<208x216xf32> -> vector<208x216xf32>
    %convert_element_type3A_419 = arith.truncf %dot_general3A_418 : vector<208x216xf32> to vector<208x216xbf16>
    %slice3A_420 = vector.extract_strided_slice %convert_element_type3A_43 {offsets = [13104, 0], sizes = [208, 128], strides = [1, 1]} : vector<13312x128xbf16> to vector<208x128xbf16>
    %slice3A_421 = vector.extract_strided_slice %convert_element_type3A_37 {offsets = [504, 0], sizes = [8, 128], strides = [1, 1]} : vector<512x128xbf16> to vector<8x128xbf16>
    %concatenate3A_422 = tpu.concatenate %slice3A_420, %slice3A_421 in 0 : vector<208x128xbf16>, vector<8x128xbf16> -> vector<216x128xbf16>
    %dot_general3A_423 = arith.constant dense<0.000000e+00> : vector<208x216xf32>
    %dot_general3A_424 = tpu.matmul %slice3A_420, %concatenate3A_422, %dot_general3A_423 {dimension_numbers = #tpu.dot_dimension_numbers<[1], [1], [0], [0], [0, 0, 1, 0], [], []>, transpose_lhs_hint = false} : vector<208x128xbf16>, vector<216x128xbf16>, vector<208x216xf32> -> vector<208x216xf32>
    %convert_element_type3A_425 = arith.truncf %dot_general3A_424 : vector<208x216xf32> to vector<208x216xbf16>
    %concatenate3A_426 = tpu.concatenate %convert_element_type3A_47, %convert_element_type3A_53, %convert_element_type3A_59, %convert_element_type3A_65, %convert_element_type3A_71, %convert_element_type3A_77, %convert_element_type3A_83, %convert_element_type3A_89, %convert_element_type3A_95, %convert_element_type3A_101, %convert_element_type3A_107, %convert_element_type3A_113, %convert_element_type3A_119, %convert_element_type3A_125, %convert_element_type3A_131, %convert_element_type3A_137, %convert_element_type3A_143, %convert_element_type3A_149, %convert_element_type3A_155, %convert_element_type3A_161, %convert_element_type3A_167, %convert_element_type3A_173, %convert_element_type3A_179, %convert_element_type3A_185, %convert_element_type3A_191, %convert_element_type3A_197, %convert_element_type3A_203, %convert_element_type3A_209, %convert_element_type3A_215, %convert_element_type3A_221, %convert_element_type3A_227, %convert_element_type3A_233, %convert_element_type3A_239, %convert_element_type3A_245, %convert_element_type3A_251, %convert_element_type3A_257, %convert_element_type3A_263, %convert_element_type3A_269, %convert_element_type3A_275, %convert_element_type3A_281, %convert_element_type3A_287, %convert_element_type3A_293, %convert_element_type3A_299, %convert_element_type3A_305, %convert_element_type3A_311, %convert_element_type3A_317, %convert_element_type3A_323, %convert_element_type3A_329, %convert_element_type3A_335, %convert_element_type3A_341, %convert_element_type3A_347, %convert_element_type3A_353, %convert_element_type3A_359, %convert_element_type3A_365, %convert_element_type3A_371, %convert_element_type3A_377, %convert_element_type3A_383, %convert_element_type3A_389, %convert_element_type3A_395, %convert_element_type3A_401, %convert_element_type3A_407, %convert_element_type3A_413, %convert_element_type3A_419, %convert_element_type3A_425 in 0 : vector<208x216xbf16>, vector<208x216xbf16>, vector<208x216xbf16>, vector<208x216xbf16>, vector<208x216xbf16>, vector<208x216xbf16>, vector<208x216xbf16>, vector<208x216xbf16>, vector<208x216xbf16>, vector<208x216xbf16>, vector<208x216xbf16>, vector<208x216xbf16>, vector<208x216xbf16>, vector<208x216xbf16>, vector<208x216xbf16>, vector<208x216xbf16>, vector<208x216xbf16>, vector<208x216xbf16>, vector<208x216xbf16>, vector<208x216xbf16>, vector<208x216xbf16>, vector<208x216xbf16>, vector<208x216xbf16>, vector<208x216xbf16>, vector<208x216xbf16>, vector<208x216xbf16>, vector<208x216xbf16>, vector<208x216xbf16>, vector<208x216xbf16>, vector<208x216xbf16>, vector<208x216xbf16>, vector<208x216xbf16>, vector<208x216xbf16>, vector<208x216xbf16>, vector<208x216xbf16>, vector<208x216xbf16>, vector<208x216xbf16>, vector<208x216xbf16>, vector<208x216xbf16>, vector<208x216xbf16>, vector<208x216xbf16>, vector<208x216xbf16>, vector<208x216xbf16>, vector<208x216xbf16>, vector<208x216xbf16>, vector<208x216xbf16>, vector<208x216xbf16>, vector<208x216xbf16>, vector<208x216xbf16>, vector<208x216xbf16>, vector<208x216xbf16>, vector<208x216xbf16>, vector<208x216xbf16>, vector<208x216xbf16>, vector<208x216xbf16>, vector<208x216xbf16>, vector<208x216xbf16>, vector<208x216xbf16>, vector<208x216xbf16>, vector<208x216xbf16>, vector<208x216xbf16>, vector<208x216xbf16>, vector<208x216xbf16>, vector<208x216xbf16> -> vector<13312x216xbf16>
    %get3A_427 = arith.constant 0 : index
    %get3A_428 = arith.constant 0 : index
    %get3A_429 = vector.load %arg3[%get3A_427, %get3A_428] : memref<13312x216xbf16, #tpu.memory_space<vmem>>, vector<13312x216xbf16>
    %mul3A = arith.mulf %concatenate3A_426, %get3A_429 : vector<13312x216xbf16>
    %get3A_430 = arith.constant 0 : index
    %get3A_431 = arith.constant 0 : index
    %get3A_432 = vector.load %arg4[%get3A_430, %get3A_431] : memref<216x27xbf16, #tpu.memory_space<vmem>>, vector<216x27xbf16>
    %dot_general3A_433 = arith.constant dense<0.000000e+00> : vector<13312x27xf32>
    %dot_general3A_434 = tpu.matmul %mul3A, %get3A_432, %dot_general3A_433 {dimension_numbers = #tpu.dot_dimension_numbers<[1], [0], [0], [1], [0, 0, 1, 1], [], []>, transpose_lhs_hint = false} : vector<13312x216xbf16>, vector<216x27xbf16>, vector<13312x27xf32> -> vector<13312x27xf32>
    %convert_element_type3A_435 = arith.truncf %dot_general3A_434 : vector<13312x27xf32> to vector<13312x27xbf16>
    %swap3A_436 = arith.constant 0 : index
    %swap3A_437 = arith.constant 0 : index
    %swap3A_438 = vector.load %arg11[%swap3A_436, %swap3A_437] : memref<13312x27xbf16, #tpu.memory_space<vmem>>, vector<13312x27xbf16>
    tpu.vector_store %arg11[%swap3A_436, %swap3A_437], %convert_element_type3A_435 {strides = array<i32>} : memref<13312x27xbf16, #tpu.memory_space<vmem>>, vector<13312x27xbf16>,
    return
  }
  func.func @transform_0(%arg0: i32) -> (i32, i32) {
    %c0_i32 = arith.constant 0 : i32
    %c0_i32_0 = arith.constant 0 : i32
    return %arg0, %c0_i32 : i32, i32
  }
  func.func @transform_1(%arg0: i32) -> (i32, i32) {
    %c0_i32 = arith.constant 0 : i32
    %c0_i32_0 = arith.constant 0 : i32
    return %arg0, %c0_i32 : i32, i32
  }
  func.func @transform_2(%arg0: i32) -> (i32, i32) {
    %c0_i32 = arith.constant 0 : i32
    %c0_i32_0 = arith.constant 0 : i32
    %c0_i32_1 = arith.constant 0 : i32
    return %c0_i32, %c0_i32_0 : i32, i32
  }
  func.func @transform_3(%arg0: i32) -> (i32, i32) {
    %c0_i32 = arith.constant 0 : i32
    %c0_i32_0 = arith.constant 0 : i32
    %c0_i32_1 = arith.constant 0 : i32
    return %c0_i32, %c0_i32_0 : i32, i32
  }
  func.func @transform_4(%arg0: i32) -> (i32, i32) {
    %c0_i32 = arith.constant 0 : i32
    %c0_i32_0 = arith.constant 0 : i32
    %c0_i32_1 = arith.constant 0 : i32
    return %c0_i32, %c0_i32_0 : i32, i32
  }
  func.func @transform_5(%arg0: i32) -> (i32, i32) {
    %c0_i32 = arith.constant 0 : i32
    %c0_i32_0 = arith.constant 0 : i32
    %c0_i32_1 = arith.constant 0 : i32
    return %c0_i32, %c0_i32_0 : i32, i32
  }
  func.func @transform_6(%arg0: i32) -> (i32, i32) {
    %c0_i32 = arith.constant 0 : i32
    %c0_i32_0 = arith.constant 0 : i32
    %c0_i32_1 = arith.constant 0 : i32
    return %c0_i32, %c0_i32_0 : i32, i32
  }
  func.func @transform_7(%arg0: i32) -> (i32, i32) {
    %c0_i32 = arith.constant 0 : i32
    %c0_i32_0 = arith.constant 0 : i32
    %c0_i32_1 = arith.constant 0 : i32
    return %c0_i32, %c0_i32_0 : i32, i32
  }
  func.func @transform_8(%arg0: i32) -> (i32, i32) {
    %c0_i32 = arith.constant 0 : i32
    %c0_i32_0 = arith.constant 0 : i32
    %c0_i32_1 = arith.constant 0 : i32
    return %c0_i32, %c0_i32_0 : i32, i32
  }
  func.func @transform_9(%arg0: i32) -> (i32, i32) {
    %c0_i32 = arith.constant 0 : i32
    %c0_i32_0 = arith.constant 0 : i32
    %c0_i32_1 = arith.constant 0 : i32
    return %c0_i32, %c0_i32_0 : i32, i32
  }
  func.func @transform_10(%arg0: i32) -> (i32, i32) {
    %c0_i32 = arith.constant 0 : i32
    %c0_i32_0 = arith.constant 0 : i32
    return %arg0, %c0_i32 : i32, i32
  }
  func.func @transform_11(%arg0: i32) -> (i32, i32) {
    %c0_i32 = arith.constant 0 : i32
    %c0_i32_0 = arith.constant 0 : i32
    return %arg0, %c0_i32 : i32, i32
  }
}

module attributes {stable_mosaic.version = 14 : i64} {
  func.func @_tcB_body(%arg0: i32, %arg1: memref<2048x128xbf16, #tpu.memory_space<vmem>>, %arg2: memref<2048x702xbf16, #tpu.memory_space<vmem>>, %arg3: memref<128x1024xbf16, #tpu.memory_space<vmem>>, %arg4: memref<702x1024xbf16, #tpu.memory_space<vmem>>, %arg5: memref<1x1024xf32, #tpu.memory_space<vmem>>, %arg6: memref<1024x512xbf16, #tpu.memory_space<vmem>>, %arg7: memref<1x512xf32, #tpu.memory_space<vmem>>, %arg8: memref<512x256xbf16, #tpu.memory_space<vmem>>, %arg9: memref<1x256xf32, #tpu.memory_space<vmem>>, %arg10: memref<256x1xbf16, #tpu.memory_space<vmem>>, %arg11: memref<1x1xf32, #tpu.memory_space<vmem>>, %arg12: memref<2048x1xf32, #tpu.memory_space<vmem>>) attributes {dimension_semantics = [#tpu.dimension_semantics<arbitrary>], iteration_bounds = array<i64: 2>, scalar_prefetch = 0 : i64, scratch_operands = 0 : i64, tpu.core_type = #tpu.core_type<tc>, window_params = [{transform_indices = @transform_0, window_bounds = array<i64: 2048, 128>}, {transform_indices = @transform_1, window_bounds = array<i64: 2048, 702>}, {pipeline_mode = #tpu.pipeline_mode<synchronous>, transform_indices = @transform_2, window_bounds = array<i64: 128, 1024>}, {pipeline_mode = #tpu.pipeline_mode<synchronous>, transform_indices = @transform_3, window_bounds = array<i64: 702, 1024>}, {pipeline_mode = #tpu.pipeline_mode<synchronous>, transform_indices = @transform_4, window_bounds = array<i64: 1, 1024>}, {pipeline_mode = #tpu.pipeline_mode<synchronous>, transform_indices = @transform_5, window_bounds = array<i64: 1024, 512>}, {pipeline_mode = #tpu.pipeline_mode<synchronous>, transform_indices = @transform_6, window_bounds = array<i64: 1, 512>}, {pipeline_mode = #tpu.pipeline_mode<synchronous>, transform_indices = @transform_7, window_bounds = array<i64: 512, 256>}, {pipeline_mode = #tpu.pipeline_mode<synchronous>, transform_indices = @transform_8, window_bounds = array<i64: 1, 256>}, {pipeline_mode = #tpu.pipeline_mode<synchronous>, transform_indices = @transform_9, window_bounds = array<i64: 256, 1>}, {pipeline_mode = #tpu.pipeline_mode<synchronous>, transform_indices = @transform_10, window_bounds = array<i64: 1, 1>}, {transform_indices = @transform_11, window_bounds = array<i64: 2048, 1>}]} {
    %get3A = arith.constant 0 : index
    %get3A_0 = arith.constant 0 : index
    %get3A_1 = vector.load %arg1[%get3A, %get3A_0] : memref<2048x128xbf16, #tpu.memory_space<vmem>>, vector<2048x128xbf16>
    %get3A_2 = arith.constant 0 : index
    %get3A_3 = arith.constant 0 : index
    %get3A_4 = vector.load %arg3[%get3A_2, %get3A_3] : memref<128x1024xbf16, #tpu.memory_space<vmem>>, vector<128x1024xbf16>
    %dot_general3A = arith.constant dense<0.000000e+00> : vector<2048x1024xf32>
    %dot_general3A_5 = tpu.matmul %get3A_1, %get3A_4, %dot_general3A {dimension_numbers = #tpu.dot_dimension_numbers<[1], [0], [0], [1], [0, 0, 1, 1], [], []>, transpose_lhs_hint = false} : vector<2048x128xbf16>, vector<128x1024xbf16>, vector<2048x1024xf32> -> vector<2048x1024xf32>
    %get3A_6 = arith.constant 0 : index
    %get3A_7 = arith.constant 0 : index
    %get3A_8 = vector.load %arg2[%get3A_6, %get3A_7] : memref<2048x702xbf16, #tpu.memory_space<vmem>>, vector<2048x702xbf16>
    %get3A_9 = arith.constant 0 : index
    %get3A_10 = arith.constant 0 : index
    %get3A_11 = vector.load %arg4[%get3A_9, %get3A_10] : memref<702x1024xbf16, #tpu.memory_space<vmem>>, vector<702x1024xbf16>
    %dot_general3A_12 = arith.constant dense<0.000000e+00> : vector<2048x1024xf32>
    %dot_general3A_13 = tpu.matmul %get3A_8, %get3A_11, %dot_general3A_12 {dimension_numbers = #tpu.dot_dimension_numbers<[1], [0], [0], [1], [0, 0, 1, 1], [], []>, transpose_lhs_hint = false} : vector<2048x702xbf16>, vector<702x1024xbf16>, vector<2048x1024xf32> -> vector<2048x1024xf32>
    %add3A = arith.addf %dot_general3A_5, %dot_general3A_13 : vector<2048x1024xf32>
    %get3A_14 = arith.constant 0 : index
    %get3A_15 = arith.constant 0 : index
    %get3A_16 = vector.load %arg5[%get3A_14, %get3A_15] : memref<1x1024xf32, #tpu.memory_space<vmem>>, vector<1x1024xf32>
    %add3A_17 = vector.broadcast %get3A_16 : vector<1x1024xf32> to vector<2048x1024xf32>
    %add3A_18 = arith.addf %add3A, %add3A_17 : vector<2048x1024xf32>
    %max3A = arith.constant 0.000000e+00 : f32
    %max3A_19 = vector.broadcast %max3A : f32 to vector<2048x1024xf32>
    %max3A_20 = arith.maximumf %add3A_18, %max3A_19 : vector<2048x1024xf32>
    %get3A_21 = arith.constant 0 : index
    %get3A_22 = arith.constant 0 : index
    %get3A_23 = vector.load %arg6[%get3A_21, %get3A_22] : memref<1024x512xbf16, #tpu.memory_space<vmem>>, vector<1024x512xbf16>
    %convert_element_type3A = arith.truncf %max3A_20 : vector<2048x1024xf32> to vector<2048x1024xbf16>
    %dot_general3A_24 = arith.constant dense<0.000000e+00> : vector<2048x512xf32>
    %dot_general3A_25 = tpu.matmul %convert_element_type3A, %get3A_23, %dot_general3A_24 {dimension_numbers = #tpu.dot_dimension_numbers<[1], [0], [0], [1], [0, 0, 1, 1], [], []>, transpose_lhs_hint = false} : vector<2048x1024xbf16>, vector<1024x512xbf16>, vector<2048x512xf32> -> vector<2048x512xf32>
    %get3A_26 = arith.constant 0 : index
    %get3A_27 = arith.constant 0 : index
    %get3A_28 = vector.load %arg7[%get3A_26, %get3A_27] : memref<1x512xf32, #tpu.memory_space<vmem>>, vector<1x512xf32>
    %add3A_29 = vector.broadcast %get3A_28 : vector<1x512xf32> to vector<2048x512xf32>
    %add3A_30 = arith.addf %dot_general3A_25, %add3A_29 : vector<2048x512xf32>
    %max3A_31 = arith.constant 0.000000e+00 : f32
    %max3A_32 = vector.broadcast %max3A_31 : f32 to vector<2048x512xf32>
    %max3A_33 = arith.maximumf %add3A_30, %max3A_32 : vector<2048x512xf32>
    %get3A_34 = arith.constant 0 : index
    %get3A_35 = arith.constant 0 : index
    %get3A_36 = vector.load %arg8[%get3A_34, %get3A_35] : memref<512x256xbf16, #tpu.memory_space<vmem>>, vector<512x256xbf16>
    %convert_element_type3A_37 = arith.truncf %max3A_33 : vector<2048x512xf32> to vector<2048x512xbf16>
    %dot_general3A_38 = arith.constant dense<0.000000e+00> : vector<2048x256xf32>
    %dot_general3A_39 = tpu.matmul %convert_element_type3A_37, %get3A_36, %dot_general3A_38 {dimension_numbers = #tpu.dot_dimension_numbers<[1], [0], [0], [1], [0, 0, 1, 1], [], []>, transpose_lhs_hint = false} : vector<2048x512xbf16>, vector<512x256xbf16>, vector<2048x256xf32> -> vector<2048x256xf32>
    %get3A_40 = arith.constant 0 : index
    %get3A_41 = arith.constant 0 : index
    %get3A_42 = vector.load %arg9[%get3A_40, %get3A_41] : memref<1x256xf32, #tpu.memory_space<vmem>>, vector<1x256xf32>
    %add3A_43 = vector.broadcast %get3A_42 : vector<1x256xf32> to vector<2048x256xf32>
    %add3A_44 = arith.addf %dot_general3A_39, %add3A_43 : vector<2048x256xf32>
    %max3A_45 = arith.constant 0.000000e+00 : f32
    %max3A_46 = vector.broadcast %max3A_45 : f32 to vector<2048x256xf32>
    %max3A_47 = arith.maximumf %add3A_44, %max3A_46 : vector<2048x256xf32>
    %get3A_48 = arith.constant 0 : index
    %get3A_49 = arith.constant 0 : index
    %get3A_50 = vector.load %arg10[%get3A_48, %get3A_49] : memref<256x1xbf16, #tpu.memory_space<vmem>>, vector<256x1xbf16>
    %convert_element_type3A_51 = arith.truncf %max3A_47 : vector<2048x256xf32> to vector<2048x256xbf16>
    %dot_general3A_52 = arith.constant dense<0.000000e+00> : vector<2048x1xf32>
    %dot_general3A_53 = tpu.matmul %convert_element_type3A_51, %get3A_50, %dot_general3A_52 {dimension_numbers = #tpu.dot_dimension_numbers<[1], [0], [0], [1], [0, 0, 1, 1], [], []>, transpose_lhs_hint = false} : vector<2048x256xbf16>, vector<256x1xbf16>, vector<2048x1xf32> -> vector<2048x1xf32>
    %get3A_54 = arith.constant 0 : index
    %get3A_55 = arith.constant 0 : index
    %get3A_56 = vector.load %arg11[%get3A_54, %get3A_55] : memref<1x1xf32, #tpu.memory_space<vmem>>, vector<1x1xf32>
    %add3A_57 = vector.broadcast %get3A_56 : vector<1x1xf32> to vector<2048x1xf32>
    %add3A_58 = arith.addf %dot_general3A_53, %add3A_57 : vector<2048x1xf32>
    %logistic3A = arith.negf %add3A_58 : vector<2048x1xf32>
    %logistic3A_59 = math.exp %logistic3A : vector<2048x1xf32>
    %logistic3A_60 = arith.constant 1.000000e+00 : f32
    %logistic3A_61 = vector.broadcast %logistic3A_60 : f32 to vector<2048x1xf32>
    %logistic3A_62 = arith.addf %logistic3A_61, %logistic3A_59 : vector<2048x1xf32>
    %logistic3A_63 = arith.divf %logistic3A_61, %logistic3A_62 : vector<2048x1xf32>
    %swap3A = arith.constant 0 : index
    %swap3A_64 = arith.constant 0 : index
    %swap3A_65 = vector.load %arg12[%swap3A, %swap3A_64] : memref<2048x1xf32, #tpu.memory_space<vmem>>, vector<2048x1xf32>
    tpu.vector_store %arg12[%swap3A, %swap3A_64], %logistic3A_63 {strides = array<i32>} : memref<2048x1xf32, #tpu.memory_space<vmem>>, vector<2048x1xf32>,
    return
  }
  func.func @transform_0(%arg0: i32) -> (i32, i32) {
    %c0_i32 = arith.constant 0 : i32
    %c0_i32_0 = arith.constant 0 : i32
    return %arg0, %c0_i32 : i32, i32
  }
  func.func @transform_1(%arg0: i32) -> (i32, i32) {
    %c0_i32 = arith.constant 0 : i32
    %c0_i32_0 = arith.constant 0 : i32
    return %arg0, %c0_i32 : i32, i32
  }
  func.func @transform_2(%arg0: i32) -> (i32, i32) {
    %c0_i32 = arith.constant 0 : i32
    %c0_i32_0 = arith.constant 0 : i32
    %c0_i32_1 = arith.constant 0 : i32
    return %c0_i32, %c0_i32_0 : i32, i32
  }
  func.func @transform_3(%arg0: i32) -> (i32, i32) {
    %c0_i32 = arith.constant 0 : i32
    %c0_i32_0 = arith.constant 0 : i32
    %c0_i32_1 = arith.constant 0 : i32
    return %c0_i32, %c0_i32_0 : i32, i32
  }
  func.func @transform_4(%arg0: i32) -> (i32, i32) {
    %c0_i32 = arith.constant 0 : i32
    %c0_i32_0 = arith.constant 0 : i32
    %c0_i32_1 = arith.constant 0 : i32
    return %c0_i32, %c0_i32_0 : i32, i32
  }
  func.func @transform_5(%arg0: i32) -> (i32, i32) {
    %c0_i32 = arith.constant 0 : i32
    %c0_i32_0 = arith.constant 0 : i32
    %c0_i32_1 = arith.constant 0 : i32
    return %c0_i32, %c0_i32_0 : i32, i32
  }
  func.func @transform_6(%arg0: i32) -> (i32, i32) {
    %c0_i32 = arith.constant 0 : i32
    %c0_i32_0 = arith.constant 0 : i32
    %c0_i32_1 = arith.constant 0 : i32
    return %c0_i32, %c0_i32_0 : i32, i32
  }
  func.func @transform_7(%arg0: i32) -> (i32, i32) {
    %c0_i32 = arith.constant 0 : i32
    %c0_i32_0 = arith.constant 0 : i32
    %c0_i32_1 = arith.constant 0 : i32
    return %c0_i32, %c0_i32_0 : i32, i32
  }
  func.func @transform_8(%arg0: i32) -> (i32, i32) {
    %c0_i32 = arith.constant 0 : i32
    %c0_i32_0 = arith.constant 0 : i32
    %c0_i32_1 = arith.constant 0 : i32
    return %c0_i32, %c0_i32_0 : i32, i32
  }
  func.func @transform_9(%arg0: i32) -> (i32, i32) {
    %c0_i32 = arith.constant 0 : i32
    %c0_i32_0 = arith.constant 0 : i32
    %c0_i32_1 = arith.constant 0 : i32
    return %c0_i32, %c0_i32_0 : i32, i32
  }
  func.func @transform_10(%arg0: i32) -> (i32, i32) {
    %c0_i32 = arith.constant 0 : i32
    %c0_i32_0 = arith.constant 0 : i32
    %c0_i32_1 = arith.constant 0 : i32
    return %c0_i32, %c0_i32_0 : i32, i32
  }
  func.func @transform_11(%arg0: i32) -> (i32, i32) {
    %c0_i32 = arith.constant 0 : i32
    %c0_i32_0 = arith.constant 0 : i32
    return %arg0, %c0_i32 : i32, i32
  }
}

</mosaic_0001>

<sc_bundles>
// kernel: kernel.5.cloned.1.call-start
scs
__scs_entry_jumppad:
0x0: {  	(pc) =	sbr.rel $0x88, $3  }
0x1: {  	(tag) =	ssettag $0x0;
	lr =	simm.s32 $0x1  }
0x2: {  	[smem:$0x3F90] =	sst lr;
	_ =	strace $0xD0000000  }
0x3: {  	_ = 	snop  }
0x4: {  	_ = 	snop  }
0x5: {  	_ = 	snop  }
0x6: {  	_ = 	snop  }
0x7: {  	_ = 	snop  }
__scs_overlays_trampoline_lowered:
0x8: {  	[smem:$0x3F9F] =	sst s0  }
0x9: {  	[smem:$0x3FA0] =	sst s1  }
0xa: {  	[smem:$0x3FA1] =	sst s2  }
0xb: {  	[smem:$0x3FA2] =	sst s3  }
0xc: {  	[smem:$0x3FA3] =	sst s4  }
0xd: {  	[smem:$0x3FA4] =	sst s5  }
0xe: {  	[smem:$0x3FA5] =	sst s6  }
0xf: {  	[smem:$0x3FA6] =	sst s7  }
0x10: {  	[smem:$0x3FA7] =	sst s8  }
0x11: {  	[smem:$0x3FA8] =	sst s9;
	s0 =	simm.s32 @!p0 $0x0  }
0x12: {  	s1 =	sld [smem:$0x3F8E];
	s0 =	simm.s32 @p0 $0x1  }
0x13: {  	[smem:$0x3FA9] =	sst s0;
	s0 =	simm.s32 @!p1 $0x0  }
0x14: {  	s2 =	sld [smem:$0x3F8D];
	s0 =	simm.s32 @p1 $0x1  }
0x15: {  	[smem:$0x3FAA] =	sst s0;
	s0 =	simm.s32 @!p2 $0x0  }
0x16: {  	s3 =	sld [smem:$0x3FDB];
	s0 =	simm.s32 @p2 $0x1  }
0x17: {  	s4 =	simm.s32 $0x1BF5;
	[smem:$0x3FAC] =	sst s0  }
0x18: {  	s0 =	sld [smem:$0x3F8F];
	_ =	swait.ge [sflag:s4], $0x0  }
0x19: {  	s7 =	sld [smem:$0x3F90]  }
0x1a: {  	s8 =	sadd.s32 $0xFFFFE003, lr  }
0x1b: {  	s9 =	sadd.s32 $0xFFFFFEF7, lr;
	s5 =	simm.s32 $0xFFFFFFFF;
	p2 =	slt.u32 s8, $0xFFFFF086  }
0x1c: {  	p1 =	slt.u32 s9, $0xF7A;
	s5 =	simm.s32 @!p2 $0x0  }
0x1d: {  	s5 =	simm.s32 @p1 $0x1;
	p0 =	seq.s32 s7, s2  }
0x1e: {  	s7 =	smul.u32 @!p0 $0xF7A, s2;
	p2 =	seq.s32 @!p0 s5, $0x0  }
0x1f: {  	s9 =	smul.u32 $0xF7A, s1;
	s8 =	simm.s32 @!p0 $0x1BF5;
	p2 =	por !p2, p0  }
0x20: {  	[sflag:s8] =	ssyncset.s32 @!p0 $0xFFFFF086;
	s6 =	sadd.s32 @!p0 s3, s7;
	s7 =	simm.s32 @!p0 $0x108  }
0x21: {  	s3 =	sadd.s32 s3, s9;
	s6 =	sadd.s32 @!p0 $0x88, s6;
	s7 =	simm.s32 @p2 $0x1082  }
0x22: {  	[simem:s7], [sflag:s8] =	dma.local @!p0 [hbm:s6], $0xF7A  }
0x23: {  	s9 =	sor.u32 $0xD0000000, s2;
	s6 =	simm.s32 $0x108;
	_ =	swait.ge @!p0 [sflag:s8], $0x0  }
0x24: {  	s3 =	sadd.s32 $0x88, s3;
	s6 =	simm.s32 @!p1 $0x1082;
	[sflag:s4] =	ssyncset.s32 $0xFFFFF086  }
0x25: {  	[simem:s6], [sflag:s4] =	dma.local [hbm:s3], $0xF7A  }
0x26: {  	[smem:$0x3F90] =	sst s1;
	(tag) =	ssettag s2;
	_ =	strace s9  }
0x27: {  	s1 =	sld [smem:$0x3FA0]  }
0x28: {  	s2 =	sld [smem:$0x3FA1]  }
0x29: {  	s4 =	sld [smem:$0x3FA3]  }
0x2a: {  	p0 =	seq.s32 s5, $0x0;
	s5 =	sld [smem:$0x3FA4]  }
0x2b: {  	s6 =	sld [smem:$0x3FA5]  }
0x2c: {  	s7 =	sld [smem:$0x3FA6]  }
0x2d: {  	s3 =	simm.s32 $0x108;
	s8 =	sld [smem:$0x3FA7]  }
0x2e: {  	s3 =	simm.s32 @!p0 $0x1082;
	s9 =	sld [smem:$0x3FA8]  }
0x2f: {  	lr =	sadd.s32 s0, s3;
	s0 =	sld [smem:$0x3F9F]  }
0x30: {  	s3 =	sld [smem:$0x3FA2]  }
0x31: {  	[smem:$0x3FAB] =	sst s10  }
0x32: {  	s10 =	sld [smem:$0x3FA9];
	_ =	sdelay $0x3  }
0x33: {  	p0 =	seq.s32 s10, $0x1;
	s10 =	sld [smem:$0x3FAB];
	_ =	sdelay $0x3  }
0x34: {  	[smem:$0x3FAB] =	sst s10  }
0x35: {  	s10 =	sld [smem:$0x3FAA];
	_ =	sdelay $0x3  }
0x36: {  	p1 =	seq.s32 s10, $0x1;
	s10 =	sld [smem:$0x3FAB];
	_ =	sdelay $0x3  }
0x37: {  	[smem:$0x3FAB] =	sst s10  }
0x38: {  	s10 =	sld [smem:$0x3FAC]  }
0x39: {  	_ = 	snop;
	(pc) =	sbr.ind lr, $3  }
0x3a: {  	_ = 	snop  }
0x3b: {  	_ = 	snop  }
0x3c: {  	p2 =	seq.s32 s10, $0x1;
	s10 =	sld [smem:$0x3FAB]  }
0x3d: {  	_ =	shalt  }
0x3e: {  	_ =	shalt  }
0x3f: {  	_ =	shalt  }
0x40: {  	_ =	shalt  }
0x41: {  	_ =	shalt  }
0x42: {  	_ =	shalt  }
0x43: {  	_ =	shalt  }
0x44: {  	_ =	shalt  }
0x45: {  	_ =	shalt  }
0x46: {  	_ =	shalt  }
0x47: {  	_ =	shalt  }
0x48: {  	_ =	shalt  }
0x49: {  	_ =	shalt  }
0x4a: {  	_ =	shalt  }
0x4b: {  	_ =	shalt  }
0x4c: {  	_ =	shalt  }
0x4d: {  	_ =	shalt  }
0x4e: {  	_ =	shalt  }
0x4f: {  	_ =	shalt  }
0x50: {  	_ =	shalt  }
0x51: {  	_ =	shalt  }
0x52: {  	_ =	shalt  }
0x53: {  	_ =	shalt  }
0x54: {  	_ =	shalt  }
0x55: {  	_ =	shalt  }
0x56: {  	_ =	shalt  }
0x57: {  	_ =	shalt  }
0x58: {  	_ =	shalt  }
0x59: {  	_ =	shalt  }
0x5a: {  	_ =	shalt  }
0x5b: {  	_ =	shalt  }
0x5c: {  	_ =	shalt  }
0x5d: {  	_ =	shalt  }
0x5e: {  	_ =	shalt  }
0x5f: {  	_ =	shalt  }
0x60: {  	_ =	shalt  }
0x61: {  	_ =	shalt  }
0x62: {  	_ =	shalt  }
0x63: {  	_ =	shalt  }
0x64: {  	_ =	shalt  }
0x65: {  	_ =	shalt  }
0x66: {  	_ =	shalt  }
0x67: {  	_ =	shalt  }
0x68: {  	_ =	shalt  }
0x69: {  	_ =	shalt  }
0x6a: {  	_ =	shalt  }
0x6b: {  	_ =	shalt  }
0x6c: {  	_ =	shalt  }
0x6d: {  	_ =	shalt  }
0x6e: {  	_ =	shalt  }
0x6f: {  	_ =	shalt  }
0x70: {  	_ =	shalt  }
0x71: {  	_ =	shalt  }
0x72: {  	_ =	shalt  }
0x73: {  	_ =	shalt  }
0x74: {  	_ =	shalt  }
0x75: {  	_ =	shalt  }
0x76: {  	_ =	shalt  }
0x77: {  	_ =	shalt  }
0x78: {  	_ =	shalt  }
0x79: {  	_ =	shalt  }
0x7a: {  	_ =	shalt  }
0x7b: {  	_ =	shalt  }
0x7c: {  	_ =	shalt  }
0x7d: {  	_ =	shalt  }
0x7e: {  	_ =	shalt  }
0x7f: {  	_ =	shalt  }
0x80: {  	_ =	shalt  }
0x81: {  	_ =	shalt  }
0x82: {  	_ =	shalt  }
0x83: {  	_ =	shalt  }
0x84: {  	_ =	shalt  }
0x85: {  	_ =	shalt  }
0x86: {  	_ =	shalt  }
0x87: {  	_ =	shalt  }
.Lfunc_end0:
.L_simem_size_0:
called_computation_lowered:
.L_overlay_start_0:
0x88: {  	s2 =	sld [smem:$0x3FD9]  }
0x89: {  	s3 =	sld [smem:$0x3FFE];
	_ =	sdelay $0x1  }
0x8a: {  	s1 =	srdreg.scid  }
0x8b: {  	s0 =	sand.u32 $0x1, s1  }
0x8c: {  	s17 =	sshll.u32 s0, $0xA;
	s2 =	sadd.s32 s3, s2  }
0x8d: {  	s2 =	sadd.s32 s2, s17  }
0x8e: {  	[smem:$0x3FB7] =	sst s2  }
0x8f: {  	_ = 	snop  }
0x90: {  	s2 =	sld [smem:$0x3FC7];
	(tm) =	ssettm $0x1  }
0x91: {  	s18 =	sld [smem:$0x3FFB];
	_ =	sdelay $0x3  }
0x92: {  	_ =	strace s18  }
0x93: {  	s3 =	sld [smem:$0x3FFC];
	_ =	sdelay $0x3  }
0x94: {  	_ =	strace s3  }
0x95: {  	s3 =	sld [smem:$0x3FFD];
	_ =	sdelay $0x3  }
0x96: {  	_ =	strace s3  }
0x97: {  	_ =	strace $0x8FFFFFFF  }
0x98: {  	s19 =	sld [smem:$0x3FDB];
	_ =	sdelay $0x1  }
0x99: {  	s4 =	simm.s32 $_scs_section_size  }
0x9a: {  	s5 =	simm.s32 $_size__tile_overlayer_lowered;
	s6 =	simm.s32 $_tile_overlayer_lowered  }
0x9b: {  	s22 =	simm.s32 $0x1BFF;
	s21 =	sshll.u32 s6, $0x1;
	s3 =	sadd.s32 s4, s19  }
0x9c: {  	s7 =	simm.s32 $0x0;
	s20 =	sshll.u32 s5, $0x1;
	s5 =	sadd.s32 s21, s3  }
0x9d: {  	[timem:s7], [sflag:s22] =	dma.local [hbm:s5], s20  }
0x9e: {  	_ =	swait.ge [sflag:s22], s20  }
0x9f: {  	s4 =	ssub.s32 $0x0, s20;
	[sflag:s22] =	ssyncset.done $0x0  }
0xa0: {  	[sflag:s22] =	ssyncadd.s32 s4;
	_ =	sdelay $0x1  }
0xa1: {  	s23 =	simm.s32 $0x1B8B  }
0xa2: {  	_ =	swait.ge [sflag:s23], $0x1  }
0xa3: {  	[sflag:s23] =	ssyncset.done $0x0  }
0xa4: {  	s25 =	simm.s32 $0x1B8E;
	s24 =	sld [smem:$0x3FFE];
	[sflag:s23] =	ssyncadd.s32 $0xFFFFFFFF  }
0xa5: {  	s26 =	simm.s32 $execute0_lowered;
	[smem:$0x3FD2] =	sst s25  }
0xa6: {  	s5 =	sshll.u32 s26, $0x1;
	_ =	strace $0x80000046;
	[dreg:$0x1] =	wrdreg $0xFFFFFFFF  }
0xa7: {  	s28 =	simm.s32 $_size_execute0_lowered;
	s3 =	sadd.s32 s3, s5;
	[dreg:$0x0] =	wrdreg $0x0  }
0xa8: {  	s5 =	sshll.u32 s28, $0x1;
	[dreg:$0x2] =	wrdreg s3  }
0xa9: {  	[dreg:$0x3] =	wrdreg s5  }
0xaa: {  	[dreg:$0x4] =	wrdreg $0xC0  }
0xab: {  	_ =	task [dreg:s7], $0x5FFFF  }
0xac: {  	[dreg:$0x1] =	wrdreg $0xFFFFFFFF  }
0xad: {  	[dreg:$0x0] =	wrdreg $0x60  }
0xae: {  	[dreg:$0x2] =	wrdreg s2  }
0xaf: {  	[dreg:$0x3] =	wrdreg s24  }
0xb0: {  	[dreg:$0x4] =	wrdreg $0x9  }
0xb1: {  	_ =	task.clear_ibuf [dreg:s7], $0x5FFFF;
	_ =	strace $0x90000046  }
0xb2: {  	s29 =	simm.s32 $0x9;
	_ =	strace $0x80000048  }
0xb3: {  	_ =	swait.ge [sflag:s29], $0x1  }
0xb4: {  	[sflag:s29] =	ssyncadd.s32 $0xFFFFFFFF  }
0xb5: {  	_ =	strace $0x90000048  }
0xb6: {  	_ =	sfence  }
0xb7: {  	s30 =	sld [smem:$0x0];
	_ =	sdelay $0x2  }
0xb8: {  	s31 =	sshll.u32 s1, $0xD;
	s1 =	sshrl.u32 s1, $0x2  }
0xb9: {  	s3 =	sand.u32 $0x4000, s31;
	s1 =	sadd.s32 s1, s30  }
0xba: {  	s0 =	sor.u32 s3, s0;
	s1 =	sshll.u32 s1, $0x11  }
0xbb: {  	s0 =	sor.u32 s1, s0  }
0xbc: {  	s0 =	sadd.s32 $0x8F2B, s0  }
0xbd: {  	[sflag:s0] =	ssyncadd.remote.s32 $0x1  }
0xbe: {  	_ =	sfence.sel $0xFFFF  }
0xbf: {  	[dreg:$0x0] =	wrdreg $0xFFFFFFFF;
	(pc) =	sbr.abs _section_cstart, $3  }
0xc0: {  	[dreg:$0x1] =	wrdreg $0xFFFFFFFF  }
0xc1: {  	_ =	task.clear_ibuf [dreg:s7], $0x2FFFF;
	_ =	strace $0x9FFFFFFF  }
0xc2: {  	(tm) =	ssettm $0x7FFFFFFF  }
0xc3: {  	_ =	shalt  }
tec
execute0_lowered:
.L_overlay_start_1:
0x0: {  	(tag) =	ssettag $0x1  }
0x1: {  	s0 =	srdreg.scid;
	s15 =	stileid.u32  }
0x2: {  	s0 =	sand.u32 $0x1, s0;
	s1 =	sshll.u32 s15, $0x1  }
0x3: {  	s3 =	rddreg [dreg:$0x0];
	s1 =	sor.u32 s0, s1  }
0x4: {  	s4 =	rddreg [dreg:$0x1];
	s2 =	simm.s32 $0x0;
	s5 =	smul.u32 $0xD000, s1  }
0x5: {  	[smem:$0x7FF] =	sst s2;
	s6 =	sshll.u32 s1, $0x9;
	s1 =	smul.u32 $0x68000, s1  }
0x6: {  	_ =	strace $0x80000047;
	s6 =	sadd.s32 s6, s4;
	s4 =	sadd.s32 $0x7000, s4  }
0x7: {  	s6 =	sadd.s32 $0x3000, s6;
	s30 =	sadd.s32 s4, s5;
	s1 =	sshrl.u32 s1, $0x3  }
0x8: {  	[dreg:$0x3] =	wrdreg s6;
	s5 =	sadd.s32 $0x800, s30;
	s1 =	sadd.s32 s4, s1  }
0x9: {  	[dreg:$0x4] =	wrdreg s5;
	s4 =	sadd.s32 $0x1000, s1  }
0xa: {  	s12 =	sadd.s32 $0x1800, s1;
	[dreg:$0x5] =	wrdreg s4  }
0xb: {  	s13 =	sadd.s32 $0x2000, s1;
	[dreg:$0x6] =	wrdreg s12  }
0xc: {  	s14 =	sadd.s32 $0x2800, s1;
	[dreg:$0x7] =	wrdreg s13  }
0xd: {  	s16 =	sadd.s32 $0x3000, s1;
	[dreg:$0x8] =	wrdreg s14  }
0xe: {  	s17 =	sadd.s32 $0x3800, s1;
	[dreg:$0x9] =	wrdreg s16  }
0xf: {  	s18 =	sadd.s32 $0x4000, s1;
	[dreg:$0xa] =	wrdreg s17  }
0x10: {  	s19 =	sadd.s32 $0x4800, s1;
	[dreg:$0xb] =	wrdreg s18  }
0x11: {  	s20 =	sadd.s32 $0x5000, s1;
	[dreg:$0xc] =	wrdreg s19  }
0x12: {  	s21 =	sadd.s32 $0x5800, s1;
	[dreg:$0xd] =	wrdreg s20  }
0x13: {  	s22 =	sadd.s32 $0x6000, s1;
	[dreg:$0xe] =	wrdreg s21  }
0x14: {  	s23 =	sadd.s32 $0x6800, s1;
	[dreg:$0xf] =	wrdreg s22  }
0x15: {  	s24 =	sadd.s32 $0x7000, s1;
	[dreg:$0x10] =	wrdreg s23  }
0x16: {  	s25 =	sadd.s32 $0x7800, s1;
	[dreg:$0x11] =	wrdreg s24  }
0x17: {  	s26 =	sadd.s32 $0x8000, s1;
	[dreg:$0x12] =	wrdreg s25  }
0x18: {  	s5 =	sadd.s32 $0x8800, s1;
	[dreg:$0x13] =	wrdreg s26  }
0x19: {  	s31 =	simm.s32 $0x9;
	s6 =	sadd.s32 $0x9000, s1;
	[dreg:$0x14] =	wrdreg s5  }
0x1a: {  	s29 =	simm.s32 $0x780;
	s7 =	sadd.s32 $0x9800, s1;
	[dreg:$0x15] =	wrdreg s6  }
0x1b: {  	s28 =	simm.s32 $0x800;
	s8 =	sadd.s32 $0xA000, s1;
	[dreg:$0x16] =	wrdreg s7  }
0x1c: {  	p0 =	por $0x0, $0x0;
	s9 =	sadd.s32 $0xA800, s1;
	[dreg:$0x17] =	wrdreg s8  }
0x1d: {  	s0 =	ssub.s32 $0x2, s0;
	s10 =	sadd.s32 $0xB000, s1;
	[dreg:$0x18] =	wrdreg s9  }
0x1e: {  	s11 =	sadd.s32 $0xB800, s1;
	[dreg:$0x19] =	wrdreg s10;
	s12 =	sshrl.u32 s0, $0x1  }
0x1f: {  	[dreg:$0x1a] =	wrdreg s11;
	s13 =	sadd.s32 $0xC000, s1;
	s1 =	sadd.s32 $0xC800, s1  }
0x20: {  	s6 =	simm.s32 $0x80;
	s14 =	simm.s32 $0x100;
	s5 =	simm.s32 $0x1000  }
0x21: {  	s16 =	simm.s32 $0x180;
	s4 =	simm.s32 $0x5000;
	[dreg:$0x1b] =	wrdreg s13  }
0x22: {  	s17 =	simm.s32 $0x200;
	s18 =	simm.s32 $0x280;
	[dreg:$0x1c] =	wrdreg s1  }
0x23: {  	s11 =	simm.s32 $0xD000;
	s19 =	simm.s32 $0x300;
	[dreg:$0x1d] =	wrdreg s14  }
0x24: {  	s8 =	simm.s32 $0x1;
	s20 =	simm.s32 $0x380;
	[dreg:$0x1e] =	wrdreg s16  }
0x25: {  	s7 =	simm.s32 $0x2;
	s21 =	simm.s32 $0x400;
	[dreg:$0x1f] =	wrdreg s17  }
0x26: {  	s22 =	simm.s32 $0x480;
	s9 =	simm.s32 $0x5;
	[smem:$0x7F5] =	sst s18  }
0x27: {  	s23 =	simm.s32 $0x500;
	s24 =	simm.s32 $0x580;
	[smem:$0x7F6] =	sst s19  }
0x28: {  	s10 =	simm.s32 $0x6;
	s25 =	simm.s32 $0x600;
	[smem:$0x7F7] =	sst s20  }
0x29: {  	s26 =	simm.s32 $0x680;
	s0 =	ssub.s32 s0, s12;
	[smem:$0x7F8] =	sst s21  }
0x2a: {  	s12 =	simm.s32 $0x9000;
	s14 =	simm.s32 $0x3;
	[smem:$0x7F9] =	sst s22  }
0x2b: {  	s13 =	simm.s32 $0x4;
	[smem:$0x7FA] =	sst s23;
	s0 =	smax.u32 s0, $0x1  }
0x2c: {  	[smem:$0x7FB] =	sst s24;
	s18 =	simm.s32 $0x7;
	p1 =	sne.s32 s0, $0x1  }
.Ltmp0:
0x2d: {  	[smem:$0x7FC] =	sst s25;
	s16 =	simm.s32 $0x8;
	(pc) =	sbr.rel @!p1 .LBB2_1-.Ltmp0, $4  }
0x2e: {  	[smem:$0x7FD] =	sst s26;
	s26 =	simm.s32 $0x880;
	s25 =	simm.s32 $0x900  }
0x2f: {  	s24 =	simm.s32 $0x980;
	s23 =	simm.s32 $0xA00;
	s22 =	simm.s32 $0xA80  }
0x30: {  	s21 =	simm.s32 $0xB00;
	s20 =	simm.s32 $0xB80;
	s19 =	simm.s32 $0xC00  }
0x31: {  	s17 =	simm.s32 $0xC80;
	s1 =	sadd.s32 $0xFFFFFFFF, s0;
	s0 =	rddreg [dreg:$0x3]  }
0x32: {  	[tilespmem:s2], [sflag:$0x9] =	stream.linear.gather [hbm4b:s0+s2], $0xD00, $0x38;
	[tilespmem:$0x11000] =	vst v63  }
0x33: {  	_ =	swait.ge [sflag:s31], $0xD00  }
0x34: {  	[sflag:s31] =	ssyncset.done $0x0  }
0x35: {  	[sflag:s31] =	ssyncadd.s32 $0xFFFFF300  }
0x36: {  	[tilespmem:s5], [sflag:$0x1] =	stream.indirect.gather [hbm4b:s3+s6], $0x80, s2, s6, $0xb8;
	[tilespmem:$0x11000] =	vst v63  }
0x37: {  	_ = 	snop  }
0x38: {  	[tilespmem:s4], [sflag:$0x2] =	stream.indirect.gather [hbm4b:s3+s6], $0x80, s6, s6, $0xb8;
	[tilespmem:$0x11000] =	vst v63  }
0x39: {  	s0 =	rddreg [dreg:$0x1d]  }
0x3a: {  	[tilespmem:s12], [sflag:$0x3] =	stream.indirect.gather [hbm4b:s3+s6], $0x80, s0, s6, $0xb8;
	[tilespmem:$0x11000] =	vst v63  }
0x3b: {  	s15 =	smov.u32 s1;
	s1 =	rddreg [dreg:$0x1e]  }
0x3c: {  	[tilespmem:s11], [sflag:$0x4] =	stream.indirect.gather [hbm4b:s3+s6], $0x80, s1, s6, $0xb8;
	[tilespmem:$0x11000] =	vst v63  }
0x3d: {  	_ =	swait.ge [sflag:s8], $0x4000  }
0x3e: {  	[sflag:s8] =	ssyncset.done $0x0  }
0x3f: {  	[sflag:s8] =	ssyncadd.s32 $0xFFFFC000  }
0x40: {  	[hbm4b:s30+s2] =	stream.linear.scatter [tilespmem:s5], [sflag:$0x5], $0x4000, $0x38;
	[tilespmem:$0x11000] =	vst v63  }
0x41: {  	_ =	swait.ge [sflag:s7], $0x4000  }
0x42: {  	[sflag:s7] =	ssyncset.done $0x0  }
0x43: {  	s1 =	rddreg [dreg:$0x4];
	[sflag:s7] =	ssyncadd.s32 $0xFFFFC000  }
0x44: {  	[hbm4b:s1+s2] =	stream.linear.scatter [tilespmem:s4], [sflag:$0x6], $0x4000, $0x38;
	[tilespmem:$0x11000] =	vst v63  }
0x45: {  	_ =	swait.ge [sflag:s14], $0x4000  }
0x46: {  	[sflag:s14] =	ssyncset.done $0x0  }
0x47: {  	s1 =	rddreg [dreg:$0x5];
	[sflag:s14] =	ssyncadd.s32 $0xFFFFC000  }
0x48: {  	[hbm4b:s1+s2] =	stream.linear.scatter [tilespmem:s12], [sflag:$0x7], $0x4000, $0x38;
	[tilespmem:$0x11000] =	vst v63  }
0x49: {  	_ =	swait.ge [sflag:s9], $0x4000  }
0x4a: {  	[sflag:s9] =	ssyncset.done $0x0  }
0x4b: {  	s1 =	rddreg [dreg:$0x1f];
	[sflag:s9] =	ssyncadd.s32 $0xFFFFC000  }
0x4c: {  	[tilespmem:s5], [sflag:$0x1] =	stream.indirect.gather [hbm4b:s3+s6], $0x80, s1, s6, $0xb8;
	[tilespmem:$0x11000] =	vst v63  }
0x4d: {  	_ =	swait.ge [sflag:s13], $0x4000  }
0x4e: {  	[sflag:s13] =	ssyncset.done $0x0  }
0x4f: {  	s1 =	rddreg [dreg:$0x6];
	[sflag:s13] =	ssyncadd.s32 $0xFFFFC000  }
0x50: {  	[hbm4b:s1+s2] =	stream.linear.scatter [tilespmem:s11], [sflag:$0x8], $0x4000, $0x38;
	[tilespmem:$0x11000] =	vst v63  }
0x51: {  	_ =	swait.ge [sflag:s10], $0x4000  }
0x52: {  	s1 =	sld [smem:$0x7F5]  }
0x53: {  	[sflag:s10] =	ssyncset.done $0x0  }
0x54: {  	[sflag:s10] =	ssyncadd.s32 $0xFFFFC000  }
0x55: {  	[tilespmem:s4], [sflag:$0x2] =	stream.indirect.gather [hbm4b:s3+s6], $0x80, s1, s6, $0xb8;
	[tilespmem:$0x11000] =	vst v63  }
0x56: {  	_ =	swait.ge [sflag:s8], $0x4000  }
0x57: {  	[sflag:s8] =	ssyncset.done $0x0  }
0x58: {  	s1 =	rddreg [dreg:$0x7];
	[sflag:s8] =	ssyncadd.s32 $0xFFFFC000  }
0x59: {  	[hbm4b:s1+s2] =	stream.linear.scatter [tilespmem:s5], [sflag:$0x5], $0x4000, $0x38;
	[tilespmem:$0x11000] =	vst v63  }
0x5a: {  	_ =	swait.ge [sflag:s18], $0x4000  }
0x5b: {  	s1 =	sld [smem:$0x7F6]  }
0x5c: {  	[sflag:s18] =	ssyncset.done $0x0  }
0x5d: {  	[sflag:s18] =	ssyncadd.s32 $0xFFFFC000  }
0x5e: {  	[tilespmem:s12], [sflag:$0x3] =	stream.indirect.gather [hbm4b:s3+s6], $0x80, s1, s6, $0xb8;
	[tilespmem:$0x11000] =	vst v63  }
0x5f: {  	_ =	swait.ge [sflag:s7], $0x4000  }
0x60: {  	[sflag:s7] =	ssyncset.done $0x0  }
0x61: {  	s1 =	rddreg [dreg:$0x8];
	[sflag:s7] =	ssyncadd.s32 $0xFFFFC000  }
0x62: {  	[hbm4b:s1+s2] =	stream.linear.scatter [tilespmem:s4], [sflag:$0x6], $0x4000, $0x38;
	[tilespmem:$0x11000] =	vst v63  }
0x63: {  	_ =	swait.ge [sflag:s16], $0x4000  }
0x64: {  	s1 =	sld [smem:$0x7F7]  }
0x65: {  	[sflag:s16] =	ssyncset.done $0x0  }
0x66: {  	[sflag:s16] =	ssyncadd.s32 $0xFFFFC000  }
0x67: {  	[tilespmem:s11], [sflag:$0x4] =	stream.indirect.gather [hbm4b:s3+s6], $0x80, s1, s6, $0xb8;
	[tilespmem:$0x11000] =	vst v63  }
0x68: {  	_ =	swait.ge [sflag:s14], $0x4000  }
0x69: {  	[sflag:s14] =	ssyncset.done $0x0  }
0x6a: {  	s1 =	rddreg [dreg:$0x9];
	[sflag:s14] =	ssyncadd.s32 $0xFFFFC000  }
0x6b: {  	[hbm4b:s1+s2] =	stream.linear.scatter [tilespmem:s12], [sflag:$0x7], $0x4000, $0x38;
	[tilespmem:$0x11000] =	vst v63  }
0x6c: {  	_ =	swait.ge [sflag:s9], $0x4000  }
0x6d: {  	s1 =	sld [smem:$0x7F8]  }
0x6e: {  	[sflag:s9] =	ssyncset.done $0x0  }
0x6f: {  	[sflag:s9] =	ssyncadd.s32 $0xFFFFC000  }
0x70: {  	[tilespmem:s5], [sflag:$0x1] =	stream.indirect.gather [hbm4b:s3+s6], $0x80, s1, s6, $0xb8;
	[tilespmem:$0x11000] =	vst v63  }
0x71: {  	_ =	swait.ge [sflag:s13], $0x4000  }
0x72: {  	[sflag:s13] =	ssyncset.done $0x0  }
0x73: {  	s1 =	rddreg [dreg:$0xa];
	[sflag:s13] =	ssyncadd.s32 $0xFFFFC000  }
0x74: {  	[hbm4b:s1+s2] =	stream.linear.scatter [tilespmem:s11], [sflag:$0x8], $0x4000, $0x38;
	[tilespmem:$0x11000] =	vst v63  }
0x75: {  	_ =	swait.ge [sflag:s10], $0x4000  }
0x76: {  	s1 =	sld [smem:$0x7F9]  }
0x77: {  	[sflag:s10] =	ssyncset.done $0x0  }
0x78: {  	[sflag:s10] =	ssyncadd.s32 $0xFFFFC000  }
0x79: {  	[tilespmem:s4], [sflag:$0x2] =	stream.indirect.gather [hbm4b:s3+s6], $0x80, s1, s6, $0xb8;
	[tilespmem:$0x11000] =	vst v63  }
0x7a: {  	_ =	swait.ge [sflag:s8], $0x4000  }
0x7b: {  	[sflag:s8] =	ssyncset.done $0x0  }
0x7c: {  	s1 =	rddreg [dreg:$0xb];
	[sflag:s8] =	ssyncadd.s32 $0xFFFFC000  }
0x7d: {  	[hbm4b:s1+s2] =	stream.linear.scatter [tilespmem:s5], [sflag:$0x5], $0x4000, $0x38;
	[tilespmem:$0x11000] =	vst v63  }
0x7e: {  	_ =	swait.ge [sflag:s18], $0x4000  }
0x7f: {  	s1 =	sld [smem:$0x7FA]  }
0x80: {  	[sflag:s18] =	ssyncset.done $0x0  }
0x81: {  	[sflag:s18] =	ssyncadd.s32 $0xFFFFC000  }
0x82: {  	[tilespmem:s12], [sflag:$0x3] =	stream.indirect.gather [hbm4b:s3+s6], $0x80, s1, s6, $0xb8;
	[tilespmem:$0x11000] =	vst v63  }
0x83: {  	_ =	swait.ge [sflag:s7], $0x4000  }
0x84: {  	[sflag:s7] =	ssyncset.done $0x0  }
0x85: {  	s1 =	rddreg [dreg:$0xc];
	[sflag:s7] =	ssyncadd.s32 $0xFFFFC000  }
0x86: {  	[hbm4b:s1+s2] =	stream.linear.scatter [tilespmem:s4], [sflag:$0x6], $0x4000, $0x38;
	[tilespmem:$0x11000] =	vst v63  }
0x87: {  	_ =	swait.ge [sflag:s16], $0x4000  }
0x88: {  	s1 =	sld [smem:$0x7FB]  }
0x89: {  	[sflag:s16] =	ssyncset.done $0x0  }
0x8a: {  	[sflag:s16] =	ssyncadd.s32 $0xFFFFC000  }
0x8b: {  	[tilespmem:s11], [sflag:$0x4] =	stream.indirect.gather [hbm4b:s3+s6], $0x80, s1, s6, $0xb8;
	[tilespmem:$0x11000] =	vst v63  }
0x8c: {  	_ =	swait.ge [sflag:s14], $0x4000  }
0x8d: {  	[sflag:s14] =	ssyncset.done $0x0  }
0x8e: {  	s1 =	rddreg [dreg:$0xd];
	[sflag:s14] =	ssyncadd.s32 $0xFFFFC000  }
0x8f: {  	[hbm4b:s1+s2] =	stream.linear.scatter [tilespmem:s12], [sflag:$0x7], $0x4000, $0x38;
	[tilespmem:$0x11000] =	vst v63  }
0x90: {  	_ =	swait.ge [sflag:s9], $0x4000  }
0x91: {  	s1 =	sld [smem:$0x7FC]  }
0x92: {  	[sflag:s9] =	ssyncset.done $0x0  }
0x93: {  	[sflag:s9] =	ssyncadd.s32 $0xFFFFC000  }
0x94: {  	[tilespmem:s5], [sflag:$0x1] =	stream.indirect.gather [hbm4b:s3+s6], $0x80, s1, s6, $0xb8;
	[tilespmem:$0x11000] =	vst v63  }
0x95: {  	_ =	swait.ge [sflag:s13], $0x4000  }
0x96: {  	[sflag:s13] =	ssyncset.done $0x0  }
0x97: {  	s1 =	rddreg [dreg:$0xe];
	[sflag:s13] =	ssyncadd.s32 $0xFFFFC000  }
0x98: {  	[hbm4b:s1+s2] =	stream.linear.scatter [tilespmem:s11], [sflag:$0x8], $0x4000, $0x38;
	[tilespmem:$0x11000] =	vst v63  }
0x99: {  	_ =	swait.ge [sflag:s10], $0x4000  }
0x9a: {  	s1 =	sld [smem:$0x7FD]  }
0x9b: {  	[sflag:s10] =	ssyncset.done $0x0  }
0x9c: {  	[sflag:s10] =	ssyncadd.s32 $0xFFFFC000  }
0x9d: {  	[tilespmem:s4], [sflag:$0x2] =	stream.indirect.gather [hbm4b:s3+s6], $0x80, s1, s6, $0xb8;
	[tilespmem:$0x11000] =	vst v63  }
0x9e: {  	_ =	swait.ge [sflag:s8], $0x4000  }
0x9f: {  	[sflag:s8] =	ssyncset.done $0x0  }
0xa0: {  	s1 =	rddreg [dreg:$0xf];
	[sflag:s8] =	ssyncadd.s32 $0xFFFFC000  }
0xa1: {  	[hbm4b:s1+s2] =	stream.linear.scatter [tilespmem:s5], [sflag:$0x5], $0x4000, $0x38;
	[tilespmem:$0x11000] =	vst v63  }
0xa2: {  	_ =	swait.ge [sflag:s18], $0x4000  }
0xa3: {  	[sflag:s18] =	ssyncset.done $0x0  }
0xa4: {  	s1 =	simm.s32 $0x700;
	[sflag:s18] =	ssyncadd.s32 $0xFFFFC000  }
0xa5: {  	[tilespmem:s12], [sflag:$0x3] =	stream.indirect.gather [hbm4b:s3+s6], $0x80, s1, s6, $0xb8;
	[tilespmem:$0x11000] =	vst v63  }
0xa6: {  	_ =	swait.ge [sflag:s7], $0x4000  }
0xa7: {  	[sflag:s7] =	ssyncset.done $0x0  }
0xa8: {  	s1 =	rddreg [dreg:$0x10];
	[sflag:s7] =	ssyncadd.s32 $0xFFFFC000  }
0xa9: {  	[hbm4b:s1+s2] =	stream.linear.scatter [tilespmem:s4], [sflag:$0x6], $0x4000, $0x38;
	[tilespmem:$0x11000] =	vst v63  }
0xaa: {  	_ =	swait.ge [sflag:s16], $0x4000  }
0xab: {  	[sflag:s16] =	ssyncset.done $0x0  }
0xac: {  	[sflag:s16] =	ssyncadd.s32 $0xFFFFC000  }
0xad: {  	[tilespmem:s11], [sflag:$0x4] =	stream.indirect.gather [hbm4b:s3+s6], $0x80, s29, s6, $0xb8;
	[tilespmem:$0x11000] =	vst v63  }
0xae: {  	_ =	swait.ge [sflag:s14], $0x4000  }
0xaf: {  	[sflag:s14] =	ssyncset.done $0x0  }
0xb0: {  	s1 =	rddreg [dreg:$0x11];
	[sflag:s14] =	ssyncadd.s32 $0xFFFFC000  }
0xb1: {  	[hbm4b:s1+s2] =	stream.linear.scatter [tilespmem:s12], [sflag:$0x7], $0x4000, $0x38;
	[tilespmem:$0x11000] =	vst v63  }
0xb2: {  	_ =	swait.ge [sflag:s9], $0x4000  }
0xb3: {  	[sflag:s9] =	ssyncset.done $0x0  }
0xb4: {  	[sflag:s9] =	ssyncadd.s32 $0xFFFFC000  }
0xb5: {  	[tilespmem:s5], [sflag:$0x1] =	stream.indirect.gather [hbm4b:s3+s6], $0x80, s28, s6, $0xb8;
	[tilespmem:$0x11000] =	vst v63  }
0xb6: {  	_ =	swait.ge [sflag:s13], $0x4000  }
0xb7: {  	[sflag:s13] =	ssyncset.done $0x0  }
0xb8: {  	s1 =	rddreg [dreg:$0x12];
	[sflag:s13] =	ssyncadd.s32 $0xFFFFC000  }
0xb9: {  	[hbm4b:s1+s2] =	stream.linear.scatter [tilespmem:s11], [sflag:$0x8], $0x4000, $0x38;
	[tilespmem:$0x11000] =	vst v63  }
0xba: {  	_ =	swait.ge [sflag:s10], $0x4000  }
0xbb: {  	[sflag:s10] =	ssyncset.done $0x0  }
0xbc: {  	[sflag:s10] =	ssyncadd.s32 $0xFFFFC000  }
0xbd: {  	[tilespmem:s4], [sflag:$0x2] =	stream.indirect.gather [hbm4b:s3+s6], $0x80, s26, s6, $0xb8;
	[tilespmem:$0x11000] =	vst v63  }
0xbe: {  	_ =	swait.ge [sflag:s8], $0x4000  }
0xbf: {  	[sflag:s8] =	ssyncset.done $0x0  }
0xc0: {  	s1 =	rddreg [dreg:$0x13];
	[sflag:s8] =	ssyncadd.s32 $0xFFFFC000  }
0xc1: {  	[hbm4b:s1+s2] =	stream.linear.scatter [tilespmem:s5], [sflag:$0x5], $0x4000, $0x38;
	[tilespmem:$0x11000] =	vst v63  }
0xc2: {  	_ =	swait.ge [sflag:s18], $0x4000  }
0xc3: {  	[sflag:s18] =	ssyncset.done $0x0  }
0xc4: {  	[sflag:s18] =	ssyncadd.s32 $0xFFFFC000  }
0xc5: {  	[tilespmem:s12], [sflag:$0x3] =	stream.indirect.gather [hbm4b:s3+s6], $0x80, s25, s6, $0xb8;
	[tilespmem:$0x11000] =	vst v63  }
0xc6: {  	_ =	swait.ge [sflag:s7], $0x4000  }
0xc7: {  	[sflag:s7] =	ssyncset.done $0x0  }
0xc8: {  	s1 =	rddreg [dreg:$0x14];
	[sflag:s7] =	ssyncadd.s32 $0xFFFFC000  }
0xc9: {  	[hbm4b:s1+s2] =	stream.linear.scatter [tilespmem:s4], [sflag:$0x6], $0x4000, $0x38;
	[tilespmem:$0x11000] =	vst v63  }
0xca: {  	_ =	swait.ge [sflag:s16], $0x4000  }
0xcb: {  	[sflag:s16] =	ssyncset.done $0x0  }
0xcc: {  	[sflag:s16] =	ssyncadd.s32 $0xFFFFC000  }
0xcd: {  	[tilespmem:s11], [sflag:$0x4] =	stream.indirect.gather [hbm4b:s3+s6], $0x80, s24, s6, $0xb8;
	[tilespmem:$0x11000] =	vst v63  }
0xce: {  	_ =	swait.ge [sflag:s14], $0x4000  }
0xcf: {  	[sflag:s14] =	ssyncset.done $0x0  }
0xd0: {  	s1 =	rddreg [dreg:$0x15];
	[sflag:s14] =	ssyncadd.s32 $0xFFFFC000  }
0xd1: {  	[hbm4b:s1+s2] =	stream.linear.scatter [tilespmem:s12], [sflag:$0x7], $0x4000, $0x38;
	[tilespmem:$0x11000] =	vst v63  }
0xd2: {  	_ =	swait.ge [sflag:s9], $0x4000  }
0xd3: {  	[sflag:s9] =	ssyncset.done $0x0  }
0xd4: {  	[sflag:s9] =	ssyncadd.s32 $0xFFFFC000  }
0xd5: {  	[tilespmem:s5], [sflag:$0x1] =	stream.indirect.gather [hbm4b:s3+s6], $0x80, s23, s6, $0xb8;
	[tilespmem:$0x11000] =	vst v63  }
0xd6: {  	_ =	swait.ge [sflag:s13], $0x4000  }
0xd7: {  	[sflag:s13] =	ssyncset.done $0x0  }
0xd8: {  	s1 =	rddreg [dreg:$0x16];
	[sflag:s13] =	ssyncadd.s32 $0xFFFFC000  }
0xd9: {  	[hbm4b:s1+s2] =	stream.linear.scatter [tilespmem:s11], [sflag:$0x8], $0x4000, $0x38;
	[tilespmem:$0x11000] =	vst v63  }
0xda: {  	_ =	swait.ge [sflag:s10], $0x4000  }
0xdb: {  	[sflag:s10] =	ssyncset.done $0x0  }
0xdc: {  	[sflag:s10] =	ssyncadd.s32 $0xFFFFC000  }
0xdd: {  	[tilespmem:s4], [sflag:$0x2] =	stream.indirect.gather [hbm4b:s3+s6], $0x80, s22, s6, $0xb8;
	[tilespmem:$0x11000] =	vst v63  }
0xde: {  	_ =	swait.ge [sflag:s8], $0x4000  }
0xdf: {  	[sflag:s8] =	ssyncset.done $0x0  }
0xe0: {  	s1 =	rddreg [dreg:$0x17];
	[sflag:s8] =	ssyncadd.s32 $0xFFFFC000  }
0xe1: {  	[hbm4b:s1+s2] =	stream.linear.scatter [tilespmem:s5], [sflag:$0x5], $0x4000, $0x38;
	[tilespmem:$0x11000] =	vst v63  }
0xe2: {  	_ =	swait.ge [sflag:s18], $0x4000  }
0xe3: {  	[sflag:s18] =	ssyncset.done $0x0  }
0xe4: {  	[sflag:s18] =	ssyncadd.s32 $0xFFFFC000  }
0xe5: {  	[tilespmem:s12], [sflag:$0x3] =	stream.indirect.gather [hbm4b:s3+s6], $0x80, s21, s6, $0xb8;
	[tilespmem:$0x11000] =	vst v63  }
0xe6: {  	_ =	swait.ge [sflag:s7], $0x4000  }
0xe7: {  	[sflag:s7] =	ssyncset.done $0x0  }
0xe8: {  	s1 =	rddreg [dreg:$0x18];
	[sflag:s7] =	ssyncadd.s32 $0xFFFFC000  }
0xe9: {  	[hbm4b:s1+s2] =	stream.linear.scatter [tilespmem:s4], [sflag:$0x6], $0x4000, $0x38;
	[tilespmem:$0x11000] =	vst v63  }
0xea: {  	_ =	swait.ge [sflag:s16], $0x4000  }
0xeb: {  	[sflag:s16] =	ssyncset.done $0x0  }
0xec: {  	[sflag:s16] =	ssyncadd.s32 $0xFFFFC000  }
0xed: {  	[tilespmem:s11], [sflag:$0x4] =	stream.indirect.gather [hbm4b:s3+s6], $0x80, s20, s6, $0xb8;
	[tilespmem:$0x11000] =	vst v63  }
0xee: {  	_ =	swait.ge [sflag:s14], $0x4000  }
0xef: {  	[sflag:s14] =	ssyncset.done $0x0  }
0xf0: {  	s1 =	rddreg [dreg:$0x19];
	[sflag:s14] =	ssyncadd.s32 $0xFFFFC000  }
0xf1: {  	[hbm4b:s1+s2] =	stream.linear.scatter [tilespmem:s12], [sflag:$0x7], $0x4000, $0x38;
	[tilespmem:$0x11000] =	vst v63  }
0xf2: {  	_ =	swait.ge [sflag:s9], $0x4000  }
0xf3: {  	[sflag:s9] =	ssyncset.done $0x0  }
0xf4: {  	[sflag:s9] =	ssyncadd.s32 $0xFFFFC000  }
0xf5: {  	[tilespmem:s5], [sflag:$0x1] =	stream.indirect.gather [hbm4b:s3+s6], $0x80, s19, s6, $0xb8;
	[tilespmem:$0x11000] =	vst v63  }
0xf6: {  	_ =	swait.ge [sflag:s13], $0x4000  }
0xf7: {  	[sflag:s13] =	ssyncset.done $0x0  }
0xf8: {  	s1 =	rddreg [dreg:$0x1a];
	[sflag:s13] =	ssyncadd.s32 $0xFFFFC000  }
0xf9: {  	[hbm4b:s1+s2] =	stream.linear.scatter [tilespmem:s11], [sflag:$0x8], $0x4000, $0x38;
	[tilespmem:$0x11000] =	vst v63  }
0xfa: {  	_ =	swait.ge [sflag:s10], $0x4000  }
0xfb: {  	[sflag:s10] =	ssyncset.done $0x0  }
0xfc: {  	[sflag:s10] =	ssyncadd.s32 $0xFFFFC000  }
0xfd: {  	[tilespmem:s4], [sflag:$0x2] =	stream.indirect.gather [hbm4b:s3+s6], $0x80, s17, s6, $0xb8;
	[tilespmem:$0x11000] =	vst v63  }
0xfe: {  	_ =	swait.ge [sflag:s8], $0x4000  }
0xff: {  	[sflag:s8] =	ssyncset.done $0x0  }
0x100: {  	s1 =	rddreg [dreg:$0x1b];
	[sflag:s8] =	ssyncadd.s32 $0xFFFFC000  }
0x101: {  	[hbm4b:s1+s2] =	stream.linear.scatter [tilespmem:s5], [sflag:$0x5], $0x4000, $0x38;
	[tilespmem:$0x11000] =	vst v63  }
0x102: {  	_ =	swait.ge [sflag:s7], $0x4000  }
0x103: {  	[sflag:s7] =	ssyncset.done $0x0  }
0x104: {  	p1 =	sne.s32 s15, $0x1;
	s1 =	rddreg [dreg:$0x1c];
	[sflag:s7] =	ssyncadd.s32 $0xFFFFC000  }
0x105: {  	[hbm4b:s1+s2] =	stream.linear.scatter [tilespmem:s4], [sflag:$0x6], $0x4000, $0x38;
	[tilespmem:$0x11000] =	vst v63  }
.Ltmp1:
0x106: {  	_ =	swait.ge [sflag:s9], $0x4000;
	(pc) =	sbr.rel @!p1 .LBB2_3-.Ltmp1, $4  }
0x107: {  	[sflag:s9] =	ssyncset.done $0x0  }
0x108: {  	[sflag:s9] =	ssyncadd.s32 $0xFFFFC000  }
0x109: {  	p0 =	por $0x1, $0x1;
	_ =	swait.ge [sflag:s10], $0x4000  }
0x10a: {  	s1 =	sadd.s32 $0xFFFFFFFF, s15;
	s0 =	rddreg [dreg:$0x3];
	[sflag:s10] =	ssyncset.done $0x0  }
.LBB2_4:
0x10b: {  	[sflag:s10] =	ssyncadd.s32 $0xFFFFC000  }
0x10c: {  	[tilespmem:s2], [sflag:$0x9] =	stream.linear.gather [hbm4b:s0+s2], $0xD00, $0x38;
	[tilespmem:$0x11000] =	vst v63  }
0x10d: {  	_ =	swait.ge [sflag:s31], $0xD00  }
0x10e: {  	[sflag:s31] =	ssyncset.done $0x0  }
0x10f: {  	[sflag:s31] =	ssyncadd.s32 $0xFFFFF300  }
0x110: {  	[tilespmem:s5], [sflag:$0x1] =	stream.indirect.gather [hbm4b:s3+s6], $0x80, s2, s6, $0xb8;
	[tilespmem:$0x11000] =	vst v63  }
0x111: {  	_ = 	snop  }
0x112: {  	[tilespmem:s4], [sflag:$0x2] =	stream.indirect.gather [hbm4b:s3+s6], $0x80, s6, s6, $0xb8;
	[tilespmem:$0x11000] =	vst v63  }
0x113: {  	s0 =	rddreg [dreg:$0x1d]  }
0x114: {  	[tilespmem:s12], [sflag:$0x3] =	stream.indirect.gather [hbm4b:s3+s6], $0x80, s0, s6, $0xb8;
	[tilespmem:$0x11000] =	vst v63  }
0x115: {  	s15 =	rddreg [dreg:$0x1e]  }
0x116: {  	[tilespmem:s11], [sflag:$0x4] =	stream.indirect.gather [hbm4b:s3+s6], $0x80, s15, s6, $0xb8;
	[tilespmem:$0x11000] =	vst v63  }
0x117: {  	_ =	swait.ge [sflag:s8], $0x4000  }
0x118: {  	[sflag:s8] =	ssyncset.done $0x0  }
0x119: {  	[sflag:s8] =	ssyncadd.s32 $0xFFFFC000  }
0x11a: {  	[hbm4b:s30+s2] =	stream.linear.scatter [tilespmem:s5], [sflag:$0x5], $0x4000, $0x38;
	[tilespmem:$0x11000] =	vst v63  }
0x11b: {  	_ =	swait.ge [sflag:s7], $0x4000  }
0x11c: {  	[sflag:s7] =	ssyncset.done $0x0  }
0x11d: {  	s15 =	rddreg [dreg:$0x4];
	[sflag:s7] =	ssyncadd.s32 $0xFFFFC000  }
0x11e: {  	[hbm4b:s15+s2] =	stream.linear.scatter [tilespmem:s4], [sflag:$0x6], $0x4000, $0x38;
	[tilespmem:$0x11000] =	vst v63  }
0x11f: {  	_ =	swait.ge [sflag:s14], $0x4000  }
0x120: {  	[sflag:s14] =	ssyncset.done $0x0  }
0x121: {  	s15 =	rddreg [dreg:$0x5];
	[sflag:s14] =	ssyncadd.s32 $0xFFFFC000  }
0x122: {  	[hbm4b:s15+s2] =	stream.linear.scatter [tilespmem:s12], [sflag:$0x7], $0x4000, $0x38;
	[tilespmem:$0x11000] =	vst v63  }
0x123: {  	_ =	swait.ge [sflag:s9], $0x4000  }
0x124: {  	[sflag:s9] =	ssyncset.done $0x0  }
0x125: {  	s15 =	rddreg [dreg:$0x1f];
	[sflag:s9] =	ssyncadd.s32 $0xFFFFC000  }
0x126: {  	[tilespmem:s5], [sflag:$0x1] =	stream.indirect.gather [hbm4b:s3+s6], $0x80, s15, s6, $0xb8;
	[tilespmem:$0x11000] =	vst v63  }
0x127: {  	_ =	swait.ge [sflag:s13], $0x4000  }
0x128: {  	[sflag:s13] =	ssyncset.done $0x0  }
0x129: {  	s15 =	rddreg [dreg:$0x6];
	[sflag:s13] =	ssyncadd.s32 $0xFFFFC000  }
0x12a: {  	[hbm4b:s15+s2] =	stream.linear.scatter [tilespmem:s11], [sflag:$0x8], $0x4000, $0x38;
	[tilespmem:$0x11000] =	vst v63  }
0x12b: {  	_ =	swait.ge [sflag:s10], $0x4000  }
0x12c: {  	s15 =	sld [smem:$0x7F5]  }
0x12d: {  	[sflag:s10] =	ssyncset.done $0x0  }
0x12e: {  	[sflag:s10] =	ssyncadd.s32 $0xFFFFC000  }
0x12f: {  	[tilespmem:s4], [sflag:$0x2] =	stream.indirect.gather [hbm4b:s3+s6], $0x80, s15, s6, $0xb8;
	[tilespmem:$0x11000] =	vst v63  }
0x130: {  	_ =	swait.ge [sflag:s8], $0x4000  }
0x131: {  	[sflag:s8] =	ssyncset.done $0x0  }
0x132: {  	s15 =	rddreg [dreg:$0x7];
	[sflag:s8] =	ssyncadd.s32 $0xFFFFC000  }
0x133: {  	[hbm4b:s15+s2] =	stream.linear.scatter [tilespmem:s5], [sflag:$0x5], $0x4000, $0x38;
	[tilespmem:$0x11000] =	vst v63  }
0x134: {  	_ =	swait.ge [sflag:s18], $0x4000  }
0x135: {  	s15 =	sld [smem:$0x7F6]  }
0x136: {  	[sflag:s18] =	ssyncset.done $0x0  }
0x137: {  	[sflag:s18] =	ssyncadd.s32 $0xFFFFC000  }
0x138: {  	[tilespmem:s12], [sflag:$0x3] =	stream.indirect.gather [hbm4b:s3+s6], $0x80, s15, s6, $0xb8;
	[tilespmem:$0x11000] =	vst v63  }
0x139: {  	_ =	swait.ge [sflag:s7], $0x4000  }
0x13a: {  	[sflag:s7] =	ssyncset.done $0x0  }
0x13b: {  	s15 =	rddreg [dreg:$0x8];
	[sflag:s7] =	ssyncadd.s32 $0xFFFFC000  }
0x13c: {  	[hbm4b:s15+s2] =	stream.linear.scatter [tilespmem:s4], [sflag:$0x6], $0x4000, $0x38;
	[tilespmem:$0x11000] =	vst v63  }
0x13d: {  	_ =	swait.ge [sflag:s16], $0x4000  }
0x13e: {  	s15 =	sld [smem:$0x7F7]  }
0x13f: {  	[sflag:s16] =	ssyncset.done $0x0  }
0x140: {  	[sflag:s16] =	ssyncadd.s32 $0xFFFFC000  }
0x141: {  	[tilespmem:s11], [sflag:$0x4] =	stream.indirect.gather [hbm4b:s3+s6], $0x80, s15, s6, $0xb8;
	[tilespmem:$0x11000] =	vst v63  }
0x142: {  	_ =	swait.ge [sflag:s14], $0x4000  }
0x143: {  	[sflag:s14] =	ssyncset.done $0x0  }
0x144: {  	s15 =	rddreg [dreg:$0x9];
	[sflag:s14] =	ssyncadd.s32 $0xFFFFC000  }
0x145: {  	[hbm4b:s15+s2] =	stream.linear.scatter [tilespmem:s12], [sflag:$0x7], $0x4000, $0x38;
	[tilespmem:$0x11000] =	vst v63  }
0x146: {  	_ =	swait.ge [sflag:s9], $0x4000  }
0x147: {  	s15 =	sld [smem:$0x7F8]  }
0x148: {  	[sflag:s9] =	ssyncset.done $0x0  }
0x149: {  	[sflag:s9] =	ssyncadd.s32 $0xFFFFC000  }
0x14a: {  	[tilespmem:s5], [sflag:$0x1] =	stream.indirect.gather [hbm4b:s3+s6], $0x80, s15, s6, $0xb8;
	[tilespmem:$0x11000] =	vst v63  }
0x14b: {  	_ =	swait.ge [sflag:s13], $0x4000  }
0x14c: {  	[sflag:s13] =	ssyncset.done $0x0  }
0x14d: {  	s15 =	rddreg [dreg:$0xa];
	[sflag:s13] =	ssyncadd.s32 $0xFFFFC000  }
0x14e: {  	[hbm4b:s15+s2] =	stream.linear.scatter [tilespmem:s11], [sflag:$0x8], $0x4000, $0x38;
	[tilespmem:$0x11000] =	vst v63  }
0x14f: {  	_ =	swait.ge [sflag:s10], $0x4000  }
0x150: {  	s15 =	sld [smem:$0x7F9]  }
0x151: {  	[sflag:s10] =	ssyncset.done $0x0  }
0x152: {  	[sflag:s10] =	ssyncadd.s32 $0xFFFFC000  }
0x153: {  	[tilespmem:s4], [sflag:$0x2] =	stream.indirect.gather [hbm4b:s3+s6], $0x80, s15, s6, $0xb8;
	[tilespmem:$0x11000] =	vst v63  }
0x154: {  	_ =	swait.ge [sflag:s8], $0x4000  }
0x155: {  	[sflag:s8] =	ssyncset.done $0x0  }
0x156: {  	s15 =	rddreg [dreg:$0xb];
	[sflag:s8] =	ssyncadd.s32 $0xFFFFC000  }
0x157: {  	[hbm4b:s15+s2] =	stream.linear.scatter [tilespmem:s5], [sflag:$0x5], $0x4000, $0x38;
	[tilespmem:$0x11000] =	vst v63  }
0x158: {  	_ =	swait.ge [sflag:s18], $0x4000  }
0x159: {  	s15 =	sld [smem:$0x7FA]  }
0x15a: {  	[sflag:s18] =	ssyncset.done $0x0  }
0x15b: {  	[sflag:s18] =	ssyncadd.s32 $0xFFFFC000  }
0x15c: {  	[tilespmem:s12], [sflag:$0x3] =	stream.indirect.gather [hbm4b:s3+s6], $0x80, s15, s6, $0xb8;
	[tilespmem:$0x11000] =	vst v63  }
0x15d: {  	_ =	swait.ge [sflag:s7], $0x4000  }
0x15e: {  	[sflag:s7] =	ssyncset.done $0x0  }
0x15f: {  	s15 =	rddreg [dreg:$0xc];
	[sflag:s7] =	ssyncadd.s32 $0xFFFFC000  }
0x160: {  	[hbm4b:s15+s2] =	stream.linear.scatter [tilespmem:s4], [sflag:$0x6], $0x4000, $0x38;
	[tilespmem:$0x11000] =	vst v63  }
0x161: {  	_ =	swait.ge [sflag:s16], $0x4000  }
0x162: {  	s15 =	sld [smem:$0x7FB]  }
0x163: {  	[sflag:s16] =	ssyncset.done $0x0  }
0x164: {  	[sflag:s16] =	ssyncadd.s32 $0xFFFFC000  }
0x165: {  	[tilespmem:s11], [sflag:$0x4] =	stream.indirect.gather [hbm4b:s3+s6], $0x80, s15, s6, $0xb8;
	[tilespmem:$0x11000] =	vst v63  }
0x166: {  	_ =	swait.ge [sflag:s14], $0x4000  }
0x167: {  	[sflag:s14] =	ssyncset.done $0x0  }
0x168: {  	s15 =	rddreg [dreg:$0xd];
	[sflag:s14] =	ssyncadd.s32 $0xFFFFC000  }
0x169: {  	[hbm4b:s15+s2] =	stream.linear.scatter [tilespmem:s12], [sflag:$0x7], $0x4000, $0x38;
	[tilespmem:$0x11000] =	vst v63  }
0x16a: {  	_ =	swait.ge [sflag:s9], $0x4000  }
0x16b: {  	s15 =	sld [smem:$0x7FC]  }
0x16c: {  	[sflag:s9] =	ssyncset.done $0x0  }
0x16d: {  	[sflag:s9] =	ssyncadd.s32 $0xFFFFC000  }
0x16e: {  	[tilespmem:s5], [sflag:$0x1] =	stream.indirect.gather [hbm4b:s3+s6], $0x80, s15, s6, $0xb8;
	[tilespmem:$0x11000] =	vst v63  }
0x16f: {  	_ =	swait.ge [sflag:s13], $0x4000  }
0x170: {  	[sflag:s13] =	ssyncset.done $0x0  }
0x171: {  	s15 =	rddreg [dreg:$0xe];
	[sflag:s13] =	ssyncadd.s32 $0xFFFFC000  }
0x172: {  	[hbm4b:s15+s2] =	stream.linear.scatter [tilespmem:s11], [sflag:$0x8], $0x4000, $0x38;
	[tilespmem:$0x11000] =	vst v63  }
0x173: {  	_ =	swait.ge [sflag:s10], $0x4000  }
0x174: {  	s15 =	sld [smem:$0x7FD]  }
0x175: {  	[sflag:s10] =	ssyncset.done $0x0  }
0x176: {  	[sflag:s10] =	ssyncadd.s32 $0xFFFFC000  }
0x177: {  	[tilespmem:s4], [sflag:$0x2] =	stream.indirect.gather [hbm4b:s3+s6], $0x80, s15, s6, $0xb8;
	[tilespmem:$0x11000] =	vst v63  }
0x178: {  	_ =	swait.ge [sflag:s8], $0x4000  }
0x179: {  	[sflag:s8] =	ssyncset.done $0x0  }
0x17a: {  	s15 =	rddreg [dreg:$0xf];
	[sflag:s8] =	ssyncadd.s32 $0xFFFFC000  }
0x17b: {  	[hbm4b:s15+s2] =	stream.linear.scatter [tilespmem:s5], [sflag:$0x5], $0x4000, $0x38;
	[tilespmem:$0x11000] =	vst v63  }
0x17c: {  	_ =	swait.ge [sflag:s18], $0x4000  }
0x17d: {  	[sflag:s18] =	ssyncset.done $0x0  }
0x17e: {  	s15 =	simm.s32 $0x700;
	[sflag:s18] =	ssyncadd.s32 $0xFFFFC000  }
0x17f: {  	[tilespmem:s12], [sflag:$0x3] =	stream.indirect.gather [hbm4b:s3+s6], $0x80, s15, s6, $0xb8;
	[tilespmem:$0x11000] =	vst v63  }
0x180: {  	_ =	swait.ge [sflag:s7], $0x4000  }
0x181: {  	[sflag:s7] =	ssyncset.done $0x0  }
0x182: {  	s15 =	rddreg [dreg:$0x10];
	[sflag:s7] =	ssyncadd.s32 $0xFFFFC000  }
0x183: {  	[hbm4b:s15+s2] =	stream.linear.scatter [tilespmem:s4], [sflag:$0x6], $0x4000, $0x38;
	[tilespmem:$0x11000] =	vst v63  }
0x184: {  	_ =	swait.ge [sflag:s16], $0x4000  }
0x185: {  	[sflag:s16] =	ssyncset.done $0x0  }
0x186: {  	[sflag:s16] =	ssyncadd.s32 $0xFFFFC000  }
0x187: {  	[tilespmem:s11], [sflag:$0x4] =	stream.indirect.gather [hbm4b:s3+s6], $0x80, s29, s6, $0xb8;
	[tilespmem:$0x11000] =	vst v63  }
0x188: {  	_ =	swait.ge [sflag:s14], $0x4000  }
0x189: {  	[sflag:s14] =	ssyncset.done $0x0  }
0x18a: {  	s15 =	rddreg [dreg:$0x11];
	[sflag:s14] =	ssyncadd.s32 $0xFFFFC000  }
0x18b: {  	[hbm4b:s15+s2] =	stream.linear.scatter [tilespmem:s12], [sflag:$0x7], $0x4000, $0x38;
	[tilespmem:$0x11000] =	vst v63  }
0x18c: {  	_ =	swait.ge [sflag:s9], $0x4000  }
0x18d: {  	[sflag:s9] =	ssyncset.done $0x0  }
0x18e: {  	[sflag:s9] =	ssyncadd.s32 $0xFFFFC000  }
0x18f: {  	[tilespmem:s5], [sflag:$0x1] =	stream.indirect.gather [hbm4b:s3+s6], $0x80, s28, s6, $0xb8;
	[tilespmem:$0x11000] =	vst v63  }
0x190: {  	_ =	swait.ge [sflag:s13], $0x4000  }
0x191: {  	[sflag:s13] =	ssyncset.done $0x0  }
0x192: {  	s15 =	rddreg [dreg:$0x12];
	[sflag:s13] =	ssyncadd.s32 $0xFFFFC000  }
0x193: {  	[hbm4b:s15+s2] =	stream.linear.scatter [tilespmem:s11], [sflag:$0x8], $0x4000, $0x38;
	[tilespmem:$0x11000] =	vst v63  }
0x194: {  	_ =	swait.ge [sflag:s10], $0x4000  }
0x195: {  	[sflag:s10] =	ssyncset.done $0x0  }
0x196: {  	[sflag:s10] =	ssyncadd.s32 $0xFFFFC000  }
0x197: {  	[tilespmem:s4], [sflag:$0x2] =	stream.indirect.gather [hbm4b:s3+s6], $0x80, s26, s6, $0xb8;
	[tilespmem:$0x11000] =	vst v63  }
0x198: {  	_ =	swait.ge [sflag:s8], $0x4000  }
0x199: {  	[sflag:s8] =	ssyncset.done $0x0  }
0x19a: {  	s15 =	rddreg [dreg:$0x13];
	[sflag:s8] =	ssyncadd.s32 $0xFFFFC000  }
0x19b: {  	[hbm4b:s15+s2] =	stream.linear.scatter [tilespmem:s5], [sflag:$0x5], $0x4000, $0x38;
	[tilespmem:$0x11000] =	vst v63  }
0x19c: {  	_ =	swait.ge [sflag:s18], $0x4000  }
0x19d: {  	[sflag:s18] =	ssyncset.done $0x0  }
0x19e: {  	[sflag:s18] =	ssyncadd.s32 $0xFFFFC000  }
0x19f: {  	[tilespmem:s12], [sflag:$0x3] =	stream.indirect.gather [hbm4b:s3+s6], $0x80, s25, s6, $0xb8;
	[tilespmem:$0x11000] =	vst v63  }
0x1a0: {  	_ =	swait.ge [sflag:s7], $0x4000  }
0x1a1: {  	[sflag:s7] =	ssyncset.done $0x0  }
0x1a2: {  	s15 =	rddreg [dreg:$0x14];
	[sflag:s7] =	ssyncadd.s32 $0xFFFFC000  }
0x1a3: {  	[hbm4b:s15+s2] =	stream.linear.scatter [tilespmem:s4], [sflag:$0x6], $0x4000, $0x38;
	[tilespmem:$0x11000] =	vst v63  }
0x1a4: {  	_ =	swait.ge [sflag:s16], $0x4000  }
0x1a5: {  	[sflag:s16] =	ssyncset.done $0x0  }
0x1a6: {  	[sflag:s16] =	ssyncadd.s32 $0xFFFFC000  }
0x1a7: {  	[tilespmem:s11], [sflag:$0x4] =	stream.indirect.gather [hbm4b:s3+s6], $0x80, s24, s6, $0xb8;
	[tilespmem:$0x11000] =	vst v63  }
0x1a8: {  	_ =	swait.ge [sflag:s14], $0x4000  }
0x1a9: {  	[sflag:s14] =	ssyncset.done $0x0  }
0x1aa: {  	s15 =	rddreg [dreg:$0x15];
	[sflag:s14] =	ssyncadd.s32 $0xFFFFC000  }
0x1ab: {  	[hbm4b:s15+s2] =	stream.linear.scatter [tilespmem:s12], [sflag:$0x7], $0x4000, $0x38;
	[tilespmem:$0x11000] =	vst v63  }
0x1ac: {  	_ =	swait.ge [sflag:s9], $0x4000  }
0x1ad: {  	[sflag:s9] =	ssyncset.done $0x0  }
0x1ae: {  	[sflag:s9] =	ssyncadd.s32 $0xFFFFC000  }
0x1af: {  	[tilespmem:s5], [sflag:$0x1] =	stream.indirect.gather [hbm4b:s3+s6], $0x80, s23, s6, $0xb8;
	[tilespmem:$0x11000] =	vst v63  }
0x1b0: {  	_ =	swait.ge [sflag:s13], $0x4000  }
0x1b1: {  	[sflag:s13] =	ssyncset.done $0x0  }
0x1b2: {  	s15 =	rddreg [dreg:$0x16];
	[sflag:s13] =	ssyncadd.s32 $0xFFFFC000  }
0x1b3: {  	[hbm4b:s15+s2] =	stream.linear.scatter [tilespmem:s11], [sflag:$0x8], $0x4000, $0x38;
	[tilespmem:$0x11000] =	vst v63  }
0x1b4: {  	_ =	swait.ge [sflag:s10], $0x4000  }
0x1b5: {  	[sflag:s10] =	ssyncset.done $0x0  }
0x1b6: {  	[sflag:s10] =	ssyncadd.s32 $0xFFFFC000  }
0x1b7: {  	[tilespmem:s4], [sflag:$0x2] =	stream.indirect.gather [hbm4b:s3+s6], $0x80, s22, s6, $0xb8;
	[tilespmem:$0x11000] =	vst v63  }
0x1b8: {  	_ =	swait.ge [sflag:s8], $0x4000  }
0x1b9: {  	[sflag:s8] =	ssyncset.done $0x0  }
0x1ba: {  	s15 =	rddreg [dreg:$0x17];
	[sflag:s8] =	ssyncadd.s32 $0xFFFFC000  }
0x1bb: {  	[hbm4b:s15+s2] =	stream.linear.scatter [tilespmem:s5], [sflag:$0x5], $0x4000, $0x38;
	[tilespmem:$0x11000] =	vst v63  }
0x1bc: {  	_ =	swait.ge [sflag:s18], $0x4000  }
0x1bd: {  	[sflag:s18] =	ssyncset.done $0x0  }
0x1be: {  	[sflag:s18] =	ssyncadd.s32 $0xFFFFC000  }
0x1bf: {  	[tilespmem:s12], [sflag:$0x3] =	stream.indirect.gather [hbm4b:s3+s6], $0x80, s21, s6, $0xb8;
	[tilespmem:$0x11000] =	vst v63  }
0x1c0: {  	_ =	swait.ge [sflag:s7], $0x4000  }
0x1c1: {  	[sflag:s7] =	ssyncset.done $0x0  }
0x1c2: {  	s15 =	rddreg [dreg:$0x18];
	[sflag:s7] =	ssyncadd.s32 $0xFFFFC000  }
0x1c3: {  	[hbm4b:s15+s2] =	stream.linear.scatter [tilespmem:s4], [sflag:$0x6], $0x4000, $0x38;
	[tilespmem:$0x11000] =	vst v63  }
0x1c4: {  	_ =	swait.ge [sflag:s16], $0x4000  }
0x1c5: {  	[sflag:s16] =	ssyncset.done $0x0  }
0x1c6: {  	[sflag:s16] =	ssyncadd.s32 $0xFFFFC000  }
0x1c7: {  	[tilespmem:s11], [sflag:$0x4] =	stream.indirect.gather [hbm4b:s3+s6], $0x80, s20, s6, $0xb8;
	[tilespmem:$0x11000] =	vst v63  }
0x1c8: {  	_ =	swait.ge [sflag:s14], $0x4000  }
0x1c9: {  	[sflag:s14] =	ssyncset.done $0x0  }
0x1ca: {  	s15 =	rddreg [dreg:$0x19];
	[sflag:s14] =	ssyncadd.s32 $0xFFFFC000  }
0x1cb: {  	[hbm4b:s15+s2] =	stream.linear.scatter [tilespmem:s12], [sflag:$0x7], $0x4000, $0x38;
	[tilespmem:$0x11000] =	vst v63  }
0x1cc: {  	_ =	swait.ge [sflag:s9], $0x4000  }
0x1cd: {  	[sflag:s9] =	ssyncset.done $0x0  }
0x1ce: {  	[sflag:s9] =	ssyncadd.s32 $0xFFFFC000  }
0x1cf: {  	[tilespmem:s5], [sflag:$0x1] =	stream.indirect.gather [hbm4b:s3+s6], $0x80, s19, s6, $0xb8;
	[tilespmem:$0x11000] =	vst v63  }
0x1d0: {  	_ =	swait.ge [sflag:s13], $0x4000  }
0x1d1: {  	[sflag:s13] =	ssyncset.done $0x0  }
0x1d2: {  	s15 =	rddreg [dreg:$0x1a];
	[sflag:s13] =	ssyncadd.s32 $0xFFFFC000  }
0x1d3: {  	[hbm4b:s15+s2] =	stream.linear.scatter [tilespmem:s11], [sflag:$0x8], $0x4000, $0x38;
	[tilespmem:$0x11000] =	vst v63  }
0x1d4: {  	_ =	swait.ge [sflag:s10], $0x4000  }
0x1d5: {  	[sflag:s10] =	ssyncset.done $0x0  }
0x1d6: {  	[sflag:s10] =	ssyncadd.s32 $0xFFFFC000  }
0x1d7: {  	[tilespmem:s4], [sflag:$0x2] =	stream.indirect.gather [hbm4b:s3+s6], $0x80, s17, s6, $0xb8;
	[tilespmem:$0x11000] =	vst v63  }
0x1d8: {  	_ =	swait.ge [sflag:s8], $0x4000  }
0x1d9: {  	[sflag:s8] =	ssyncset.done $0x0  }
0x1da: {  	s15 =	rddreg [dreg:$0x1b];
	[sflag:s8] =	ssyncadd.s32 $0xFFFFC000  }
0x1db: {  	[hbm4b:s15+s2] =	stream.linear.scatter [tilespmem:s5], [sflag:$0x5], $0x4000, $0x38;
	[tilespmem:$0x11000] =	vst v63  }
0x1dc: {  	_ =	swait.ge [sflag:s7], $0x4000  }
0x1dd: {  	[sflag:s7] =	ssyncset.done $0x0  }
0x1de: {  	p1 =	sne.s32 s1, $0x1;
	s15 =	rddreg [dreg:$0x1c];
	[sflag:s7] =	ssyncadd.s32 $0xFFFFC000  }
0x1df: {  	[hbm4b:s15+s2] =	stream.linear.scatter [tilespmem:s4], [sflag:$0x6], $0x4000, $0x38;
	[tilespmem:$0x11000] =	vst v63  }
.Ltmp2:
0x1e0: {  	_ =	swait.ge [sflag:s9], $0x4000;
	(pc) =	sbr.rel @p1 .LBB2_4-.Ltmp2, $4  }
0x1e1: {  	[sflag:s9] =	ssyncset.done $0x0  }
0x1e2: {  	[sflag:s9] =	ssyncadd.s32 $0xFFFFC000  }
0x1e3: {  	_ =	swait.ge [sflag:s10], $0x4000  }
0x1e4: {  	s1 =	sadd.s32 $0xFFFFFFFF, s1;
	s0 =	rddreg [dreg:$0x3];
	[sflag:s10] =	ssyncset.done $0x0  }
0x1e5: {  	s17 =	simm.s32 $0x700;
	s29 =	simm.s32 $0x780;
	s28 =	simm.s32 $0x800  }
0x1e6: {  	s26 =	simm.s32 $0x880;
	s25 =	simm.s32 $0x900;
	s24 =	simm.s32 $0x980  }
0x1e7: {  	s23 =	simm.s32 $0xA00;
	s22 =	simm.s32 $0xA80;
	s21 =	simm.s32 $0xB00  }
0x1e8: {  	s20 =	simm.s32 $0xB80;
	s19 =	simm.s32 $0xC00;
	s15 =	stileid.u32  }
.LBB2_6:
0x1e9: {  	[sflag:s10] =	ssyncadd.s32 @p0 $0xFFFFC000  }
0x1ea: {  	[tilespmem:s2], [sflag:$0x9] =	stream.linear.gather [hbm4b:s0+s2], $0xD00, $0x38;
	[tilespmem:$0x11000] =	vst v63  }
0x1eb: {  	_ =	swait.ge [sflag:s31], $0xD00  }
0x1ec: {  	[sflag:s31] =	ssyncset.done $0x0  }
0x1ed: {  	[sflag:s31] =	ssyncadd.s32 $0xFFFFF300  }
0x1ee: {  	[tilespmem:s5], [sflag:$0x1] =	stream.indirect.gather [hbm4b:s3+s6], $0x80, s2, s6, $0xb8;
	[tilespmem:$0x11000] =	vst v63  }
0x1ef: {  	_ = 	snop  }
0x1f0: {  	[tilespmem:s4], [sflag:$0x2] =	stream.indirect.gather [hbm4b:s3+s6], $0x80, s6, s6, $0xb8;
	[tilespmem:$0x11000] =	vst v63  }
0x1f1: {  	s31 =	rddreg [dreg:$0x1d]  }
0x1f2: {  	[tilespmem:s12], [sflag:$0x3] =	stream.indirect.gather [hbm4b:s3+s6], $0x80, s31, s6, $0xb8;
	[tilespmem:$0x11000] =	vst v63  }
0x1f3: {  	s1 =	rddreg [dreg:$0x1e]  }
0x1f4: {  	[tilespmem:s11], [sflag:$0x4] =	stream.indirect.gather [hbm4b:s3+s6], $0x80, s1, s6, $0xb8;
	[tilespmem:$0x11000] =	vst v63  }
0x1f5: {  	_ =	swait.ge [sflag:s8], $0x4000  }
0x1f6: {  	[sflag:s8] =	ssyncset.done $0x0  }
0x1f7: {  	[sflag:s8] =	ssyncadd.s32 $0xFFFFC000  }
0x1f8: {  	[hbm4b:s30+s2] =	stream.linear.scatter [tilespmem:s5], [sflag:$0x5], $0x4000, $0x38;
	[tilespmem:$0x11000] =	vst v63  }
0x1f9: {  	_ =	swait.ge [sflag:s7], $0x4000  }
0x1fa: {  	[sflag:s7] =	ssyncset.done $0x0  }
0x1fb: {  	s1 =	rddreg [dreg:$0x4];
	[sflag:s7] =	ssyncadd.s32 $0xFFFFC000  }
0x1fc: {  	[hbm4b:s1+s2] =	stream.linear.scatter [tilespmem:s4], [sflag:$0x6], $0x4000, $0x38;
	[tilespmem:$0x11000] =	vst v63  }
0x1fd: {  	_ =	swait.ge [sflag:s14], $0x4000  }
0x1fe: {  	[sflag:s14] =	ssyncset.done $0x0  }
0x1ff: {  	s30 =	rddreg [dreg:$0x5];
	[sflag:s14] =	ssyncadd.s32 $0xFFFFC000  }
0x200: {  	[hbm4b:s30+s2] =	stream.linear.scatter [tilespmem:s12], [sflag:$0x7], $0x4000, $0x38;
	[tilespmem:$0x11000] =	vst v63  }
0x201: {  	_ =	swait.ge [sflag:s9], $0x4000  }
0x202: {  	[sflag:s9] =	ssyncset.done $0x0  }
0x203: {  	s31 =	rddreg [dreg:$0x1f];
	[sflag:s9] =	ssyncadd.s32 $0xFFFFC000  }
0x204: {  	[tilespmem:s5], [sflag:$0x1] =	stream.indirect.gather [hbm4b:s3+s6], $0x80, s31, s6, $0xb8;
	[tilespmem:$0x11000] =	vst v63  }
0x205: {  	_ =	swait.ge [sflag:s13], $0x4000  }
0x206: {  	[sflag:s13] =	ssyncset.done $0x0  }
0x207: {  	s1 =	rddreg [dreg:$0x6];
	[sflag:s13] =	ssyncadd.s32 $0xFFFFC000  }
0x208: {  	[hbm4b:s1+s2] =	stream.linear.scatter [tilespmem:s11], [sflag:$0x8], $0x4000, $0x38;
	[tilespmem:$0x11000] =	vst v63  }
0x209: {  	_ =	swait.ge [sflag:s10], $0x4000  }
0x20a: {  	s30 =	sld [smem:$0x7F5]  }
0x20b: {  	[sflag:s10] =	ssyncset.done $0x0  }
0x20c: {  	[sflag:s10] =	ssyncadd.s32 $0xFFFFC000  }
0x20d: {  	[tilespmem:s4], [sflag:$0x2] =	stream.indirect.gather [hbm4b:s3+s6], $0x80, s30, s6, $0xb8;
	[tilespmem:$0x11000] =	vst v63  }
0x20e: {  	_ =	swait.ge [sflag:s8], $0x4000  }
0x20f: {  	[sflag:s8] =	ssyncset.done $0x0  }
0x210: {  	s31 =	rddreg [dreg:$0x7];
	[sflag:s8] =	ssyncadd.s32 $0xFFFFC000  }
0x211: {  	[hbm4b:s31+s2] =	stream.linear.scatter [tilespmem:s5], [sflag:$0x5], $0x4000, $0x38;
	[tilespmem:$0x11000] =	vst v63  }
0x212: {  	_ =	swait.ge [sflag:s18], $0x4000  }
0x213: {  	s1 =	sld [smem:$0x7F6]  }
0x214: {  	[sflag:s18] =	ssyncset.done $0x0  }
0x215: {  	[sflag:s18] =	ssyncadd.s32 $0xFFFFC000  }
0x216: {  	[tilespmem:s12], [sflag:$0x3] =	stream.indirect.gather [hbm4b:s3+s6], $0x80, s1, s6, $0xb8;
	[tilespmem:$0x11000] =	vst v63  }
0x217: {  	_ =	swait.ge [sflag:s7], $0x4000  }
0x218: {  	[sflag:s7] =	ssyncset.done $0x0  }
0x219: {  	s30 =	rddreg [dreg:$0x8];
	[sflag:s7] =	ssyncadd.s32 $0xFFFFC000  }
0x21a: {  	[hbm4b:s30+s2] =	stream.linear.scatter [tilespmem:s4], [sflag:$0x6], $0x4000, $0x38;
	[tilespmem:$0x11000] =	vst v63  }
0x21b: {  	_ =	swait.ge [sflag:s16], $0x4000  }
0x21c: {  	s31 =	sld [smem:$0x7F7]  }
0x21d: {  	[sflag:s16] =	ssyncset.done $0x0  }
0x21e: {  	[sflag:s16] =	ssyncadd.s32 $0xFFFFC000  }
0x21f: {  	[tilespmem:s11], [sflag:$0x4] =	stream.indirect.gather [hbm4b:s3+s6], $0x80, s31, s6, $0xb8;
	[tilespmem:$0x11000] =	vst v63  }
0x220: {  	_ =	swait.ge [sflag:s14], $0x4000  }
0x221: {  	[sflag:s14] =	ssyncset.done $0x0  }
0x222: {  	s1 =	rddreg [dreg:$0x9];
	[sflag:s14] =	ssyncadd.s32 $0xFFFFC000  }
0x223: {  	[hbm4b:s1+s2] =	stream.linear.scatter [tilespmem:s12], [sflag:$0x7], $0x4000, $0x38;
	[tilespmem:$0x11000] =	vst v63  }
0x224: {  	_ =	swait.ge [sflag:s9], $0x4000  }
0x225: {  	s30 =	sld [smem:$0x7F8]  }
0x226: {  	[sflag:s9] =	ssyncset.done $0x0  }
0x227: {  	[sflag:s9] =	ssyncadd.s32 $0xFFFFC000  }
0x228: {  	[tilespmem:s5], [sflag:$0x1] =	stream.indirect.gather [hbm4b:s3+s6], $0x80, s30, s6, $0xb8;
	[tilespmem:$0x11000] =	vst v63  }
0x229: {  	_ =	swait.ge [sflag:s13], $0x4000  }
0x22a: {  	[sflag:s13] =	ssyncset.done $0x0  }
0x22b: {  	s31 =	rddreg [dreg:$0xa];
	[sflag:s13] =	ssyncadd.s32 $0xFFFFC000  }
0x22c: {  	[hbm4b:s31+s2] =	stream.linear.scatter [tilespmem:s11], [sflag:$0x8], $0x4000, $0x38;
	[tilespmem:$0x11000] =	vst v63  }
0x22d: {  	_ =	swait.ge [sflag:s10], $0x4000  }
0x22e: {  	s1 =	sld [smem:$0x7F9]  }
0x22f: {  	[sflag:s10] =	ssyncset.done $0x0  }
0x230: {  	[sflag:s10] =	ssyncadd.s32 $0xFFFFC000  }
0x231: {  	[tilespmem:s4], [sflag:$0x2] =	stream.indirect.gather [hbm4b:s3+s6], $0x80, s1, s6, $0xb8;
	[tilespmem:$0x11000] =	vst v63  }
0x232: {  	_ =	swait.ge [sflag:s8], $0x4000  }
0x233: {  	[sflag:s8] =	ssyncset.done $0x0  }
0x234: {  	s30 =	rddreg [dreg:$0xb];
	[sflag:s8] =	ssyncadd.s32 $0xFFFFC000  }
0x235: {  	[hbm4b:s30+s2] =	stream.linear.scatter [tilespmem:s5], [sflag:$0x5], $0x4000, $0x38;
	[tilespmem:$0x11000] =	vst v63  }
0x236: {  	_ =	swait.ge [sflag:s18], $0x4000  }
0x237: {  	s31 =	sld [smem:$0x7FA]  }
0x238: {  	[sflag:s18] =	ssyncset.done $0x0  }
0x239: {  	[sflag:s18] =	ssyncadd.s32 $0xFFFFC000  }
0x23a: {  	[tilespmem:s12], [sflag:$0x3] =	stream.indirect.gather [hbm4b:s3+s6], $0x80, s31, s6, $0xb8;
	[tilespmem:$0x11000] =	vst v63  }
0x23b: {  	_ =	swait.ge [sflag:s7], $0x4000  }
0x23c: {  	[sflag:s7] =	ssyncset.done $0x0  }
0x23d: {  	s1 =	rddreg [dreg:$0xc];
	[sflag:s7] =	ssyncadd.s32 $0xFFFFC000  }
0x23e: {  	[hbm4b:s1+s2] =	stream.linear.scatter [tilespmem:s4], [sflag:$0x6], $0x4000, $0x38;
	[tilespmem:$0x11000] =	vst v63  }
0x23f: {  	_ =	swait.ge [sflag:s16], $0x4000  }
0x240: {  	s30 =	sld [smem:$0x7FB]  }
0x241: {  	[sflag:s16] =	ssyncset.done $0x0  }
0x242: {  	[sflag:s16] =	ssyncadd.s32 $0xFFFFC000  }
0x243: {  	[tilespmem:s11], [sflag:$0x4] =	stream.indirect.gather [hbm4b:s3+s6], $0x80, s30, s6, $0xb8;
	[tilespmem:$0x11000] =	vst v63  }
0x244: {  	_ =	swait.ge [sflag:s14], $0x4000  }
0x245: {  	[sflag:s14] =	ssyncset.done $0x0  }
0x246: {  	s31 =	rddreg [dreg:$0xd];
	[sflag:s14] =	ssyncadd.s32 $0xFFFFC000  }
0x247: {  	[hbm4b:s31+s2] =	stream.linear.scatter [tilespmem:s12], [sflag:$0x7], $0x4000, $0x38;
	[tilespmem:$0x11000] =	vst v63  }
0x248: {  	_ =	swait.ge [sflag:s9], $0x4000  }
0x249: {  	s1 =	sld [smem:$0x7FC]  }
0x24a: {  	[sflag:s9] =	ssyncset.done $0x0  }
0x24b: {  	[sflag:s9] =	ssyncadd.s32 $0xFFFFC000  }
0x24c: {  	[tilespmem:s5], [sflag:$0x1] =	stream.indirect.gather [hbm4b:s3+s6], $0x80, s1, s6, $0xb8;
	[tilespmem:$0x11000] =	vst v63  }
0x24d: {  	_ =	swait.ge [sflag:s13], $0x4000  }
0x24e: {  	[sflag:s13] =	ssyncset.done $0x0  }
0x24f: {  	s30 =	rddreg [dreg:$0xe];
	[sflag:s13] =	ssyncadd.s32 $0xFFFFC000  }
0x250: {  	[hbm4b:s30+s2] =	stream.linear.scatter [tilespmem:s11], [sflag:$0x8], $0x4000, $0x38;
	[tilespmem:$0x11000] =	vst v63  }
0x251: {  	_ =	swait.ge [sflag:s10], $0x4000  }
0x252: {  	s31 =	sld [smem:$0x7FD]  }
0x253: {  	[sflag:s10] =	ssyncset.done $0x0  }
0x254: {  	[sflag:s10] =	ssyncadd.s32 $0xFFFFC000  }
0x255: {  	[tilespmem:s4], [sflag:$0x2] =	stream.indirect.gather [hbm4b:s3+s6], $0x80, s31, s6, $0xb8;
	[tilespmem:$0x11000] =	vst v63  }
0x256: {  	_ =	swait.ge [sflag:s8], $0x4000  }
0x257: {  	[sflag:s8] =	ssyncset.done $0x0  }
0x258: {  	s1 =	rddreg [dreg:$0xf];
	[sflag:s8] =	ssyncadd.s32 $0xFFFFC000  }
0x259: {  	[hbm4b:s1+s2] =	stream.linear.scatter [tilespmem:s5], [sflag:$0x5], $0x4000, $0x38;
	[tilespmem:$0x11000] =	vst v63  }
0x25a: {  	_ =	swait.ge [sflag:s18], $0x4000  }
0x25b: {  	[sflag:s18] =	ssyncset.done $0x0  }
0x25c: {  	[sflag:s18] =	ssyncadd.s32 $0xFFFFC000  }
0x25d: {  	[tilespmem:s12], [sflag:$0x3] =	stream.indirect.gather [hbm4b:s3+s6], $0x80, s17, s6, $0xb8;
	[tilespmem:$0x11000] =	vst v63  }
0x25e: {  	_ =	swait.ge [sflag:s7], $0x4000  }
0x25f: {  	[sflag:s7] =	ssyncset.done $0x0  }
0x260: {  	s17 =	rddreg [dreg:$0x10];
	[sflag:s7] =	ssyncadd.s32 $0xFFFFC000  }
0x261: {  	[hbm4b:s17+s2] =	stream.linear.scatter [tilespmem:s4], [sflag:$0x6], $0x4000, $0x38;
	[tilespmem:$0x11000] =	vst v63  }
0x262: {  	_ =	swait.ge [sflag:s16], $0x4000  }
0x263: {  	[sflag:s16] =	ssyncset.done $0x0  }
0x264: {  	[sflag:s16] =	ssyncadd.s32 $0xFFFFC000  }
0x265: {  	[tilespmem:s11], [sflag:$0x4] =	stream.indirect.gather [hbm4b:s3+s6], $0x80, s29, s6, $0xb8;
	[tilespmem:$0x11000] =	vst v63  }
0x266: {  	_ =	swait.ge [sflag:s14], $0x4000  }
0x267: {  	[sflag:s14] =	ssyncset.done $0x0  }
0x268: {  	s29 =	rddreg [dreg:$0x11];
	[sflag:s14] =	ssyncadd.s32 $0xFFFFC000  }
0x269: {  	[hbm4b:s29+s2] =	stream.linear.scatter [tilespmem:s12], [sflag:$0x7], $0x4000, $0x38;
	[tilespmem:$0x11000] =	vst v63  }
0x26a: {  	_ =	swait.ge [sflag:s9], $0x4000  }
0x26b: {  	[sflag:s9] =	ssyncset.done $0x0  }
0x26c: {  	[sflag:s9] =	ssyncadd.s32 $0xFFFFC000  }
0x26d: {  	[tilespmem:s5], [sflag:$0x1] =	stream.indirect.gather [hbm4b:s3+s6], $0x80, s28, s6, $0xb8;
	[tilespmem:$0x11000] =	vst v63  }
0x26e: {  	_ =	swait.ge [sflag:s13], $0x4000  }
0x26f: {  	[sflag:s13] =	ssyncset.done $0x0  }
0x270: {  	s30 =	rddreg [dreg:$0x12];
	[sflag:s13] =	ssyncadd.s32 $0xFFFFC000  }
0x271: {  	[hbm4b:s30+s2] =	stream.linear.scatter [tilespmem:s11], [sflag:$0x8], $0x4000, $0x38;
	[tilespmem:$0x11000] =	vst v63  }
0x272: {  	_ =	swait.ge [sflag:s10], $0x4000  }
0x273: {  	[sflag:s10] =	ssyncset.done $0x0  }
0x274: {  	[sflag:s10] =	ssyncadd.s32 $0xFFFFC000  }
0x275: {  	[tilespmem:s4], [sflag:$0x2] =	stream.indirect.gather [hbm4b:s3+s6], $0x80, s26, s6, $0xb8;
	[tilespmem:$0x11000] =	vst v63  }
0x276: {  	_ =	swait.ge [sflag:s8], $0x4000  }
0x277: {  	[sflag:s8] =	ssyncset.done $0x0  }
0x278: {  	s31 =	rddreg [dreg:$0x13];
	[sflag:s8] =	ssyncadd.s32 $0xFFFFC000  }
0x279: {  	[hbm4b:s31+s2] =	stream.linear.scatter [tilespmem:s5], [sflag:$0x5], $0x4000, $0x38;
	[tilespmem:$0x11000] =	vst v63  }
0x27a: {  	_ =	swait.ge [sflag:s18], $0x4000  }
0x27b: {  	[sflag:s18] =	ssyncset.done $0x0  }
0x27c: {  	[sflag:s18] =	ssyncadd.s32 $0xFFFFC000  }
0x27d: {  	[tilespmem:s12], [sflag:$0x3] =	stream.indirect.gather [hbm4b:s3+s6], $0x80, s25, s6, $0xb8;
	[tilespmem:$0x11000] =	vst v63  }
0x27e: {  	_ =	swait.ge [sflag:s7], $0x4000  }
0x27f: {  	[sflag:s7] =	ssyncset.done $0x0  }
0x280: {  	s1 =	rddreg [dreg:$0x14];
	[sflag:s7] =	ssyncadd.s32 $0xFFFFC000  }
0x281: {  	[hbm4b:s1+s2] =	stream.linear.scatter [tilespmem:s4], [sflag:$0x6], $0x4000, $0x38;
	[tilespmem:$0x11000] =	vst v63  }
0x282: {  	_ =	swait.ge [sflag:s16], $0x4000  }
0x283: {  	[sflag:s16] =	ssyncset.done $0x0  }
0x284: {  	[sflag:s16] =	ssyncadd.s32 $0xFFFFC000  }
0x285: {  	[tilespmem:s11], [sflag:$0x4] =	stream.indirect.gather [hbm4b:s3+s6], $0x80, s24, s6, $0xb8;
	[tilespmem:$0x11000] =	vst v63  }
0x286: {  	_ =	swait.ge [sflag:s14], $0x4000  }
0x287: {  	[sflag:s14] =	ssyncset.done $0x0  }
0x288: {  	s17 =	rddreg [dreg:$0x15];
	[sflag:s14] =	ssyncadd.s32 $0xFFFFC000  }
0x289: {  	[hbm4b:s17+s2] =	stream.linear.scatter [tilespmem:s12], [sflag:$0x7], $0x4000, $0x38;
	[tilespmem:$0x11000] =	vst v63  }
0x28a: {  	_ =	swait.ge [sflag:s9], $0x4000  }
0x28b: {  	[sflag:s9] =	ssyncset.done $0x0  }
0x28c: {  	[sflag:s9] =	ssyncadd.s32 $0xFFFFC000  }
0x28d: {  	[tilespmem:s5], [sflag:$0x1] =	stream.indirect.gather [hbm4b:s3+s6], $0x80, s23, s6, $0xb8;
	[tilespmem:$0x11000] =	vst v63  }
0x28e: {  	_ =	swait.ge [sflag:s13], $0x4000  }
0x28f: {  	[sflag:s13] =	ssyncset.done $0x0  }
0x290: {  	s23 =	rddreg [dreg:$0x16];
	[sflag:s13] =	ssyncadd.s32 $0xFFFFC000  }
0x291: {  	[hbm4b:s23+s2] =	stream.linear.scatter [tilespmem:s11], [sflag:$0x8], $0x4000, $0x38;
	[tilespmem:$0x11000] =	vst v63  }
0x292: {  	_ =	swait.ge [sflag:s10], $0x4000  }
0x293: {  	[sflag:s10] =	ssyncset.done $0x0  }
0x294: {  	[sflag:s10] =	ssyncadd.s32 $0xFFFFC000  }
0x295: {  	[tilespmem:s4], [sflag:$0x2] =	stream.indirect.gather [hbm4b:s3+s6], $0x80, s22, s6, $0xb8;
	[tilespmem:$0x11000] =	vst v63  }
0x296: {  	_ =	swait.ge [sflag:s8], $0x4000  }
0x297: {  	[sflag:s8] =	ssyncset.done $0x0  }
0x298: {  	s24 =	rddreg [dreg:$0x17];
	[sflag:s8] =	ssyncadd.s32 $0xFFFFC000  }
0x299: {  	[hbm4b:s24+s2] =	stream.linear.scatter [tilespmem:s5], [sflag:$0x5], $0x4000, $0x38;
	[tilespmem:$0x11000] =	vst v63  }
0x29a: {  	_ =	swait.ge [sflag:s18], $0x4000  }
0x29b: {  	[sflag:s18] =	ssyncset.done $0x0  }
0x29c: {  	[sflag:s18] =	ssyncadd.s32 $0xFFFFC000  }
0x29d: {  	[tilespmem:s12], [sflag:$0x3] =	stream.indirect.gather [hbm4b:s3+s6], $0x80, s21, s6, $0xb8;
	[tilespmem:$0x11000] =	vst v63  }
0x29e: {  	_ =	swait.ge [sflag:s7], $0x4000  }
0x29f: {  	[sflag:s7] =	ssyncset.done $0x0  }
0x2a0: {  	s25 =	rddreg [dreg:$0x18];
	[sflag:s7] =	ssyncadd.s32 $0xFFFFC000  }
0x2a1: {  	[hbm4b:s25+s2] =	stream.linear.scatter [tilespmem:s4], [sflag:$0x6], $0x4000, $0x38;
	[tilespmem:$0x11000] =	vst v63  }
0x2a2: {  	_ =	swait.ge [sflag:s16], $0x4000  }
0x2a3: {  	[sflag:s16] =	ssyncset.done $0x0  }
0x2a4: {  	[sflag:s16] =	ssyncadd.s32 $0xFFFFC000  }
0x2a5: {  	[tilespmem:s11], [sflag:$0x4] =	stream.indirect.gather [hbm4b:s3+s6], $0x80, s20, s6, $0xb8;
	[tilespmem:$0x11000] =	vst v63  }
0x2a6: {  	_ =	swait.ge [sflag:s14], $0x4000  }
0x2a7: {  	[sflag:s14] =	ssyncset.done $0x0  }
0x2a8: {  	s26 =	rddreg [dreg:$0x19];
	[sflag:s14] =	ssyncadd.s32 $0xFFFFC000  }
0x2a9: {  	[hbm4b:s26+s2] =	stream.linear.scatter [tilespmem:s12], [sflag:$0x7], $0x4000, $0x38;
	[tilespmem:$0x11000] =	vst v63  }
0x2aa: {  	_ =	swait.ge [sflag:s9], $0x4000  }
0x2ab: {  	[sflag:s9] =	ssyncset.done $0x0  }
0x2ac: {  	[sflag:s9] =	ssyncadd.s32 $0xFFFFC000  }
0x2ad: {  	[tilespmem:s5], [sflag:$0x1] =	stream.indirect.gather [hbm4b:s3+s6], $0x80, s19, s6, $0xb8;
	[tilespmem:$0x11000] =	vst v63  }
0x2ae: {  	_ =	swait.ge [sflag:s13], $0x4000  }
0x2af: {  	[sflag:s13] =	ssyncset.done $0x0  }
0x2b0: {  	s28 =	rddreg [dreg:$0x1a];
	[sflag:s13] =	ssyncadd.s32 $0xFFFFC000  }
0x2b1: {  	[hbm4b:s28+s2] =	stream.linear.scatter [tilespmem:s11], [sflag:$0x8], $0x4000, $0x38;
	[tilespmem:$0x11000] =	vst v63  }
0x2b2: {  	_ =	swait.ge [sflag:s10], $0x4000  }
0x2b3: {  	[sflag:s10] =	ssyncset.done $0x0  }
0x2b4: {  	s29 =	simm.s32 $0xC80;
	[sflag:s10] =	ssyncadd.s32 $0xFFFFC000  }
0x2b5: {  	[tilespmem:s4], [sflag:$0x2] =	stream.indirect.gather [hbm4b:s3+s6], $0x80, s29, s6, $0xb8;
	[tilespmem:$0x11000] =	vst v63  }
0x2b6: {  	_ =	swait.ge [sflag:s8], $0x4000  }
0x2b7: {  	[sflag:s8] =	ssyncset.done $0x0  }
0x2b8: {  	s30 =	rddreg [dreg:$0x1b];
	[sflag:s8] =	ssyncadd.s32 $0xFFFFC000  }
0x2b9: {  	[hbm4b:s30+s2] =	stream.linear.scatter [tilespmem:s5], [sflag:$0x5], $0x4000, $0x38;
	[tilespmem:$0x11000] =	vst v63  }
0x2ba: {  	_ =	swait.ge [sflag:s7], $0x4000  }
0x2bb: {  	[sflag:s7] =	ssyncset.done $0x0  }
0x2bc: {  	s31 =	rddreg [dreg:$0x1c];
	[sflag:s7] =	ssyncadd.s32 $0xFFFFC000  }
0x2bd: {  	[hbm4b:s31+s2] =	stream.linear.scatter [tilespmem:s4], [sflag:$0x6], $0x4000, $0x38;
	[tilespmem:$0x11000] =	vst v63  }
0x2be: {  	_ =	swait.ge [sflag:s9], $0x4000  }
0x2bf: {  	[sflag:s9] =	ssyncset.done $0x0  }
0x2c0: {  	[sflag:s9] =	ssyncadd.s32 $0xFFFFC000  }
0x2c1: {  	_ =	swait.ge [sflag:s10], $0x4000  }
0x2c2: {  	[sflag:s10] =	ssyncset.done $0x0  }
0x2c3: {  	[sflag:s10] =	ssyncadd.s32 $0xFFFFC000  }
0x2c4: {  	_ =	sfence.sel $0x180000  }
0x2c5: {  	[bflag:$0x0] =	sbarrier.arrive $0xFFFF  }
0x2c6: {  	_ =	strace $0x90000047  }
0x2c7: {  	[bflag:$0x2] =	sbarrier.arrive $0xFFFF  }
0x2c8: {  	p0 =	sne.s32 s15, $0x0;
	s0 =	rddreg [dreg:$0x2]  }
0x2c9: {  	s0 =	sadd.s32 @!p0 $0x100000, s0  }
0x2ca: {  	[sflag:s0] =	ssyncadd.tile.s32 @!p0 $0x1;
	_ =	shalt  }
.LBB2_1:
.Ltmp3:
0x2cb: {  	(pc) =	sbr.rel .LBB2_6-.Ltmp3, $4  }
0x2cc: {  	s17 =	simm.s32 $0x700;
	s29 =	simm.s32 $0x780  }
0x2cd: {  	s28 =	simm.s32 $0x800;
	s26 =	simm.s32 $0x880;
	s25 =	simm.s32 $0x900  }
0x2ce: {  	s24 =	simm.s32 $0x980;
	s23 =	simm.s32 $0xA00;
	s22 =	simm.s32 $0xA80  }
0x2cf: {  	s21 =	simm.s32 $0xB00;
	s20 =	simm.s32 $0xB80;
	s19 =	simm.s32 $0xC00  }
.LBB2_3:
.Ltmp4:
0x2d0: {  	(pc) =	sbr.rel .LBB2_6-.Ltmp4, $4  }
0x2d1: {  	s17 =	simm.s32 $0x700;
	s29 =	simm.s32 $0x780;
	s28 =	simm.s32 $0x800  }
0x2d2: {  	s26 =	simm.s32 $0x880;
	s25 =	simm.s32 $0x900;
	s24 =	simm.s32 $0x980  }
0x2d3: {  	s23 =	simm.s32 $0xA00;
	s22 =	simm.s32 $0xA80;
	s21 =	simm.s32 $0xB00  }
0x2d4: {  	s20 =	simm.s32 $0xB80;
	s19 =	simm.s32 $0xC00;
	s15 =	stileid.u32  }
.Lfunc_end2:
_tile_overlayer_lowered:
.L_overlay_start_2:
0x2d5: {  	(tag) =	ssettag $0x2  }
0x2d6: {  	s0 =	rddreg [dreg:$0x0];
	s2 =	stileid.u32  }
0x2d7: {  	s1 =	rddreg [dreg:$0x1];
	p0 =	sne.s32 s2, $0x0  }
0x2d8: {  	s3 =	rddreg [dreg:$0x2];
	[bflag:$0x3] =	sbarrier.arrive $0xFFFF;
	s2 =	simm.s32 @!p0 $0x1C09  }
0x2d9: {  	[timem:s3], [sflag:s2] =	dma.local @!p0 [hbm:s0], s1  }
0x2da: {  	s0 =	simm.s32 @!p0 $0x9  }
0x2db: {  	_ =	swait.ge @!p0 [sflag:s0], s1  }
0x2dc: {  	s1 =	ssub.s32 @!p0 $0x0, s1;
	[sflag:s0] =	ssyncset.done @!p0 $0x0  }
0x2dd: {  	[sflag:s0] =	ssyncadd.s32 @!p0 s1  }
0x2de: {  	[bflag:$0x3] =	sbarrier.arrive $0xFFFF  }
0x2df: {  	_ =	shalt  }

</sc_bundles>
